<compile_context>
chip_gen: v7x
topology: tpu7x:2x2x1
jax: 0.10.2.dev20260603
libtpu: 0.0.44.dev20260713+nightly
codegen_flags: <defaults>
</compile_context>

<pallas_src>
import jax
import jax.numpy as jnp
from jax import lax
from jax.experimental import pallas as pl
from jax.experimental.pallas import tpu as pltpu
from jax.experimental.pallas import tpu_sc as plsc

N = 10000
E = 640000
H = 64
G = 128

NC = 2
NS = 16
NW = NC * NS
EB = 40
E_PAD = E
EPW = E_PAD // NW
NBLK = EPW // EB
GB = EB
N_PAD = 10240
ROWS_PER_TILE = N_PAD // NS
PAD_IDX = 10016



def _embed_body(x_ref, we_ref, be_ref, wd_ref, bd_ref, ws_ref,
                h_ref, td_ref, ts_ref):
    h = jax.nn.relu(
        jnp.dot(x_ref[...], we_ref[...], preferred_element_type=jnp.float32)
        + be_ref[...])
    h_ref[...] = h
    td_ref[...] = jnp.dot(h, wd_ref[...], preferred_element_type=jnp.float32) + bd_ref[...]
    ts_ref[...] = jnp.dot(h, ws_ref[...], preferred_element_type=jnp.float32)


def _embed(x, W_emb, b_emb, Wd, bd, Ws):
    BLK = 2048
    return pl.pallas_call(
        _embed_body,
        grid=(N_PAD // BLK,),
        in_specs=[
            pl.BlockSpec((BLK, 128), lambda i: (i, 0)),
            pl.BlockSpec((128, H), lambda i: (0, 0)),
            pl.BlockSpec((1, H), lambda i: (0, 0)),
            pl.BlockSpec((H, 128), lambda i: (0, 0)),
            pl.BlockSpec((1, 128), lambda i: (0, 0)),
            pl.BlockSpec((H, 128), lambda i: (0, 0)),
        ],
        out_specs=[
            pl.BlockSpec((BLK, H), lambda i: (i, 0)),
            pl.BlockSpec((BLK, 128), lambda i: (i, 0)),
            pl.BlockSpec((BLK, 128), lambda i: (i, 0)),
        ],
        out_shape=[
            jax.ShapeDtypeStruct((N_PAD, H), jnp.float32),
            jax.ShapeDtypeStruct((N_PAD, 128), jnp.float32),
            jax.ShapeDtypeStruct((N_PAD, 128), jnp.float32),
        ],
    )(x, W_emb, b_emb, Wd, bd, Ws)


def _edgeproj_body(ea_ref, w1_ref, w2_ref, o1_ref, o2_ref):
    ea = ea_ref[...]
    o1_ref[...] = jnp.dot(ea, w1_ref[...], preferred_element_type=jnp.float32)
    o2_ref[...] = jnp.dot(ea, w2_ref[...], preferred_element_type=jnp.float32)


def _edgeproj(edge_attr, We1, We2):
    BLK = 8192
    return pl.pallas_call(
        _edgeproj_body,
        grid=(E_PAD // BLK,),
        in_specs=[
            pl.BlockSpec((BLK, 16), lambda i: (i, 0)),
            pl.BlockSpec((16, 128), lambda i: (0, 0)),
            pl.BlockSpec((16, 128), lambda i: (0, 0)),
        ],
        out_specs=[
            pl.BlockSpec((BLK, 128), lambda i: (i, 0)),
            pl.BlockSpec((BLK, 128), lambda i: (i, 0)),
        ],
        out_shape=[
            jax.ShapeDtypeStruct((E_PAD, 128), jnp.float32),
            jax.ShapeDtypeStruct((E_PAD, 128), jnp.float32),
        ],
    )(edge_attr, We1, We2)


def _mid_body(h_ref, agg_ref, wd_ref, bd_ref, ws_ref, h1_ref, td_ref, ts_ref):
    h1 = jax.nn.relu(h_ref[...] + agg_ref[0, :, :H] + agg_ref[1, :, :H])
    h1_ref[...] = h1
    td_ref[...] = jnp.dot(h1, wd_ref[...], preferred_element_type=jnp.float32) + bd_ref[...]
    ts_ref[...] = jnp.dot(h1, ws_ref[...], preferred_element_type=jnp.float32)


def _mid(h, agg, Wd, bd, Ws):
    BLK = 2048
    return pl.pallas_call(
        _mid_body,
        grid=(N_PAD // BLK,),
        in_specs=[
            pl.BlockSpec((BLK, H), lambda i: (i, 0)),
            pl.BlockSpec((NC, BLK, 128), lambda i: (0, i, 0)),
            pl.BlockSpec((H, 128), lambda i: (0, 0)),
            pl.BlockSpec((1, 128), lambda i: (0, 0)),
            pl.BlockSpec((H, 128), lambda i: (0, 0)),
        ],
        out_specs=[
            pl.BlockSpec((BLK, H), lambda i: (i, 0)),
            pl.BlockSpec((BLK, 128), lambda i: (i, 0)),
            pl.BlockSpec((BLK, 128), lambda i: (i, 0)),
        ],
        out_shape=[
            jax.ShapeDtypeStruct((N_PAD, H), jnp.float32),
            jax.ShapeDtypeStruct((N_PAD, 128), jnp.float32),
            jax.ShapeDtypeStruct((N_PAD, 128), jnp.float32),
        ],
    )(h, agg, Wd, bd, Ws)


def _pool_body(h_ref, agg_ref, b_ref, w1_ref, b1_ref, w2_ref, b2_ref,
               out_ref, sums_ref, cnt_ref):
    i = pl.program_id(0)
    nblk = pl.num_programs(0)

    @pl.when(i == 0)
    def _():
        sums_ref[...] = jnp.zeros_like(sums_ref)
        cnt_ref[...] = jnp.zeros_like(cnt_ref)

    h2 = jax.nn.relu(h_ref[...] + agg_ref[0, :, :H] + agg_ref[1, :, :H])
    b = b_ref[0, 0, :]
    gids = lax.broadcasted_iota(jnp.int32, (h2.shape[0], G), 1)
    oh = (b[:, None] == gids).astype(jnp.float32)
    dn = (((0,), (0,)), ((), ()))
    sums_ref[...] += lax.dot_general(oh, h2, dn,
                                     preferred_element_type=jnp.float32)
    ones = jnp.ones((h2.shape[0], G), dtype=jnp.float32)
    cnt_ref[...] += lax.dot_general(oh, ones, dn,
                                    preferred_element_type=jnp.float32)

    @pl.when(i == nblk - 1)
    def _():
        pooled = sums_ref[...] / jnp.maximum(cnt_ref[:, :H], 1.0)
        hid = jax.nn.relu(
            jnp.dot(pooled, w1_ref[...], preferred_element_type=jnp.float32)
            + b1_ref[...])
        out_ref[...] = jnp.dot(hid, w2_ref[...],
                               preferred_element_type=jnp.float32) + b2_ref[...]


def _pool(h, agg, batch_r, W1, b1, W2, b2):
    BLK = 2048
    return pl.pallas_call(
        _pool_body,
        grid=(N_PAD // BLK,),
        in_specs=[
            pl.BlockSpec((BLK, H), lambda i: (i, 0)),
            pl.BlockSpec((NC, BLK, 128), lambda i: (0, i, 0)),
            pl.BlockSpec((1, 1, BLK), lambda i: (i, 0, 0)),
            pl.BlockSpec((H, 32), lambda i: (0, 0)),
            pl.BlockSpec((1, 32), lambda i: (0, 0)),
            pl.BlockSpec((32, 2), lambda i: (0, 0)),
            pl.BlockSpec((1, 2), lambda i: (0, 0)),
        ],
        out_specs=pl.BlockSpec((G, 2), lambda i: (0, 0)),
        out_shape=jax.ShapeDtypeStruct((G, 2), jnp.float32),
        scratch_shapes=[
            pltpu.VMEM((G, H), jnp.float32),
            pltpu.VMEM((G, G), jnp.float32),
        ],
    )(h, agg, batch_r, W1, b1, W2, b2)



def _msg_sub(dbuf, sbuf, ebuf, mbuf, q):
    def body(j, _):
        for c in range(4):
            sl = pl.ds(16 * c, 16)
            sh = pl.ds(64 + 16 * c, 16)
            u = dbuf[j, sl] + sbuf[j, sl] + ebuf[j, sl]
            v = dbuf[j, sh] + sbuf[j, sh] + ebuf[j, sh]
            f = 1.0 / (1.0 + jnp.exp(-u))
            e = jnp.exp(-jnp.abs(v))
            t = e / (2.0 + e)
            t2 = t * t
            L = t * (2.0 + t2 * (2.0 / 3.0 + t2 * (2.0 / 5.0 + t2 * (
                2.0 / 7.0 + t2 * (2.0 / 9.0 + t2 * (2.0 / 11.0))))))
            mbuf[q * GB + j, sl] = f * (jnp.maximum(v, 0.0) + L)
        return 0
    lax.fori_loop(0, GB, body, 0)


def _conv_sc_body(td_hbm, ts_hbm, ep_hbm, dst_hbm, src_hbm, zer_hbm, out_hbm,
                  didx0, sidx0, didx1, sidx1,
                  dbuf0, sbuf0, ebuf0, dbuf1, sbuf1, ebuf1,
                  mbuf, agg_sh,
                  semi0, semi1, semd0, sems0, seme0, semd1, sems1, seme1):
    cid = lax.axis_index("c")
    sid = lax.axis_index("s")
    wid = cid * NS + sid
    base0 = wid * EPW
    didx = (didx0, didx1)
    sidx = (sidx0, sidx1)
    dbuf = (dbuf0, dbuf1)
    sbuf = (sbuf0, sbuf1)
    ebuf = (ebuf0, ebuf1)
    semi = (semi0, semi1)
    semd = (semd0, semd1)
    sems = (sems0, sems1)
    seme = (seme0, seme1)

    def load_idx(base, i):
        base = jnp.minimum(base, E_PAD - EB)
        pltpu.async_copy(dst_hbm.at[pl.ds(base, EB)], didx[i], semi[i])
        pltpu.async_copy(src_hbm.at[pl.ds(base, EB)], sidx[i], semi[i])

    def wait_idx(i):
        pltpu.make_async_copy(dst_hbm.at[pl.ds(0, EB)], didx[i], semi[i]).wait()
        pltpu.make_async_copy(src_hbm.at[pl.ds(0, EB)], sidx[i], semi[i]).wait()

    def gath(base, g):
        base = jnp.minimum(base, E_PAD - EB)
        pltpu.async_copy(td_hbm.at[didx[g]], dbuf[g], semd[g])
        pltpu.async_copy(ts_hbm.at[sidx[g]], sbuf[g], sems[g])
        pltpu.async_copy(ep_hbm.at[pl.ds(base, EB), :], ebuf[g], seme[g])

    def wait_gath(g):
        pltpu.make_async_copy(td_hbm.at[didx[g]], dbuf[g], semd[g]).wait()
        pltpu.make_async_copy(ts_hbm.at[sidx[g]], sbuf[g], sems[g]).wait()
        pltpu.make_async_copy(ep_hbm.at[pl.ds(0, EB), :], ebuf[g], seme[g]).wait()

    def consume(g):
        _msg_sub(dbuf[g], sbuf[g], ebuf[g], mbuf, 0)
        pltpu.sync_copy(mbuf, agg_sh.at[didx[g]], add=True)

    def zmb(j, _):
        for c in range(4, 8):
            mbuf[j, pl.ds(16 * c, 16)] = jnp.zeros((16,), jnp.float32)
        return 0
    lax.fori_loop(0, EB, zmb, 0)

    row0 = sid * ROWS_PER_TILE
    pltpu.sync_copy(zer_hbm.at[pl.ds(row0, ROWS_PER_TILE)],
                    agg_sh.at[pl.ds(row0, ROWS_PER_TILE)])
    plsc.subcore_barrier()

    load_idx(base0, 0)
    load_idx(base0 + EB, 1)
    wait_idx(0)
    gath(base0, 0)

    def pair(kk, _):
        b0 = base0 + kk * (2 * EB)
        wait_idx(1)
        gath(b0 + EB, 1)
        wait_gath(0)
        consume(0)
        load_idx(b0 + 2 * EB, 0)
        wait_idx(0)
        gath(b0 + 2 * EB, 0)
        wait_gath(1)
        consume(1)
        load_idx(b0 + 3 * EB, 1)
        return 0

    lax.fori_loop(0, NBLK // 2, pair, 0)
    wait_gath(0)
    wait_idx(1)

    plsc.subcore_barrier()
    pltpu.sync_copy(agg_sh.at[pl.ds(row0, ROWS_PER_TILE)],
                    out_hbm.at[cid, pl.ds(row0, ROWS_PER_TILE)])


def _conv_sc(Td, Ts, EP, dstp, srcp, zeros_nh):
    mesh = plsc.VectorSubcoreMesh(core_axis_name="c", subcore_axis_name="s")
    f = pl.kernel(
        _conv_sc_body,
        out_type=jax.ShapeDtypeStruct((NC, N_PAD, 128), jnp.float32),
        mesh=mesh,
        scratch_types=(
            [pltpu.VMEM((EB,), jnp.int32)] * 4
            + [pltpu.VMEM((EB, 128), jnp.float32)] * 6
            + [pltpu.VMEM((EB, 128), jnp.float32),
               pltpu.VMEM_SHARED((N_PAD, 128), jnp.float32)]
            + [pltpu.SemaphoreType.DMA] * 8
        ),
    )
    return f(Td, Ts, EP, dstp, srcp, zeros_nh)



def kernel(x, edge_index, edge_attr, batch, W_emb, b_emb, Wf1, bf1, Ws1, bs1,
           Wf2, bf2, Ws2, bs2, W1, b1, W2, b2):
    src = edge_index[0]
    dst = edge_index[1]
    epad = E_PAD - E
    npad = N_PAD - N
    dstp = jnp.concatenate([dst, jnp.full((epad,), PAD_IDX, jnp.int32)])
    srcp = jnp.concatenate([src, jnp.full((epad,), PAD_IDX, jnp.int32)])
    eap = jnp.concatenate([edge_attr, jnp.zeros((epad, 16), jnp.float32)])
    xp = jnp.concatenate([x, jnp.zeros((npad, 128), jnp.float32)])
    batchp = jnp.concatenate([batch, jnp.full((npad,), G, jnp.int32)])

    Wd1 = jnp.concatenate([Wf1[:H], Ws1[:H]], axis=1)
    bd1 = jnp.concatenate([bf1, bs1]).reshape(1, 128)
    Wsr1 = jnp.concatenate([Wf1[H:2 * H], Ws1[H:2 * H]], axis=1)
    We1 = jnp.concatenate([Wf1[2 * H:], Ws1[2 * H:]], axis=1)
    Wd2 = jnp.concatenate([Wf2[:H], Ws2[:H]], axis=1)
    bd2 = jnp.concatenate([bf2, bs2]).reshape(1, 128)
    Wsr2 = jnp.concatenate([Wf2[H:2 * H], Ws2[H:2 * H]], axis=1)
    We2 = jnp.concatenate([Wf2[2 * H:], Ws2[2 * H:]], axis=1)

    zeros_nh = jnp.zeros((N_PAD, 128), jnp.float32)

    h0, Td1, Ts1 = _embed(xp, W_emb, b_emb.reshape(1, H), Wd1, bd1, Wsr1)
    EP1, EP2 = _edgeproj(eap, We1, We2)
    agg1 = _conv_sc(Td1, Ts1, EP1, dstp, srcp, zeros_nh)
    h1, Td2, Ts2 = _mid(h0, agg1, Wd2, bd2, Wsr2)
    agg2 = _conv_sc(Td2, Ts2, EP2, dstp, srcp, zeros_nh)
    out = _pool(h1, agg2, batchp.reshape(N_PAD // 2048, 1, 2048),
                W1, b1.reshape(1, 32), W2, b2.reshape(1, 2))
    return out

# --- scband reference (transcript-rebuilt; emitter-appended) ---
"""Pipeline reference for scband-multi-task-cgcnn-678604832948 (READ-ONLY COPY).

The authoritative reference and input builder live on the scoring server;
editing this copy changes nothing except your own understanding.
"""

import jax, jax.numpy as jnp
import numpy as np

N = 10000
E = 640000
D_IN = 128
D_EDGE = 16
H = 64
G = 128

def _lin_params(k, fan_in, fan_out):
    bound = 1.0 / np.sqrt(fan_in)
    kw, kb = jax.random.split(k)
    W = jax.random.uniform(kw, (fan_in, fan_out), minval=-bound, maxval=bound, dtype=jnp.float32)
    b = jax.random.uniform(kb, (fan_out,), minval=-bound, maxval=bound, dtype=jnp.float32)
    return W, b

def setup_inputs(seed: int = 0):
    key = jax.random.key(seed)
    ks = jax.random.split(key, 12)
    inp = {}
    inp['x'] = jax.random.normal(ks[0], (N, D_IN), dtype=jnp.float32)
    inp['edge_index'] = jax.random.randint(ks[1], (2, E), 0, N, dtype=jnp.int32)
    inp['edge_attr'] = jax.random.normal(ks[2], (E, D_EDGE), dtype=jnp.float32)
    inp['batch'] = jnp.sort(jax.random.randint(ks[3], (N,), 0, G, dtype=jnp.int32))
    inp['W_emb'], inp['b_emb'] = _lin_params(ks[4], D_IN, H)
    inp['Wf1'], inp['bf1'] = _lin_params(ks[5], 2 * H + D_EDGE, H)
    inp['Ws1'], inp['bs1'] = _lin_params(ks[6], 2 * H + D_EDGE, H)
    inp['Wf2'], inp['bf2'] = _lin_params(ks[7], 2 * H + D_EDGE, H)
    inp['Ws2'], inp['bs2'] = _lin_params(ks[8], 2 * H + D_EDGE, H)
    inp['W1'], inp['b1'] = _lin_params(ks[9], H, 32)
    inp['W2'], inp['b2'] = _lin_params(ks[10], 32, 2)
    return inp

def _cgconv(h, edge_index, edge_attr, Wf, bf, Ws, bs):
    # PyG CGConv: z = [x_i, x_j, e_ij]; msg = sigmoid(lin_f(z)) * softplus(lin_s(z));
    # aggr='add' onto dst node i; residual out = aggr + x
    src = edge_index[0]
    dst = edge_index[1]
    z = jnp.concatenate([h[dst], h[src], edge_attr], axis=-1)
    m = jax.nn.sigmoid(z @ Wf + bf) * jax.nn.softplus(z @ Ws + bs)
    agg = jnp.zeros_like(h).at[dst].add(m)
    return h + agg

def reference(x, edge_index, edge_attr, batch, W_emb, b_emb, Wf1, bf1, Ws1, bs1, Wf2, bf2, Ws2, bs2, W1, b1, W2, b2):
    h = jax.nn.relu(x @ W_emb + b_emb)
    h = jax.nn.relu(_cgconv(h, edge_index, edge_attr, Wf1, bf1, Ws1, bs1))
    h = jax.nn.relu(_cgconv(h, edge_index, edge_attr, Wf2, bf2, Ws2, bs2))
    sums = jax.ops.segment_sum(h, batch, num_segments=G)
    counts = jax.ops.segment_sum(jnp.ones((N, 1), dtype=h.dtype), batch, num_segments=G)
    pooled = sums / jnp.maximum(counts, 1.0)
    hid = jax.nn.relu(pooled @ W1 + b1)
    out = hid @ W2 + b2
    return out

if __name__ == "__main__":
    import jax
    _d = setup_inputs()
    print(jax.jit(kernel)(*tuple(_d.values())))

</pallas_src>

<mosaic_0001>
#map = affine_map<(d0, d1) -> (0, 0)>
#map1 = affine_map<(d0, d1) -> (0)>
#map2 = affine_map<(d0, d1) -> (0, 0, 0)>
module attributes {stable_mosaic.version = 14 : i64} {
  func.func @_conv_sc_body(%arg0: i32, %arg1: i32, %arg2: memref<10240x128xf32, #tpu.memory_space<hbm>>, %arg3: memref<10240x128xf32, #tpu.memory_space<hbm>>, %arg4: memref<640000x128xf32, #tpu.memory_space<hbm>>, %arg5: memref<640000xi32, #tpu.memory_space<hbm>>, %arg6: memref<640000xi32, #tpu.memory_space<hbm>>, %arg7: memref<10240x128xf32, #tpu.memory_space<hbm>>, %arg8: memref<2x10240x128xf32, #tpu.memory_space<hbm>>, %arg9: memref<40xi32, #tpu.memory_space<vmem>>, %arg10: memref<40xi32, #tpu.memory_space<vmem>>, %arg11: memref<40xi32, #tpu.memory_space<vmem>>, %arg12: memref<40xi32, #tpu.memory_space<vmem>>, %arg13: memref<40x128xf32, #tpu.memory_space<vmem>>, %arg14: memref<40x128xf32, #tpu.memory_space<vmem>>, %arg15: memref<40x128xf32, #tpu.memory_space<vmem>>, %arg16: memref<40x128xf32, #tpu.memory_space<vmem>>, %arg17: memref<40x128xf32, #tpu.memory_space<vmem>>, %arg18: memref<40x128xf32, #tpu.memory_space<vmem>>, %arg19: memref<40x128xf32, #tpu.memory_space<vmem>>, %arg20: memref<10240x128xf32, #tpu.memory_space<vmem_shared>>, %arg21: memref<!tpu.dma_semaphore, #tpu.memory_space<semaphore_mem>>, %arg22: memref<!tpu.dma_semaphore, #tpu.memory_space<semaphore_mem>>, %arg23: memref<!tpu.dma_semaphore, #tpu.memory_space<semaphore_mem>>, %arg24: memref<!tpu.dma_semaphore, #tpu.memory_space<semaphore_mem>>, %arg25: memref<!tpu.dma_semaphore, #tpu.memory_space<semaphore_mem>>, %arg26: memref<!tpu.dma_semaphore, #tpu.memory_space<semaphore_mem>>, %arg27: memref<!tpu.dma_semaphore, #tpu.memory_space<semaphore_mem>>, %arg28: memref<!tpu.dma_semaphore, #tpu.memory_space<semaphore_mem>>) attributes {dimension_semantics = [#tpu.dimension_semantics<core_parallel>, #tpu.dimension_semantics<subcore_parallel>], iteration_bounds = array<i64: 2, 16>, scalar_prefetch = 0 : i64, scratch_operands = 20 : i64, tpu.core_type = #tpu.core_type<sc_vector_subcore>, window_params = [{transform_indices = #map}, {transform_indices = #map}, {transform_indices = #map}, {transform_indices = #map1}, {transform_indices = #map1}, {transform_indices = #map}, {transform_indices = #map2}]} {
    %mul3A = arith.constant 16 : i32
    %mul3A_0 = arith.muli %arg0, %mul3A : i32
    %add3A = arith.addi %mul3A_0, %arg1 : i32
    %mul3A_1 = arith.constant 20000 : i32
    %mul3A_2 = arith.muli %add3A, %mul3A_1 : i32
    %scan3A = arith.constant 0 : i32
    %scan3A_3 = arith.constant 0 : i32
    %scan3A_4 = arith.constant 40 : i32
    %scan3A_5 = arith.addi %scan3A_3, %scan3A_4 : i32
    %scan3A_6 = arith.constant 1 : i32
    %scan3A_7 = scf.for %scan3A_70 = %scan3A_3 to %scan3A_5 step %scan3A_6 iter_args(%scan3A_71 = %scan3A) -> (i32)  : i32 {
      %broadcast_in_dim3A = arith.constant 0.000000e+00 : f32
      %broadcast_in_dim3A_72 = vector.broadcast %broadcast_in_dim3A : f32 to vector<16xf32>
      %swap3A = arith.index_cast %scan3A_70 : i32 to index
      %swap3A_73 = arith.constant 64 : index
      %swap3A_74 = tpu.vector_load %arg19[%swap3A, %swap3A_73] {strides = array<i32>} : memref<40x128xf32, #tpu.memory_space<vmem>>, vector<1x16xf32>,
      %swap3A_75 = vector.shape_cast %swap3A_74 : vector<1x16xf32> to vector<16xf32>
      %swap3A_76 = vector.shape_cast %broadcast_in_dim3A_72 : vector<16xf32> to vector<1x16xf32>
      tpu.vector_store %arg19[%swap3A, %swap3A_73], %swap3A_76 {strides = array<i32>} : memref<40x128xf32, #tpu.memory_space<vmem>>, vector<1x16xf32>,
      %broadcast_in_dim3A_77 = arith.constant 0.000000e+00 : f32
      %broadcast_in_dim3A_78 = vector.broadcast %broadcast_in_dim3A_77 : f32 to vector<16xf32>
      %swap3A_79 = arith.index_cast %scan3A_70 : i32 to index
      %swap3A_80 = arith.constant 80 : index
      %swap3A_81 = tpu.vector_load %arg19[%swap3A_79, %swap3A_80] {strides = array<i32>} : memref<40x128xf32, #tpu.memory_space<vmem>>, vector<1x16xf32>,
      %swap3A_82 = vector.shape_cast %swap3A_81 : vector<1x16xf32> to vector<16xf32>
      %swap3A_83 = vector.shape_cast %broadcast_in_dim3A_78 : vector<16xf32> to vector<1x16xf32>
      tpu.vector_store %arg19[%swap3A_79, %swap3A_80], %swap3A_83 {strides = array<i32>} : memref<40x128xf32, #tpu.memory_space<vmem>>, vector<1x16xf32>,
      %broadcast_in_dim3A_84 = arith.constant 0.000000e+00 : f32
      %broadcast_in_dim3A_85 = vector.broadcast %broadcast_in_dim3A_84 : f32 to vector<16xf32>
      %swap3A_86 = arith.index_cast %scan3A_70 : i32 to index
      %swap3A_87 = arith.constant 96 : index
      %swap3A_88 = tpu.vector_load %arg19[%swap3A_86, %swap3A_87] {strides = array<i32>} : memref<40x128xf32, #tpu.memory_space<vmem>>, vector<1x16xf32>,
      %swap3A_89 = vector.shape_cast %swap3A_88 : vector<1x16xf32> to vector<16xf32>
      %swap3A_90 = vector.shape_cast %broadcast_in_dim3A_85 : vector<16xf32> to vector<1x16xf32>
      tpu.vector_store %arg19[%swap3A_86, %swap3A_87], %swap3A_90 {strides = array<i32>} : memref<40x128xf32, #tpu.memory_space<vmem>>, vector<1x16xf32>,
      %broadcast_in_dim3A_91 = arith.constant 0.000000e+00 : f32
      %broadcast_in_dim3A_92 = vector.broadcast %broadcast_in_dim3A_91 : f32 to vector<16xf32>
      %swap3A_93 = arith.index_cast %scan3A_70 : i32 to index
      %swap3A_94 = arith.constant 112 : index
      %swap3A_95 = tpu.vector_load %arg19[%swap3A_93, %swap3A_94] {strides = array<i32>} : memref<40x128xf32, #tpu.memory_space<vmem>>, vector<1x16xf32>,
      %swap3A_96 = vector.shape_cast %swap3A_95 : vector<1x16xf32> to vector<16xf32>
      %swap3A_97 = vector.shape_cast %broadcast_in_dim3A_92 : vector<16xf32> to vector<1x16xf32>
      tpu.vector_store %arg19[%swap3A_93, %swap3A_94], %swap3A_97 {strides = array<i32>} : memref<40x128xf32, #tpu.memory_space<vmem>>, vector<1x16xf32>,
      %scan3A_98 = arith.constant 0 : i32
      scf.yield %scan3A_98 : i32
    }
    %scan3A_8 = arith.constant 40 : i32
    %mul3A_9 = arith.constant 640 : i32
    %mul3A_10 = arith.muli %arg1, %mul3A_9 : i32
    "tpu.region"() ({
      %run_scoped3A = tpu.sem_alloc : memref<!tpu.dma_semaphore, #tpu.memory_space<semaphore_mem>>
      %dma_start3A_70 = arith.constant 0 : i32
      %dma_start3A_71 = tpu.memref_slice %arg20[%mul3A_10, %dma_start3A_70] : memref<10240x128xf32, #tpu.memory_space<vmem_shared>> -> memref<640x128xf32, #tpu.memory_space<vmem_shared>>
      %dma_start3A_72 = arith.constant 0 : i32
      %dma_start3A_73 = tpu.memref_slice %arg7[%mul3A_10, %dma_start3A_72] : memref<10240x128xf32, #tpu.memory_space<hbm>> -> memref<640x128xf32, #tpu.memory_space<hbm>>
      tpu.enqueue_dma source(%dma_start3A_73 : memref<640x128xf32, #tpu.memory_space<hbm>>) target(%dma_start3A_71 : memref<640x128xf32, #tpu.memory_space<vmem_shared>>) target_semaphore(%run_scoped3A : memref<!tpu.dma_semaphore, #tpu.memory_space<semaphore_mem>>)
      %dma_wait3A_74 = arith.constant 0 : i32
      %dma_wait3A_75 = tpu.memref_slice %arg20[%mul3A_10, %dma_wait3A_74] : memref<10240x128xf32, #tpu.memory_space<vmem_shared>> -> memref<640x128xf32, #tpu.memory_space<vmem_shared>>
      %dma_wait3A_76 = arith.constant 0 : i32
      %dma_wait3A_77 = tpu.memref_slice %arg7[%mul3A_10, %dma_wait3A_76] : memref<10240x128xf32, #tpu.memory_space<hbm>> -> memref<640x128xf32, #tpu.memory_space<hbm>>
      tpu.wait_dma2 semaphore(%run_scoped3A : memref<!tpu.dma_semaphore, #tpu.memory_space<semaphore_mem>>) src(%dma_wait3A_77 : memref<640x128xf32, #tpu.memory_space<hbm>>) dst(%dma_wait3A_75 : memref<640x128xf32, #tpu.memory_space<vmem_shared>>)
      tpu.yield
    }) : () -> ()
    %barrier3A = arith.constant 0 : index
    tpu.barrier barrier_id(%barrier3A)
    %min3A = arith.constant 639960 : i32
    %min3A_11 = arith.minsi %mul3A_2, %min3A : i32
    %dma_start3A = tpu.memref_slice %arg5[%min3A_11] : memref<640000xi32, #tpu.memory_space<hbm>> -> memref<40xi32, #tpu.memory_space<hbm>>
    %dma_start3A_12 = tpu.memref_slice %arg5[%min3A_11] : memref<640000xi32, #tpu.memory_space<hbm>> -> memref<40xi32, #tpu.memory_space<hbm>>
    tpu.enqueue_dma source(%dma_start3A_12 : memref<40xi32, #tpu.memory_space<hbm>>) target(%arg9 : memref<40xi32, #tpu.memory_space<vmem>>) target_semaphore(%arg21 : memref<!tpu.dma_semaphore, #tpu.memory_space<semaphore_mem>>)
    %dma_start3A_13 = tpu.memref_slice %arg6[%min3A_11] : memref<640000xi32, #tpu.memory_space<hbm>> -> memref<40xi32, #tpu.memory_space<hbm>>
    %dma_start3A_14 = tpu.memref_slice %arg6[%min3A_11] : memref<640000xi32, #tpu.memory_space<hbm>> -> memref<40xi32, #tpu.memory_space<hbm>>
    tpu.enqueue_dma source(%dma_start3A_14 : memref<40xi32, #tpu.memory_space<hbm>>) target(%arg10 : memref<40xi32, #tpu.memory_space<vmem>>) target_semaphore(%arg21 : memref<!tpu.dma_semaphore, #tpu.memory_space<semaphore_mem>>)
    %add3A_15 = arith.constant 40 : i32
    %add3A_16 = arith.addi %mul3A_2, %add3A_15 : i32
    %min3A_17 = arith.constant 639960 : i32
    %min3A_18 = arith.minsi %add3A_16, %min3A_17 : i32
    %dma_start3A_19 = tpu.memref_slice %arg5[%min3A_18] : memref<640000xi32, #tpu.memory_space<hbm>> -> memref<40xi32, #tpu.memory_space<hbm>>
    %dma_start3A_20 = tpu.memref_slice %arg5[%min3A_18] : memref<640000xi32, #tpu.memory_space<hbm>> -> memref<40xi32, #tpu.memory_space<hbm>>
    tpu.enqueue_dma source(%dma_start3A_20 : memref<40xi32, #tpu.memory_space<hbm>>) target(%arg11 : memref<40xi32, #tpu.memory_space<vmem>>) target_semaphore(%arg22 : memref<!tpu.dma_semaphore, #tpu.memory_space<semaphore_mem>>)
    %dma_start3A_21 = tpu.memref_slice %arg6[%min3A_18] : memref<640000xi32, #tpu.memory_space<hbm>> -> memref<40xi32, #tpu.memory_space<hbm>>
    %dma_start3A_22 = tpu.memref_slice %arg6[%min3A_18] : memref<640000xi32, #tpu.memory_space<hbm>> -> memref<40xi32, #tpu.memory_space<hbm>>
    tpu.enqueue_dma source(%dma_start3A_22 : memref<40xi32, #tpu.memory_space<hbm>>) target(%arg12 : memref<40xi32, #tpu.memory_space<vmem>>) target_semaphore(%arg22 : memref<!tpu.dma_semaphore, #tpu.memory_space<semaphore_mem>>)
    %dma_wait3A = arith.constant 0 : i32
    %dma_wait3A_23 = tpu.memref_slice %arg5[%dma_wait3A] : memref<640000xi32, #tpu.memory_space<hbm>> -> memref<40xi32, #tpu.memory_space<hbm>>
    %dma_wait3A_24 = arith.constant 0 : i32
    %dma_wait3A_25 = tpu.memref_slice %arg5[%dma_wait3A_24] : memref<640000xi32, #tpu.memory_space<hbm>> -> memref<40xi32, #tpu.memory_space<hbm>>
    tpu.wait_dma2 semaphore(%arg21 : memref<!tpu.dma_semaphore, #tpu.memory_space<semaphore_mem>>) src(%dma_wait3A_25 : memref<40xi32, #tpu.memory_space<hbm>>) dst(%arg9 : memref<40xi32, #tpu.memory_space<vmem>>)
    %dma_wait3A_26 = arith.constant 0 : i32
    %dma_wait3A_27 = tpu.memref_slice %arg6[%dma_wait3A_26] : memref<640000xi32, #tpu.memory_space<hbm>> -> memref<40xi32, #tpu.memory_space<hbm>>
    %dma_wait3A_28 = arith.constant 0 : i32
    %dma_wait3A_29 = tpu.memref_slice %arg6[%dma_wait3A_28] : memref<640000xi32, #tpu.memory_space<hbm>> -> memref<40xi32, #tpu.memory_space<hbm>>
    tpu.wait_dma2 semaphore(%arg21 : memref<!tpu.dma_semaphore, #tpu.memory_space<semaphore_mem>>) src(%dma_wait3A_29 : memref<40xi32, #tpu.memory_space<hbm>>) dst(%arg10 : memref<40xi32, #tpu.memory_space<vmem>>)
    %min3A_30 = arith.constant 639960 : i32
    %min3A_31 = arith.minsi %mul3A_2, %min3A_30 : i32
    %dma_start3A_32 = arith.constant 0 : i32
    %dma_start3A_33 = arith.constant 0 : i32
    %dma_start3A_34 = tpu.memref_slice %arg2[%dma_start3A_32, %dma_start3A_33] : memref<10240x128xf32, #tpu.memory_space<hbm>> -> memref<10240x128xf32, #tpu.memory_space<hbm>>
    tpu.enqueue_indirect_dma source(%dma_start3A_34 : memref<10240x128xf32, #tpu.memory_space<hbm>>) target(%arg13 : memref<40x128xf32, #tpu.memory_space<vmem>>) offsets(%arg9 : memref<40xi32, #tpu.memory_space<vmem>>) semaphore(%arg23 : memref<!tpu.dma_semaphore, #tpu.memory_space<semaphore_mem>>)
    %dma_start3A_35 = arith.constant 0 : i32
    %dma_start3A_36 = arith.constant 0 : i32
    %dma_start3A_37 = tpu.memref_slice %arg3[%dma_start3A_35, %dma_start3A_36] : memref<10240x128xf32, #tpu.memory_space<hbm>> -> memref<10240x128xf32, #tpu.memory_space<hbm>>
    tpu.enqueue_indirect_dma source(%dma_start3A_37 : memref<10240x128xf32, #tpu.memory_space<hbm>>) target(%arg14 : memref<40x128xf32, #tpu.memory_space<vmem>>) offsets(%arg10 : memref<40xi32, #tpu.memory_space<vmem>>) semaphore(%arg24 : memref<!tpu.dma_semaphore, #tpu.memory_space<semaphore_mem>>)
    %dma_start3A_38 = arith.constant 0 : i32
    %dma_start3A_39 = tpu.memref_slice %arg4[%min3A_31, %dma_start3A_38] : memref<640000x128xf32, #tpu.memory_space<hbm>> -> memref<40x128xf32, #tpu.memory_space<hbm>>
    %dma_start3A_40 = arith.constant 0 : i32
    %dma_start3A_41 = tpu.memref_slice %arg4[%min3A_31, %dma_start3A_40] : memref<640000x128xf32, #tpu.memory_space<hbm>> -> memref<40x128xf32, #tpu.memory_space<hbm>>
    tpu.enqueue_dma source(%dma_start3A_41 : memref<40x128xf32, #tpu.memory_space<hbm>>) target(%arg15 : memref<40x128xf32, #tpu.memory_space<vmem>>) target_semaphore(%arg25 : memref<!tpu.dma_semaphore, #tpu.memory_space<semaphore_mem>>)
    %scan3A_42 = arith.constant 0 : i32
    %scan3A_43 = arith.constant 0 : i32
    %scan3A_44 = arith.constant 250 : i32
    %scan3A_45 = arith.addi %scan3A_43, %scan3A_44 : i32
    %scan3A_46 = arith.constant 1 : i32
    %scan3A_47 = scf.for %scan3A_70 = %scan3A_43 to %scan3A_45 step %scan3A_46 iter_args(%scan3A_71 = %scan3A_42) -> (i32)  : i32 {
      %mul3A_72 = arith.constant 80 : i32
      %mul3A_73 = arith.muli %scan3A_70, %mul3A_72 : i32
      %add3A_74 = arith.addi %mul3A_2, %mul3A_73 : i32
      %dma_wait3A_75 = arith.constant 0 : i32
      %dma_wait3A_76 = tpu.memref_slice %arg5[%dma_wait3A_75] : memref<640000xi32, #tpu.memory_space<hbm>> -> memref<40xi32, #tpu.memory_space<hbm>>
      %dma_wait3A_77 = arith.constant 0 : i32
      %dma_wait3A_78 = tpu.memref_slice %arg5[%dma_wait3A_77] : memref<640000xi32, #tpu.memory_space<hbm>> -> memref<40xi32, #tpu.memory_space<hbm>>
      tpu.wait_dma2 semaphore(%arg22 : memref<!tpu.dma_semaphore, #tpu.memory_space<semaphore_mem>>) src(%dma_wait3A_78 : memref<40xi32, #tpu.memory_space<hbm>>) dst(%arg11 : memref<40xi32, #tpu.memory_space<vmem>>)
      %dma_wait3A_79 = arith.constant 0 : i32
      %dma_wait3A_80 = tpu.memref_slice %arg6[%dma_wait3A_79] : memref<640000xi32, #tpu.memory_space<hbm>> -> memref<40xi32, #tpu.memory_space<hbm>>
      %dma_wait3A_81 = arith.constant 0 : i32
      %dma_wait3A_82 = tpu.memref_slice %arg6[%dma_wait3A_81] : memref<640000xi32, #tpu.memory_space<hbm>> -> memref<40xi32, #tpu.memory_space<hbm>>
      tpu.wait_dma2 semaphore(%arg22 : memref<!tpu.dma_semaphore, #tpu.memory_space<semaphore_mem>>) src(%dma_wait3A_82 : memref<40xi32, #tpu.memory_space<hbm>>) dst(%arg12 : memref<40xi32, #tpu.memory_space<vmem>>)
      %add3A_83 = arith.constant 40 : i32
      %add3A_84 = arith.addi %add3A_74, %add3A_83 : i32
      %min3A_85 = arith.constant 639960 : i32
      %min3A_86 = arith.minsi %add3A_84, %min3A_85 : i32
      %dma_start3A_87 = arith.constant 0 : i32
      %dma_start3A_88 = arith.constant 0 : i32
      %dma_start3A_89 = tpu.memref_slice %arg2[%dma_start3A_87, %dma_start3A_88] : memref<10240x128xf32, #tpu.memory_space<hbm>> -> memref<10240x128xf32, #tpu.memory_space<hbm>>
      tpu.enqueue_indirect_dma source(%dma_start3A_89 : memref<10240x128xf32, #tpu.memory_space<hbm>>) target(%arg16 : memref<40x128xf32, #tpu.memory_space<vmem>>) offsets(%arg11 : memref<40xi32, #tpu.memory_space<vmem>>) semaphore(%arg26 : memref<!tpu.dma_semaphore, #tpu.memory_space<semaphore_mem>>)
      %dma_start3A_90 = arith.constant 0 : i32
      %dma_start3A_91 = arith.constant 0 : i32
      %dma_start3A_92 = tpu.memref_slice %arg3[%dma_start3A_90, %dma_start3A_91] : memref<10240x128xf32, #tpu.memory_space<hbm>> -> memref<10240x128xf32, #tpu.memory_space<hbm>>
      tpu.enqueue_indirect_dma source(%dma_start3A_92 : memref<10240x128xf32, #tpu.memory_space<hbm>>) target(%arg17 : memref<40x128xf32, #tpu.memory_space<vmem>>) offsets(%arg12 : memref<40xi32, #tpu.memory_space<vmem>>) semaphore(%arg27 : memref<!tpu.dma_semaphore, #tpu.memory_space<semaphore_mem>>)
      %dma_start3A_93 = arith.constant 0 : i32
      %dma_start3A_94 = tpu.memref_slice %arg4[%min3A_86, %dma_start3A_93] : memref<640000x128xf32, #tpu.memory_space<hbm>> -> memref<40x128xf32, #tpu.memory_space<hbm>>
      %dma_start3A_95 = arith.constant 0 : i32
      %dma_start3A_96 = tpu.memref_slice %arg4[%min3A_86, %dma_start3A_95] : memref<640000x128xf32, #tpu.memory_space<hbm>> -> memref<40x128xf32, #tpu.memory_space<hbm>>
      tpu.enqueue_dma source(%dma_start3A_96 : memref<40x128xf32, #tpu.memory_space<hbm>>) target(%arg18 : memref<40x128xf32, #tpu.memory_space<vmem>>) target_semaphore(%arg28 : memref<!tpu.dma_semaphore, #tpu.memory_space<semaphore_mem>>)
      %dma_wait3A_97 = arith.constant 0 : i32
      %dma_wait3A_98 = arith.constant 0 : i32
      %dma_wait3A_99 = tpu.memref_slice %arg2[%dma_wait3A_97, %dma_wait3A_98] : memref<10240x128xf32, #tpu.memory_space<hbm>> -> memref<10240x128xf32, #tpu.memory_space<hbm>>
      tpu.wait_indirect_dma semaphore(%arg23 : memref<!tpu.dma_semaphore, #tpu.memory_space<semaphore_mem>>) src(%dma_wait3A_99 : memref<10240x128xf32, #tpu.memory_space<hbm>>) dst(%arg13 : memref<40x128xf32, #tpu.memory_space<vmem>>)
      %dma_wait3A_100 = arith.constant 0 : i32
      %dma_wait3A_101 = arith.constant 0 : i32
      %dma_wait3A_102 = tpu.memref_slice %arg3[%dma_wait3A_100, %dma_wait3A_101] : memref<10240x128xf32, #tpu.memory_space<hbm>> -> memref<10240x128xf32, #tpu.memory_space<hbm>>
      tpu.wait_indirect_dma semaphore(%arg24 : memref<!tpu.dma_semaphore, #tpu.memory_space<semaphore_mem>>) src(%dma_wait3A_102 : memref<10240x128xf32, #tpu.memory_space<hbm>>) dst(%arg14 : memref<40x128xf32, #tpu.memory_space<vmem>>)
      %dma_wait3A_103 = arith.constant 0 : i32
      %dma_wait3A_104 = arith.constant 0 : i32
      %dma_wait3A_105 = tpu.memref_slice %arg4[%dma_wait3A_103, %dma_wait3A_104] : memref<640000x128xf32, #tpu.memory_space<hbm>> -> memref<40x128xf32, #tpu.memory_space<hbm>>
      %dma_wait3A_106 = arith.constant 0 : i32
      %dma_wait3A_107 = arith.constant 0 : i32
      %dma_wait3A_108 = tpu.memref_slice %arg4[%dma_wait3A_106, %dma_wait3A_107] : memref<640000x128xf32, #tpu.memory_space<hbm>> -> memref<40x128xf32, #tpu.memory_space<hbm>>
      tpu.wait_dma2 semaphore(%arg25 : memref<!tpu.dma_semaphore, #tpu.memory_space<semaphore_mem>>) src(%dma_wait3A_108 : memref<40x128xf32, #tpu.memory_space<hbm>>) dst(%arg15 : memref<40x128xf32, #tpu.memory_space<vmem>>)
      %scan3A_109 = arith.constant 0 : i32
      %scan3A_110 = arith.constant 0 : i32
      %scan3A_111 = arith.constant 40 : i32
      %scan3A_112 = arith.addi %scan3A_110, %scan3A_111 : i32
      %scan3A_113 = arith.constant 1 : i32
      %scan3A_114 = scf.for %scan3A_174 = %scan3A_110 to %scan3A_112 step %scan3A_113 iter_args(%scan3A_175 = %scan3A_109) -> (i32)  : i32 {
        %get3A = arith.index_cast %scan3A_174 : i32 to index
        %get3A_176 = arith.constant 0 : index
        %get3A_177 = tpu.vector_load %arg13[%get3A, %get3A_176] {strides = array<i32>} : memref<40x128xf32, #tpu.memory_space<vmem>>, vector<1x16xf32>,
        %get3A_178 = vector.shape_cast %get3A_177 : vector<1x16xf32> to vector<16xf32>
        %get3A_179 = arith.index_cast %scan3A_174 : i32 to index
        %get3A_180 = arith.constant 0 : index
        %get3A_181 = tpu.vector_load %arg14[%get3A_179, %get3A_180] {strides = array<i32>} : memref<40x128xf32, #tpu.memory_space<vmem>>, vector<1x16xf32>,
        %get3A_182 = vector.shape_cast %get3A_181 : vector<1x16xf32> to vector<16xf32>
        %add3A_183 = arith.addf %get3A_178, %get3A_182 : vector<16xf32>
        %get3A_184 = arith.index_cast %scan3A_174 : i32 to index
        %get3A_185 = arith.constant 0 : index
        %get3A_186 = tpu.vector_load %arg15[%get3A_184, %get3A_185] {strides = array<i32>} : memref<40x128xf32, #tpu.memory_space<vmem>>, vector<1x16xf32>,
        %get3A_187 = vector.shape_cast %get3A_186 : vector<1x16xf32> to vector<16xf32>
        %add3A_188 = arith.addf %add3A_183, %get3A_187 : vector<16xf32>
        %get3A_189 = arith.index_cast %scan3A_174 : i32 to index
        %get3A_190 = arith.constant 64 : index
        %get3A_191 = tpu.vector_load %arg13[%get3A_189, %get3A_190] {strides = array<i32>} : memref<40x128xf32, #tpu.memory_space<vmem>>, vector<1x16xf32>,
        %get3A_192 = vector.shape_cast %get3A_191 : vector<1x16xf32> to vector<16xf32>
        %get3A_193 = arith.index_cast %scan3A_174 : i32 to index
        %get3A_194 = arith.constant 64 : index
        %get3A_195 = tpu.vector_load %arg14[%get3A_193, %get3A_194] {strides = array<i32>} : memref<40x128xf32, #tpu.memory_space<vmem>>, vector<1x16xf32>,
        %get3A_196 = vector.shape_cast %get3A_195 : vector<1x16xf32> to vector<16xf32>
        %add3A_197 = arith.addf %get3A_192, %get3A_196 : vector<16xf32>
        %get3A_198 = arith.index_cast %scan3A_174 : i32 to index
        %get3A_199 = arith.constant 64 : index
        %get3A_200 = tpu.vector_load %arg15[%get3A_198, %get3A_199] {strides = array<i32>} : memref<40x128xf32, #tpu.memory_space<vmem>>, vector<1x16xf32>,
        %get3A_201 = vector.shape_cast %get3A_200 : vector<1x16xf32> to vector<16xf32>
        %add3A_202 = arith.addf %add3A_197, %get3A_201 : vector<16xf32>
        %neg3A = arith.constant 0.000000e+00 : f32
        %neg3A_203 = vector.broadcast %neg3A : f32 to vector<16xf32>
        %neg3A_204 = arith.subf %neg3A_203, %add3A_188 : vector<16xf32>
        %exp3A = math.exp %neg3A_204 : vector<16xf32>
        %add3A_205 = arith.constant 1.000000e+00 : f32
        %add3A_206 = vector.broadcast %add3A_205 : f32 to vector<16xf32>
        %add3A_207 = arith.addf %add3A_206, %exp3A : vector<16xf32>
        %div3A = arith.constant 1.000000e+00 : f32
        %div3A_208 = vector.broadcast %div3A : f32 to vector<16xf32>
        %div3A_209 = arith.divf %div3A_208, %add3A_207 : vector<16xf32>
        %abs3A = math.absf %add3A_202 : vector<16xf32>
        %neg3A_210 = arith.constant 0.000000e+00 : f32
        %neg3A_211 = vector.broadcast %neg3A_210 : f32 to vector<16xf32>
        %neg3A_212 = arith.subf %neg3A_211, %abs3A : vector<16xf32>
        %exp3A_213 = math.exp %neg3A_212 : vector<16xf32>
        %add3A_214 = arith.constant 2.000000e+00 : f32
        %add3A_215 = vector.broadcast %add3A_214 : f32 to vector<16xf32>
        %add3A_216 = arith.addf %add3A_215, %exp3A_213 : vector<16xf32>
        %div3A_217 = arith.divf %exp3A_213, %add3A_216 : vector<16xf32>
        %mul3A_218 = arith.mulf %div3A_217, %div3A_217 : vector<16xf32>
        %mul3A_219 = arith.constant 0.181818187 : f32
        %mul3A_220 = vector.broadcast %mul3A_219 : f32 to vector<16xf32>
        %mul3A_221 = arith.mulf %mul3A_218, %mul3A_220 : vector<16xf32>
        %add3A_222 = arith.constant 0.222222224 : f32
        %add3A_223 = vector.broadcast %add3A_222 : f32 to vector<16xf32>
        %add3A_224 = arith.addf %add3A_223, %mul3A_221 : vector<16xf32>
        %mul3A_225 = arith.mulf %mul3A_218, %add3A_224 : vector<16xf32>
        %add3A_226 = arith.constant 0.285714298 : f32
        %add3A_227 = vector.broadcast %add3A_226 : f32 to vector<16xf32>
        %add3A_228 = arith.addf %add3A_227, %mul3A_225 : vector<16xf32>
        %mul3A_229 = arith.mulf %mul3A_218, %add3A_228 : vector<16xf32>
        %add3A_230 = arith.constant 4.000000e-01 : f32
        %add3A_231 = vector.broadcast %add3A_230 : f32 to vector<16xf32>
        %add3A_232 = arith.addf %add3A_231, %mul3A_229 : vector<16xf32>
        %mul3A_233 = arith.mulf %mul3A_218, %add3A_232 : vector<16xf32>
        %add3A_234 = arith.constant 0.666666686 : f32
        %add3A_235 = vector.broadcast %add3A_234 : f32 to vector<16xf32>
        %add3A_236 = arith.addf %add3A_235, %mul3A_233 : vector<16xf32>
        %mul3A_237 = arith.mulf %mul3A_218, %add3A_236 : vector<16xf32>
        %add3A_238 = arith.constant 2.000000e+00 : f32
        %add3A_239 = vector.broadcast %add3A_238 : f32 to vector<16xf32>
        %add3A_240 = arith.addf %add3A_239, %mul3A_237 : vector<16xf32>
        %mul3A_241 = arith.mulf %div3A_217, %add3A_240 : vector<16xf32>
        %max3A = arith.constant 0.000000e+00 : f32
        %max3A_242 = vector.broadcast %max3A : f32 to vector<16xf32>
        %max3A_243 = arith.maximumf %add3A_202, %max3A_242 : vector<16xf32>
        %add3A_244 = arith.addf %max3A_243, %mul3A_241 : vector<16xf32>
        %mul3A_245 = arith.mulf %div3A_209, %add3A_244 : vector<16xf32>
        %add3A_246 = arith.constant 0 : i32
        %add3A_247 = arith.addi %add3A_246, %scan3A_174 : i32
        %swap3A = arith.index_cast %add3A_247 : i32 to index
        %swap3A_248 = arith.constant 0 : index
        %swap3A_249 = tpu.vector_load %arg19[%swap3A, %swap3A_248] {strides = array<i32>} : memref<40x128xf32, #tpu.memory_space<vmem>>, vector<1x16xf32>,
        %swap3A_250 = vector.shape_cast %swap3A_249 : vector<1x16xf32> to vector<16xf32>
        %swap3A_251 = vector.shape_cast %mul3A_245 : vector<16xf32> to vector<1x16xf32>
        tpu.vector_store %arg19[%swap3A, %swap3A_248], %swap3A_251 {strides = array<i32>} : memref<40x128xf32, #tpu.memory_space<vmem>>, vector<1x16xf32>,
        %get3A_252 = arith.index_cast %scan3A_174 : i32 to index
        %get3A_253 = arith.constant 16 : index
        %get3A_254 = tpu.vector_load %arg13[%get3A_252, %get3A_253] {strides = array<i32>} : memref<40x128xf32, #tpu.memory_space<vmem>>, vector<1x16xf32>,
        %get3A_255 = vector.shape_cast %get3A_254 : vector<1x16xf32> to vector<16xf32>
        %get3A_256 = arith.index_cast %scan3A_174 : i32 to index
        %get3A_257 = arith.constant 16 : index
        %get3A_258 = tpu.vector_load %arg14[%get3A_256, %get3A_257] {strides = array<i32>} : memref<40x128xf32, #tpu.memory_space<vmem>>, vector<1x16xf32>,
        %get3A_259 = vector.shape_cast %get3A_258 : vector<1x16xf32> to vector<16xf32>
        %add3A_260 = arith.addf %get3A_255, %get3A_259 : vector<16xf32>
        %get3A_261 = arith.index_cast %scan3A_174 : i32 to index
        %get3A_262 = arith.constant 16 : index
        %get3A_263 = tpu.vector_load %arg15[%get3A_261, %get3A_262] {strides = array<i32>} : memref<40x128xf32, #tpu.memory_space<vmem>>, vector<1x16xf32>,
        %get3A_264 = vector.shape_cast %get3A_263 : vector<1x16xf32> to vector<16xf32>
        %add3A_265 = arith.addf %add3A_260, %get3A_264 : vector<16xf32>
        %get3A_266 = arith.index_cast %scan3A_174 : i32 to index
        %get3A_267 = arith.constant 80 : index
        %get3A_268 = tpu.vector_load %arg13[%get3A_266, %get3A_267] {strides = array<i32>} : memref<40x128xf32, #tpu.memory_space<vmem>>, vector<1x16xf32>,
        %get3A_269 = vector.shape_cast %get3A_268 : vector<1x16xf32> to vector<16xf32>
        %get3A_270 = arith.index_cast %scan3A_174 : i32 to index
        %get3A_271 = arith.constant 80 : index
        %get3A_272 = tpu.vector_load %arg14[%get3A_270, %get3A_271] {strides = array<i32>} : memref<40x128xf32, #tpu.memory_space<vmem>>, vector<1x16xf32>,
        %get3A_273 = vector.shape_cast %get3A_272 : vector<1x16xf32> to vector<16xf32>
        %add3A_274 = arith.addf %get3A_269, %get3A_273 : vector<16xf32>
        %get3A_275 = arith.index_cast %scan3A_174 : i32 to index
        %get3A_276 = arith.constant 80 : index
        %get3A_277 = tpu.vector_load %arg15[%get3A_275, %get3A_276] {strides = array<i32>} : memref<40x128xf32, #tpu.memory_space<vmem>>, vector<1x16xf32>,
        %get3A_278 = vector.shape_cast %get3A_277 : vector<1x16xf32> to vector<16xf32>
        %add3A_279 = arith.addf %add3A_274, %get3A_278 : vector<16xf32>
        %neg3A_280 = arith.constant 0.000000e+00 : f32
        %neg3A_281 = vector.broadcast %neg3A_280 : f32 to vector<16xf32>
        %neg3A_282 = arith.subf %neg3A_281, %add3A_265 : vector<16xf32>
        %exp3A_283 = math.exp %neg3A_282 : vector<16xf32>
        %add3A_284 = arith.constant 1.000000e+00 : f32
        %add3A_285 = vector.broadcast %add3A_284 : f32 to vector<16xf32>
        %add3A_286 = arith.addf %add3A_285, %exp3A_283 : vector<16xf32>
        %div3A_287 = arith.constant 1.000000e+00 : f32
        %div3A_288 = vector.broadcast %div3A_287 : f32 to vector<16xf32>
        %div3A_289 = arith.divf %div3A_288, %add3A_286 : vector<16xf32>
        %abs3A_290 = math.absf %add3A_279 : vector<16xf32>
        %neg3A_291 = arith.constant 0.000000e+00 : f32
        %neg3A_292 = vector.broadcast %neg3A_291 : f32 to vector<16xf32>
        %neg3A_293 = arith.subf %neg3A_292, %abs3A_290 : vector<16xf32>
        %exp3A_294 = math.exp %neg3A_293 : vector<16xf32>
        %add3A_295 = arith.constant 2.000000e+00 : f32
        %add3A_296 = vector.broadcast %add3A_295 : f32 to vector<16xf32>
        %add3A_297 = arith.addf %add3A_296, %exp3A_294 : vector<16xf32>
        %div3A_298 = arith.divf %exp3A_294, %add3A_297 : vector<16xf32>
        %mul3A_299 = arith.mulf %div3A_298, %div3A_298 : vector<16xf32>
        %mul3A_300 = arith.constant 0.181818187 : f32
        %mul3A_301 = vector.broadcast %mul3A_300 : f32 to vector<16xf32>
        %mul3A_302 = arith.mulf %mul3A_299, %mul3A_301 : vector<16xf32>
        %add3A_303 = arith.constant 0.222222224 : f32
        %add3A_304 = vector.broadcast %add3A_303 : f32 to vector<16xf32>
        %add3A_305 = arith.addf %add3A_304, %mul3A_302 : vector<16xf32>
        %mul3A_306 = arith.mulf %mul3A_299, %add3A_305 : vector<16xf32>
        %add3A_307 = arith.constant 0.285714298 : f32
        %add3A_308 = vector.broadcast %add3A_307 : f32 to vector<16xf32>
        %add3A_309 = arith.addf %add3A_308, %mul3A_306 : vector<16xf32>
        %mul3A_310 = arith.mulf %mul3A_299, %add3A_309 : vector<16xf32>
        %add3A_311 = arith.constant 4.000000e-01 : f32
        %add3A_312 = vector.broadcast %add3A_311 : f32 to vector<16xf32>
        %add3A_313 = arith.addf %add3A_312, %mul3A_310 : vector<16xf32>
        %mul3A_314 = arith.mulf %mul3A_299, %add3A_313 : vector<16xf32>
        %add3A_315 = arith.constant 0.666666686 : f32
        %add3A_316 = vector.broadcast %add3A_315 : f32 to vector<16xf32>
        %add3A_317 = arith.addf %add3A_316, %mul3A_314 : vector<16xf32>
        %mul3A_318 = arith.mulf %mul3A_299, %add3A_317 : vector<16xf32>
        %add3A_319 = arith.constant 2.000000e+00 : f32
        %add3A_320 = vector.broadcast %add3A_319 : f32 to vector<16xf32>
        %add3A_321 = arith.addf %add3A_320, %mul3A_318 : vector<16xf32>
        %mul3A_322 = arith.mulf %div3A_298, %add3A_321 : vector<16xf32>
        %max3A_323 = arith.constant 0.000000e+00 : f32
        %max3A_324 = vector.broadcast %max3A_323 : f32 to vector<16xf32>
        %max3A_325 = arith.maximumf %add3A_279, %max3A_324 : vector<16xf32>
        %add3A_326 = arith.addf %max3A_325, %mul3A_322 : vector<16xf32>
        %mul3A_327 = arith.mulf %div3A_289, %add3A_326 : vector<16xf32>
        %add3A_328 = arith.constant 0 : i32
        %add3A_329 = arith.addi %add3A_328, %scan3A_174 : i32
        %swap3A_330 = arith.index_cast %add3A_329 : i32 to index
        %swap3A_331 = arith.constant 16 : index
        %swap3A_332 = tpu.vector_load %arg19[%swap3A_330, %swap3A_331] {strides = array<i32>} : memref<40x128xf32, #tpu.memory_space<vmem>>, vector<1x16xf32>,
        %swap3A_333 = vector.shape_cast %swap3A_332 : vector<1x16xf32> to vector<16xf32>
        %swap3A_334 = vector.shape_cast %mul3A_327 : vector<16xf32> to vector<1x16xf32>
        tpu.vector_store %arg19[%swap3A_330, %swap3A_331], %swap3A_334 {strides = array<i32>} : memref<40x128xf32, #tpu.memory_space<vmem>>, vector<1x16xf32>,
        %get3A_335 = arith.index_cast %scan3A_174 : i32 to index
        %get3A_336 = arith.constant 32 : index
        %get3A_337 = tpu.vector_load %arg13[%get3A_335, %get3A_336] {strides = array<i32>} : memref<40x128xf32, #tpu.memory_space<vmem>>, vector<1x16xf32>,
        %get3A_338 = vector.shape_cast %get3A_337 : vector<1x16xf32> to vector<16xf32>
        %get3A_339 = arith.index_cast %scan3A_174 : i32 to index
        %get3A_340 = arith.constant 32 : index
        %get3A_341 = tpu.vector_load %arg14[%get3A_339, %get3A_340] {strides = array<i32>} : memref<40x128xf32, #tpu.memory_space<vmem>>, vector<1x16xf32>,
        %get3A_342 = vector.shape_cast %get3A_341 : vector<1x16xf32> to vector<16xf32>
        %add3A_343 = arith.addf %get3A_338, %get3A_342 : vector<16xf32>
        %get3A_344 = arith.index_cast %scan3A_174 : i32 to index
        %get3A_345 = arith.constant 32 : index
        %get3A_346 = tpu.vector_load %arg15[%get3A_344, %get3A_345] {strides = array<i32>} : memref<40x128xf32, #tpu.memory_space<vmem>>, vector<1x16xf32>,
        %get3A_347 = vector.shape_cast %get3A_346 : vector<1x16xf32> to vector<16xf32>
        %add3A_348 = arith.addf %add3A_343, %get3A_347 : vector<16xf32>
        %get3A_349 = arith.index_cast %scan3A_174 : i32 to index
        %get3A_350 = arith.constant 96 : index
        %get3A_351 = tpu.vector_load %arg13[%get3A_349, %get3A_350] {strides = array<i32>} : memref<40x128xf32, #tpu.memory_space<vmem>>, vector<1x16xf32>,
        %get3A_352 = vector.shape_cast %get3A_351 : vector<1x16xf32> to vector<16xf32>
        %get3A_353 = arith.index_cast %scan3A_174 : i32 to index
        %get3A_354 = arith.constant 96 : index
        %get3A_355 = tpu.vector_load %arg14[%get3A_353, %get3A_354] {strides = array<i32>} : memref<40x128xf32, #tpu.memory_space<vmem>>, vector<1x16xf32>,
        %get3A_356 = vector.shape_cast %get3A_355 : vector<1x16xf32> to vector<16xf32>
        %add3A_357 = arith.addf %get3A_352, %get3A_356 : vector<16xf32>
        %get3A_358 = arith.index_cast %scan3A_174 : i32 to index
        %get3A_359 = arith.constant 96 : index
        %get3A_360 = tpu.vector_load %arg15[%get3A_358, %get3A_359] {strides = array<i32>} : memref<40x128xf32, #tpu.memory_space<vmem>>, vector<1x16xf32>,
        %get3A_361 = vector.shape_cast %get3A_360 : vector<1x16xf32> to vector<16xf32>
        %add3A_362 = arith.addf %add3A_357, %get3A_361 : vector<16xf32>
        %neg3A_363 = arith.constant 0.000000e+00 : f32
        %neg3A_364 = vector.broadcast %neg3A_363 : f32 to vector<16xf32>
        %neg3A_365 = arith.subf %neg3A_364, %add3A_348 : vector<16xf32>
        %exp3A_366 = math.exp %neg3A_365 : vector<16xf32>
        %add3A_367 = arith.constant 1.000000e+00 : f32
        %add3A_368 = vector.broadcast %add3A_367 : f32 to vector<16xf32>
        %add3A_369 = arith.addf %add3A_368, %exp3A_366 : vector<16xf32>
        %div3A_370 = arith.constant 1.000000e+00 : f32
        %div3A_371 = vector.broadcast %div3A_370 : f32 to vector<16xf32>
        %div3A_372 = arith.divf %div3A_371, %add3A_369 : vector<16xf32>
        %abs3A_373 = math.absf %add3A_362 : vector<16xf32>
        %neg3A_374 = arith.constant 0.000000e+00 : f32
        %neg3A_375 = vector.broadcast %neg3A_374 : f32 to vector<16xf32>
        %neg3A_376 = arith.subf %neg3A_375, %abs3A_373 : vector<16xf32>
        %exp3A_377 = math.exp %neg3A_376 : vector<16xf32>
        %add3A_378 = arith.constant 2.000000e+00 : f32
        %add3A_379 = vector.broadcast %add3A_378 : f32 to vector<16xf32>
        %add3A_380 = arith.addf %add3A_379, %exp3A_377 : vector<16xf32>
        %div3A_381 = arith.divf %exp3A_377, %add3A_380 : vector<16xf32>
        %mul3A_382 = arith.mulf %div3A_381, %div3A_381 : vector<16xf32>
        %mul3A_383 = arith.constant 0.181818187 : f32
        %mul3A_384 = vector.broadcast %mul3A_383 : f32 to vector<16xf32>
        %mul3A_385 = arith.mulf %mul3A_382, %mul3A_384 : vector<16xf32>
        %add3A_386 = arith.constant 0.222222224 : f32
        %add3A_387 = vector.broadcast %add3A_386 : f32 to vector<16xf32>
        %add3A_388 = arith.addf %add3A_387, %mul3A_385 : vector<16xf32>
        %mul3A_389 = arith.mulf %mul3A_382, %add3A_388 : vector<16xf32>
        %add3A_390 = arith.constant 0.285714298 : f32
        %add3A_391 = vector.broadcast %add3A_390 : f32 to vector<16xf32>
        %add3A_392 = arith.addf %add3A_391, %mul3A_389 : vector<16xf32>
        %mul3A_393 = arith.mulf %mul3A_382, %add3A_392 : vector<16xf32>
        %add3A_394 = arith.constant 4.000000e-01 : f32
        %add3A_395 = vector.broadcast %add3A_394 : f32 to vector<16xf32>
        %add3A_396 = arith.addf %add3A_395, %mul3A_393 : vector<16xf32>
        %mul3A_397 = arith.mulf %mul3A_382, %add3A_396 : vector<16xf32>
        %add3A_398 = arith.constant 0.666666686 : f32
        %add3A_399 = vector.broadcast %add3A_398 : f32 to vector<16xf32>
        %add3A_400 = arith.addf %add3A_399, %mul3A_397 : vector<16xf32>
        %mul3A_401 = arith.mulf %mul3A_382, %add3A_400 : vector<16xf32>
        %add3A_402 = arith.constant 2.000000e+00 : f32
        %add3A_403 = vector.broadcast %add3A_402 : f32 to vector<16xf32>
        %add3A_404 = arith.addf %add3A_403, %mul3A_401 : vector<16xf32>
        %mul3A_405 = arith.mulf %div3A_381, %add3A_404 : vector<16xf32>
        %max3A_406 = arith.constant 0.000000e+00 : f32
        %max3A_407 = vector.broadcast %max3A_406 : f32 to vector<16xf32>
        %max3A_408 = arith.maximumf %add3A_362, %max3A_407 : vector<16xf32>
        %add3A_409 = arith.addf %max3A_408, %mul3A_405 : vector<16xf32>
        %mul3A_410 = arith.mulf %div3A_372, %add3A_409 : vector<16xf32>
        %add3A_411 = arith.constant 0 : i32
        %add3A_412 = arith.addi %add3A_411, %scan3A_174 : i32
        %swap3A_413 = arith.index_cast %add3A_412 : i32 to index
        %swap3A_414 = arith.constant 32 : index
        %swap3A_415 = tpu.vector_load %arg19[%swap3A_413, %swap3A_414] {strides = array<i32>} : memref<40x128xf32, #tpu.memory_space<vmem>>, vector<1x16xf32>,
        %swap3A_416 = vector.shape_cast %swap3A_415 : vector<1x16xf32> to vector<16xf32>
        %swap3A_417 = vector.shape_cast %mul3A_410 : vector<16xf32> to vector<1x16xf32>
        tpu.vector_store %arg19[%swap3A_413, %swap3A_414], %swap3A_417 {strides = array<i32>} : memref<40x128xf32, #tpu.memory_space<vmem>>, vector<1x16xf32>,
        %get3A_418 = arith.index_cast %scan3A_174 : i32 to index
        %get3A_419 = arith.constant 48 : index
        %get3A_420 = tpu.vector_load %arg13[%get3A_418, %get3A_419] {strides = array<i32>} : memref<40x128xf32, #tpu.memory_space<vmem>>, vector<1x16xf32>,
        %get3A_421 = vector.shape_cast %get3A_420 : vector<1x16xf32> to vector<16xf32>
        %get3A_422 = arith.index_cast %scan3A_174 : i32 to index
        %get3A_423 = arith.constant 48 : index
        %get3A_424 = tpu.vector_load %arg14[%get3A_422, %get3A_423] {strides = array<i32>} : memref<40x128xf32, #tpu.memory_space<vmem>>, vector<1x16xf32>,
        %get3A_425 = vector.shape_cast %get3A_424 : vector<1x16xf32> to vector<16xf32>
        %add3A_426 = arith.addf %get3A_421, %get3A_425 : vector<16xf32>
        %get3A_427 = arith.index_cast %scan3A_174 : i32 to index
        %get3A_428 = arith.constant 48 : index
        %get3A_429 = tpu.vector_load %arg15[%get3A_427, %get3A_428] {strides = array<i32>} : memref<40x128xf32, #tpu.memory_space<vmem>>, vector<1x16xf32>,
        %get3A_430 = vector.shape_cast %get3A_429 : vector<1x16xf32> to vector<16xf32>
        %add3A_431 = arith.addf %add3A_426, %get3A_430 : vector<16xf32>
        %get3A_432 = arith.index_cast %scan3A_174 : i32 to index
        %get3A_433 = arith.constant 112 : index
        %get3A_434 = tpu.vector_load %arg13[%get3A_432, %get3A_433] {strides = array<i32>} : memref<40x128xf32, #tpu.memory_space<vmem>>, vector<1x16xf32>,
        %get3A_435 = vector.shape_cast %get3A_434 : vector<1x16xf32> to vector<16xf32>
        %get3A_436 = arith.index_cast %scan3A_174 : i32 to index
        %get3A_437 = arith.constant 112 : index
        %get3A_438 = tpu.vector_load %arg14[%get3A_436, %get3A_437] {strides = array<i32>} : memref<40x128xf32, #tpu.memory_space<vmem>>, vector<1x16xf32>,
        %get3A_439 = vector.shape_cast %get3A_438 : vector<1x16xf32> to vector<16xf32>
        %add3A_440 = arith.addf %get3A_435, %get3A_439 : vector<16xf32>
        %get3A_441 = arith.index_cast %scan3A_174 : i32 to index
        %get3A_442 = arith.constant 112 : index
        %get3A_443 = tpu.vector_load %arg15[%get3A_441, %get3A_442] {strides = array<i32>} : memref<40x128xf32, #tpu.memory_space<vmem>>, vector<1x16xf32>,
        %get3A_444 = vector.shape_cast %get3A_443 : vector<1x16xf32> to vector<16xf32>
        %add3A_445 = arith.addf %add3A_440, %get3A_444 : vector<16xf32>
        %neg3A_446 = arith.constant 0.000000e+00 : f32
        %neg3A_447 = vector.broadcast %neg3A_446 : f32 to vector<16xf32>
        %neg3A_448 = arith.subf %neg3A_447, %add3A_431 : vector<16xf32>
        %exp3A_449 = math.exp %neg3A_448 : vector<16xf32>
        %add3A_450 = arith.constant 1.000000e+00 : f32
        %add3A_451 = vector.broadcast %add3A_450 : f32 to vector<16xf32>
        %add3A_452 = arith.addf %add3A_451, %exp3A_449 : vector<16xf32>
        %div3A_453 = arith.constant 1.000000e+00 : f32
        %div3A_454 = vector.broadcast %div3A_453 : f32 to vector<16xf32>
        %div3A_455 = arith.divf %div3A_454, %add3A_452 : vector<16xf32>
        %abs3A_456 = math.absf %add3A_445 : vector<16xf32>
        %neg3A_457 = arith.constant 0.000000e+00 : f32
        %neg3A_458 = vector.broadcast %neg3A_457 : f32 to vector<16xf32>
        %neg3A_459 = arith.subf %neg3A_458, %abs3A_456 : vector<16xf32>
        %exp3A_460 = math.exp %neg3A_459 : vector<16xf32>
        %add3A_461 = arith.constant 2.000000e+00 : f32
        %add3A_462 = vector.broadcast %add3A_461 : f32 to vector<16xf32>
        %add3A_463 = arith.addf %add3A_462, %exp3A_460 : vector<16xf32>
        %div3A_464 = arith.divf %exp3A_460, %add3A_463 : vector<16xf32>
        %mul3A_465 = arith.mulf %div3A_464, %div3A_464 : vector<16xf32>
        %mul3A_466 = arith.constant 0.181818187 : f32
        %mul3A_467 = vector.broadcast %mul3A_466 : f32 to vector<16xf32>
        %mul3A_468 = arith.mulf %mul3A_465, %mul3A_467 : vector<16xf32>
        %add3A_469 = arith.constant 0.222222224 : f32
        %add3A_470 = vector.broadcast %add3A_469 : f32 to vector<16xf32>
        %add3A_471 = arith.addf %add3A_470, %mul3A_468 : vector<16xf32>
        %mul3A_472 = arith.mulf %mul3A_465, %add3A_471 : vector<16xf32>
        %add3A_473 = arith.constant 0.285714298 : f32
        %add3A_474 = vector.broadcast %add3A_473 : f32 to vector<16xf32>
        %add3A_475 = arith.addf %add3A_474, %mul3A_472 : vector<16xf32>
        %mul3A_476 = arith.mulf %mul3A_465, %add3A_475 : vector<16xf32>
        %add3A_477 = arith.constant 4.000000e-01 : f32
        %add3A_478 = vector.broadcast %add3A_477 : f32 to vector<16xf32>
        %add3A_479 = arith.addf %add3A_478, %mul3A_476 : vector<16xf32>
        %mul3A_480 = arith.mulf %mul3A_465, %add3A_479 : vector<16xf32>
        %add3A_481 = arith.constant 0.666666686 : f32
        %add3A_482 = vector.broadcast %add3A_481 : f32 to vector<16xf32>
        %add3A_483 = arith.addf %add3A_482, %mul3A_480 : vector<16xf32>
        %mul3A_484 = arith.mulf %mul3A_465, %add3A_483 : vector<16xf32>
        %add3A_485 = arith.constant 2.000000e+00 : f32
        %add3A_486 = vector.broadcast %add3A_485 : f32 to vector<16xf32>
        %add3A_487 = arith.addf %add3A_486, %mul3A_484 : vector<16xf32>
        %mul3A_488 = arith.mulf %div3A_464, %add3A_487 : vector<16xf32>
        %max3A_489 = arith.constant 0.000000e+00 : f32
        %max3A_490 = vector.broadcast %max3A_489 : f32 to vector<16xf32>
        %max3A_491 = arith.maximumf %add3A_445, %max3A_490 : vector<16xf32>
        %add3A_492 = arith.addf %max3A_491, %mul3A_488 : vector<16xf32>
        %mul3A_493 = arith.mulf %div3A_455, %add3A_492 : vector<16xf32>
        %add3A_494 = arith.constant 0 : i32
        %add3A_495 = arith.addi %add3A_494, %scan3A_174 : i32
        %swap3A_496 = arith.index_cast %add3A_495 : i32 to index
        %swap3A_497 = arith.constant 48 : index
        %swap3A_498 = tpu.vector_load %arg19[%swap3A_496, %swap3A_497] {strides = array<i32>} : memref<40x128xf32, #tpu.memory_space<vmem>>, vector<1x16xf32>,
        %swap3A_499 = vector.shape_cast %swap3A_498 : vector<1x16xf32> to vector<16xf32>
        %swap3A_500 = vector.shape_cast %mul3A_493 : vector<16xf32> to vector<1x16xf32>
        tpu.vector_store %arg19[%swap3A_496, %swap3A_497], %swap3A_500 {strides = array<i32>} : memref<40x128xf32, #tpu.memory_space<vmem>>, vector<1x16xf32>,
        %scan3A_501 = arith.constant 0 : i32
        scf.yield %scan3A_501 : i32
      }
      %scan3A_115 = arith.constant 40 : i32
      "tpu.region"() ({
        %run_scoped3A = tpu.sem_alloc : memref<!tpu.dma_semaphore, #tpu.memory_space<semaphore_mem>>
        %dma_start3A_174 = arith.constant 0 : i32
        %dma_start3A_175 = arith.constant 0 : i32
        %dma_start3A_176 = tpu.memref_slice %arg20[%dma_start3A_174, %dma_start3A_175] : memref<10240x128xf32, #tpu.memory_space<vmem_shared>> -> memref<10240x128xf32, #tpu.memory_space<vmem_shared>>
        tpu.enqueue_indirect_dma source(%arg19 : memref<40x128xf32, #tpu.memory_space<vmem>>) target(%dma_start3A_176 : memref<10240x128xf32, #tpu.memory_space<vmem_shared>>) offsets(%arg9 : memref<40xi32, #tpu.memory_space<vmem>>) semaphore(%run_scoped3A : memref<!tpu.dma_semaphore, #tpu.memory_space<semaphore_mem>>) {add = true}
        %dma_wait3A_177 = arith.constant 0 : i32
        %dma_wait3A_178 = arith.constant 0 : i32
        %dma_wait3A_179 = tpu.memref_slice %arg20[%dma_wait3A_177, %dma_wait3A_178] : memref<10240x128xf32, #tpu.memory_space<vmem_shared>> -> memref<10240x128xf32, #tpu.memory_space<vmem_shared>>
        tpu.wait_indirect_dma semaphore(%run_scoped3A : memref<!tpu.dma_semaphore, #tpu.memory_space<semaphore_mem>>) src(%arg19 : memref<40x128xf32, #tpu.memory_space<vmem>>) dst(%dma_wait3A_179 : memref<10240x128xf32, #tpu.memory_space<vmem_shared>>)
        tpu.yield
      }) : () -> ()
      %add3A_116 = arith.constant 80 : i32
      %add3A_117 = arith.addi %add3A_74, %add3A_116 : i32
      %min3A_118 = arith.constant 639960 : i32
      %min3A_119 = arith.minsi %add3A_117, %min3A_118 : i32
      %dma_start3A_120 = tpu.memref_slice %arg5[%min3A_119] : memref<640000xi32, #tpu.memory_space<hbm>> -> memref<40xi32, #tpu.memory_space<hbm>>
      %dma_start3A_121 = tpu.memref_slice %arg5[%min3A_119] : memref<640000xi32, #tpu.memory_space<hbm>> -> memref<40xi32, #tpu.memory_space<hbm>>
      tpu.enqueue_dma source(%dma_start3A_121 : memref<40xi32, #tpu.memory_space<hbm>>) target(%arg9 : memref<40xi32, #tpu.memory_space<vmem>>) target_semaphore(%arg21 : memref<!tpu.dma_semaphore, #tpu.memory_space<semaphore_mem>>)
      %dma_start3A_122 = tpu.memref_slice %arg6[%min3A_119] : memref<640000xi32, #tpu.memory_space<hbm>> -> memref<40xi32, #tpu.memory_space<hbm>>
      %dma_start3A_123 = tpu.memref_slice %arg6[%min3A_119] : memref<640000xi32, #tpu.memory_space<hbm>> -> memref<40xi32, #tpu.memory_space<hbm>>
      tpu.enqueue_dma source(%dma_start3A_123 : memref<40xi32, #tpu.memory_space<hbm>>) target(%arg10 : memref<40xi32, #tpu.memory_space<vmem>>) target_semaphore(%arg21 : memref<!tpu.dma_semaphore, #tpu.memory_space<semaphore_mem>>)
      %dma_wait3A_124 = arith.constant 0 : i32
      %dma_wait3A_125 = tpu.memref_slice %arg5[%dma_wait3A_124] : memref<640000xi32, #tpu.memory_space<hbm>> -> memref<40xi32, #tpu.memory_space<hbm>>
      %dma_wait3A_126 = arith.constant 0 : i32
      %dma_wait3A_127 = tpu.memref_slice %arg5[%dma_wait3A_126] : memref<640000xi32, #tpu.memory_space<hbm>> -> memref<40xi32, #tpu.memory_space<hbm>>
      tpu.wait_dma2 semaphore(%arg21 : memref<!tpu.dma_semaphore, #tpu.memory_space<semaphore_mem>>) src(%dma_wait3A_127 : memref<40xi32, #tpu.memory_space<hbm>>) dst(%arg9 : memref<40xi32, #tpu.memory_space<vmem>>)
      %dma_wait3A_128 = arith.constant 0 : i32
      %dma_wait3A_129 = tpu.memref_slice %arg6[%dma_wait3A_128] : memref<640000xi32, #tpu.memory_space<hbm>> -> memref<40xi32, #tpu.memory_space<hbm>>
      %dma_wait3A_130 = arith.constant 0 : i32
      %dma_wait3A_131 = tpu.memref_slice %arg6[%dma_wait3A_130] : memref<640000xi32, #tpu.memory_space<hbm>> -> memref<40xi32, #tpu.memory_space<hbm>>
      tpu.wait_dma2 semaphore(%arg21 : memref<!tpu.dma_semaphore, #tpu.memory_space<semaphore_mem>>) src(%dma_wait3A_131 : memref<40xi32, #tpu.memory_space<hbm>>) dst(%arg10 : memref<40xi32, #tpu.memory_space<vmem>>)
      %add3A_132 = arith.constant 80 : i32
      %add3A_133 = arith.addi %add3A_74, %add3A_132 : i32
      %min3A_134 = arith.constant 639960 : i32
      %min3A_135 = arith.minsi %add3A_133, %min3A_134 : i32
      %dma_start3A_136 = arith.constant 0 : i32
      %dma_start3A_137 = arith.constant 0 : i32
      %dma_start3A_138 = tpu.memref_slice %arg2[%dma_start3A_136, %dma_start3A_137] : memref<10240x128xf32, #tpu.memory_space<hbm>> -> memref<10240x128xf32, #tpu.memory_space<hbm>>
      tpu.enqueue_indirect_dma source(%dma_start3A_138 : memref<10240x128xf32, #tpu.memory_space<hbm>>) target(%arg13 : memref<40x128xf32, #tpu.memory_space<vmem>>) offsets(%arg9 : memref<40xi32, #tpu.memory_space<vmem>>) semaphore(%arg23 : memref<!tpu.dma_semaphore, #tpu.memory_space<semaphore_mem>>)
      %dma_start3A_139 = arith.constant 0 : i32
      %dma_start3A_140 = arith.constant 0 : i32
      %dma_start3A_141 = tpu.memref_slice %arg3[%dma_start3A_139, %dma_start3A_140] : memref<10240x128xf32, #tpu.memory_space<hbm>> -> memref<10240x128xf32, #tpu.memory_space<hbm>>
      tpu.enqueue_indirect_dma source(%dma_start3A_141 : memref<10240x128xf32, #tpu.memory_space<hbm>>) target(%arg14 : memref<40x128xf32, #tpu.memory_space<vmem>>) offsets(%arg10 : memref<40xi32, #tpu.memory_space<vmem>>) semaphore(%arg24 : memref<!tpu.dma_semaphore, #tpu.memory_space<semaphore_mem>>)
      %dma_start3A_142 = arith.constant 0 : i32
      %dma_start3A_143 = tpu.memref_slice %arg4[%min3A_135, %dma_start3A_142] : memref<640000x128xf32, #tpu.memory_space<hbm>> -> memref<40x128xf32, #tpu.memory_space<hbm>>
      %dma_start3A_144 = arith.constant 0 : i32
      %dma_start3A_145 = tpu.memref_slice %arg4[%min3A_135, %dma_start3A_144] : memref<640000x128xf32, #tpu.memory_space<hbm>> -> memref<40x128xf32, #tpu.memory_space<hbm>>
      tpu.enqueue_dma source(%dma_start3A_145 : memref<40x128xf32, #tpu.memory_space<hbm>>) target(%arg15 : memref<40x128xf32, #tpu.memory_space<vmem>>) target_semaphore(%arg25 : memref<!tpu.dma_semaphore, #tpu.memory_space<semaphore_mem>>)
      %dma_wait3A_146 = arith.constant 0 : i32
      %dma_wait3A_147 = arith.constant 0 : i32
      %dma_wait3A_148 = tpu.memref_slice %arg2[%dma_wait3A_146, %dma_wait3A_147] : memref<10240x128xf32, #tpu.memory_space<hbm>> -> memref<10240x128xf32, #tpu.memory_space<hbm>>
      tpu.wait_indirect_dma semaphore(%arg26 : memref<!tpu.dma_semaphore, #tpu.memory_space<semaphore_mem>>) src(%dma_wait3A_148 : memref<10240x128xf32, #tpu.memory_space<hbm>>) dst(%arg16 : memref<40x128xf32, #tpu.memory_space<vmem>>)
      %dma_wait3A_149 = arith.constant 0 : i32
      %dma_wait3A_150 = arith.constant 0 : i32
      %dma_wait3A_151 = tpu.memref_slice %arg3[%dma_wait3A_149, %dma_wait3A_150] : memref<10240x128xf32, #tpu.memory_space<hbm>> -> memref<10240x128xf32, #tpu.memory_space<hbm>>
      tpu.wait_indirect_dma semaphore(%arg27 : memref<!tpu.dma_semaphore, #tpu.memory_space<semaphore_mem>>) src(%dma_wait3A_151 : memref<10240x128xf32, #tpu.memory_space<hbm>>) dst(%arg17 : memref<40x128xf32, #tpu.memory_space<vmem>>)
      %dma_wait3A_152 = arith.constant 0 : i32
      %dma_wait3A_153 = arith.constant 0 : i32
      %dma_wait3A_154 = tpu.memref_slice %arg4[%dma_wait3A_152, %dma_wait3A_153] : memref<640000x128xf32, #tpu.memory_space<hbm>> -> memref<40x128xf32, #tpu.memory_space<hbm>>
      %dma_wait3A_155 = arith.constant 0 : i32
      %dma_wait3A_156 = arith.constant 0 : i32
      %dma_wait3A_157 = tpu.memref_slice %arg4[%dma_wait3A_155, %dma_wait3A_156] : memref<640000x128xf32, #tpu.memory_space<hbm>> -> memref<40x128xf32, #tpu.memory_space<hbm>>
      tpu.wait_dma2 semaphore(%arg28 : memref<!tpu.dma_semaphore, #tpu.memory_space<semaphore_mem>>) src(%dma_wait3A_157 : memref<40x128xf32, #tpu.memory_space<hbm>>) dst(%arg18 : memref<40x128xf32, #tpu.memory_space<vmem>>)
      %scan3A_158 = arith.constant 0 : i32
      %scan3A_159 = arith.constant 0 : i32
      %scan3A_160 = arith.constant 40 : i32
      %scan3A_161 = arith.addi %scan3A_159, %scan3A_160 : i32
      %scan3A_162 = arith.constant 1 : i32
      %scan3A_163 = scf.for %scan3A_174 = %scan3A_159 to %scan3A_161 step %scan3A_162 iter_args(%scan3A_175 = %scan3A_158) -> (i32)  : i32 {
        %get3A = arith.index_cast %scan3A_174 : i32 to index
        %get3A_176 = arith.constant 0 : index
        %get3A_177 = tpu.vector_load %arg16[%get3A, %get3A_176] {strides = array<i32>} : memref<40x128xf32, #tpu.memory_space<vmem>>, vector<1x16xf32>,
        %get3A_178 = vector.shape_cast %get3A_177 : vector<1x16xf32> to vector<16xf32>
        %get3A_179 = arith.index_cast %scan3A_174 : i32 to index
        %get3A_180 = arith.constant 0 : index
        %get3A_181 = tpu.vector_load %arg17[%get3A_179, %get3A_180] {strides = array<i32>} : memref<40x128xf32, #tpu.memory_space<vmem>>, vector<1x16xf32>,
        %get3A_182 = vector.shape_cast %get3A_181 : vector<1x16xf32> to vector<16xf32>
        %add3A_183 = arith.addf %get3A_178, %get3A_182 : vector<16xf32>
        %get3A_184 = arith.index_cast %scan3A_174 : i32 to index
        %get3A_185 = arith.constant 0 : index
        %get3A_186 = tpu.vector_load %arg18[%get3A_184, %get3A_185] {strides = array<i32>} : memref<40x128xf32, #tpu.memory_space<vmem>>, vector<1x16xf32>,
        %get3A_187 = vector.shape_cast %get3A_186 : vector<1x16xf32> to vector<16xf32>
        %add3A_188 = arith.addf %add3A_183, %get3A_187 : vector<16xf32>
        %get3A_189 = arith.index_cast %scan3A_174 : i32 to index
        %get3A_190 = arith.constant 64 : index
        %get3A_191 = tpu.vector_load %arg16[%get3A_189, %get3A_190] {strides = array<i32>} : memref<40x128xf32, #tpu.memory_space<vmem>>, vector<1x16xf32>,
        %get3A_192 = vector.shape_cast %get3A_191 : vector<1x16xf32> to vector<16xf32>
        %get3A_193 = arith.index_cast %scan3A_174 : i32 to index
        %get3A_194 = arith.constant 64 : index
        %get3A_195 = tpu.vector_load %arg17[%get3A_193, %get3A_194] {strides = array<i32>} : memref<40x128xf32, #tpu.memory_space<vmem>>, vector<1x16xf32>,
        %get3A_196 = vector.shape_cast %get3A_195 : vector<1x16xf32> to vector<16xf32>
        %add3A_197 = arith.addf %get3A_192, %get3A_196 : vector<16xf32>
        %get3A_198 = arith.index_cast %scan3A_174 : i32 to index
        %get3A_199 = arith.constant 64 : index
        %get3A_200 = tpu.vector_load %arg18[%get3A_198, %get3A_199] {strides = array<i32>} : memref<40x128xf32, #tpu.memory_space<vmem>>, vector<1x16xf32>,
        %get3A_201 = vector.shape_cast %get3A_200 : vector<1x16xf32> to vector<16xf32>
        %add3A_202 = arith.addf %add3A_197, %get3A_201 : vector<16xf32>
        %neg3A = arith.constant 0.000000e+00 : f32
        %neg3A_203 = vector.broadcast %neg3A : f32 to vector<16xf32>
        %neg3A_204 = arith.subf %neg3A_203, %add3A_188 : vector<16xf32>
        %exp3A = math.exp %neg3A_204 : vector<16xf32>
        %add3A_205 = arith.constant 1.000000e+00 : f32
        %add3A_206 = vector.broadcast %add3A_205 : f32 to vector<16xf32>
        %add3A_207 = arith.addf %add3A_206, %exp3A : vector<16xf32>
        %div3A = arith.constant 1.000000e+00 : f32
        %div3A_208 = vector.broadcast %div3A : f32 to vector<16xf32>
        %div3A_209 = arith.divf %div3A_208, %add3A_207 : vector<16xf32>
        %abs3A = math.absf %add3A_202 : vector<16xf32>
        %neg3A_210 = arith.constant 0.000000e+00 : f32
        %neg3A_211 = vector.broadcast %neg3A_210 : f32 to vector<16xf32>
        %neg3A_212 = arith.subf %neg3A_211, %abs3A : vector<16xf32>
        %exp3A_213 = math.exp %neg3A_212 : vector<16xf32>
        %add3A_214 = arith.constant 2.000000e+00 : f32
        %add3A_215 = vector.broadcast %add3A_214 : f32 to vector<16xf32>
        %add3A_216 = arith.addf %add3A_215, %exp3A_213 : vector<16xf32>
        %div3A_217 = arith.divf %exp3A_213, %add3A_216 : vector<16xf32>
        %mul3A_218 = arith.mulf %div3A_217, %div3A_217 : vector<16xf32>
        %mul3A_219 = arith.constant 0.181818187 : f32
        %mul3A_220 = vector.broadcast %mul3A_219 : f32 to vector<16xf32>
        %mul3A_221 = arith.mulf %mul3A_218, %mul3A_220 : vector<16xf32>
        %add3A_222 = arith.constant 0.222222224 : f32
        %add3A_223 = vector.broadcast %add3A_222 : f32 to vector<16xf32>
        %add3A_224 = arith.addf %add3A_223, %mul3A_221 : vector<16xf32>
        %mul3A_225 = arith.mulf %mul3A_218, %add3A_224 : vector<16xf32>
        %add3A_226 = arith.constant 0.285714298 : f32
        %add3A_227 = vector.broadcast %add3A_226 : f32 to vector<16xf32>
        %add3A_228 = arith.addf %add3A_227, %mul3A_225 : vector<16xf32>
        %mul3A_229 = arith.mulf %mul3A_218, %add3A_228 : vector<16xf32>
        %add3A_230 = arith.constant 4.000000e-01 : f32
        %add3A_231 = vector.broadcast %add3A_230 : f32 to vector<16xf32>
        %add3A_232 = arith.addf %add3A_231, %mul3A_229 : vector<16xf32>
        %mul3A_233 = arith.mulf %mul3A_218, %add3A_232 : vector<16xf32>
        %add3A_234 = arith.constant 0.666666686 : f32
        %add3A_235 = vector.broadcast %add3A_234 : f32 to vector<16xf32>
        %add3A_236 = arith.addf %add3A_235, %mul3A_233 : vector<16xf32>
        %mul3A_237 = arith.mulf %mul3A_218, %add3A_236 : vector<16xf32>
        %add3A_238 = arith.constant 2.000000e+00 : f32
        %add3A_239 = vector.broadcast %add3A_238 : f32 to vector<16xf32>
        %add3A_240 = arith.addf %add3A_239, %mul3A_237 : vector<16xf32>
        %mul3A_241 = arith.mulf %div3A_217, %add3A_240 : vector<16xf32>
        %max3A = arith.constant 0.000000e+00 : f32
        %max3A_242 = vector.broadcast %max3A : f32 to vector<16xf32>
        %max3A_243 = arith.maximumf %add3A_202, %max3A_242 : vector<16xf32>
        %add3A_244 = arith.addf %max3A_243, %mul3A_241 : vector<16xf32>
        %mul3A_245 = arith.mulf %div3A_209, %add3A_244 : vector<16xf32>
        %add3A_246 = arith.constant 0 : i32
        %add3A_247 = arith.addi %add3A_246, %scan3A_174 : i32
        %swap3A = arith.index_cast %add3A_247 : i32 to index
        %swap3A_248 = arith.constant 0 : index
        %swap3A_249 = tpu.vector_load %arg19[%swap3A, %swap3A_248] {strides = array<i32>} : memref<40x128xf32, #tpu.memory_space<vmem>>, vector<1x16xf32>,
        %swap3A_250 = vector.shape_cast %swap3A_249 : vector<1x16xf32> to vector<16xf32>
        %swap3A_251 = vector.shape_cast %mul3A_245 : vector<16xf32> to vector<1x16xf32>
        tpu.vector_store %arg19[%swap3A, %swap3A_248], %swap3A_251 {strides = array<i32>} : memref<40x128xf32, #tpu.memory_space<vmem>>, vector<1x16xf32>,
        %get3A_252 = arith.index_cast %scan3A_174 : i32 to index
        %get3A_253 = arith.constant 16 : index
        %get3A_254 = tpu.vector_load %arg16[%get3A_252, %get3A_253] {strides = array<i32>} : memref<40x128xf32, #tpu.memory_space<vmem>>, vector<1x16xf32>,
        %get3A_255 = vector.shape_cast %get3A_254 : vector<1x16xf32> to vector<16xf32>
        %get3A_256 = arith.index_cast %scan3A_174 : i32 to index
        %get3A_257 = arith.constant 16 : index
        %get3A_258 = tpu.vector_load %arg17[%get3A_256, %get3A_257] {strides = array<i32>} : memref<40x128xf32, #tpu.memory_space<vmem>>, vector<1x16xf32>,
        %get3A_259 = vector.shape_cast %get3A_258 : vector<1x16xf32> to vector<16xf32>
        %add3A_260 = arith.addf %get3A_255, %get3A_259 : vector<16xf32>
        %get3A_261 = arith.index_cast %scan3A_174 : i32 to index
        %get3A_262 = arith.constant 16 : index
        %get3A_263 = tpu.vector_load %arg18[%get3A_261, %get3A_262] {strides = array<i32>} : memref<40x128xf32, #tpu.memory_space<vmem>>, vector<1x16xf32>,
        %get3A_264 = vector.shape_cast %get3A_263 : vector<1x16xf32> to vector<16xf32>
        %add3A_265 = arith.addf %add3A_260, %get3A_264 : vector<16xf32>
        %get3A_266 = arith.index_cast %scan3A_174 : i32 to index
        %get3A_267 = arith.constant 80 : index
        %get3A_268 = tpu.vector_load %arg16[%get3A_266, %get3A_267] {strides = array<i32>} : memref<40x128xf32, #tpu.memory_space<vmem>>, vector<1x16xf32>,
        %get3A_269 = vector.shape_cast %get3A_268 : vector<1x16xf32> to vector<16xf32>
        %get3A_270 = arith.index_cast %scan3A_174 : i32 to index
        %get3A_271 = arith.constant 80 : index
        %get3A_272 = tpu.vector_load %arg17[%get3A_270, %get3A_271] {strides = array<i32>} : memref<40x128xf32, #tpu.memory_space<vmem>>, vector<1x16xf32>,
        %get3A_273 = vector.shape_cast %get3A_272 : vector<1x16xf32> to vector<16xf32>
        %add3A_274 = arith.addf %get3A_269, %get3A_273 : vector<16xf32>
        %get3A_275 = arith.index_cast %scan3A_174 : i32 to index
        %get3A_276 = arith.constant 80 : index
        %get3A_277 = tpu.vector_load %arg18[%get3A_275, %get3A_276] {strides = array<i32>} : memref<40x128xf32, #tpu.memory_space<vmem>>, vector<1x16xf32>,
        %get3A_278 = vector.shape_cast %get3A_277 : vector<1x16xf32> to vector<16xf32>
        %add3A_279 = arith.addf %add3A_274, %get3A_278 : vector<16xf32>
        %neg3A_280 = arith.constant 0.000000e+00 : f32
        %neg3A_281 = vector.broadcast %neg3A_280 : f32 to vector<16xf32>
        %neg3A_282 = arith.subf %neg3A_281, %add3A_265 : vector<16xf32>
        %exp3A_283 = math.exp %neg3A_282 : vector<16xf32>
        %add3A_284 = arith.constant 1.000000e+00 : f32
        %add3A_285 = vector.broadcast %add3A_284 : f32 to vector<16xf32>
        %add3A_286 = arith.addf %add3A_285, %exp3A_283 : vector<16xf32>
        %div3A_287 = arith.constant 1.000000e+00 : f32
        %div3A_288 = vector.broadcast %div3A_287 : f32 to vector<16xf32>
        %div3A_289 = arith.divf %div3A_288, %add3A_286 : vector<16xf32>
        %abs3A_290 = math.absf %add3A_279 : vector<16xf32>
        %neg3A_291 = arith.constant 0.000000e+00 : f32
        %neg3A_292 = vector.broadcast %neg3A_291 : f32 to vector<16xf32>
        %neg3A_293 = arith.subf %neg3A_292, %abs3A_290 : vector<16xf32>
        %exp3A_294 = math.exp %neg3A_293 : vector<16xf32>
        %add3A_295 = arith.constant 2.000000e+00 : f32
        %add3A_296 = vector.broadcast %add3A_295 : f32 to vector<16xf32>
        %add3A_297 = arith.addf %add3A_296, %exp3A_294 : vector<16xf32>
        %div3A_298 = arith.divf %exp3A_294, %add3A_297 : vector<16xf32>
        %mul3A_299 = arith.mulf %div3A_298, %div3A_298 : vector<16xf32>
        %mul3A_300 = arith.constant 0.181818187 : f32
        %mul3A_301 = vector.broadcast %mul3A_300 : f32 to vector<16xf32>
        %mul3A_302 = arith.mulf %mul3A_299, %mul3A_301 : vector<16xf32>
        %add3A_303 = arith.constant 0.222222224 : f32
        %add3A_304 = vector.broadcast %add3A_303 : f32 to vector<16xf32>
        %add3A_305 = arith.addf %add3A_304, %mul3A_302 : vector<16xf32>
        %mul3A_306 = arith.mulf %mul3A_299, %add3A_305 : vector<16xf32>
        %add3A_307 = arith.constant 0.285714298 : f32
        %add3A_308 = vector.broadcast %add3A_307 : f32 to vector<16xf32>
        %add3A_309 = arith.addf %add3A_308, %mul3A_306 : vector<16xf32>
        %mul3A_310 = arith.mulf %mul3A_299, %add3A_309 : vector<16xf32>
        %add3A_311 = arith.constant 4.000000e-01 : f32
        %add3A_312 = vector.broadcast %add3A_311 : f32 to vector<16xf32>
        %add3A_313 = arith.addf %add3A_312, %mul3A_310 : vector<16xf32>
        %mul3A_314 = arith.mulf %mul3A_299, %add3A_313 : vector<16xf32>
        %add3A_315 = arith.constant 0.666666686 : f32
        %add3A_316 = vector.broadcast %add3A_315 : f32 to vector<16xf32>
        %add3A_317 = arith.addf %add3A_316, %mul3A_314 : vector<16xf32>
        %mul3A_318 = arith.mulf %mul3A_299, %add3A_317 : vector<16xf32>
        %add3A_319 = arith.constant 2.000000e+00 : f32
        %add3A_320 = vector.broadcast %add3A_319 : f32 to vector<16xf32>
        %add3A_321 = arith.addf %add3A_320, %mul3A_318 : vector<16xf32>
        %mul3A_322 = arith.mulf %div3A_298, %add3A_321 : vector<16xf32>
        %max3A_323 = arith.constant 0.000000e+00 : f32
        %max3A_324 = vector.broadcast %max3A_323 : f32 to vector<16xf32>
        %max3A_325 = arith.maximumf %add3A_279, %max3A_324 : vector<16xf32>
        %add3A_326 = arith.addf %max3A_325, %mul3A_322 : vector<16xf32>
        %mul3A_327 = arith.mulf %div3A_289, %add3A_326 : vector<16xf32>
        %add3A_328 = arith.constant 0 : i32
        %add3A_329 = arith.addi %add3A_328, %scan3A_174 : i32
        %swap3A_330 = arith.index_cast %add3A_329 : i32 to index
        %swap3A_331 = arith.constant 16 : index
        %swap3A_332 = tpu.vector_load %arg19[%swap3A_330, %swap3A_331] {strides = array<i32>} : memref<40x128xf32, #tpu.memory_space<vmem>>, vector<1x16xf32>,
        %swap3A_333 = vector.shape_cast %swap3A_332 : vector<1x16xf32> to vector<16xf32>
        %swap3A_334 = vector.shape_cast %mul3A_327 : vector<16xf32> to vector<1x16xf32>
        tpu.vector_store %arg19[%swap3A_330, %swap3A_331], %swap3A_334 {strides = array<i32>} : memref<40x128xf32, #tpu.memory_space<vmem>>, vector<1x16xf32>,
        %get3A_335 = arith.index_cast %scan3A_174 : i32 to index
        %get3A_336 = arith.constant 32 : index
        %get3A_337 = tpu.vector_load %arg16[%get3A_335, %get3A_336] {strides = array<i32>} : memref<40x128xf32, #tpu.memory_space<vmem>>, vector<1x16xf32>,
        %get3A_338 = vector.shape_cast %get3A_337 : vector<1x16xf32> to vector<16xf32>
        %get3A_339 = arith.index_cast %scan3A_174 : i32 to index
        %get3A_340 = arith.constant 32 : index
        %get3A_341 = tpu.vector_load %arg17[%get3A_339, %get3A_340] {strides = array<i32>} : memref<40x128xf32, #tpu.memory_space<vmem>>, vector<1x16xf32>,
        %get3A_342 = vector.shape_cast %get3A_341 : vector<1x16xf32> to vector<16xf32>
        %add3A_343 = arith.addf %get3A_338, %get3A_342 : vector<16xf32>
        %get3A_344 = arith.index_cast %scan3A_174 : i32 to index
        %get3A_345 = arith.constant 32 : index
        %get3A_346 = tpu.vector_load %arg18[%get3A_344, %get3A_345] {strides = array<i32>} : memref<40x128xf32, #tpu.memory_space<vmem>>, vector<1x16xf32>,
        %get3A_347 = vector.shape_cast %get3A_346 : vector<1x16xf32> to vector<16xf32>
        %add3A_348 = arith.addf %add3A_343, %get3A_347 : vector<16xf32>
        %get3A_349 = arith.index_cast %scan3A_174 : i32 to index
        %get3A_350 = arith.constant 96 : index
        %get3A_351 = tpu.vector_load %arg16[%get3A_349, %get3A_350] {strides = array<i32>} : memref<40x128xf32, #tpu.memory_space<vmem>>, vector<1x16xf32>,
        %get3A_352 = vector.shape_cast %get3A_351 : vector<1x16xf32> to vector<16xf32>
        %get3A_353 = arith.index_cast %scan3A_174 : i32 to index
        %get3A_354 = arith.constant 96 : index
        %get3A_355 = tpu.vector_load %arg17[%get3A_353, %get3A_354] {strides = array<i32>} : memref<40x128xf32, #tpu.memory_space<vmem>>, vector<1x16xf32>,
        %get3A_356 = vector.shape_cast %get3A_355 : vector<1x16xf32> to vector<16xf32>
        %add3A_357 = arith.addf %get3A_352, %get3A_356 : vector<16xf32>
        %get3A_358 = arith.index_cast %scan3A_174 : i32 to index
        %get3A_359 = arith.constant 96 : index
        %get3A_360 = tpu.vector_load %arg18[%get3A_358, %get3A_359] {strides = array<i32>} : memref<40x128xf32, #tpu.memory_space<vmem>>, vector<1x16xf32>,
        %get3A_361 = vector.shape_cast %get3A_360 : vector<1x16xf32> to vector<16xf32>
        %add3A_362 = arith.addf %add3A_357, %get3A_361 : vector<16xf32>
        %neg3A_363 = arith.constant 0.000000e+00 : f32
        %neg3A_364 = vector.broadcast %neg3A_363 : f32 to vector<16xf32>
        %neg3A_365 = arith.subf %neg3A_364, %add3A_348 : vector<16xf32>
        %exp3A_366 = math.exp %neg3A_365 : vector<16xf32>
        %add3A_367 = arith.constant 1.000000e+00 : f32
        %add3A_368 = vector.broadcast %add3A_367 : f32 to vector<16xf32>
        %add3A_369 = arith.addf %add3A_368, %exp3A_366 : vector<16xf32>
        %div3A_370 = arith.constant 1.000000e+00 : f32
        %div3A_371 = vector.broadcast %div3A_370 : f32 to vector<16xf32>
        %div3A_372 = arith.divf %div3A_371, %add3A_369 : vector<16xf32>
        %abs3A_373 = math.absf %add3A_362 : vector<16xf32>
        %neg3A_374 = arith.constant 0.000000e+00 : f32
        %neg3A_375 = vector.broadcast %neg3A_374 : f32 to vector<16xf32>
        %neg3A_376 = arith.subf %neg3A_375, %abs3A_373 : vector<16xf32>
        %exp3A_377 = math.exp %neg3A_376 : vector<16xf32>
        %add3A_378 = arith.constant 2.000000e+00 : f32
        %add3A_379 = vector.broadcast %add3A_378 : f32 to vector<16xf32>
        %add3A_380 = arith.addf %add3A_379, %exp3A_377 : vector<16xf32>
        %div3A_381 = arith.divf %exp3A_377, %add3A_380 : vector<16xf32>
        %mul3A_382 = arith.mulf %div3A_381, %div3A_381 : vector<16xf32>
        %mul3A_383 = arith.constant 0.181818187 : f32
        %mul3A_384 = vector.broadcast %mul3A_383 : f32 to vector<16xf32>
        %mul3A_385 = arith.mulf %mul3A_382, %mul3A_384 : vector<16xf32>
        %add3A_386 = arith.constant 0.222222224 : f32
        %add3A_387 = vector.broadcast %add3A_386 : f32 to vector<16xf32>
        %add3A_388 = arith.addf %add3A_387, %mul3A_385 : vector<16xf32>
        %mul3A_389 = arith.mulf %mul3A_382, %add3A_388 : vector<16xf32>
        %add3A_390 = arith.constant 0.285714298 : f32
        %add3A_391 = vector.broadcast %add3A_390 : f32 to vector<16xf32>
        %add3A_392 = arith.addf %add3A_391, %mul3A_389 : vector<16xf32>
        %mul3A_393 = arith.mulf %mul3A_382, %add3A_392 : vector<16xf32>
        %add3A_394 = arith.constant 4.000000e-01 : f32
        %add3A_395 = vector.broadcast %add3A_394 : f32 to vector<16xf32>
        %add3A_396 = arith.addf %add3A_395, %mul3A_393 : vector<16xf32>
        %mul3A_397 = arith.mulf %mul3A_382, %add3A_396 : vector<16xf32>
        %add3A_398 = arith.constant 0.666666686 : f32
        %add3A_399 = vector.broadcast %add3A_398 : f32 to vector<16xf32>
        %add3A_400 = arith.addf %add3A_399, %mul3A_397 : vector<16xf32>
        %mul3A_401 = arith.mulf %mul3A_382, %add3A_400 : vector<16xf32>
        %add3A_402 = arith.constant 2.000000e+00 : f32
        %add3A_403 = vector.broadcast %add3A_402 : f32 to vector<16xf32>
        %add3A_404 = arith.addf %add3A_403, %mul3A_401 : vector<16xf32>
        %mul3A_405 = arith.mulf %div3A_381, %add3A_404 : vector<16xf32>
        %max3A_406 = arith.constant 0.000000e+00 : f32
        %max3A_407 = vector.broadcast %max3A_406 : f32 to vector<16xf32>
        %max3A_408 = arith.maximumf %add3A_362, %max3A_407 : vector<16xf32>
        %add3A_409 = arith.addf %max3A_408, %mul3A_405 : vector<16xf32>
        %mul3A_410 = arith.mulf %div3A_372, %add3A_409 : vector<16xf32>
        %add3A_411 = arith.constant 0 : i32
        %add3A_412 = arith.addi %add3A_411, %scan3A_174 : i32
        %swap3A_413 = arith.index_cast %add3A_412 : i32 to index
        %swap3A_414 = arith.constant 32 : index
        %swap3A_415 = tpu.vector_load %arg19[%swap3A_413, %swap3A_414] {strides = array<i32>} : memref<40x128xf32, #tpu.memory_space<vmem>>, vector<1x16xf32>,
        %swap3A_416 = vector.shape_cast %swap3A_415 : vector<1x16xf32> to vector<16xf32>
        %swap3A_417 = vector.shape_cast %mul3A_410 : vector<16xf32> to vector<1x16xf32>
        tpu.vector_store %arg19[%swap3A_413, %swap3A_414], %swap3A_417 {strides = array<i32>} : memref<40x128xf32, #tpu.memory_space<vmem>>, vector<1x16xf32>,
        %get3A_418 = arith.index_cast %scan3A_174 : i32 to index
        %get3A_419 = arith.constant 48 : index
        %get3A_420 = tpu.vector_load %arg16[%get3A_418, %get3A_419] {strides = array<i32>} : memref<40x128xf32, #tpu.memory_space<vmem>>, vector<1x16xf32>,
        %get3A_421 = vector.shape_cast %get3A_420 : vector<1x16xf32> to vector<16xf32>
        %get3A_422 = arith.index_cast %scan3A_174 : i32 to index
        %get3A_423 = arith.constant 48 : index
        %get3A_424 = tpu.vector_load %arg17[%get3A_422, %get3A_423] {strides = array<i32>} : memref<40x128xf32, #tpu.memory_space<vmem>>, vector<1x16xf32>,
        %get3A_425 = vector.shape_cast %get3A_424 : vector<1x16xf32> to vector<16xf32>
        %add3A_426 = arith.addf %get3A_421, %get3A_425 : vector<16xf32>
        %get3A_427 = arith.index_cast %scan3A_174 : i32 to index
        %get3A_428 = arith.constant 48 : index
        %get3A_429 = tpu.vector_load %arg18[%get3A_427, %get3A_428] {strides = array<i32>} : memref<40x128xf32, #tpu.memory_space<vmem>>, vector<1x16xf32>,
        %get3A_430 = vector.shape_cast %get3A_429 : vector<1x16xf32> to vector<16xf32>
        %add3A_431 = arith.addf %add3A_426, %get3A_430 : vector<16xf32>
        %get3A_432 = arith.index_cast %scan3A_174 : i32 to index
        %get3A_433 = arith.constant 112 : index
        %get3A_434 = tpu.vector_load %arg16[%get3A_432, %get3A_433] {strides = array<i32>} : memref<40x128xf32, #tpu.memory_space<vmem>>, vector<1x16xf32>,
        %get3A_435 = vector.shape_cast %get3A_434 : vector<1x16xf32> to vector<16xf32>
        %get3A_436 = arith.index_cast %scan3A_174 : i32 to index
        %get3A_437 = arith.constant 112 : index
        %get3A_438 = tpu.vector_load %arg17[%get3A_436, %get3A_437] {strides = array<i32>} : memref<40x128xf32, #tpu.memory_space<vmem>>, vector<1x16xf32>,
        %get3A_439 = vector.shape_cast %get3A_438 : vector<1x16xf32> to vector<16xf32>
        %add3A_440 = arith.addf %get3A_435, %get3A_439 : vector<16xf32>
        %get3A_441 = arith.index_cast %scan3A_174 : i32 to index
        %get3A_442 = arith.constant 112 : index
        %get3A_443 = tpu.vector_load %arg18[%get3A_441, %get3A_442] {strides = array<i32>} : memref<40x128xf32, #tpu.memory_space<vmem>>, vector<1x16xf32>,
        %get3A_444 = vector.shape_cast %get3A_443 : vector<1x16xf32> to vector<16xf32>
        %add3A_445 = arith.addf %add3A_440, %get3A_444 : vector<16xf32>
        %neg3A_446 = arith.constant 0.000000e+00 : f32
        %neg3A_447 = vector.broadcast %neg3A_446 : f32 to vector<16xf32>
        %neg3A_448 = arith.subf %neg3A_447, %add3A_431 : vector<16xf32>
        %exp3A_449 = math.exp %neg3A_448 : vector<16xf32>
        %add3A_450 = arith.constant 1.000000e+00 : f32
        %add3A_451 = vector.broadcast %add3A_450 : f32 to vector<16xf32>
        %add3A_452 = arith.addf %add3A_451, %exp3A_449 : vector<16xf32>
        %div3A_453 = arith.constant 1.000000e+00 : f32
        %div3A_454 = vector.broadcast %div3A_453 : f32 to vector<16xf32>
        %div3A_455 = arith.divf %div3A_454, %add3A_452 : vector<16xf32>
        %abs3A_456 = math.absf %add3A_445 : vector<16xf32>
        %neg3A_457 = arith.constant 0.000000e+00 : f32
        %neg3A_458 = vector.broadcast %neg3A_457 : f32 to vector<16xf32>
        %neg3A_459 = arith.subf %neg3A_458, %abs3A_456 : vector<16xf32>
        %exp3A_460 = math.exp %neg3A_459 : vector<16xf32>
        %add3A_461 = arith.constant 2.000000e+00 : f32
        %add3A_462 = vector.broadcast %add3A_461 : f32 to vector<16xf32>
        %add3A_463 = arith.addf %add3A_462, %exp3A_460 : vector<16xf32>
        %div3A_464 = arith.divf %exp3A_460, %add3A_463 : vector<16xf32>
        %mul3A_465 = arith.mulf %div3A_464, %div3A_464 : vector<16xf32>
        %mul3A_466 = arith.constant 0.181818187 : f32
        %mul3A_467 = vector.broadcast %mul3A_466 : f32 to vector<16xf32>
        %mul3A_468 = arith.mulf %mul3A_465, %mul3A_467 : vector<16xf32>
        %add3A_469 = arith.constant 0.222222224 : f32
        %add3A_470 = vector.broadcast %add3A_469 : f32 to vector<16xf32>
        %add3A_471 = arith.addf %add3A_470, %mul3A_468 : vector<16xf32>
        %mul3A_472 = arith.mulf %mul3A_465, %add3A_471 : vector<16xf32>
        %add3A_473 = arith.constant 0.285714298 : f32
        %add3A_474 = vector.broadcast %add3A_473 : f32 to vector<16xf32>
        %add3A_475 = arith.addf %add3A_474, %mul3A_472 : vector<16xf32>
        %mul3A_476 = arith.mulf %mul3A_465, %add3A_475 : vector<16xf32>
        %add3A_477 = arith.constant 4.000000e-01 : f32
        %add3A_478 = vector.broadcast %add3A_477 : f32 to vector<16xf32>
        %add3A_479 = arith.addf %add3A_478, %mul3A_476 : vector<16xf32>
        %mul3A_480 = arith.mulf %mul3A_465, %add3A_479 : vector<16xf32>
        %add3A_481 = arith.constant 0.666666686 : f32
        %add3A_482 = vector.broadcast %add3A_481 : f32 to vector<16xf32>
        %add3A_483 = arith.addf %add3A_482, %mul3A_480 : vector<16xf32>
        %mul3A_484 = arith.mulf %mul3A_465, %add3A_483 : vector<16xf32>
        %add3A_485 = arith.constant 2.000000e+00 : f32
        %add3A_486 = vector.broadcast %add3A_485 : f32 to vector<16xf32>
        %add3A_487 = arith.addf %add3A_486, %mul3A_484 : vector<16xf32>
        %mul3A_488 = arith.mulf %div3A_464, %add3A_487 : vector<16xf32>
        %max3A_489 = arith.constant 0.000000e+00 : f32
        %max3A_490 = vector.broadcast %max3A_489 : f32 to vector<16xf32>
        %max3A_491 = arith.maximumf %add3A_445, %max3A_490 : vector<16xf32>
        %add3A_492 = arith.addf %max3A_491, %mul3A_488 : vector<16xf32>
        %mul3A_493 = arith.mulf %div3A_455, %add3A_492 : vector<16xf32>
        %add3A_494 = arith.constant 0 : i32
        %add3A_495 = arith.addi %add3A_494, %scan3A_174 : i32
        %swap3A_496 = arith.index_cast %add3A_495 : i32 to index
        %swap3A_497 = arith.constant 48 : index
        %swap3A_498 = tpu.vector_load %arg19[%swap3A_496, %swap3A_497] {strides = array<i32>} : memref<40x128xf32, #tpu.memory_space<vmem>>, vector<1x16xf32>,
        %swap3A_499 = vector.shape_cast %swap3A_498 : vector<1x16xf32> to vector<16xf32>
        %swap3A_500 = vector.shape_cast %mul3A_493 : vector<16xf32> to vector<1x16xf32>
        tpu.vector_store %arg19[%swap3A_496, %swap3A_497], %swap3A_500 {strides = array<i32>} : memref<40x128xf32, #tpu.memory_space<vmem>>, vector<1x16xf32>,
        %scan3A_501 = arith.constant 0 : i32
        scf.yield %scan3A_501 : i32
      }
      %scan3A_164 = arith.constant 40 : i32
      "tpu.region"() ({
        %run_scoped3A = tpu.sem_alloc : memref<!tpu.dma_semaphore, #tpu.memory_space<semaphore_mem>>
        %dma_start3A_174 = arith.constant 0 : i32
        %dma_start3A_175 = arith.constant 0 : i32
        %dma_start3A_176 = tpu.memref_slice %arg20[%dma_start3A_174, %dma_start3A_175] : memref<10240x128xf32, #tpu.memory_space<vmem_shared>> -> memref<10240x128xf32, #tpu.memory_space<vmem_shared>>
        tpu.enqueue_indirect_dma source(%arg19 : memref<40x128xf32, #tpu.memory_space<vmem>>) target(%dma_start3A_176 : memref<10240x128xf32, #tpu.memory_space<vmem_shared>>) offsets(%arg11 : memref<40xi32, #tpu.memory_space<vmem>>) semaphore(%run_scoped3A : memref<!tpu.dma_semaphore, #tpu.memory_space<semaphore_mem>>) {add = true}
        %dma_wait3A_177 = arith.constant 0 : i32
        %dma_wait3A_178 = arith.constant 0 : i32
        %dma_wait3A_179 = tpu.memref_slice %arg20[%dma_wait3A_177, %dma_wait3A_178] : memref<10240x128xf32, #tpu.memory_space<vmem_shared>> -> memref<10240x128xf32, #tpu.memory_space<vmem_shared>>
        tpu.wait_indirect_dma semaphore(%run_scoped3A : memref<!tpu.dma_semaphore, #tpu.memory_space<semaphore_mem>>) src(%arg19 : memref<40x128xf32, #tpu.memory_space<vmem>>) dst(%dma_wait3A_179 : memref<10240x128xf32, #tpu.memory_space<vmem_shared>>)
        tpu.yield
      }) : () -> ()
      %add3A_165 = arith.constant 120 : i32
      %add3A_166 = arith.addi %add3A_74, %add3A_165 : i32
      %min3A_167 = arith.constant 639960 : i32
      %min3A_168 = arith.minsi %add3A_166, %min3A_167 : i32
      %dma_start3A_169 = tpu.memref_slice %arg5[%min3A_168] : memref<640000xi32, #tpu.memory_space<hbm>> -> memref<40xi32, #tpu.memory_space<hbm>>
      %dma_start3A_170 = tpu.memref_slice %arg5[%min3A_168] : memref<640000xi32, #tpu.memory_space<hbm>> -> memref<40xi32, #tpu.memory_space<hbm>>
      tpu.enqueue_dma source(%dma_start3A_170 : memref<40xi32, #tpu.memory_space<hbm>>) target(%arg11 : memref<40xi32, #tpu.memory_space<vmem>>) target_semaphore(%arg22 : memref<!tpu.dma_semaphore, #tpu.memory_space<semaphore_mem>>)
      %dma_start3A_171 = tpu.memref_slice %arg6[%min3A_168] : memref<640000xi32, #tpu.memory_space<hbm>> -> memref<40xi32, #tpu.memory_space<hbm>>
      %dma_start3A_172 = tpu.memref_slice %arg6[%min3A_168] : memref<640000xi32, #tpu.memory_space<hbm>> -> memref<40xi32, #tpu.memory_space<hbm>>
      tpu.enqueue_dma source(%dma_start3A_172 : memref<40xi32, #tpu.memory_space<hbm>>) target(%arg12 : memref<40xi32, #tpu.memory_space<vmem>>) target_semaphore(%arg22 : memref<!tpu.dma_semaphore, #tpu.memory_space<semaphore_mem>>)
      %scan3A_173 = arith.constant 0 : i32
      scf.yield %scan3A_173 : i32
    }
    %scan3A_48 = arith.constant 250 : i32
    %dma_wait3A_49 = arith.constant 0 : i32
    %dma_wait3A_50 = arith.constant 0 : i32
    %dma_wait3A_51 = tpu.memref_slice %arg2[%dma_wait3A_49, %dma_wait3A_50] : memref<10240x128xf32, #tpu.memory_space<hbm>> -> memref<10240x128xf32, #tpu.memory_space<hbm>>
    tpu.wait_indirect_dma semaphore(%arg23 : memref<!tpu.dma_semaphore, #tpu.memory_space<semaphore_mem>>) src(%dma_wait3A_51 : memref<10240x128xf32, #tpu.memory_space<hbm>>) dst(%arg13 : memref<40x128xf32, #tpu.memory_space<vmem>>)
    %dma_wait3A_52 = arith.constant 0 : i32
    %dma_wait3A_53 = arith.constant 0 : i32
    %dma_wait3A_54 = tpu.memref_slice %arg3[%dma_wait3A_52, %dma_wait3A_53] : memref<10240x128xf32, #tpu.memory_space<hbm>> -> memref<10240x128xf32, #tpu.memory_space<hbm>>
    tpu.wait_indirect_dma semaphore(%arg24 : memref<!tpu.dma_semaphore, #tpu.memory_space<semaphore_mem>>) src(%dma_wait3A_54 : memref<10240x128xf32, #tpu.memory_space<hbm>>) dst(%arg14 : memref<40x128xf32, #tpu.memory_space<vmem>>)
    %dma_wait3A_55 = arith.constant 0 : i32
    %dma_wait3A_56 = arith.constant 0 : i32
    %dma_wait3A_57 = tpu.memref_slice %arg4[%dma_wait3A_55, %dma_wait3A_56] : memref<640000x128xf32, #tpu.memory_space<hbm>> -> memref<40x128xf32, #tpu.memory_space<hbm>>
    %dma_wait3A_58 = arith.constant 0 : i32
    %dma_wait3A_59 = arith.constant 0 : i32
    %dma_wait3A_60 = tpu.memref_slice %arg4[%dma_wait3A_58, %dma_wait3A_59] : memref<640000x128xf32, #tpu.memory_space<hbm>> -> memref<40x128xf32, #tpu.memory_space<hbm>>
    tpu.wait_dma2 semaphore(%arg25 : memref<!tpu.dma_semaphore, #tpu.memory_space<semaphore_mem>>) src(%dma_wait3A_60 : memref<40x128xf32, #tpu.memory_space<hbm>>) dst(%arg15 : memref<40x128xf32, #tpu.memory_space<vmem>>)
    %dma_wait3A_61 = arith.constant 0 : i32
    %dma_wait3A_62 = tpu.memref_slice %arg5[%dma_wait3A_61] : memref<640000xi32, #tpu.memory_space<hbm>> -> memref<40xi32, #tpu.memory_space<hbm>>
    %dma_wait3A_63 = arith.constant 0 : i32
    %dma_wait3A_64 = tpu.memref_slice %arg5[%dma_wait3A_63] : memref<640000xi32, #tpu.memory_space<hbm>> -> memref<40xi32, #tpu.memory_space<hbm>>
    tpu.wait_dma2 semaphore(%arg22 : memref<!tpu.dma_semaphore, #tpu.memory_space<semaphore_mem>>) src(%dma_wait3A_64 : memref<40xi32, #tpu.memory_space<hbm>>) dst(%arg11 : memref<40xi32, #tpu.memory_space<vmem>>)
    %dma_wait3A_65 = arith.constant 0 : i32
    %dma_wait3A_66 = tpu.memref_slice %arg6[%dma_wait3A_65] : memref<640000xi32, #tpu.memory_space<hbm>> -> memref<40xi32, #tpu.memory_space<hbm>>
    %dma_wait3A_67 = arith.constant 0 : i32
    %dma_wait3A_68 = tpu.memref_slice %arg6[%dma_wait3A_67] : memref<640000xi32, #tpu.memory_space<hbm>> -> memref<40xi32, #tpu.memory_space<hbm>>
    tpu.wait_dma2 semaphore(%arg22 : memref<!tpu.dma_semaphore, #tpu.memory_space<semaphore_mem>>) src(%dma_wait3A_68 : memref<40xi32, #tpu.memory_space<hbm>>) dst(%arg12 : memref<40xi32, #tpu.memory_space<vmem>>)
    %barrier3A_69 = arith.constant 0 : index
    tpu.barrier barrier_id(%barrier3A_69)
    "tpu.region"() ({
      %run_scoped3A = tpu.sem_alloc : memref<!tpu.dma_semaphore, #tpu.memory_space<semaphore_mem>>
      %dma_start3A_70 = arith.constant 0 : i32
      %dma_start3A_71 = tpu.memref_slice %arg8[%arg0, %mul3A_10, %dma_start3A_70] : memref<2x10240x128xf32, #tpu.memory_space<hbm>> -> memref<1x640x128xf32, #tpu.memory_space<hbm>>
      %dma_start3A_72 = tpu.memref_squeeze %dma_start3A_71 : memref<1x640x128xf32, #tpu.memory_space<hbm>> -> memref<640x128xf32, #tpu.memory_space<hbm>>
      %dma_start3A_73 = arith.constant 0 : i32
      %dma_start3A_74 = tpu.memref_slice %arg20[%mul3A_10, %dma_start3A_73] : memref<10240x128xf32, #tpu.memory_space<vmem_shared>> -> memref<640x128xf32, #tpu.memory_space<vmem_shared>>
      tpu.enqueue_dma source(%dma_start3A_74 : memref<640x128xf32, #tpu.memory_space<vmem_shared>>) target(%dma_start3A_72 : memref<640x128xf32, #tpu.memory_space<hbm>>) target_semaphore(%run_scoped3A : memref<!tpu.dma_semaphore, #tpu.memory_space<semaphore_mem>>)
      %dma_wait3A_75 = arith.constant 0 : i32
      %dma_wait3A_76 = tpu.memref_slice %arg8[%arg0, %mul3A_10, %dma_wait3A_75] : memref<2x10240x128xf32, #tpu.memory_space<hbm>> -> memref<1x640x128xf32, #tpu.memory_space<hbm>>
      %dma_wait3A_77 = tpu.memref_squeeze %dma_wait3A_76 : memref<1x640x128xf32, #tpu.memory_space<hbm>> -> memref<640x128xf32, #tpu.memory_space<hbm>>
      %dma_wait3A_78 = arith.constant 0 : i32
      %dma_wait3A_79 = tpu.memref_slice %arg20[%mul3A_10, %dma_wait3A_78] : memref<10240x128xf32, #tpu.memory_space<vmem_shared>> -> memref<640x128xf32, #tpu.memory_space<vmem_shared>>
      tpu.wait_dma2 semaphore(%run_scoped3A : memref<!tpu.dma_semaphore, #tpu.memory_space<semaphore_mem>>) src(%dma_wait3A_79 : memref<640x128xf32, #tpu.memory_space<vmem_shared>>) dst(%dma_wait3A_77 : memref<640x128xf32, #tpu.memory_space<hbm>>)
      tpu.yield
    }) : () -> ()
    return
  }
}

#map = affine_map<(d0, d1) -> (0, 0)>
#map1 = affine_map<(d0, d1) -> (0)>
#map2 = affine_map<(d0, d1) -> (0, 0, 0)>
module attributes {stable_mosaic.version = 14 : i64} {
  func.func @_conv_sc_body(%arg0: i32, %arg1: i32, %arg2: memref<10240x128xf32, #tpu.memory_space<hbm>>, %arg3: memref<10240x128xf32, #tpu.memory_space<hbm>>, %arg4: memref<640000x128xf32, #tpu.memory_space<hbm>>, %arg5: memref<640000xi32, #tpu.memory_space<hbm>>, %arg6: memref<640000xi32, #tpu.memory_space<hbm>>, %arg7: memref<10240x128xf32, #tpu.memory_space<hbm>>, %arg8: memref<2x10240x128xf32, #tpu.memory_space<hbm>>, %arg9: memref<40xi32, #tpu.memory_space<vmem>>, %arg10: memref<40xi32, #tpu.memory_space<vmem>>, %arg11: memref<40xi32, #tpu.memory_space<vmem>>, %arg12: memref<40xi32, #tpu.memory_space<vmem>>, %arg13: memref<40x128xf32, #tpu.memory_space<vmem>>, %arg14: memref<40x128xf32, #tpu.memory_space<vmem>>, %arg15: memref<40x128xf32, #tpu.memory_space<vmem>>, %arg16: memref<40x128xf32, #tpu.memory_space<vmem>>, %arg17: memref<40x128xf32, #tpu.memory_space<vmem>>, %arg18: memref<40x128xf32, #tpu.memory_space<vmem>>, %arg19: memref<40x128xf32, #tpu.memory_space<vmem>>, %arg20: memref<10240x128xf32, #tpu.memory_space<vmem_shared>>, %arg21: memref<!tpu.dma_semaphore, #tpu.memory_space<semaphore_mem>>, %arg22: memref<!tpu.dma_semaphore, #tpu.memory_space<semaphore_mem>>, %arg23: memref<!tpu.dma_semaphore, #tpu.memory_space<semaphore_mem>>, %arg24: memref<!tpu.dma_semaphore, #tpu.memory_space<semaphore_mem>>, %arg25: memref<!tpu.dma_semaphore, #tpu.memory_space<semaphore_mem>>, %arg26: memref<!tpu.dma_semaphore, #tpu.memory_space<semaphore_mem>>, %arg27: memref<!tpu.dma_semaphore, #tpu.memory_space<semaphore_mem>>, %arg28: memref<!tpu.dma_semaphore, #tpu.memory_space<semaphore_mem>>) attributes {dimension_semantics = [#tpu.dimension_semantics<core_parallel>, #tpu.dimension_semantics<subcore_parallel>], iteration_bounds = array<i64: 2, 16>, scalar_prefetch = 0 : i64, scratch_operands = 20 : i64, tpu.core_type = #tpu.core_type<sc_vector_subcore>, window_params = [{transform_indices = #map}, {transform_indices = #map}, {transform_indices = #map}, {transform_indices = #map1}, {transform_indices = #map1}, {transform_indices = #map}, {transform_indices = #map2}]} {
    %mul3A = arith.constant 16 : i32
    %mul3A_0 = arith.muli %arg0, %mul3A : i32
    %add3A = arith.addi %mul3A_0, %arg1 : i32
    %mul3A_1 = arith.constant 20000 : i32
    %mul3A_2 = arith.muli %add3A, %mul3A_1 : i32
    %scan3A = arith.constant 0 : i32
    %scan3A_3 = arith.constant 0 : i32
    %scan3A_4 = arith.constant 40 : i32
    %scan3A_5 = arith.addi %scan3A_3, %scan3A_4 : i32
    %scan3A_6 = arith.constant 1 : i32
    %scan3A_7 = scf.for %scan3A_70 = %scan3A_3 to %scan3A_5 step %scan3A_6 iter_args(%scan3A_71 = %scan3A) -> (i32)  : i32 {
      %broadcast_in_dim3A = arith.constant 0.000000e+00 : f32
      %broadcast_in_dim3A_72 = vector.broadcast %broadcast_in_dim3A : f32 to vector<16xf32>
      %swap3A = arith.index_cast %scan3A_70 : i32 to index
      %swap3A_73 = arith.constant 64 : index
      %swap3A_74 = tpu.vector_load %arg19[%swap3A, %swap3A_73] {strides = array<i32>} : memref<40x128xf32, #tpu.memory_space<vmem>>, vector<1x16xf32>,
      %swap3A_75 = vector.shape_cast %swap3A_74 : vector<1x16xf32> to vector<16xf32>
      %swap3A_76 = vector.shape_cast %broadcast_in_dim3A_72 : vector<16xf32> to vector<1x16xf32>
      tpu.vector_store %arg19[%swap3A, %swap3A_73], %swap3A_76 {strides = array<i32>} : memref<40x128xf32, #tpu.memory_space<vmem>>, vector<1x16xf32>,
      %broadcast_in_dim3A_77 = arith.constant 0.000000e+00 : f32
      %broadcast_in_dim3A_78 = vector.broadcast %broadcast_in_dim3A_77 : f32 to vector<16xf32>
      %swap3A_79 = arith.index_cast %scan3A_70 : i32 to index
      %swap3A_80 = arith.constant 80 : index
      %swap3A_81 = tpu.vector_load %arg19[%swap3A_79, %swap3A_80] {strides = array<i32>} : memref<40x128xf32, #tpu.memory_space<vmem>>, vector<1x16xf32>,
      %swap3A_82 = vector.shape_cast %swap3A_81 : vector<1x16xf32> to vector<16xf32>
      %swap3A_83 = vector.shape_cast %broadcast_in_dim3A_78 : vector<16xf32> to vector<1x16xf32>
      tpu.vector_store %arg19[%swap3A_79, %swap3A_80], %swap3A_83 {strides = array<i32>} : memref<40x128xf32, #tpu.memory_space<vmem>>, vector<1x16xf32>,
      %broadcast_in_dim3A_84 = arith.constant 0.000000e+00 : f32
      %broadcast_in_dim3A_85 = vector.broadcast %broadcast_in_dim3A_84 : f32 to vector<16xf32>
      %swap3A_86 = arith.index_cast %scan3A_70 : i32 to index
      %swap3A_87 = arith.constant 96 : index
      %swap3A_88 = tpu.vector_load %arg19[%swap3A_86, %swap3A_87] {strides = array<i32>} : memref<40x128xf32, #tpu.memory_space<vmem>>, vector<1x16xf32>,
      %swap3A_89 = vector.shape_cast %swap3A_88 : vector<1x16xf32> to vector<16xf32>
      %swap3A_90 = vector.shape_cast %broadcast_in_dim3A_85 : vector<16xf32> to vector<1x16xf32>
      tpu.vector_store %arg19[%swap3A_86, %swap3A_87], %swap3A_90 {strides = array<i32>} : memref<40x128xf32, #tpu.memory_space<vmem>>, vector<1x16xf32>,
      %broadcast_in_dim3A_91 = arith.constant 0.000000e+00 : f32
      %broadcast_in_dim3A_92 = vector.broadcast %broadcast_in_dim3A_91 : f32 to vector<16xf32>
      %swap3A_93 = arith.index_cast %scan3A_70 : i32 to index
      %swap3A_94 = arith.constant 112 : index
      %swap3A_95 = tpu.vector_load %arg19[%swap3A_93, %swap3A_94] {strides = array<i32>} : memref<40x128xf32, #tpu.memory_space<vmem>>, vector<1x16xf32>,
      %swap3A_96 = vector.shape_cast %swap3A_95 : vector<1x16xf32> to vector<16xf32>
      %swap3A_97 = vector.shape_cast %broadcast_in_dim3A_92 : vector<16xf32> to vector<1x16xf32>
      tpu.vector_store %arg19[%swap3A_93, %swap3A_94], %swap3A_97 {strides = array<i32>} : memref<40x128xf32, #tpu.memory_space<vmem>>, vector<1x16xf32>,
      %scan3A_98 = arith.constant 0 : i32
      scf.yield %scan3A_98 : i32
    }
    %scan3A_8 = arith.constant 40 : i32
    %mul3A_9 = arith.constant 640 : i32
    %mul3A_10 = arith.muli %arg1, %mul3A_9 : i32
    "tpu.region"() ({
      %run_scoped3A = tpu.sem_alloc : memref<!tpu.dma_semaphore, #tpu.memory_space<semaphore_mem>>
      %dma_start3A_70 = arith.constant 0 : i32
      %dma_start3A_71 = tpu.memref_slice %arg20[%mul3A_10, %dma_start3A_70] : memref<10240x128xf32, #tpu.memory_space<vmem_shared>> -> memref<640x128xf32, #tpu.memory_space<vmem_shared>>
      %dma_start3A_72 = arith.constant 0 : i32
      %dma_start3A_73 = tpu.memref_slice %arg7[%mul3A_10, %dma_start3A_72] : memref<10240x128xf32, #tpu.memory_space<hbm>> -> memref<640x128xf32, #tpu.memory_space<hbm>>
      tpu.enqueue_dma source(%dma_start3A_73 : memref<640x128xf32, #tpu.memory_space<hbm>>) target(%dma_start3A_71 : memref<640x128xf32, #tpu.memory_space<vmem_shared>>) target_semaphore(%run_scoped3A : memref<!tpu.dma_semaphore, #tpu.memory_space<semaphore_mem>>)
      %dma_wait3A_74 = arith.constant 0 : i32
      %dma_wait3A_75 = tpu.memref_slice %arg20[%mul3A_10, %dma_wait3A_74] : memref<10240x128xf32, #tpu.memory_space<vmem_shared>> -> memref<640x128xf32, #tpu.memory_space<vmem_shared>>
      %dma_wait3A_76 = arith.constant 0 : i32
      %dma_wait3A_77 = tpu.memref_slice %arg7[%mul3A_10, %dma_wait3A_76] : memref<10240x128xf32, #tpu.memory_space<hbm>> -> memref<640x128xf32, #tpu.memory_space<hbm>>
      tpu.wait_dma2 semaphore(%run_scoped3A : memref<!tpu.dma_semaphore, #tpu.memory_space<semaphore_mem>>) src(%dma_wait3A_77 : memref<640x128xf32, #tpu.memory_space<hbm>>) dst(%dma_wait3A_75 : memref<640x128xf32, #tpu.memory_space<vmem_shared>>)
      tpu.yield
    }) : () -> ()
    %barrier3A = arith.constant 0 : index
    tpu.barrier barrier_id(%barrier3A)
    %min3A = arith.constant 639960 : i32
    %min3A_11 = arith.minsi %mul3A_2, %min3A : i32
    %dma_start3A = tpu.memref_slice %arg5[%min3A_11] : memref<640000xi32, #tpu.memory_space<hbm>> -> memref<40xi32, #tpu.memory_space<hbm>>
    %dma_start3A_12 = tpu.memref_slice %arg5[%min3A_11] : memref<640000xi32, #tpu.memory_space<hbm>> -> memref<40xi32, #tpu.memory_space<hbm>>
    tpu.enqueue_dma source(%dma_start3A_12 : memref<40xi32, #tpu.memory_space<hbm>>) target(%arg9 : memref<40xi32, #tpu.memory_space<vmem>>) target_semaphore(%arg21 : memref<!tpu.dma_semaphore, #tpu.memory_space<semaphore_mem>>)
    %dma_start3A_13 = tpu.memref_slice %arg6[%min3A_11] : memref<640000xi32, #tpu.memory_space<hbm>> -> memref<40xi32, #tpu.memory_space<hbm>>
    %dma_start3A_14 = tpu.memref_slice %arg6[%min3A_11] : memref<640000xi32, #tpu.memory_space<hbm>> -> memref<40xi32, #tpu.memory_space<hbm>>
    tpu.enqueue_dma source(%dma_start3A_14 : memref<40xi32, #tpu.memory_space<hbm>>) target(%arg10 : memref<40xi32, #tpu.memory_space<vmem>>) target_semaphore(%arg21 : memref<!tpu.dma_semaphore, #tpu.memory_space<semaphore_mem>>)
    %add3A_15 = arith.constant 40 : i32
    %add3A_16 = arith.addi %mul3A_2, %add3A_15 : i32
    %min3A_17 = arith.constant 639960 : i32
    %min3A_18 = arith.minsi %add3A_16, %min3A_17 : i32
    %dma_start3A_19 = tpu.memref_slice %arg5[%min3A_18] : memref<640000xi32, #tpu.memory_space<hbm>> -> memref<40xi32, #tpu.memory_space<hbm>>
    %dma_start3A_20 = tpu.memref_slice %arg5[%min3A_18] : memref<640000xi32, #tpu.memory_space<hbm>> -> memref<40xi32, #tpu.memory_space<hbm>>
    tpu.enqueue_dma source(%dma_start3A_20 : memref<40xi32, #tpu.memory_space<hbm>>) target(%arg11 : memref<40xi32, #tpu.memory_space<vmem>>) target_semaphore(%arg22 : memref<!tpu.dma_semaphore, #tpu.memory_space<semaphore_mem>>)
    %dma_start3A_21 = tpu.memref_slice %arg6[%min3A_18] : memref<640000xi32, #tpu.memory_space<hbm>> -> memref<40xi32, #tpu.memory_space<hbm>>
    %dma_start3A_22 = tpu.memref_slice %arg6[%min3A_18] : memref<640000xi32, #tpu.memory_space<hbm>> -> memref<40xi32, #tpu.memory_space<hbm>>
    tpu.enqueue_dma source(%dma_start3A_22 : memref<40xi32, #tpu.memory_space<hbm>>) target(%arg12 : memref<40xi32, #tpu.memory_space<vmem>>) target_semaphore(%arg22 : memref<!tpu.dma_semaphore, #tpu.memory_space<semaphore_mem>>)
    %dma_wait3A = arith.constant 0 : i32
    %dma_wait3A_23 = tpu.memref_slice %arg5[%dma_wait3A] : memref<640000xi32, #tpu.memory_space<hbm>> -> memref<40xi32, #tpu.memory_space<hbm>>
    %dma_wait3A_24 = arith.constant 0 : i32
    %dma_wait3A_25 = tpu.memref_slice %arg5[%dma_wait3A_24] : memref<640000xi32, #tpu.memory_space<hbm>> -> memref<40xi32, #tpu.memory_space<hbm>>
    tpu.wait_dma2 semaphore(%arg21 : memref<!tpu.dma_semaphore, #tpu.memory_space<semaphore_mem>>) src(%dma_wait3A_25 : memref<40xi32, #tpu.memory_space<hbm>>) dst(%arg9 : memref<40xi32, #tpu.memory_space<vmem>>)
    %dma_wait3A_26 = arith.constant 0 : i32
    %dma_wait3A_27 = tpu.memref_slice %arg6[%dma_wait3A_26] : memref<640000xi32, #tpu.memory_space<hbm>> -> memref<40xi32, #tpu.memory_space<hbm>>
    %dma_wait3A_28 = arith.constant 0 : i32
    %dma_wait3A_29 = tpu.memref_slice %arg6[%dma_wait3A_28] : memref<640000xi32, #tpu.memory_space<hbm>> -> memref<40xi32, #tpu.memory_space<hbm>>
    tpu.wait_dma2 semaphore(%arg21 : memref<!tpu.dma_semaphore, #tpu.memory_space<semaphore_mem>>) src(%dma_wait3A_29 : memref<40xi32, #tpu.memory_space<hbm>>) dst(%arg10 : memref<40xi32, #tpu.memory_space<vmem>>)
    %min3A_30 = arith.constant 639960 : i32
    %min3A_31 = arith.minsi %mul3A_2, %min3A_30 : i32
    %dma_start3A_32 = arith.constant 0 : i32
    %dma_start3A_33 = arith.constant 0 : i32
    %dma_start3A_34 = tpu.memref_slice %arg2[%dma_start3A_32, %dma_start3A_33] : memref<10240x128xf32, #tpu.memory_space<hbm>> -> memref<10240x128xf32, #tpu.memory_space<hbm>>
    tpu.enqueue_indirect_dma source(%dma_start3A_34 : memref<10240x128xf32, #tpu.memory_space<hbm>>) target(%arg13 : memref<40x128xf32, #tpu.memory_space<vmem>>) offsets(%arg9 : memref<40xi32, #tpu.memory_space<vmem>>) semaphore(%arg23 : memref<!tpu.dma_semaphore, #tpu.memory_space<semaphore_mem>>)
    %dma_start3A_35 = arith.constant 0 : i32
    %dma_start3A_36 = arith.constant 0 : i32
    %dma_start3A_37 = tpu.memref_slice %arg3[%dma_start3A_35, %dma_start3A_36] : memref<10240x128xf32, #tpu.memory_space<hbm>> -> memref<10240x128xf32, #tpu.memory_space<hbm>>
    tpu.enqueue_indirect_dma source(%dma_start3A_37 : memref<10240x128xf32, #tpu.memory_space<hbm>>) target(%arg14 : memref<40x128xf32, #tpu.memory_space<vmem>>) offsets(%arg10 : memref<40xi32, #tpu.memory_space<vmem>>) semaphore(%arg24 : memref<!tpu.dma_semaphore, #tpu.memory_space<semaphore_mem>>)
    %dma_start3A_38 = arith.constant 0 : i32
    %dma_start3A_39 = tpu.memref_slice %arg4[%min3A_31, %dma_start3A_38] : memref<640000x128xf32, #tpu.memory_space<hbm>> -> memref<40x128xf32, #tpu.memory_space<hbm>>
    %dma_start3A_40 = arith.constant 0 : i32
    %dma_start3A_41 = tpu.memref_slice %arg4[%min3A_31, %dma_start3A_40] : memref<640000x128xf32, #tpu.memory_space<hbm>> -> memref<40x128xf32, #tpu.memory_space<hbm>>
    tpu.enqueue_dma source(%dma_start3A_41 : memref<40x128xf32, #tpu.memory_space<hbm>>) target(%arg15 : memref<40x128xf32, #tpu.memory_space<vmem>>) target_semaphore(%arg25 : memref<!tpu.dma_semaphore, #tpu.memory_space<semaphore_mem>>)
    %scan3A_42 = arith.constant 0 : i32
    %scan3A_43 = arith.constant 0 : i32
    %scan3A_44 = arith.constant 250 : i32
    %scan3A_45 = arith.addi %scan3A_43, %scan3A_44 : i32
    %scan3A_46 = arith.constant 1 : i32
    %scan3A_47 = scf.for %scan3A_70 = %scan3A_43 to %scan3A_45 step %scan3A_46 iter_args(%scan3A_71 = %scan3A_42) -> (i32)  : i32 {
      %mul3A_72 = arith.constant 80 : i32
      %mul3A_73 = arith.muli %scan3A_70, %mul3A_72 : i32
      %add3A_74 = arith.addi %mul3A_2, %mul3A_73 : i32
      %dma_wait3A_75 = arith.constant 0 : i32
      %dma_wait3A_76 = tpu.memref_slice %arg5[%dma_wait3A_75] : memref<640000xi32, #tpu.memory_space<hbm>> -> memref<40xi32, #tpu.memory_space<hbm>>
      %dma_wait3A_77 = arith.constant 0 : i32
      %dma_wait3A_78 = tpu.memref_slice %arg5[%dma_wait3A_77] : memref<640000xi32, #tpu.memory_space<hbm>> -> memref<40xi32, #tpu.memory_space<hbm>>
      tpu.wait_dma2 semaphore(%arg22 : memref<!tpu.dma_semaphore, #tpu.memory_space<semaphore_mem>>) src(%dma_wait3A_78 : memref<40xi32, #tpu.memory_space<hbm>>) dst(%arg11 : memref<40xi32, #tpu.memory_space<vmem>>)
      %dma_wait3A_79 = arith.constant 0 : i32
      %dma_wait3A_80 = tpu.memref_slice %arg6[%dma_wait3A_79] : memref<640000xi32, #tpu.memory_space<hbm>> -> memref<40xi32, #tpu.memory_space<hbm>>
      %dma_wait3A_81 = arith.constant 0 : i32
      %dma_wait3A_82 = tpu.memref_slice %arg6[%dma_wait3A_81] : memref<640000xi32, #tpu.memory_space<hbm>> -> memref<40xi32, #tpu.memory_space<hbm>>
      tpu.wait_dma2 semaphore(%arg22 : memref<!tpu.dma_semaphore, #tpu.memory_space<semaphore_mem>>) src(%dma_wait3A_82 : memref<40xi32, #tpu.memory_space<hbm>>) dst(%arg12 : memref<40xi32, #tpu.memory_space<vmem>>)
      %add3A_83 = arith.constant 40 : i32
      %add3A_84 = arith.addi %add3A_74, %add3A_83 : i32
      %min3A_85 = arith.constant 639960 : i32
      %min3A_86 = arith.minsi %add3A_84, %min3A_85 : i32
      %dma_start3A_87 = arith.constant 0 : i32
      %dma_start3A_88 = arith.constant 0 : i32
      %dma_start3A_89 = tpu.memref_slice %arg2[%dma_start3A_87, %dma_start3A_88] : memref<10240x128xf32, #tpu.memory_space<hbm>> -> memref<10240x128xf32, #tpu.memory_space<hbm>>
      tpu.enqueue_indirect_dma source(%dma_start3A_89 : memref<10240x128xf32, #tpu.memory_space<hbm>>) target(%arg16 : memref<40x128xf32, #tpu.memory_space<vmem>>) offsets(%arg11 : memref<40xi32, #tpu.memory_space<vmem>>) semaphore(%arg26 : memref<!tpu.dma_semaphore, #tpu.memory_space<semaphore_mem>>)
      %dma_start3A_90 = arith.constant 0 : i32
      %dma_start3A_91 = arith.constant 0 : i32
      %dma_start3A_92 = tpu.memref_slice %arg3[%dma_start3A_90, %dma_start3A_91] : memref<10240x128xf32, #tpu.memory_space<hbm>> -> memref<10240x128xf32, #tpu.memory_space<hbm>>
      tpu.enqueue_indirect_dma source(%dma_start3A_92 : memref<10240x128xf32, #tpu.memory_space<hbm>>) target(%arg17 : memref<40x128xf32, #tpu.memory_space<vmem>>) offsets(%arg12 : memref<40xi32, #tpu.memory_space<vmem>>) semaphore(%arg27 : memref<!tpu.dma_semaphore, #tpu.memory_space<semaphore_mem>>)
      %dma_start3A_93 = arith.constant 0 : i32
      %dma_start3A_94 = tpu.memref_slice %arg4[%min3A_86, %dma_start3A_93] : memref<640000x128xf32, #tpu.memory_space<hbm>> -> memref<40x128xf32, #tpu.memory_space<hbm>>
      %dma_start3A_95 = arith.constant 0 : i32
      %dma_start3A_96 = tpu.memref_slice %arg4[%min3A_86, %dma_start3A_95] : memref<640000x128xf32, #tpu.memory_space<hbm>> -> memref<40x128xf32, #tpu.memory_space<hbm>>
      tpu.enqueue_dma source(%dma_start3A_96 : memref<40x128xf32, #tpu.memory_space<hbm>>) target(%arg18 : memref<40x128xf32, #tpu.memory_space<vmem>>) target_semaphore(%arg28 : memref<!tpu.dma_semaphore, #tpu.memory_space<semaphore_mem>>)
      %dma_wait3A_97 = arith.constant 0 : i32
      %dma_wait3A_98 = arith.constant 0 : i32
      %dma_wait3A_99 = tpu.memref_slice %arg2[%dma_wait3A_97, %dma_wait3A_98] : memref<10240x128xf32, #tpu.memory_space<hbm>> -> memref<10240x128xf32, #tpu.memory_space<hbm>>
      tpu.wait_indirect_dma semaphore(%arg23 : memref<!tpu.dma_semaphore, #tpu.memory_space<semaphore_mem>>) src(%dma_wait3A_99 : memref<10240x128xf32, #tpu.memory_space<hbm>>) dst(%arg13 : memref<40x128xf32, #tpu.memory_space<vmem>>)
      %dma_wait3A_100 = arith.constant 0 : i32
      %dma_wait3A_101 = arith.constant 0 : i32
      %dma_wait3A_102 = tpu.memref_slice %arg3[%dma_wait3A_100, %dma_wait3A_101] : memref<10240x128xf32, #tpu.memory_space<hbm>> -> memref<10240x128xf32, #tpu.memory_space<hbm>>
      tpu.wait_indirect_dma semaphore(%arg24 : memref<!tpu.dma_semaphore, #tpu.memory_space<semaphore_mem>>) src(%dma_wait3A_102 : memref<10240x128xf32, #tpu.memory_space<hbm>>) dst(%arg14 : memref<40x128xf32, #tpu.memory_space<vmem>>)
      %dma_wait3A_103 = arith.constant 0 : i32
      %dma_wait3A_104 = arith.constant 0 : i32
      %dma_wait3A_105 = tpu.memref_slice %arg4[%dma_wait3A_103, %dma_wait3A_104] : memref<640000x128xf32, #tpu.memory_space<hbm>> -> memref<40x128xf32, #tpu.memory_space<hbm>>
      %dma_wait3A_106 = arith.constant 0 : i32
      %dma_wait3A_107 = arith.constant 0 : i32
      %dma_wait3A_108 = tpu.memref_slice %arg4[%dma_wait3A_106, %dma_wait3A_107] : memref<640000x128xf32, #tpu.memory_space<hbm>> -> memref<40x128xf32, #tpu.memory_space<hbm>>
      tpu.wait_dma2 semaphore(%arg25 : memref<!tpu.dma_semaphore, #tpu.memory_space<semaphore_mem>>) src(%dma_wait3A_108 : memref<40x128xf32, #tpu.memory_space<hbm>>) dst(%arg15 : memref<40x128xf32, #tpu.memory_space<vmem>>)
      %scan3A_109 = arith.constant 0 : i32
      %scan3A_110 = arith.constant 0 : i32
      %scan3A_111 = arith.constant 40 : i32
      %scan3A_112 = arith.addi %scan3A_110, %scan3A_111 : i32
      %scan3A_113 = arith.constant 1 : i32
      %scan3A_114 = scf.for %scan3A_174 = %scan3A_110 to %scan3A_112 step %scan3A_113 iter_args(%scan3A_175 = %scan3A_109) -> (i32)  : i32 {
        %get3A = arith.index_cast %scan3A_174 : i32 to index
        %get3A_176 = arith.constant 0 : index
        %get3A_177 = tpu.vector_load %arg13[%get3A, %get3A_176] {strides = array<i32>} : memref<40x128xf32, #tpu.memory_space<vmem>>, vector<1x16xf32>,
        %get3A_178 = vector.shape_cast %get3A_177 : vector<1x16xf32> to vector<16xf32>
        %get3A_179 = arith.index_cast %scan3A_174 : i32 to index
        %get3A_180 = arith.constant 0 : index
        %get3A_181 = tpu.vector_load %arg14[%get3A_179, %get3A_180] {strides = array<i32>} : memref<40x128xf32, #tpu.memory_space<vmem>>, vector<1x16xf32>,
        %get3A_182 = vector.shape_cast %get3A_181 : vector<1x16xf32> to vector<16xf32>
        %add3A_183 = arith.addf %get3A_178, %get3A_182 : vector<16xf32>
        %get3A_184 = arith.index_cast %scan3A_174 : i32 to index
        %get3A_185 = arith.constant 0 : index
        %get3A_186 = tpu.vector_load %arg15[%get3A_184, %get3A_185] {strides = array<i32>} : memref<40x128xf32, #tpu.memory_space<vmem>>, vector<1x16xf32>,
        %get3A_187 = vector.shape_cast %get3A_186 : vector<1x16xf32> to vector<16xf32>
        %add3A_188 = arith.addf %add3A_183, %get3A_187 : vector<16xf32>
        %get3A_189 = arith.index_cast %scan3A_174 : i32 to index
        %get3A_190 = arith.constant 64 : index
        %get3A_191 = tpu.vector_load %arg13[%get3A_189, %get3A_190] {strides = array<i32>} : memref<40x128xf32, #tpu.memory_space<vmem>>, vector<1x16xf32>,
        %get3A_192 = vector.shape_cast %get3A_191 : vector<1x16xf32> to vector<16xf32>
        %get3A_193 = arith.index_cast %scan3A_174 : i32 to index
        %get3A_194 = arith.constant 64 : index
        %get3A_195 = tpu.vector_load %arg14[%get3A_193, %get3A_194] {strides = array<i32>} : memref<40x128xf32, #tpu.memory_space<vmem>>, vector<1x16xf32>,
        %get3A_196 = vector.shape_cast %get3A_195 : vector<1x16xf32> to vector<16xf32>
        %add3A_197 = arith.addf %get3A_192, %get3A_196 : vector<16xf32>
        %get3A_198 = arith.index_cast %scan3A_174 : i32 to index
        %get3A_199 = arith.constant 64 : index
        %get3A_200 = tpu.vector_load %arg15[%get3A_198, %get3A_199] {strides = array<i32>} : memref<40x128xf32, #tpu.memory_space<vmem>>, vector<1x16xf32>,
        %get3A_201 = vector.shape_cast %get3A_200 : vector<1x16xf32> to vector<16xf32>
        %add3A_202 = arith.addf %add3A_197, %get3A_201 : vector<16xf32>
        %neg3A = arith.constant 0.000000e+00 : f32
        %neg3A_203 = vector.broadcast %neg3A : f32 to vector<16xf32>
        %neg3A_204 = arith.subf %neg3A_203, %add3A_188 : vector<16xf32>
        %exp3A = math.exp %neg3A_204 : vector<16xf32>
        %add3A_205 = arith.constant 1.000000e+00 : f32
        %add3A_206 = vector.broadcast %add3A_205 : f32 to vector<16xf32>
        %add3A_207 = arith.addf %add3A_206, %exp3A : vector<16xf32>
        %div3A = arith.constant 1.000000e+00 : f32
        %div3A_208 = vector.broadcast %div3A : f32 to vector<16xf32>
        %div3A_209 = arith.divf %div3A_208, %add3A_207 : vector<16xf32>
        %abs3A = math.absf %add3A_202 : vector<16xf32>
        %neg3A_210 = arith.constant 0.000000e+00 : f32
        %neg3A_211 = vector.broadcast %neg3A_210 : f32 to vector<16xf32>
        %neg3A_212 = arith.subf %neg3A_211, %abs3A : vector<16xf32>
        %exp3A_213 = math.exp %neg3A_212 : vector<16xf32>
        %add3A_214 = arith.constant 2.000000e+00 : f32
        %add3A_215 = vector.broadcast %add3A_214 : f32 to vector<16xf32>
        %add3A_216 = arith.addf %add3A_215, %exp3A_213 : vector<16xf32>
        %div3A_217 = arith.divf %exp3A_213, %add3A_216 : vector<16xf32>
        %mul3A_218 = arith.mulf %div3A_217, %div3A_217 : vector<16xf32>
        %mul3A_219 = arith.constant 0.181818187 : f32
        %mul3A_220 = vector.broadcast %mul3A_219 : f32 to vector<16xf32>
        %mul3A_221 = arith.mulf %mul3A_218, %mul3A_220 : vector<16xf32>
        %add3A_222 = arith.constant 0.222222224 : f32
        %add3A_223 = vector.broadcast %add3A_222 : f32 to vector<16xf32>
        %add3A_224 = arith.addf %add3A_223, %mul3A_221 : vector<16xf32>
        %mul3A_225 = arith.mulf %mul3A_218, %add3A_224 : vector<16xf32>
        %add3A_226 = arith.constant 0.285714298 : f32
        %add3A_227 = vector.broadcast %add3A_226 : f32 to vector<16xf32>
        %add3A_228 = arith.addf %add3A_227, %mul3A_225 : vector<16xf32>
        %mul3A_229 = arith.mulf %mul3A_218, %add3A_228 : vector<16xf32>
        %add3A_230 = arith.constant 4.000000e-01 : f32
        %add3A_231 = vector.broadcast %add3A_230 : f32 to vector<16xf32>
        %add3A_232 = arith.addf %add3A_231, %mul3A_229 : vector<16xf32>
        %mul3A_233 = arith.mulf %mul3A_218, %add3A_232 : vector<16xf32>
        %add3A_234 = arith.constant 0.666666686 : f32
        %add3A_235 = vector.broadcast %add3A_234 : f32 to vector<16xf32>
        %add3A_236 = arith.addf %add3A_235, %mul3A_233 : vector<16xf32>
        %mul3A_237 = arith.mulf %mul3A_218, %add3A_236 : vector<16xf32>
        %add3A_238 = arith.constant 2.000000e+00 : f32
        %add3A_239 = vector.broadcast %add3A_238 : f32 to vector<16xf32>
        %add3A_240 = arith.addf %add3A_239, %mul3A_237 : vector<16xf32>
        %mul3A_241 = arith.mulf %div3A_217, %add3A_240 : vector<16xf32>
        %max3A = arith.constant 0.000000e+00 : f32
        %max3A_242 = vector.broadcast %max3A : f32 to vector<16xf32>
        %max3A_243 = arith.maximumf %add3A_202, %max3A_242 : vector<16xf32>
        %add3A_244 = arith.addf %max3A_243, %mul3A_241 : vector<16xf32>
        %mul3A_245 = arith.mulf %div3A_209, %add3A_244 : vector<16xf32>
        %add3A_246 = arith.constant 0 : i32
        %add3A_247 = arith.addi %add3A_246, %scan3A_174 : i32
        %swap3A = arith.index_cast %add3A_247 : i32 to index
        %swap3A_248 = arith.constant 0 : index
        %swap3A_249 = tpu.vector_load %arg19[%swap3A, %swap3A_248] {strides = array<i32>} : memref<40x128xf32, #tpu.memory_space<vmem>>, vector<1x16xf32>,
        %swap3A_250 = vector.shape_cast %swap3A_249 : vector<1x16xf32> to vector<16xf32>
        %swap3A_251 = vector.shape_cast %mul3A_245 : vector<16xf32> to vector<1x16xf32>
        tpu.vector_store %arg19[%swap3A, %swap3A_248], %swap3A_251 {strides = array<i32>} : memref<40x128xf32, #tpu.memory_space<vmem>>, vector<1x16xf32>,
        %get3A_252 = arith.index_cast %scan3A_174 : i32 to index
        %get3A_253 = arith.constant 16 : index
        %get3A_254 = tpu.vector_load %arg13[%get3A_252, %get3A_253] {strides = array<i32>} : memref<40x128xf32, #tpu.memory_space<vmem>>, vector<1x16xf32>,
        %get3A_255 = vector.shape_cast %get3A_254 : vector<1x16xf32> to vector<16xf32>
        %get3A_256 = arith.index_cast %scan3A_174 : i32 to index
        %get3A_257 = arith.constant 16 : index
        %get3A_258 = tpu.vector_load %arg14[%get3A_256, %get3A_257] {strides = array<i32>} : memref<40x128xf32, #tpu.memory_space<vmem>>, vector<1x16xf32>,
        %get3A_259 = vector.shape_cast %get3A_258 : vector<1x16xf32> to vector<16xf32>
        %add3A_260 = arith.addf %get3A_255, %get3A_259 : vector<16xf32>
        %get3A_261 = arith.index_cast %scan3A_174 : i32 to index
        %get3A_262 = arith.constant 16 : index
        %get3A_263 = tpu.vector_load %arg15[%get3A_261, %get3A_262] {strides = array<i32>} : memref<40x128xf32, #tpu.memory_space<vmem>>, vector<1x16xf32>,
        %get3A_264 = vector.shape_cast %get3A_263 : vector<1x16xf32> to vector<16xf32>
        %add3A_265 = arith.addf %add3A_260, %get3A_264 : vector<16xf32>
        %get3A_266 = arith.index_cast %scan3A_174 : i32 to index
        %get3A_267 = arith.constant 80 : index
        %get3A_268 = tpu.vector_load %arg13[%get3A_266, %get3A_267] {strides = array<i32>} : memref<40x128xf32, #tpu.memory_space<vmem>>, vector<1x16xf32>,
        %get3A_269 = vector.shape_cast %get3A_268 : vector<1x16xf32> to vector<16xf32>
        %get3A_270 = arith.index_cast %scan3A_174 : i32 to index
        %get3A_271 = arith.constant 80 : index
        %get3A_272 = tpu.vector_load %arg14[%get3A_270, %get3A_271] {strides = array<i32>} : memref<40x128xf32, #tpu.memory_space<vmem>>, vector<1x16xf32>,
        %get3A_273 = vector.shape_cast %get3A_272 : vector<1x16xf32> to vector<16xf32>
        %add3A_274 = arith.addf %get3A_269, %get3A_273 : vector<16xf32>
        %get3A_275 = arith.index_cast %scan3A_174 : i32 to index
        %get3A_276 = arith.constant 80 : index
        %get3A_277 = tpu.vector_load %arg15[%get3A_275, %get3A_276] {strides = array<i32>} : memref<40x128xf32, #tpu.memory_space<vmem>>, vector<1x16xf32>,
        %get3A_278 = vector.shape_cast %get3A_277 : vector<1x16xf32> to vector<16xf32>
        %add3A_279 = arith.addf %add3A_274, %get3A_278 : vector<16xf32>
        %neg3A_280 = arith.constant 0.000000e+00 : f32
        %neg3A_281 = vector.broadcast %neg3A_280 : f32 to vector<16xf32>
        %neg3A_282 = arith.subf %neg3A_281, %add3A_265 : vector<16xf32>
        %exp3A_283 = math.exp %neg3A_282 : vector<16xf32>
        %add3A_284 = arith.constant 1.000000e+00 : f32
        %add3A_285 = vector.broadcast %add3A_284 : f32 to vector<16xf32>
        %add3A_286 = arith.addf %add3A_285, %exp3A_283 : vector<16xf32>
        %div3A_287 = arith.constant 1.000000e+00 : f32
        %div3A_288 = vector.broadcast %div3A_287 : f32 to vector<16xf32>
        %div3A_289 = arith.divf %div3A_288, %add3A_286 : vector<16xf32>
        %abs3A_290 = math.absf %add3A_279 : vector<16xf32>
        %neg3A_291 = arith.constant 0.000000e+00 : f32
        %neg3A_292 = vector.broadcast %neg3A_291 : f32 to vector<16xf32>
        %neg3A_293 = arith.subf %neg3A_292, %abs3A_290 : vector<16xf32>
        %exp3A_294 = math.exp %neg3A_293 : vector<16xf32>
        %add3A_295 = arith.constant 2.000000e+00 : f32
        %add3A_296 = vector.broadcast %add3A_295 : f32 to vector<16xf32>
        %add3A_297 = arith.addf %add3A_296, %exp3A_294 : vector<16xf32>
        %div3A_298 = arith.divf %exp3A_294, %add3A_297 : vector<16xf32>
        %mul3A_299 = arith.mulf %div3A_298, %div3A_298 : vector<16xf32>
        %mul3A_300 = arith.constant 0.181818187 : f32
        %mul3A_301 = vector.broadcast %mul3A_300 : f32 to vector<16xf32>
        %mul3A_302 = arith.mulf %mul3A_299, %mul3A_301 : vector<16xf32>
        %add3A_303 = arith.constant 0.222222224 : f32
        %add3A_304 = vector.broadcast %add3A_303 : f32 to vector<16xf32>
        %add3A_305 = arith.addf %add3A_304, %mul3A_302 : vector<16xf32>
        %mul3A_306 = arith.mulf %mul3A_299, %add3A_305 : vector<16xf32>
        %add3A_307 = arith.constant 0.285714298 : f32
        %add3A_308 = vector.broadcast %add3A_307 : f32 to vector<16xf32>
        %add3A_309 = arith.addf %add3A_308, %mul3A_306 : vector<16xf32>
        %mul3A_310 = arith.mulf %mul3A_299, %add3A_309 : vector<16xf32>
        %add3A_311 = arith.constant 4.000000e-01 : f32
        %add3A_312 = vector.broadcast %add3A_311 : f32 to vector<16xf32>
        %add3A_313 = arith.addf %add3A_312, %mul3A_310 : vector<16xf32>
        %mul3A_314 = arith.mulf %mul3A_299, %add3A_313 : vector<16xf32>
        %add3A_315 = arith.constant 0.666666686 : f32
        %add3A_316 = vector.broadcast %add3A_315 : f32 to vector<16xf32>
        %add3A_317 = arith.addf %add3A_316, %mul3A_314 : vector<16xf32>
        %mul3A_318 = arith.mulf %mul3A_299, %add3A_317 : vector<16xf32>
        %add3A_319 = arith.constant 2.000000e+00 : f32
        %add3A_320 = vector.broadcast %add3A_319 : f32 to vector<16xf32>
        %add3A_321 = arith.addf %add3A_320, %mul3A_318 : vector<16xf32>
        %mul3A_322 = arith.mulf %div3A_298, %add3A_321 : vector<16xf32>
        %max3A_323 = arith.constant 0.000000e+00 : f32
        %max3A_324 = vector.broadcast %max3A_323 : f32 to vector<16xf32>
        %max3A_325 = arith.maximumf %add3A_279, %max3A_324 : vector<16xf32>
        %add3A_326 = arith.addf %max3A_325, %mul3A_322 : vector<16xf32>
        %mul3A_327 = arith.mulf %div3A_289, %add3A_326 : vector<16xf32>
        %add3A_328 = arith.constant 0 : i32
        %add3A_329 = arith.addi %add3A_328, %scan3A_174 : i32
        %swap3A_330 = arith.index_cast %add3A_329 : i32 to index
        %swap3A_331 = arith.constant 16 : index
        %swap3A_332 = tpu.vector_load %arg19[%swap3A_330, %swap3A_331] {strides = array<i32>} : memref<40x128xf32, #tpu.memory_space<vmem>>, vector<1x16xf32>,
        %swap3A_333 = vector.shape_cast %swap3A_332 : vector<1x16xf32> to vector<16xf32>
        %swap3A_334 = vector.shape_cast %mul3A_327 : vector<16xf32> to vector<1x16xf32>
        tpu.vector_store %arg19[%swap3A_330, %swap3A_331], %swap3A_334 {strides = array<i32>} : memref<40x128xf32, #tpu.memory_space<vmem>>, vector<1x16xf32>,
        %get3A_335 = arith.index_cast %scan3A_174 : i32 to index
        %get3A_336 = arith.constant 32 : index
        %get3A_337 = tpu.vector_load %arg13[%get3A_335, %get3A_336] {strides = array<i32>} : memref<40x128xf32, #tpu.memory_space<vmem>>, vector<1x16xf32>,
        %get3A_338 = vector.shape_cast %get3A_337 : vector<1x16xf32> to vector<16xf32>
        %get3A_339 = arith.index_cast %scan3A_174 : i32 to index
        %get3A_340 = arith.constant 32 : index
        %get3A_341 = tpu.vector_load %arg14[%get3A_339, %get3A_340] {strides = array<i32>} : memref<40x128xf32, #tpu.memory_space<vmem>>, vector<1x16xf32>,
        %get3A_342 = vector.shape_cast %get3A_341 : vector<1x16xf32> to vector<16xf32>
        %add3A_343 = arith.addf %get3A_338, %get3A_342 : vector<16xf32>
        %get3A_344 = arith.index_cast %scan3A_174 : i32 to index
        %get3A_345 = arith.constant 32 : index
        %get3A_346 = tpu.vector_load %arg15[%get3A_344, %get3A_345] {strides = array<i32>} : memref<40x128xf32, #tpu.memory_space<vmem>>, vector<1x16xf32>,
        %get3A_347 = vector.shape_cast %get3A_346 : vector<1x16xf32> to vector<16xf32>
        %add3A_348 = arith.addf %add3A_343, %get3A_347 : vector<16xf32>
        %get3A_349 = arith.index_cast %scan3A_174 : i32 to index
        %get3A_350 = arith.constant 96 : index
        %get3A_351 = tpu.vector_load %arg13[%get3A_349, %get3A_350] {strides = array<i32>} : memref<40x128xf32, #tpu.memory_space<vmem>>, vector<1x16xf32>,
        %get3A_352 = vector.shape_cast %get3A_351 : vector<1x16xf32> to vector<16xf32>
        %get3A_353 = arith.index_cast %scan3A_174 : i32 to index
        %get3A_354 = arith.constant 96 : index
        %get3A_355 = tpu.vector_load %arg14[%get3A_353, %get3A_354] {strides = array<i32>} : memref<40x128xf32, #tpu.memory_space<vmem>>, vector<1x16xf32>,
        %get3A_356 = vector.shape_cast %get3A_355 : vector<1x16xf32> to vector<16xf32>
        %add3A_357 = arith.addf %get3A_352, %get3A_356 : vector<16xf32>
        %get3A_358 = arith.index_cast %scan3A_174 : i32 to index
        %get3A_359 = arith.constant 96 : index
        %get3A_360 = tpu.vector_load %arg15[%get3A_358, %get3A_359] {strides = array<i32>} : memref<40x128xf32, #tpu.memory_space<vmem>>, vector<1x16xf32>,
        %get3A_361 = vector.shape_cast %get3A_360 : vector<1x16xf32> to vector<16xf32>
        %add3A_362 = arith.addf %add3A_357, %get3A_361 : vector<16xf32>
        %neg3A_363 = arith.constant 0.000000e+00 : f32
        %neg3A_364 = vector.broadcast %neg3A_363 : f32 to vector<16xf32>
        %neg3A_365 = arith.subf %neg3A_364, %add3A_348 : vector<16xf32>
        %exp3A_366 = math.exp %neg3A_365 : vector<16xf32>
        %add3A_367 = arith.constant 1.000000e+00 : f32
        %add3A_368 = vector.broadcast %add3A_367 : f32 to vector<16xf32>
        %add3A_369 = arith.addf %add3A_368, %exp3A_366 : vector<16xf32>
        %div3A_370 = arith.constant 1.000000e+00 : f32
        %div3A_371 = vector.broadcast %div3A_370 : f32 to vector<16xf32>
        %div3A_372 = arith.divf %div3A_371, %add3A_369 : vector<16xf32>
        %abs3A_373 = math.absf %add3A_362 : vector<16xf32>
        %neg3A_374 = arith.constant 0.000000e+00 : f32
        %neg3A_375 = vector.broadcast %neg3A_374 : f32 to vector<16xf32>
        %neg3A_376 = arith.subf %neg3A_375, %abs3A_373 : vector<16xf32>
        %exp3A_377 = math.exp %neg3A_376 : vector<16xf32>
        %add3A_378 = arith.constant 2.000000e+00 : f32
        %add3A_379 = vector.broadcast %add3A_378 : f32 to vector<16xf32>
        %add3A_380 = arith.addf %add3A_379, %exp3A_377 : vector<16xf32>
        %div3A_381 = arith.divf %exp3A_377, %add3A_380 : vector<16xf32>
        %mul3A_382 = arith.mulf %div3A_381, %div3A_381 : vector<16xf32>
        %mul3A_383 = arith.constant 0.181818187 : f32
        %mul3A_384 = vector.broadcast %mul3A_383 : f32 to vector<16xf32>
        %mul3A_385 = arith.mulf %mul3A_382, %mul3A_384 : vector<16xf32>
        %add3A_386 = arith.constant 0.222222224 : f32
        %add3A_387 = vector.broadcast %add3A_386 : f32 to vector<16xf32>
        %add3A_388 = arith.addf %add3A_387, %mul3A_385 : vector<16xf32>
        %mul3A_389 = arith.mulf %mul3A_382, %add3A_388 : vector<16xf32>
        %add3A_390 = arith.constant 0.285714298 : f32
        %add3A_391 = vector.broadcast %add3A_390 : f32 to vector<16xf32>
        %add3A_392 = arith.addf %add3A_391, %mul3A_389 : vector<16xf32>
        %mul3A_393 = arith.mulf %mul3A_382, %add3A_392 : vector<16xf32>
        %add3A_394 = arith.constant 4.000000e-01 : f32
        %add3A_395 = vector.broadcast %add3A_394 : f32 to vector<16xf32>
        %add3A_396 = arith.addf %add3A_395, %mul3A_393 : vector<16xf32>
        %mul3A_397 = arith.mulf %mul3A_382, %add3A_396 : vector<16xf32>
        %add3A_398 = arith.constant 0.666666686 : f32
        %add3A_399 = vector.broadcast %add3A_398 : f32 to vector<16xf32>
        %add3A_400 = arith.addf %add3A_399, %mul3A_397 : vector<16xf32>
        %mul3A_401 = arith.mulf %mul3A_382, %add3A_400 : vector<16xf32>
        %add3A_402 = arith.constant 2.000000e+00 : f32
        %add3A_403 = vector.broadcast %add3A_402 : f32 to vector<16xf32>
        %add3A_404 = arith.addf %add3A_403, %mul3A_401 : vector<16xf32>
        %mul3A_405 = arith.mulf %div3A_381, %add3A_404 : vector<16xf32>
        %max3A_406 = arith.constant 0.000000e+00 : f32
        %max3A_407 = vector.broadcast %max3A_406 : f32 to vector<16xf32>
        %max3A_408 = arith.maximumf %add3A_362, %max3A_407 : vector<16xf32>
        %add3A_409 = arith.addf %max3A_408, %mul3A_405 : vector<16xf32>
        %mul3A_410 = arith.mulf %div3A_372, %add3A_409 : vector<16xf32>
        %add3A_411 = arith.constant 0 : i32
        %add3A_412 = arith.addi %add3A_411, %scan3A_174 : i32
        %swap3A_413 = arith.index_cast %add3A_412 : i32 to index
        %swap3A_414 = arith.constant 32 : index
        %swap3A_415 = tpu.vector_load %arg19[%swap3A_413, %swap3A_414] {strides = array<i32>} : memref<40x128xf32, #tpu.memory_space<vmem>>, vector<1x16xf32>,
        %swap3A_416 = vector.shape_cast %swap3A_415 : vector<1x16xf32> to vector<16xf32>
        %swap3A_417 = vector.shape_cast %mul3A_410 : vector<16xf32> to vector<1x16xf32>
        tpu.vector_store %arg19[%swap3A_413, %swap3A_414], %swap3A_417 {strides = array<i32>} : memref<40x128xf32, #tpu.memory_space<vmem>>, vector<1x16xf32>,
        %get3A_418 = arith.index_cast %scan3A_174 : i32 to index
        %get3A_419 = arith.constant 48 : index
        %get3A_420 = tpu.vector_load %arg13[%get3A_418, %get3A_419] {strides = array<i32>} : memref<40x128xf32, #tpu.memory_space<vmem>>, vector<1x16xf32>,
        %get3A_421 = vector.shape_cast %get3A_420 : vector<1x16xf32> to vector<16xf32>
        %get3A_422 = arith.index_cast %scan3A_174 : i32 to index
        %get3A_423 = arith.constant 48 : index
        %get3A_424 = tpu.vector_load %arg14[%get3A_422, %get3A_423] {strides = array<i32>} : memref<40x128xf32, #tpu.memory_space<vmem>>, vector<1x16xf32>,
        %get3A_425 = vector.shape_cast %get3A_424 : vector<1x16xf32> to vector<16xf32>
        %add3A_426 = arith.addf %get3A_421, %get3A_425 : vector<16xf32>
        %get3A_427 = arith.index_cast %scan3A_174 : i32 to index
        %get3A_428 = arith.constant 48 : index
        %get3A_429 = tpu.vector_load %arg15[%get3A_427, %get3A_428] {strides = array<i32>} : memref<40x128xf32, #tpu.memory_space<vmem>>, vector<1x16xf32>,
        %get3A_430 = vector.shape_cast %get3A_429 : vector<1x16xf32> to vector<16xf32>
        %add3A_431 = arith.addf %add3A_426, %get3A_430 : vector<16xf32>
        %get3A_432 = arith.index_cast %scan3A_174 : i32 to index
        %get3A_433 = arith.constant 112 : index
        %get3A_434 = tpu.vector_load %arg13[%get3A_432, %get3A_433] {strides = array<i32>} : memref<40x128xf32, #tpu.memory_space<vmem>>, vector<1x16xf32>,
        %get3A_435 = vector.shape_cast %get3A_434 : vector<1x16xf32> to vector<16xf32>
        %get3A_436 = arith.index_cast %scan3A_174 : i32 to index
        %get3A_437 = arith.constant 112 : index
        %get3A_438 = tpu.vector_load %arg14[%get3A_436, %get3A_437] {strides = array<i32>} : memref<40x128xf32, #tpu.memory_space<vmem>>, vector<1x16xf32>,
        %get3A_439 = vector.shape_cast %get3A_438 : vector<1x16xf32> to vector<16xf32>
        %add3A_440 = arith.addf %get3A_435, %get3A_439 : vector<16xf32>
        %get3A_441 = arith.index_cast %scan3A_174 : i32 to index
        %get3A_442 = arith.constant 112 : index
        %get3A_443 = tpu.vector_load %arg15[%get3A_441, %get3A_442] {strides = array<i32>} : memref<40x128xf32, #tpu.memory_space<vmem>>, vector<1x16xf32>,
        %get3A_444 = vector.shape_cast %get3A_443 : vector<1x16xf32> to vector<16xf32>
        %add3A_445 = arith.addf %add3A_440, %get3A_444 : vector<16xf32>
        %neg3A_446 = arith.constant 0.000000e+00 : f32
        %neg3A_447 = vector.broadcast %neg3A_446 : f32 to vector<16xf32>
        %neg3A_448 = arith.subf %neg3A_447, %add3A_431 : vector<16xf32>
        %exp3A_449 = math.exp %neg3A_448 : vector<16xf32>
        %add3A_450 = arith.constant 1.000000e+00 : f32
        %add3A_451 = vector.broadcast %add3A_450 : f32 to vector<16xf32>
        %add3A_452 = arith.addf %add3A_451, %exp3A_449 : vector<16xf32>
        %div3A_453 = arith.constant 1.000000e+00 : f32
        %div3A_454 = vector.broadcast %div3A_453 : f32 to vector<16xf32>
        %div3A_455 = arith.divf %div3A_454, %add3A_452 : vector<16xf32>
        %abs3A_456 = math.absf %add3A_445 : vector<16xf32>
        %neg3A_457 = arith.constant 0.000000e+00 : f32
        %neg3A_458 = vector.broadcast %neg3A_457 : f32 to vector<16xf32>
        %neg3A_459 = arith.subf %neg3A_458, %abs3A_456 : vector<16xf32>
        %exp3A_460 = math.exp %neg3A_459 : vector<16xf32>
        %add3A_461 = arith.constant 2.000000e+00 : f32
        %add3A_462 = vector.broadcast %add3A_461 : f32 to vector<16xf32>
        %add3A_463 = arith.addf %add3A_462, %exp3A_460 : vector<16xf32>
        %div3A_464 = arith.divf %exp3A_460, %add3A_463 : vector<16xf32>
        %mul3A_465 = arith.mulf %div3A_464, %div3A_464 : vector<16xf32>
        %mul3A_466 = arith.constant 0.181818187 : f32
        %mul3A_467 = vector.broadcast %mul3A_466 : f32 to vector<16xf32>
        %mul3A_468 = arith.mulf %mul3A_465, %mul3A_467 : vector<16xf32>
        %add3A_469 = arith.constant 0.222222224 : f32
        %add3A_470 = vector.broadcast %add3A_469 : f32 to vector<16xf32>
        %add3A_471 = arith.addf %add3A_470, %mul3A_468 : vector<16xf32>
        %mul3A_472 = arith.mulf %mul3A_465, %add3A_471 : vector<16xf32>
        %add3A_473 = arith.constant 0.285714298 : f32
        %add3A_474 = vector.broadcast %add3A_473 : f32 to vector<16xf32>
        %add3A_475 = arith.addf %add3A_474, %mul3A_472 : vector<16xf32>
        %mul3A_476 = arith.mulf %mul3A_465, %add3A_475 : vector<16xf32>
        %add3A_477 = arith.constant 4.000000e-01 : f32
        %add3A_478 = vector.broadcast %add3A_477 : f32 to vector<16xf32>
        %add3A_479 = arith.addf %add3A_478, %mul3A_476 : vector<16xf32>
        %mul3A_480 = arith.mulf %mul3A_465, %add3A_479 : vector<16xf32>
        %add3A_481 = arith.constant 0.666666686 : f32
        %add3A_482 = vector.broadcast %add3A_481 : f32 to vector<16xf32>
        %add3A_483 = arith.addf %add3A_482, %mul3A_480 : vector<16xf32>
        %mul3A_484 = arith.mulf %mul3A_465, %add3A_483 : vector<16xf32>
        %add3A_485 = arith.constant 2.000000e+00 : f32
        %add3A_486 = vector.broadcast %add3A_485 : f32 to vector<16xf32>
        %add3A_487 = arith.addf %add3A_486, %mul3A_484 : vector<16xf32>
        %mul3A_488 = arith.mulf %div3A_464, %add3A_487 : vector<16xf32>
        %max3A_489 = arith.constant 0.000000e+00 : f32
        %max3A_490 = vector.broadcast %max3A_489 : f32 to vector<16xf32>
        %max3A_491 = arith.maximumf %add3A_445, %max3A_490 : vector<16xf32>
        %add3A_492 = arith.addf %max3A_491, %mul3A_488 : vector<16xf32>
        %mul3A_493 = arith.mulf %div3A_455, %add3A_492 : vector<16xf32>
        %add3A_494 = arith.constant 0 : i32
        %add3A_495 = arith.addi %add3A_494, %scan3A_174 : i32
        %swap3A_496 = arith.index_cast %add3A_495 : i32 to index
        %swap3A_497 = arith.constant 48 : index
        %swap3A_498 = tpu.vector_load %arg19[%swap3A_496, %swap3A_497] {strides = array<i32>} : memref<40x128xf32, #tpu.memory_space<vmem>>, vector<1x16xf32>,
        %swap3A_499 = vector.shape_cast %swap3A_498 : vector<1x16xf32> to vector<16xf32>
        %swap3A_500 = vector.shape_cast %mul3A_493 : vector<16xf32> to vector<1x16xf32>
        tpu.vector_store %arg19[%swap3A_496, %swap3A_497], %swap3A_500 {strides = array<i32>} : memref<40x128xf32, #tpu.memory_space<vmem>>, vector<1x16xf32>,
        %scan3A_501 = arith.constant 0 : i32
        scf.yield %scan3A_501 : i32
      }
      %scan3A_115 = arith.constant 40 : i32
      "tpu.region"() ({
        %run_scoped3A = tpu.sem_alloc : memref<!tpu.dma_semaphore, #tpu.memory_space<semaphore_mem>>
        %dma_start3A_174 = arith.constant 0 : i32
        %dma_start3A_175 = arith.constant 0 : i32
        %dma_start3A_176 = tpu.memref_slice %arg20[%dma_start3A_174, %dma_start3A_175] : memref<10240x128xf32, #tpu.memory_space<vmem_shared>> -> memref<10240x128xf32, #tpu.memory_space<vmem_shared>>
        tpu.enqueue_indirect_dma source(%arg19 : memref<40x128xf32, #tpu.memory_space<vmem>>) target(%dma_start3A_176 : memref<10240x128xf32, #tpu.memory_space<vmem_shared>>) offsets(%arg9 : memref<40xi32, #tpu.memory_space<vmem>>) semaphore(%run_scoped3A : memref<!tpu.dma_semaphore, #tpu.memory_space<semaphore_mem>>) {add = true}
        %dma_wait3A_177 = arith.constant 0 : i32
        %dma_wait3A_178 = arith.constant 0 : i32
        %dma_wait3A_179 = tpu.memref_slice %arg20[%dma_wait3A_177, %dma_wait3A_178] : memref<10240x128xf32, #tpu.memory_space<vmem_shared>> -> memref<10240x128xf32, #tpu.memory_space<vmem_shared>>
        tpu.wait_indirect_dma semaphore(%run_scoped3A : memref<!tpu.dma_semaphore, #tpu.memory_space<semaphore_mem>>) src(%arg19 : memref<40x128xf32, #tpu.memory_space<vmem>>) dst(%dma_wait3A_179 : memref<10240x128xf32, #tpu.memory_space<vmem_shared>>)
        tpu.yield
      }) : () -> ()
      %add3A_116 = arith.constant 80 : i32
      %add3A_117 = arith.addi %add3A_74, %add3A_116 : i32
      %min3A_118 = arith.constant 639960 : i32
      %min3A_119 = arith.minsi %add3A_117, %min3A_118 : i32
      %dma_start3A_120 = tpu.memref_slice %arg5[%min3A_119] : memref<640000xi32, #tpu.memory_space<hbm>> -> memref<40xi32, #tpu.memory_space<hbm>>
      %dma_start3A_121 = tpu.memref_slice %arg5[%min3A_119] : memref<640000xi32, #tpu.memory_space<hbm>> -> memref<40xi32, #tpu.memory_space<hbm>>
      tpu.enqueue_dma source(%dma_start3A_121 : memref<40xi32, #tpu.memory_space<hbm>>) target(%arg9 : memref<40xi32, #tpu.memory_space<vmem>>) target_semaphore(%arg21 : memref<!tpu.dma_semaphore, #tpu.memory_space<semaphore_mem>>)
      %dma_start3A_122 = tpu.memref_slice %arg6[%min3A_119] : memref<640000xi32, #tpu.memory_space<hbm>> -> memref<40xi32, #tpu.memory_space<hbm>>
      %dma_start3A_123 = tpu.memref_slice %arg6[%min3A_119] : memref<640000xi32, #tpu.memory_space<hbm>> -> memref<40xi32, #tpu.memory_space<hbm>>
      tpu.enqueue_dma source(%dma_start3A_123 : memref<40xi32, #tpu.memory_space<hbm>>) target(%arg10 : memref<40xi32, #tpu.memory_space<vmem>>) target_semaphore(%arg21 : memref<!tpu.dma_semaphore, #tpu.memory_space<semaphore_mem>>)
      %dma_wait3A_124 = arith.constant 0 : i32
      %dma_wait3A_125 = tpu.memref_slice %arg5[%dma_wait3A_124] : memref<640000xi32, #tpu.memory_space<hbm>> -> memref<40xi32, #tpu.memory_space<hbm>>
      %dma_wait3A_126 = arith.constant 0 : i32
      %dma_wait3A_127 = tpu.memref_slice %arg5[%dma_wait3A_126] : memref<640000xi32, #tpu.memory_space<hbm>> -> memref<40xi32, #tpu.memory_space<hbm>>
      tpu.wait_dma2 semaphore(%arg21 : memref<!tpu.dma_semaphore, #tpu.memory_space<semaphore_mem>>) src(%dma_wait3A_127 : memref<40xi32, #tpu.memory_space<hbm>>) dst(%arg9 : memref<40xi32, #tpu.memory_space<vmem>>)
      %dma_wait3A_128 = arith.constant 0 : i32
      %dma_wait3A_129 = tpu.memref_slice %arg6[%dma_wait3A_128] : memref<640000xi32, #tpu.memory_space<hbm>> -> memref<40xi32, #tpu.memory_space<hbm>>
      %dma_wait3A_130 = arith.constant 0 : i32
      %dma_wait3A_131 = tpu.memref_slice %arg6[%dma_wait3A_130] : memref<640000xi32, #tpu.memory_space<hbm>> -> memref<40xi32, #tpu.memory_space<hbm>>
      tpu.wait_dma2 semaphore(%arg21 : memref<!tpu.dma_semaphore, #tpu.memory_space<semaphore_mem>>) src(%dma_wait3A_131 : memref<40xi32, #tpu.memory_space<hbm>>) dst(%arg10 : memref<40xi32, #tpu.memory_space<vmem>>)
      %add3A_132 = arith.constant 80 : i32
      %add3A_133 = arith.addi %add3A_74, %add3A_132 : i32
      %min3A_134 = arith.constant 639960 : i32
      %min3A_135 = arith.minsi %add3A_133, %min3A_134 : i32
      %dma_start3A_136 = arith.constant 0 : i32
      %dma_start3A_137 = arith.constant 0 : i32
      %dma_start3A_138 = tpu.memref_slice %arg2[%dma_start3A_136, %dma_start3A_137] : memref<10240x128xf32, #tpu.memory_space<hbm>> -> memref<10240x128xf32, #tpu.memory_space<hbm>>
      tpu.enqueue_indirect_dma source(%dma_start3A_138 : memref<10240x128xf32, #tpu.memory_space<hbm>>) target(%arg13 : memref<40x128xf32, #tpu.memory_space<vmem>>) offsets(%arg9 : memref<40xi32, #tpu.memory_space<vmem>>) semaphore(%arg23 : memref<!tpu.dma_semaphore, #tpu.memory_space<semaphore_mem>>)
      %dma_start3A_139 = arith.constant 0 : i32
      %dma_start3A_140 = arith.constant 0 : i32
      %dma_start3A_141 = tpu.memref_slice %arg3[%dma_start3A_139, %dma_start3A_140] : memref<10240x128xf32, #tpu.memory_space<hbm>> -> memref<10240x128xf32, #tpu.memory_space<hbm>>
      tpu.enqueue_indirect_dma source(%dma_start3A_141 : memref<10240x128xf32, #tpu.memory_space<hbm>>) target(%arg14 : memref<40x128xf32, #tpu.memory_space<vmem>>) offsets(%arg10 : memref<40xi32, #tpu.memory_space<vmem>>) semaphore(%arg24 : memref<!tpu.dma_semaphore, #tpu.memory_space<semaphore_mem>>)
      %dma_start3A_142 = arith.constant 0 : i32
      %dma_start3A_143 = tpu.memref_slice %arg4[%min3A_135, %dma_start3A_142] : memref<640000x128xf32, #tpu.memory_space<hbm>> -> memref<40x128xf32, #tpu.memory_space<hbm>>
      %dma_start3A_144 = arith.constant 0 : i32
      %dma_start3A_145 = tpu.memref_slice %arg4[%min3A_135, %dma_start3A_144] : memref<640000x128xf32, #tpu.memory_space<hbm>> -> memref<40x128xf32, #tpu.memory_space<hbm>>
      tpu.enqueue_dma source(%dma_start3A_145 : memref<40x128xf32, #tpu.memory_space<hbm>>) target(%arg15 : memref<40x128xf32, #tpu.memory_space<vmem>>) target_semaphore(%arg25 : memref<!tpu.dma_semaphore, #tpu.memory_space<semaphore_mem>>)
      %dma_wait3A_146 = arith.constant 0 : i32
      %dma_wait3A_147 = arith.constant 0 : i32
      %dma_wait3A_148 = tpu.memref_slice %arg2[%dma_wait3A_146, %dma_wait3A_147] : memref<10240x128xf32, #tpu.memory_space<hbm>> -> memref<10240x128xf32, #tpu.memory_space<hbm>>
      tpu.wait_indirect_dma semaphore(%arg26 : memref<!tpu.dma_semaphore, #tpu.memory_space<semaphore_mem>>) src(%dma_wait3A_148 : memref<10240x128xf32, #tpu.memory_space<hbm>>) dst(%arg16 : memref<40x128xf32, #tpu.memory_space<vmem>>)
      %dma_wait3A_149 = arith.constant 0 : i32
      %dma_wait3A_150 = arith.constant 0 : i32
      %dma_wait3A_151 = tpu.memref_slice %arg3[%dma_wait3A_149, %dma_wait3A_150] : memref<10240x128xf32, #tpu.memory_space<hbm>> -> memref<10240x128xf32, #tpu.memory_space<hbm>>
      tpu.wait_indirect_dma semaphore(%arg27 : memref<!tpu.dma_semaphore, #tpu.memory_space<semaphore_mem>>) src(%dma_wait3A_151 : memref<10240x128xf32, #tpu.memory_space<hbm>>) dst(%arg17 : memref<40x128xf32, #tpu.memory_space<vmem>>)
      %dma_wait3A_152 = arith.constant 0 : i32
      %dma_wait3A_153 = arith.constant 0 : i32
      %dma_wait3A_154 = tpu.memref_slice %arg4[%dma_wait3A_152, %dma_wait3A_153] : memref<640000x128xf32, #tpu.memory_space<hbm>> -> memref<40x128xf32, #tpu.memory_space<hbm>>
      %dma_wait3A_155 = arith.constant 0 : i32
      %dma_wait3A_156 = arith.constant 0 : i32
      %dma_wait3A_157 = tpu.memref_slice %arg4[%dma_wait3A_155, %dma_wait3A_156] : memref<640000x128xf32, #tpu.memory_space<hbm>> -> memref<40x128xf32, #tpu.memory_space<hbm>>
      tpu.wait_dma2 semaphore(%arg28 : memref<!tpu.dma_semaphore, #tpu.memory_space<semaphore_mem>>) src(%dma_wait3A_157 : memref<40x128xf32, #tpu.memory_space<hbm>>) dst(%arg18 : memref<40x128xf32, #tpu.memory_space<vmem>>)
      %scan3A_158 = arith.constant 0 : i32
      %scan3A_159 = arith.constant 0 : i32
      %scan3A_160 = arith.constant 40 : i32
      %scan3A_161 = arith.addi %scan3A_159, %scan3A_160 : i32
      %scan3A_162 = arith.constant 1 : i32
      %scan3A_163 = scf.for %scan3A_174 = %scan3A_159 to %scan3A_161 step %scan3A_162 iter_args(%scan3A_175 = %scan3A_158) -> (i32)  : i32 {
        %get3A = arith.index_cast %scan3A_174 : i32 to index
        %get3A_176 = arith.constant 0 : index
        %get3A_177 = tpu.vector_load %arg16[%get3A, %get3A_176] {strides = array<i32>} : memref<40x128xf32, #tpu.memory_space<vmem>>, vector<1x16xf32>,
        %get3A_178 = vector.shape_cast %get3A_177 : vector<1x16xf32> to vector<16xf32>
        %get3A_179 = arith.index_cast %scan3A_174 : i32 to index
        %get3A_180 = arith.constant 0 : index
        %get3A_181 = tpu.vector_load %arg17[%get3A_179, %get3A_180] {strides = array<i32>} : memref<40x128xf32, #tpu.memory_space<vmem>>, vector<1x16xf32>,
        %get3A_182 = vector.shape_cast %get3A_181 : vector<1x16xf32> to vector<16xf32>
        %add3A_183 = arith.addf %get3A_178, %get3A_182 : vector<16xf32>
        %get3A_184 = arith.index_cast %scan3A_174 : i32 to index
        %get3A_185 = arith.constant 0 : index
        %get3A_186 = tpu.vector_load %arg18[%get3A_184, %get3A_185] {strides = array<i32>} : memref<40x128xf32, #tpu.memory_space<vmem>>, vector<1x16xf32>,
        %get3A_187 = vector.shape_cast %get3A_186 : vector<1x16xf32> to vector<16xf32>
        %add3A_188 = arith.addf %add3A_183, %get3A_187 : vector<16xf32>
        %get3A_189 = arith.index_cast %scan3A_174 : i32 to index
        %get3A_190 = arith.constant 64 : index
        %get3A_191 = tpu.vector_load %arg16[%get3A_189, %get3A_190] {strides = array<i32>} : memref<40x128xf32, #tpu.memory_space<vmem>>, vector<1x16xf32>,
        %get3A_192 = vector.shape_cast %get3A_191 : vector<1x16xf32> to vector<16xf32>
        %get3A_193 = arith.index_cast %scan3A_174 : i32 to index
        %get3A_194 = arith.constant 64 : index
        %get3A_195 = tpu.vector_load %arg17[%get3A_193, %get3A_194] {strides = array<i32>} : memref<40x128xf32, #tpu.memory_space<vmem>>, vector<1x16xf32>,
        %get3A_196 = vector.shape_cast %get3A_195 : vector<1x16xf32> to vector<16xf32>
        %add3A_197 = arith.addf %get3A_192, %get3A_196 : vector<16xf32>
        %get3A_198 = arith.index_cast %scan3A_174 : i32 to index
        %get3A_199 = arith.constant 64 : index
        %get3A_200 = tpu.vector_load %arg18[%get3A_198, %get3A_199] {strides = array<i32>} : memref<40x128xf32, #tpu.memory_space<vmem>>, vector<1x16xf32>,
        %get3A_201 = vector.shape_cast %get3A_200 : vector<1x16xf32> to vector<16xf32>
        %add3A_202 = arith.addf %add3A_197, %get3A_201 : vector<16xf32>
        %neg3A = arith.constant 0.000000e+00 : f32
        %neg3A_203 = vector.broadcast %neg3A : f32 to vector<16xf32>
        %neg3A_204 = arith.subf %neg3A_203, %add3A_188 : vector<16xf32>
        %exp3A = math.exp %neg3A_204 : vector<16xf32>
        %add3A_205 = arith.constant 1.000000e+00 : f32
        %add3A_206 = vector.broadcast %add3A_205 : f32 to vector<16xf32>
        %add3A_207 = arith.addf %add3A_206, %exp3A : vector<16xf32>
        %div3A = arith.constant 1.000000e+00 : f32
        %div3A_208 = vector.broadcast %div3A : f32 to vector<16xf32>
        %div3A_209 = arith.divf %div3A_208, %add3A_207 : vector<16xf32>
        %abs3A = math.absf %add3A_202 : vector<16xf32>
        %neg3A_210 = arith.constant 0.000000e+00 : f32
        %neg3A_211 = vector.broadcast %neg3A_210 : f32 to vector<16xf32>
        %neg3A_212 = arith.subf %neg3A_211, %abs3A : vector<16xf32>
        %exp3A_213 = math.exp %neg3A_212 : vector<16xf32>
        %add3A_214 = arith.constant 2.000000e+00 : f32
        %add3A_215 = vector.broadcast %add3A_214 : f32 to vector<16xf32>
        %add3A_216 = arith.addf %add3A_215, %exp3A_213 : vector<16xf32>
        %div3A_217 = arith.divf %exp3A_213, %add3A_216 : vector<16xf32>
        %mul3A_218 = arith.mulf %div3A_217, %div3A_217 : vector<16xf32>
        %mul3A_219 = arith.constant 0.181818187 : f32
        %mul3A_220 = vector.broadcast %mul3A_219 : f32 to vector<16xf32>
        %mul3A_221 = arith.mulf %mul3A_218, %mul3A_220 : vector<16xf32>
        %add3A_222 = arith.constant 0.222222224 : f32
        %add3A_223 = vector.broadcast %add3A_222 : f32 to vector<16xf32>
        %add3A_224 = arith.addf %add3A_223, %mul3A_221 : vector<16xf32>
        %mul3A_225 = arith.mulf %mul3A_218, %add3A_224 : vector<16xf32>
        %add3A_226 = arith.constant 0.285714298 : f32
        %add3A_227 = vector.broadcast %add3A_226 : f32 to vector<16xf32>
        %add3A_228 = arith.addf %add3A_227, %mul3A_225 : vector<16xf32>
        %mul3A_229 = arith.mulf %mul3A_218, %add3A_228 : vector<16xf32>
        %add3A_230 = arith.constant 4.000000e-01 : f32
        %add3A_231 = vector.broadcast %add3A_230 : f32 to vector<16xf32>
        %add3A_232 = arith.addf %add3A_231, %mul3A_229 : vector<16xf32>
        %mul3A_233 = arith.mulf %mul3A_218, %add3A_232 : vector<16xf32>
        %add3A_234 = arith.constant 0.666666686 : f32
        %add3A_235 = vector.broadcast %add3A_234 : f32 to vector<16xf32>
        %add3A_236 = arith.addf %add3A_235, %mul3A_233 : vector<16xf32>
        %mul3A_237 = arith.mulf %mul3A_218, %add3A_236 : vector<16xf32>
        %add3A_238 = arith.constant 2.000000e+00 : f32
        %add3A_239 = vector.broadcast %add3A_238 : f32 to vector<16xf32>
        %add3A_240 = arith.addf %add3A_239, %mul3A_237 : vector<16xf32>
        %mul3A_241 = arith.mulf %div3A_217, %add3A_240 : vector<16xf32>
        %max3A = arith.constant 0.000000e+00 : f32
        %max3A_242 = vector.broadcast %max3A : f32 to vector<16xf32>
        %max3A_243 = arith.maximumf %add3A_202, %max3A_242 : vector<16xf32>
        %add3A_244 = arith.addf %max3A_243, %mul3A_241 : vector<16xf32>
        %mul3A_245 = arith.mulf %div3A_209, %add3A_244 : vector<16xf32>
        %add3A_246 = arith.constant 0 : i32
        %add3A_247 = arith.addi %add3A_246, %scan3A_174 : i32
        %swap3A = arith.index_cast %add3A_247 : i32 to index
        %swap3A_248 = arith.constant 0 : index
        %swap3A_249 = tpu.vector_load %arg19[%swap3A, %swap3A_248] {strides = array<i32>} : memref<40x128xf32, #tpu.memory_space<vmem>>, vector<1x16xf32>,
        %swap3A_250 = vector.shape_cast %swap3A_249 : vector<1x16xf32> to vector<16xf32>
        %swap3A_251 = vector.shape_cast %mul3A_245 : vector<16xf32> to vector<1x16xf32>
        tpu.vector_store %arg19[%swap3A, %swap3A_248], %swap3A_251 {strides = array<i32>} : memref<40x128xf32, #tpu.memory_space<vmem>>, vector<1x16xf32>,
        %get3A_252 = arith.index_cast %scan3A_174 : i32 to index
        %get3A_253 = arith.constant 16 : index
        %get3A_254 = tpu.vector_load %arg16[%get3A_252, %get3A_253] {strides = array<i32>} : memref<40x128xf32, #tpu.memory_space<vmem>>, vector<1x16xf32>,
        %get3A_255 = vector.shape_cast %get3A_254 : vector<1x16xf32> to vector<16xf32>
        %get3A_256 = arith.index_cast %scan3A_174 : i32 to index
        %get3A_257 = arith.constant 16 : index
        %get3A_258 = tpu.vector_load %arg17[%get3A_256, %get3A_257] {strides = array<i32>} : memref<40x128xf32, #tpu.memory_space<vmem>>, vector<1x16xf32>,
        %get3A_259 = vector.shape_cast %get3A_258 : vector<1x16xf32> to vector<16xf32>
        %add3A_260 = arith.addf %get3A_255, %get3A_259 : vector<16xf32>
        %get3A_261 = arith.index_cast %scan3A_174 : i32 to index
        %get3A_262 = arith.constant 16 : index
        %get3A_263 = tpu.vector_load %arg18[%get3A_261, %get3A_262] {strides = array<i32>} : memref<40x128xf32, #tpu.memory_space<vmem>>, vector<1x16xf32>,
        %get3A_264 = vector.shape_cast %get3A_263 : vector<1x16xf32> to vector<16xf32>
        %add3A_265 = arith.addf %add3A_260, %get3A_264 : vector<16xf32>
        %get3A_266 = arith.index_cast %scan3A_174 : i32 to index
        %get3A_267 = arith.constant 80 : index
        %get3A_268 = tpu.vector_load %arg16[%get3A_266, %get3A_267] {strides = array<i32>} : memref<40x128xf32, #tpu.memory_space<vmem>>, vector<1x16xf32>,
        %get3A_269 = vector.shape_cast %get3A_268 : vector<1x16xf32> to vector<16xf32>
        %get3A_270 = arith.index_cast %scan3A_174 : i32 to index
        %get3A_271 = arith.constant 80 : index
        %get3A_272 = tpu.vector_load %arg17[%get3A_270, %get3A_271] {strides = array<i32>} : memref<40x128xf32, #tpu.memory_space<vmem>>, vector<1x16xf32>,
        %get3A_273 = vector.shape_cast %get3A_272 : vector<1x16xf32> to vector<16xf32>
        %add3A_274 = arith.addf %get3A_269, %get3A_273 : vector<16xf32>
        %get3A_275 = arith.index_cast %scan3A_174 : i32 to index
        %get3A_276 = arith.constant 80 : index
        %get3A_277 = tpu.vector_load %arg18[%get3A_275, %get3A_276] {strides = array<i32>} : memref<40x128xf32, #tpu.memory_space<vmem>>, vector<1x16xf32>,
        %get3A_278 = vector.shape_cast %get3A_277 : vector<1x16xf32> to vector<16xf32>
        %add3A_279 = arith.addf %add3A_274, %get3A_278 : vector<16xf32>
        %neg3A_280 = arith.constant 0.000000e+00 : f32
        %neg3A_281 = vector.broadcast %neg3A_280 : f32 to vector<16xf32>
        %neg3A_282 = arith.subf %neg3A_281, %add3A_265 : vector<16xf32>
        %exp3A_283 = math.exp %neg3A_282 : vector<16xf32>
        %add3A_284 = arith.constant 1.000000e+00 : f32
        %add3A_285 = vector.broadcast %add3A_284 : f32 to vector<16xf32>
        %add3A_286 = arith.addf %add3A_285, %exp3A_283 : vector<16xf32>
        %div3A_287 = arith.constant 1.000000e+00 : f32
        %div3A_288 = vector.broadcast %div3A_287 : f32 to vector<16xf32>
        %div3A_289 = arith.divf %div3A_288, %add3A_286 : vector<16xf32>
        %abs3A_290 = math.absf %add3A_279 : vector<16xf32>
        %neg3A_291 = arith.constant 0.000000e+00 : f32
        %neg3A_292 = vector.broadcast %neg3A_291 : f32 to vector<16xf32>
        %neg3A_293 = arith.subf %neg3A_292, %abs3A_290 : vector<16xf32>
        %exp3A_294 = math.exp %neg3A_293 : vector<16xf32>
        %add3A_295 = arith.constant 2.000000e+00 : f32
        %add3A_296 = vector.broadcast %add3A_295 : f32 to vector<16xf32>
        %add3A_297 = arith.addf %add3A_296, %exp3A_294 : vector<16xf32>
        %div3A_298 = arith.divf %exp3A_294, %add3A_297 : vector<16xf32>
        %mul3A_299 = arith.mulf %div3A_298, %div3A_298 : vector<16xf32>
        %mul3A_300 = arith.constant 0.181818187 : f32
        %mul3A_301 = vector.broadcast %mul3A_300 : f32 to vector<16xf32>
        %mul3A_302 = arith.mulf %mul3A_299, %mul3A_301 : vector<16xf32>
        %add3A_303 = arith.constant 0.222222224 : f32
        %add3A_304 = vector.broadcast %add3A_303 : f32 to vector<16xf32>
        %add3A_305 = arith.addf %add3A_304, %mul3A_302 : vector<16xf32>
        %mul3A_306 = arith.mulf %mul3A_299, %add3A_305 : vector<16xf32>
        %add3A_307 = arith.constant 0.285714298 : f32
        %add3A_308 = vector.broadcast %add3A_307 : f32 to vector<16xf32>
        %add3A_309 = arith.addf %add3A_308, %mul3A_306 : vector<16xf32>
        %mul3A_310 = arith.mulf %mul3A_299, %add3A_309 : vector<16xf32>
        %add3A_311 = arith.constant 4.000000e-01 : f32
        %add3A_312 = vector.broadcast %add3A_311 : f32 to vector<16xf32>
        %add3A_313 = arith.addf %add3A_312, %mul3A_310 : vector<16xf32>
        %mul3A_314 = arith.mulf %mul3A_299, %add3A_313 : vector<16xf32>
        %add3A_315 = arith.constant 0.666666686 : f32
        %add3A_316 = vector.broadcast %add3A_315 : f32 to vector<16xf32>
        %add3A_317 = arith.addf %add3A_316, %mul3A_314 : vector<16xf32>
        %mul3A_318 = arith.mulf %mul3A_299, %add3A_317 : vector<16xf32>
        %add3A_319 = arith.constant 2.000000e+00 : f32
        %add3A_320 = vector.broadcast %add3A_319 : f32 to vector<16xf32>
        %add3A_321 = arith.addf %add3A_320, %mul3A_318 : vector<16xf32>
        %mul3A_322 = arith.mulf %div3A_298, %add3A_321 : vector<16xf32>
        %max3A_323 = arith.constant 0.000000e+00 : f32
        %max3A_324 = vector.broadcast %max3A_323 : f32 to vector<16xf32>
        %max3A_325 = arith.maximumf %add3A_279, %max3A_324 : vector<16xf32>
        %add3A_326 = arith.addf %max3A_325, %mul3A_322 : vector<16xf32>
        %mul3A_327 = arith.mulf %div3A_289, %add3A_326 : vector<16xf32>
        %add3A_328 = arith.constant 0 : i32
        %add3A_329 = arith.addi %add3A_328, %scan3A_174 : i32
        %swap3A_330 = arith.index_cast %add3A_329 : i32 to index
        %swap3A_331 = arith.constant 16 : index
        %swap3A_332 = tpu.vector_load %arg19[%swap3A_330, %swap3A_331] {strides = array<i32>} : memref<40x128xf32, #tpu.memory_space<vmem>>, vector<1x16xf32>,
        %swap3A_333 = vector.shape_cast %swap3A_332 : vector<1x16xf32> to vector<16xf32>
        %swap3A_334 = vector.shape_cast %mul3A_327 : vector<16xf32> to vector<1x16xf32>
        tpu.vector_store %arg19[%swap3A_330, %swap3A_331], %swap3A_334 {strides = array<i32>} : memref<40x128xf32, #tpu.memory_space<vmem>>, vector<1x16xf32>,
        %get3A_335 = arith.index_cast %scan3A_174 : i32 to index
        %get3A_336 = arith.constant 32 : index
        %get3A_337 = tpu.vector_load %arg16[%get3A_335, %get3A_336] {strides = array<i32>} : memref<40x128xf32, #tpu.memory_space<vmem>>, vector<1x16xf32>,
        %get3A_338 = vector.shape_cast %get3A_337 : vector<1x16xf32> to vector<16xf32>
        %get3A_339 = arith.index_cast %scan3A_174 : i32 to index
        %get3A_340 = arith.constant 32 : index
        %get3A_341 = tpu.vector_load %arg17[%get3A_339, %get3A_340] {strides = array<i32>} : memref<40x128xf32, #tpu.memory_space<vmem>>, vector<1x16xf32>,
        %get3A_342 = vector.shape_cast %get3A_341 : vector<1x16xf32> to vector<16xf32>
        %add3A_343 = arith.addf %get3A_338, %get3A_342 : vector<16xf32>
        %get3A_344 = arith.index_cast %scan3A_174 : i32 to index
        %get3A_345 = arith.constant 32 : index
        %get3A_346 = tpu.vector_load %arg18[%get3A_344, %get3A_345] {strides = array<i32>} : memref<40x128xf32, #tpu.memory_space<vmem>>, vector<1x16xf32>,
        %get3A_347 = vector.shape_cast %get3A_346 : vector<1x16xf32> to vector<16xf32>
        %add3A_348 = arith.addf %add3A_343, %get3A_347 : vector<16xf32>
        %get3A_349 = arith.index_cast %scan3A_174 : i32 to index
        %get3A_350 = arith.constant 96 : index
        %get3A_351 = tpu.vector_load %arg16[%get3A_349, %get3A_350] {strides = array<i32>} : memref<40x128xf32, #tpu.memory_space<vmem>>, vector<1x16xf32>,
        %get3A_352 = vector.shape_cast %get3A_351 : vector<1x16xf32> to vector<16xf32>
        %get3A_353 = arith.index_cast %scan3A_174 : i32 to index
        %get3A_354 = arith.constant 96 : index
        %get3A_355 = tpu.vector_load %arg17[%get3A_353, %get3A_354] {strides = array<i32>} : memref<40x128xf32, #tpu.memory_space<vmem>>, vector<1x16xf32>,
        %get3A_356 = vector.shape_cast %get3A_355 : vector<1x16xf32> to vector<16xf32>
        %add3A_357 = arith.addf %get3A_352, %get3A_356 : vector<16xf32>
        %get3A_358 = arith.index_cast %scan3A_174 : i32 to index
        %get3A_359 = arith.constant 96 : index
        %get3A_360 = tpu.vector_load %arg18[%get3A_358, %get3A_359] {strides = array<i32>} : memref<40x128xf32, #tpu.memory_space<vmem>>, vector<1x16xf32>,
        %get3A_361 = vector.shape_cast %get3A_360 : vector<1x16xf32> to vector<16xf32>
        %add3A_362 = arith.addf %add3A_357, %get3A_361 : vector<16xf32>
        %neg3A_363 = arith.constant 0.000000e+00 : f32
        %neg3A_364 = vector.broadcast %neg3A_363 : f32 to vector<16xf32>
        %neg3A_365 = arith.subf %neg3A_364, %add3A_348 : vector<16xf32>
        %exp3A_366 = math.exp %neg3A_365 : vector<16xf32>
        %add3A_367 = arith.constant 1.000000e+00 : f32
        %add3A_368 = vector.broadcast %add3A_367 : f32 to vector<16xf32>
        %add3A_369 = arith.addf %add3A_368, %exp3A_366 : vector<16xf32>
        %div3A_370 = arith.constant 1.000000e+00 : f32
        %div3A_371 = vector.broadcast %div3A_370 : f32 to vector<16xf32>
        %div3A_372 = arith.divf %div3A_371, %add3A_369 : vector<16xf32>
        %abs3A_373 = math.absf %add3A_362 : vector<16xf32>
        %neg3A_374 = arith.constant 0.000000e+00 : f32
        %neg3A_375 = vector.broadcast %neg3A_374 : f32 to vector<16xf32>
        %neg3A_376 = arith.subf %neg3A_375, %abs3A_373 : vector<16xf32>
        %exp3A_377 = math.exp %neg3A_376 : vector<16xf32>
        %add3A_378 = arith.constant 2.000000e+00 : f32
        %add3A_379 = vector.broadcast %add3A_378 : f32 to vector<16xf32>
        %add3A_380 = arith.addf %add3A_379, %exp3A_377 : vector<16xf32>
        %div3A_381 = arith.divf %exp3A_377, %add3A_380 : vector<16xf32>
        %mul3A_382 = arith.mulf %div3A_381, %div3A_381 : vector<16xf32>
        %mul3A_383 = arith.constant 0.181818187 : f32
        %mul3A_384 = vector.broadcast %mul3A_383 : f32 to vector<16xf32>
        %mul3A_385 = arith.mulf %mul3A_382, %mul3A_384 : vector<16xf32>
        %add3A_386 = arith.constant 0.222222224 : f32
        %add3A_387 = vector.broadcast %add3A_386 : f32 to vector<16xf32>
        %add3A_388 = arith.addf %add3A_387, %mul3A_385 : vector<16xf32>
        %mul3A_389 = arith.mulf %mul3A_382, %add3A_388 : vector<16xf32>
        %add3A_390 = arith.constant 0.285714298 : f32
        %add3A_391 = vector.broadcast %add3A_390 : f32 to vector<16xf32>
        %add3A_392 = arith.addf %add3A_391, %mul3A_389 : vector<16xf32>
        %mul3A_393 = arith.mulf %mul3A_382, %add3A_392 : vector<16xf32>
        %add3A_394 = arith.constant 4.000000e-01 : f32
        %add3A_395 = vector.broadcast %add3A_394 : f32 to vector<16xf32>
        %add3A_396 = arith.addf %add3A_395, %mul3A_393 : vector<16xf32>
        %mul3A_397 = arith.mulf %mul3A_382, %add3A_396 : vector<16xf32>
        %add3A_398 = arith.constant 0.666666686 : f32
        %add3A_399 = vector.broadcast %add3A_398 : f32 to vector<16xf32>
        %add3A_400 = arith.addf %add3A_399, %mul3A_397 : vector<16xf32>
        %mul3A_401 = arith.mulf %mul3A_382, %add3A_400 : vector<16xf32>
        %add3A_402 = arith.constant 2.000000e+00 : f32
        %add3A_403 = vector.broadcast %add3A_402 : f32 to vector<16xf32>
        %add3A_404 = arith.addf %add3A_403, %mul3A_401 : vector<16xf32>
        %mul3A_405 = arith.mulf %div3A_381, %add3A_404 : vector<16xf32>
        %max3A_406 = arith.constant 0.000000e+00 : f32
        %max3A_407 = vector.broadcast %max3A_406 : f32 to vector<16xf32>
        %max3A_408 = arith.maximumf %add3A_362, %max3A_407 : vector<16xf32>
        %add3A_409 = arith.addf %max3A_408, %mul3A_405 : vector<16xf32>
        %mul3A_410 = arith.mulf %div3A_372, %add3A_409 : vector<16xf32>
        %add3A_411 = arith.constant 0 : i32
        %add3A_412 = arith.addi %add3A_411, %scan3A_174 : i32
        %swap3A_413 = arith.index_cast %add3A_412 : i32 to index
        %swap3A_414 = arith.constant 32 : index
        %swap3A_415 = tpu.vector_load %arg19[%swap3A_413, %swap3A_414] {strides = array<i32>} : memref<40x128xf32, #tpu.memory_space<vmem>>, vector<1x16xf32>,
        %swap3A_416 = vector.shape_cast %swap3A_415 : vector<1x16xf32> to vector<16xf32>
        %swap3A_417 = vector.shape_cast %mul3A_410 : vector<16xf32> to vector<1x16xf32>
        tpu.vector_store %arg19[%swap3A_413, %swap3A_414], %swap3A_417 {strides = array<i32>} : memref<40x128xf32, #tpu.memory_space<vmem>>, vector<1x16xf32>,
        %get3A_418 = arith.index_cast %scan3A_174 : i32 to index
        %get3A_419 = arith.constant 48 : index
        %get3A_420 = tpu.vector_load %arg16[%get3A_418, %get3A_419] {strides = array<i32>} : memref<40x128xf32, #tpu.memory_space<vmem>>, vector<1x16xf32>,
        %get3A_421 = vector.shape_cast %get3A_420 : vector<1x16xf32> to vector<16xf32>
        %get3A_422 = arith.index_cast %scan3A_174 : i32 to index
        %get3A_423 = arith.constant 48 : index
        %get3A_424 = tpu.vector_load %arg17[%get3A_422, %get3A_423] {strides = array<i32>} : memref<40x128xf32, #tpu.memory_space<vmem>>, vector<1x16xf32>,
        %get3A_425 = vector.shape_cast %get3A_424 : vector<1x16xf32> to vector<16xf32>
        %add3A_426 = arith.addf %get3A_421, %get3A_425 : vector<16xf32>
        %get3A_427 = arith.index_cast %scan3A_174 : i32 to index
        %get3A_428 = arith.constant 48 : index
        %get3A_429 = tpu.vector_load %arg18[%get3A_427, %get3A_428] {strides = array<i32>} : memref<40x128xf32, #tpu.memory_space<vmem>>, vector<1x16xf32>,
        %get3A_430 = vector.shape_cast %get3A_429 : vector<1x16xf32> to vector<16xf32>
        %add3A_431 = arith.addf %add3A_426, %get3A_430 : vector<16xf32>
        %get3A_432 = arith.index_cast %scan3A_174 : i32 to index
        %get3A_433 = arith.constant 112 : index
        %get3A_434 = tpu.vector_load %arg16[%get3A_432, %get3A_433] {strides = array<i32>} : memref<40x128xf32, #tpu.memory_space<vmem>>, vector<1x16xf32>,
        %get3A_435 = vector.shape_cast %get3A_434 : vector<1x16xf32> to vector<16xf32>
        %get3A_436 = arith.index_cast %scan3A_174 : i32 to index
        %get3A_437 = arith.constant 112 : index
        %get3A_438 = tpu.vector_load %arg17[%get3A_436, %get3A_437] {strides = array<i32>} : memref<40x128xf32, #tpu.memory_space<vmem>>, vector<1x16xf32>,
        %get3A_439 = vector.shape_cast %get3A_438 : vector<1x16xf32> to vector<16xf32>
        %add3A_440 = arith.addf %get3A_435, %get3A_439 : vector<16xf32>
        %get3A_441 = arith.index_cast %scan3A_174 : i32 to index
        %get3A_442 = arith.constant 112 : index
        %get3A_443 = tpu.vector_load %arg18[%get3A_441, %get3A_442] {strides = array<i32>} : memref<40x128xf32, #tpu.memory_space<vmem>>, vector<1x16xf32>,
        %get3A_444 = vector.shape_cast %get3A_443 : vector<1x16xf32> to vector<16xf32>
        %add3A_445 = arith.addf %add3A_440, %get3A_444 : vector<16xf32>
        %neg3A_446 = arith.constant 0.000000e+00 : f32
        %neg3A_447 = vector.broadcast %neg3A_446 : f32 to vector<16xf32>
        %neg3A_448 = arith.subf %neg3A_447, %add3A_431 : vector<16xf32>
        %exp3A_449 = math.exp %neg3A_448 : vector<16xf32>
        %add3A_450 = arith.constant 1.000000e+00 : f32
        %add3A_451 = vector.broadcast %add3A_450 : f32 to vector<16xf32>
        %add3A_452 = arith.addf %add3A_451, %exp3A_449 : vector<16xf32>
        %div3A_453 = arith.constant 1.000000e+00 : f32
        %div3A_454 = vector.broadcast %div3A_453 : f32 to vector<16xf32>
        %div3A_455 = arith.divf %div3A_454, %add3A_452 : vector<16xf32>
        %abs3A_456 = math.absf %add3A_445 : vector<16xf32>
        %neg3A_457 = arith.constant 0.000000e+00 : f32
        %neg3A_458 = vector.broadcast %neg3A_457 : f32 to vector<16xf32>
        %neg3A_459 = arith.subf %neg3A_458, %abs3A_456 : vector<16xf32>
        %exp3A_460 = math.exp %neg3A_459 : vector<16xf32>
        %add3A_461 = arith.constant 2.000000e+00 : f32
        %add3A_462 = vector.broadcast %add3A_461 : f32 to vector<16xf32>
        %add3A_463 = arith.addf %add3A_462, %exp3A_460 : vector<16xf32>
        %div3A_464 = arith.divf %exp3A_460, %add3A_463 : vector<16xf32>
        %mul3A_465 = arith.mulf %div3A_464, %div3A_464 : vector<16xf32>
        %mul3A_466 = arith.constant 0.181818187 : f32
        %mul3A_467 = vector.broadcast %mul3A_466 : f32 to vector<16xf32>
        %mul3A_468 = arith.mulf %mul3A_465, %mul3A_467 : vector<16xf32>
        %add3A_469 = arith.constant 0.222222224 : f32
        %add3A_470 = vector.broadcast %add3A_469 : f32 to vector<16xf32>
        %add3A_471 = arith.addf %add3A_470, %mul3A_468 : vector<16xf32>
        %mul3A_472 = arith.mulf %mul3A_465, %add3A_471 : vector<16xf32>
        %add3A_473 = arith.constant 0.285714298 : f32
        %add3A_474 = vector.broadcast %add3A_473 : f32 to vector<16xf32>
        %add3A_475 = arith.addf %add3A_474, %mul3A_472 : vector<16xf32>
        %mul3A_476 = arith.mulf %mul3A_465, %add3A_475 : vector<16xf32>
        %add3A_477 = arith.constant 4.000000e-01 : f32
        %add3A_478 = vector.broadcast %add3A_477 : f32 to vector<16xf32>
        %add3A_479 = arith.addf %add3A_478, %mul3A_476 : vector<16xf32>
        %mul3A_480 = arith.mulf %mul3A_465, %add3A_479 : vector<16xf32>
        %add3A_481 = arith.constant 0.666666686 : f32
        %add3A_482 = vector.broadcast %add3A_481 : f32 to vector<16xf32>
        %add3A_483 = arith.addf %add3A_482, %mul3A_480 : vector<16xf32>
        %mul3A_484 = arith.mulf %mul3A_465, %add3A_483 : vector<16xf32>
        %add3A_485 = arith.constant 2.000000e+00 : f32
        %add3A_486 = vector.broadcast %add3A_485 : f32 to vector<16xf32>
        %add3A_487 = arith.addf %add3A_486, %mul3A_484 : vector<16xf32>
        %mul3A_488 = arith.mulf %div3A_464, %add3A_487 : vector<16xf32>
        %max3A_489 = arith.constant 0.000000e+00 : f32
        %max3A_490 = vector.broadcast %max3A_489 : f32 to vector<16xf32>
        %max3A_491 = arith.maximumf %add3A_445, %max3A_490 : vector<16xf32>
        %add3A_492 = arith.addf %max3A_491, %mul3A_488 : vector<16xf32>
        %mul3A_493 = arith.mulf %div3A_455, %add3A_492 : vector<16xf32>
        %add3A_494 = arith.constant 0 : i32
        %add3A_495 = arith.addi %add3A_494, %scan3A_174 : i32
        %swap3A_496 = arith.index_cast %add3A_495 : i32 to index
        %swap3A_497 = arith.constant 48 : index
        %swap3A_498 = tpu.vector_load %arg19[%swap3A_496, %swap3A_497] {strides = array<i32>} : memref<40x128xf32, #tpu.memory_space<vmem>>, vector<1x16xf32>,
        %swap3A_499 = vector.shape_cast %swap3A_498 : vector<1x16xf32> to vector<16xf32>
        %swap3A_500 = vector.shape_cast %mul3A_493 : vector<16xf32> to vector<1x16xf32>
        tpu.vector_store %arg19[%swap3A_496, %swap3A_497], %swap3A_500 {strides = array<i32>} : memref<40x128xf32, #tpu.memory_space<vmem>>, vector<1x16xf32>,
        %scan3A_501 = arith.constant 0 : i32
        scf.yield %scan3A_501 : i32
      }
      %scan3A_164 = arith.constant 40 : i32
      "tpu.region"() ({
        %run_scoped3A = tpu.sem_alloc : memref<!tpu.dma_semaphore, #tpu.memory_space<semaphore_mem>>
        %dma_start3A_174 = arith.constant 0 : i32
        %dma_start3A_175 = arith.constant 0 : i32
        %dma_start3A_176 = tpu.memref_slice %arg20[%dma_start3A_174, %dma_start3A_175] : memref<10240x128xf32, #tpu.memory_space<vmem_shared>> -> memref<10240x128xf32, #tpu.memory_space<vmem_shared>>
        tpu.enqueue_indirect_dma source(%arg19 : memref<40x128xf32, #tpu.memory_space<vmem>>) target(%dma_start3A_176 : memref<10240x128xf32, #tpu.memory_space<vmem_shared>>) offsets(%arg11 : memref<40xi32, #tpu.memory_space<vmem>>) semaphore(%run_scoped3A : memref<!tpu.dma_semaphore, #tpu.memory_space<semaphore_mem>>) {add = true}
        %dma_wait3A_177 = arith.constant 0 : i32
        %dma_wait3A_178 = arith.constant 0 : i32
        %dma_wait3A_179 = tpu.memref_slice %arg20[%dma_wait3A_177, %dma_wait3A_178] : memref<10240x128xf32, #tpu.memory_space<vmem_shared>> -> memref<10240x128xf32, #tpu.memory_space<vmem_shared>>
        tpu.wait_indirect_dma semaphore(%run_scoped3A : memref<!tpu.dma_semaphore, #tpu.memory_space<semaphore_mem>>) src(%arg19 : memref<40x128xf32, #tpu.memory_space<vmem>>) dst(%dma_wait3A_179 : memref<10240x128xf32, #tpu.memory_space<vmem_shared>>)
        tpu.yield
      }) : () -> ()
      %add3A_165 = arith.constant 120 : i32
      %add3A_166 = arith.addi %add3A_74, %add3A_165 : i32
      %min3A_167 = arith.constant 639960 : i32
      %min3A_168 = arith.minsi %add3A_166, %min3A_167 : i32
      %dma_start3A_169 = tpu.memref_slice %arg5[%min3A_168] : memref<640000xi32, #tpu.memory_space<hbm>> -> memref<40xi32, #tpu.memory_space<hbm>>
      %dma_start3A_170 = tpu.memref_slice %arg5[%min3A_168] : memref<640000xi32, #tpu.memory_space<hbm>> -> memref<40xi32, #tpu.memory_space<hbm>>
      tpu.enqueue_dma source(%dma_start3A_170 : memref<40xi32, #tpu.memory_space<hbm>>) target(%arg11 : memref<40xi32, #tpu.memory_space<vmem>>) target_semaphore(%arg22 : memref<!tpu.dma_semaphore, #tpu.memory_space<semaphore_mem>>)
      %dma_start3A_171 = tpu.memref_slice %arg6[%min3A_168] : memref<640000xi32, #tpu.memory_space<hbm>> -> memref<40xi32, #tpu.memory_space<hbm>>
      %dma_start3A_172 = tpu.memref_slice %arg6[%min3A_168] : memref<640000xi32, #tpu.memory_space<hbm>> -> memref<40xi32, #tpu.memory_space<hbm>>
      tpu.enqueue_dma source(%dma_start3A_172 : memref<40xi32, #tpu.memory_space<hbm>>) target(%arg12 : memref<40xi32, #tpu.memory_space<vmem>>) target_semaphore(%arg22 : memref<!tpu.dma_semaphore, #tpu.memory_space<semaphore_mem>>)
      %scan3A_173 = arith.constant 0 : i32
      scf.yield %scan3A_173 : i32
    }
    %scan3A_48 = arith.constant 250 : i32
    %dma_wait3A_49 = arith.constant 0 : i32
    %dma_wait3A_50 = arith.constant 0 : i32
    %dma_wait3A_51 = tpu.memref_slice %arg2[%dma_wait3A_49, %dma_wait3A_50] : memref<10240x128xf32, #tpu.memory_space<hbm>> -> memref<10240x128xf32, #tpu.memory_space<hbm>>
    tpu.wait_indirect_dma semaphore(%arg23 : memref<!tpu.dma_semaphore, #tpu.memory_space<semaphore_mem>>) src(%dma_wait3A_51 : memref<10240x128xf32, #tpu.memory_space<hbm>>) dst(%arg13 : memref<40x128xf32, #tpu.memory_space<vmem>>)
    %dma_wait3A_52 = arith.constant 0 : i32
    %dma_wait3A_53 = arith.constant 0 : i32
    %dma_wait3A_54 = tpu.memref_slice %arg3[%dma_wait3A_52, %dma_wait3A_53] : memref<10240x128xf32, #tpu.memory_space<hbm>> -> memref<10240x128xf32, #tpu.memory_space<hbm>>
    tpu.wait_indirect_dma semaphore(%arg24 : memref<!tpu.dma_semaphore, #tpu.memory_space<semaphore_mem>>) src(%dma_wait3A_54 : memref<10240x128xf32, #tpu.memory_space<hbm>>) dst(%arg14 : memref<40x128xf32, #tpu.memory_space<vmem>>)
    %dma_wait3A_55 = arith.constant 0 : i32
    %dma_wait3A_56 = arith.constant 0 : i32
    %dma_wait3A_57 = tpu.memref_slice %arg4[%dma_wait3A_55, %dma_wait3A_56] : memref<640000x128xf32, #tpu.memory_space<hbm>> -> memref<40x128xf32, #tpu.memory_space<hbm>>
    %dma_wait3A_58 = arith.constant 0 : i32
    %dma_wait3A_59 = arith.constant 0 : i32
    %dma_wait3A_60 = tpu.memref_slice %arg4[%dma_wait3A_58, %dma_wait3A_59] : memref<640000x128xf32, #tpu.memory_space<hbm>> -> memref<40x128xf32, #tpu.memory_space<hbm>>
    tpu.wait_dma2 semaphore(%arg25 : memref<!tpu.dma_semaphore, #tpu.memory_space<semaphore_mem>>) src(%dma_wait3A_60 : memref<40x128xf32, #tpu.memory_space<hbm>>) dst(%arg15 : memref<40x128xf32, #tpu.memory_space<vmem>>)
    %dma_wait3A_61 = arith.constant 0 : i32
    %dma_wait3A_62 = tpu.memref_slice %arg5[%dma_wait3A_61] : memref<640000xi32, #tpu.memory_space<hbm>> -> memref<40xi32, #tpu.memory_space<hbm>>
    %dma_wait3A_63 = arith.constant 0 : i32
    %dma_wait3A_64 = tpu.memref_slice %arg5[%dma_wait3A_63] : memref<640000xi32, #tpu.memory_space<hbm>> -> memref<40xi32, #tpu.memory_space<hbm>>
    tpu.wait_dma2 semaphore(%arg22 : memref<!tpu.dma_semaphore, #tpu.memory_space<semaphore_mem>>) src(%dma_wait3A_64 : memref<40xi32, #tpu.memory_space<hbm>>) dst(%arg11 : memref<40xi32, #tpu.memory_space<vmem>>)
    %dma_wait3A_65 = arith.constant 0 : i32
    %dma_wait3A_66 = tpu.memref_slice %arg6[%dma_wait3A_65] : memref<640000xi32, #tpu.memory_space<hbm>> -> memref<40xi32, #tpu.memory_space<hbm>>
    %dma_wait3A_67 = arith.constant 0 : i32
    %dma_wait3A_68 = tpu.memref_slice %arg6[%dma_wait3A_67] : memref<640000xi32, #tpu.memory_space<hbm>> -> memref<40xi32, #tpu.memory_space<hbm>>
    tpu.wait_dma2 semaphore(%arg22 : memref<!tpu.dma_semaphore, #tpu.memory_space<semaphore_mem>>) src(%dma_wait3A_68 : memref<40xi32, #tpu.memory_space<hbm>>) dst(%arg12 : memref<40xi32, #tpu.memory_space<vmem>>)
    %barrier3A_69 = arith.constant 0 : index
    tpu.barrier barrier_id(%barrier3A_69)
    "tpu.region"() ({
      %run_scoped3A = tpu.sem_alloc : memref<!tpu.dma_semaphore, #tpu.memory_space<semaphore_mem>>
      %dma_start3A_70 = arith.constant 0 : i32
      %dma_start3A_71 = tpu.memref_slice %arg8[%arg0, %mul3A_10, %dma_start3A_70] : memref<2x10240x128xf32, #tpu.memory_space<hbm>> -> memref<1x640x128xf32, #tpu.memory_space<hbm>>
      %dma_start3A_72 = tpu.memref_squeeze %dma_start3A_71 : memref<1x640x128xf32, #tpu.memory_space<hbm>> -> memref<640x128xf32, #tpu.memory_space<hbm>>
      %dma_start3A_73 = arith.constant 0 : i32
      %dma_start3A_74 = tpu.memref_slice %arg20[%mul3A_10, %dma_start3A_73] : memref<10240x128xf32, #tpu.memory_space<vmem_shared>> -> memref<640x128xf32, #tpu.memory_space<vmem_shared>>
      tpu.enqueue_dma source(%dma_start3A_74 : memref<640x128xf32, #tpu.memory_space<vmem_shared>>) target(%dma_start3A_72 : memref<640x128xf32, #tpu.memory_space<hbm>>) target_semaphore(%run_scoped3A : memref<!tpu.dma_semaphore, #tpu.memory_space<semaphore_mem>>)
      %dma_wait3A_75 = arith.constant 0 : i32
      %dma_wait3A_76 = tpu.memref_slice %arg8[%arg0, %mul3A_10, %dma_wait3A_75] : memref<2x10240x128xf32, #tpu.memory_space<hbm>> -> memref<1x640x128xf32, #tpu.memory_space<hbm>>
      %dma_wait3A_77 = tpu.memref_squeeze %dma_wait3A_76 : memref<1x640x128xf32, #tpu.memory_space<hbm>> -> memref<640x128xf32, #tpu.memory_space<hbm>>
      %dma_wait3A_78 = arith.constant 0 : i32
      %dma_wait3A_79 = tpu.memref_slice %arg20[%mul3A_10, %dma_wait3A_78] : memref<10240x128xf32, #tpu.memory_space<vmem_shared>> -> memref<640x128xf32, #tpu.memory_space<vmem_shared>>
      tpu.wait_dma2 semaphore(%run_scoped3A : memref<!tpu.dma_semaphore, #tpu.memory_space<semaphore_mem>>) src(%dma_wait3A_79 : memref<640x128xf32, #tpu.memory_space<vmem_shared>>) dst(%dma_wait3A_77 : memref<640x128xf32, #tpu.memory_space<hbm>>)
      tpu.yield
    }) : () -> ()
    return
  }
}

module attributes {stable_mosaic.version = 14 : i64} {
  func.func @_embed_body(%arg0: i32, %arg1: memref<2048x128xf32, #tpu.memory_space<vmem>>, %arg2: memref<128x64xf32, #tpu.memory_space<vmem>>, %arg3: memref<1x64xf32, #tpu.memory_space<vmem>>, %arg4: memref<64x128xf32, #tpu.memory_space<vmem>>, %arg5: memref<1x128xf32, #tpu.memory_space<vmem>>, %arg6: memref<64x128xf32, #tpu.memory_space<vmem>>, %arg7: memref<2048x64xf32, #tpu.memory_space<vmem>>, %arg8: memref<2048x128xf32, #tpu.memory_space<vmem>>, %arg9: memref<2048x128xf32, #tpu.memory_space<vmem>>) attributes {dimension_semantics = [#tpu.dimension_semantics<arbitrary>], iteration_bounds = array<i64: 5>, scalar_prefetch = 0 : i64, scratch_operands = 0 : i64, tpu.core_type = #tpu.core_type<tc>, window_params = [{transform_indices = @transform_0, window_bounds = array<i64: 2048, 128>}, {pipeline_mode = #tpu.pipeline_mode<synchronous>, transform_indices = @transform_1, window_bounds = array<i64: 128, 64>}, {pipeline_mode = #tpu.pipeline_mode<synchronous>, transform_indices = @transform_2, window_bounds = array<i64: 1, 64>}, {pipeline_mode = #tpu.pipeline_mode<synchronous>, transform_indices = @transform_3, window_bounds = array<i64: 64, 128>}, {pipeline_mode = #tpu.pipeline_mode<synchronous>, transform_indices = @transform_4, window_bounds = array<i64: 1, 128>}, {pipeline_mode = #tpu.pipeline_mode<synchronous>, transform_indices = @transform_5, window_bounds = array<i64: 64, 128>}, {transform_indices = @transform_6, window_bounds = array<i64: 2048, 64>}, {transform_indices = @transform_7, window_bounds = array<i64: 2048, 128>}, {transform_indices = @transform_8, window_bounds = array<i64: 2048, 128>}]} {
    %get3A = arith.constant 0 : index
    %get3A_0 = arith.constant 0 : index
    %get3A_1 = vector.load %arg1[%get3A, %get3A_0] : memref<2048x128xf32, #tpu.memory_space<vmem>>, vector<2048x128xf32>
    %get3A_2 = arith.constant 0 : index
    %get3A_3 = arith.constant 0 : index
    %get3A_4 = vector.load %arg2[%get3A_2, %get3A_3] : memref<128x64xf32, #tpu.memory_space<vmem>>, vector<128x64xf32>
    %dot_general3A = arith.constant dense<0.000000e+00> : vector<2048x64xf32>
    %dot_general3A_5 = tpu.matmul %get3A_1, %get3A_4, %dot_general3A {dimension_numbers = #tpu.dot_dimension_numbers<[1], [0], [0], [1], [0, 0, 1, 1], [], []>, transpose_lhs_hint = false} : vector<2048x128xf32>, vector<128x64xf32>, vector<2048x64xf32> -> vector<2048x64xf32>
    %get3A_6 = arith.constant 0 : index
    %get3A_7 = arith.constant 0 : index
    %get3A_8 = vector.load %arg3[%get3A_6, %get3A_7] : memref<1x64xf32, #tpu.memory_space<vmem>>, vector<1x64xf32>
    %add3A = vector.broadcast %get3A_8 : vector<1x64xf32> to vector<2048x64xf32>
    %add3A_9 = arith.addf %dot_general3A_5, %add3A : vector<2048x64xf32>
    %max3A = arith.constant 0.000000e+00 : f32
    %max3A_10 = vector.broadcast %max3A : f32 to vector<2048x64xf32>
    %max3A_11 = arith.maximumf %add3A_9, %max3A_10 : vector<2048x64xf32>
    %swap3A = arith.constant 0 : index
    %swap3A_12 = arith.constant 0 : index
    %swap3A_13 = vector.load %arg7[%swap3A, %swap3A_12] : memref<2048x64xf32, #tpu.memory_space<vmem>>, vector<2048x64xf32>
    tpu.vector_store %arg7[%swap3A, %swap3A_12], %max3A_11 {strides = array<i32>} : memref<2048x64xf32, #tpu.memory_space<vmem>>, vector<2048x64xf32>,
    %get3A_14 = arith.constant 0 : index
    %get3A_15 = arith.constant 0 : index
    %get3A_16 = vector.load %arg4[%get3A_14, %get3A_15] : memref<64x128xf32, #tpu.memory_space<vmem>>, vector<64x128xf32>
    %dot_general3A_17 = arith.constant dense<0.000000e+00> : vector<2048x128xf32>
    %dot_general3A_18 = tpu.matmul %max3A_11, %get3A_16, %dot_general3A_17 {dimension_numbers = #tpu.dot_dimension_numbers<[1], [0], [0], [1], [0, 0, 1, 1], [], []>, transpose_lhs_hint = false} : vector<2048x64xf32>, vector<64x128xf32>, vector<2048x128xf32> -> vector<2048x128xf32>
    %get3A_19 = arith.constant 0 : index
    %get3A_20 = arith.constant 0 : index
    %get3A_21 = vector.load %arg5[%get3A_19, %get3A_20] : memref<1x128xf32, #tpu.memory_space<vmem>>, vector<1x128xf32>
    %add3A_22 = vector.broadcast %get3A_21 : vector<1x128xf32> to vector<2048x128xf32>
    %add3A_23 = arith.addf %dot_general3A_18, %add3A_22 : vector<2048x128xf32>
    %swap3A_24 = arith.constant 0 : index
    %swap3A_25 = arith.constant 0 : index
    %swap3A_26 = vector.load %arg8[%swap3A_24, %swap3A_25] : memref<2048x128xf32, #tpu.memory_space<vmem>>, vector<2048x128xf32>
    tpu.vector_store %arg8[%swap3A_24, %swap3A_25], %add3A_23 {strides = array<i32>} : memref<2048x128xf32, #tpu.memory_space<vmem>>, vector<2048x128xf32>,
    %get3A_27 = arith.constant 0 : index
    %get3A_28 = arith.constant 0 : index
    %get3A_29 = vector.load %arg6[%get3A_27, %get3A_28] : memref<64x128xf32, #tpu.memory_space<vmem>>, vector<64x128xf32>
    %dot_general3A_30 = arith.constant dense<0.000000e+00> : vector<2048x128xf32>
    %dot_general3A_31 = tpu.matmul %max3A_11, %get3A_29, %dot_general3A_30 {dimension_numbers = #tpu.dot_dimension_numbers<[1], [0], [0], [1], [0, 0, 1, 1], [], []>, transpose_lhs_hint = false} : vector<2048x64xf32>, vector<64x128xf32>, vector<2048x128xf32> -> vector<2048x128xf32>
    %swap3A_32 = arith.constant 0 : index
    %swap3A_33 = arith.constant 0 : index
    %swap3A_34 = vector.load %arg9[%swap3A_32, %swap3A_33] : memref<2048x128xf32, #tpu.memory_space<vmem>>, vector<2048x128xf32>
    tpu.vector_store %arg9[%swap3A_32, %swap3A_33], %dot_general3A_31 {strides = array<i32>} : memref<2048x128xf32, #tpu.memory_space<vmem>>, vector<2048x128xf32>,
    return
  }
  func.func @transform_0(%arg0: i32) -> (i32, i32) {
    %c0_i32 = arith.constant 0 : i32
    %c0_i32_0 = arith.constant 0 : i32
    return %arg0, %c0_i32 : i32, i32
  }
  func.func @transform_1(%arg0: i32) -> (i32, i32) {
    %c0_i32 = arith.constant 0 : i32
    %c0_i32_0 = arith.constant 0 : i32
    %c0_i32_1 = arith.constant 0 : i32
    return %c0_i32, %c0_i32_0 : i32, i32
  }
  func.func @transform_2(%arg0: i32) -> (i32, i32) {
    %c0_i32 = arith.constant 0 : i32
    %c0_i32_0 = arith.constant 0 : i32
    %c0_i32_1 = arith.constant 0 : i32
    return %c0_i32, %c0_i32_0 : i32, i32
  }
  func.func @transform_3(%arg0: i32) -> (i32, i32) {
    %c0_i32 = arith.constant 0 : i32
    %c0_i32_0 = arith.constant 0 : i32
    %c0_i32_1 = arith.constant 0 : i32
    return %c0_i32, %c0_i32_0 : i32, i32
  }
  func.func @transform_4(%arg0: i32) -> (i32, i32) {
    %c0_i32 = arith.constant 0 : i32
    %c0_i32_0 = arith.constant 0 : i32
    %c0_i32_1 = arith.constant 0 : i32
    return %c0_i32, %c0_i32_0 : i32, i32
  }
  func.func @transform_5(%arg0: i32) -> (i32, i32) {
    %c0_i32 = arith.constant 0 : i32
    %c0_i32_0 = arith.constant 0 : i32
    %c0_i32_1 = arith.constant 0 : i32
    return %c0_i32, %c0_i32_0 : i32, i32
  }
  func.func @transform_6(%arg0: i32) -> (i32, i32) {
    %c0_i32 = arith.constant 0 : i32
    %c0_i32_0 = arith.constant 0 : i32
    return %arg0, %c0_i32 : i32, i32
  }
  func.func @transform_7(%arg0: i32) -> (i32, i32) {
    %c0_i32 = arith.constant 0 : i32
    %c0_i32_0 = arith.constant 0 : i32
    return %arg0, %c0_i32 : i32, i32
  }
  func.func @transform_8(%arg0: i32) -> (i32, i32) {
    %c0_i32 = arith.constant 0 : i32
    %c0_i32_0 = arith.constant 0 : i32
    return %arg0, %c0_i32 : i32, i32
  }
}

module attributes {stable_mosaic.version = 14 : i64} {
  func.func @_edgeproj_body(%arg0: i32, %arg1: memref<8192x16xf32, #tpu.memory_space<vmem>>, %arg2: memref<16x128xf32, #tpu.memory_space<vmem>>, %arg3: memref<16x128xf32, #tpu.memory_space<vmem>>, %arg4: memref<8192x128xf32, #tpu.memory_space<vmem>>, %arg5: memref<8192x128xf32, #tpu.memory_space<vmem>>) attributes {dimension_semantics = [#tpu.dimension_semantics<arbitrary>], iteration_bounds = array<i64: 78>, scalar_prefetch = 0 : i64, scratch_operands = 0 : i64, tpu.core_type = #tpu.core_type<tc>, window_params = [{transform_indices = @transform_0, window_bounds = array<i64: 8192, 16>}, {pipeline_mode = #tpu.pipeline_mode<synchronous>, transform_indices = @transform_1, window_bounds = array<i64: 16, 128>}, {pipeline_mode = #tpu.pipeline_mode<synchronous>, transform_indices = @transform_2, window_bounds = array<i64: 16, 128>}, {transform_indices = @transform_3, window_bounds = array<i64: 8192, 128>}, {transform_indices = @transform_4, window_bounds = array<i64: 8192, 128>}]} {
    %get3A = arith.constant 0 : index
    %get3A_0 = arith.constant 0 : index
    %get3A_1 = vector.load %arg1[%get3A, %get3A_0] : memref<8192x16xf32, #tpu.memory_space<vmem>>, vector<8192x16xf32>
    %get3A_2 = arith.constant 0 : index
    %get3A_3 = arith.constant 0 : index
    %get3A_4 = vector.load %arg2[%get3A_2, %get3A_3] : memref<16x128xf32, #tpu.memory_space<vmem>>, vector<16x128xf32>
    %dot_general3A = arith.constant dense<0.000000e+00> : vector<8192x128xf32>
    %dot_general3A_5 = tpu.matmul %get3A_1, %get3A_4, %dot_general3A {dimension_numbers = #tpu.dot_dimension_numbers<[1], [0], [0], [1], [0, 0, 1, 1], [], []>, transpose_lhs_hint = false} : vector<8192x16xf32>, vector<16x128xf32>, vector<8192x128xf32> -> vector<8192x128xf32>
    %swap3A = arith.constant 0 : index
    %swap3A_6 = arith.constant 0 : index
    %swap3A_7 = vector.load %arg4[%swap3A, %swap3A_6] : memref<8192x128xf32, #tpu.memory_space<vmem>>, vector<8192x128xf32>
    tpu.vector_store %arg4[%swap3A, %swap3A_6], %dot_general3A_5 {strides = array<i32>} : memref<8192x128xf32, #tpu.memory_space<vmem>>, vector<8192x128xf32>,
    %get3A_8 = arith.constant 0 : index
    %get3A_9 = arith.constant 0 : index
    %get3A_10 = vector.load %arg3[%get3A_8, %get3A_9] : memref<16x128xf32, #tpu.memory_space<vmem>>, vector<16x128xf32>
    %dot_general3A_11 = arith.constant dense<0.000000e+00> : vector<8192x128xf32>
    %dot_general3A_12 = tpu.matmul %get3A_1, %get3A_10, %dot_general3A_11 {dimension_numbers = #tpu.dot_dimension_numbers<[1], [0], [0], [1], [0, 0, 1, 1], [], []>, transpose_lhs_hint = false} : vector<8192x16xf32>, vector<16x128xf32>, vector<8192x128xf32> -> vector<8192x128xf32>
    %swap3A_13 = arith.constant 0 : index
    %swap3A_14 = arith.constant 0 : index
    %swap3A_15 = vector.load %arg5[%swap3A_13, %swap3A_14] : memref<8192x128xf32, #tpu.memory_space<vmem>>, vector<8192x128xf32>
    tpu.vector_store %arg5[%swap3A_13, %swap3A_14], %dot_general3A_12 {strides = array<i32>} : memref<8192x128xf32, #tpu.memory_space<vmem>>, vector<8192x128xf32>,
    return
  }
  func.func @transform_0(%arg0: i32) -> (i32, i32) {
    %c0_i32 = arith.constant 0 : i32
    %c0_i32_0 = arith.constant 0 : i32
    return %arg0, %c0_i32 : i32, i32
  }
  func.func @transform_1(%arg0: i32) -> (i32, i32) {
    %c0_i32 = arith.constant 0 : i32
    %c0_i32_0 = arith.constant 0 : i32
    %c0_i32_1 = arith.constant 0 : i32
    return %c0_i32, %c0_i32_0 : i32, i32
  }
  func.func @transform_2(%arg0: i32) -> (i32, i32) {
    %c0_i32 = arith.constant 0 : i32
    %c0_i32_0 = arith.constant 0 : i32
    %c0_i32_1 = arith.constant 0 : i32
    return %c0_i32, %c0_i32_0 : i32, i32
  }
  func.func @transform_3(%arg0: i32) -> (i32, i32) {
    %c0_i32 = arith.constant 0 : i32
    %c0_i32_0 = arith.constant 0 : i32
    return %arg0, %c0_i32 : i32, i32
  }
  func.func @transform_4(%arg0: i32) -> (i32, i32) {
    %c0_i32 = arith.constant 0 : i32
    %c0_i32_0 = arith.constant 0 : i32
    return %arg0, %c0_i32 : i32, i32
  }
}

module attributes {stable_mosaic.version = 14 : i64} {
  func.func @_mid_body(%arg0: i32, %arg1: memref<2048x64xf32, #tpu.memory_space<vmem>>, %arg2: memref<2x2048x128xf32, #tpu.memory_space<vmem>>, %arg3: memref<64x128xf32, #tpu.memory_space<vmem>>, %arg4: memref<1x128xf32, #tpu.memory_space<vmem>>, %arg5: memref<64x128xf32, #tpu.memory_space<vmem>>, %arg6: memref<2048x64xf32, #tpu.memory_space<vmem>>, %arg7: memref<2048x128xf32, #tpu.memory_space<vmem>>, %arg8: memref<2048x128xf32, #tpu.memory_space<vmem>>) attributes {dimension_semantics = [#tpu.dimension_semantics<arbitrary>], iteration_bounds = array<i64: 5>, scalar_prefetch = 0 : i64, scratch_operands = 0 : i64, tpu.core_type = #tpu.core_type<tc>, window_params = [{transform_indices = @transform_0, window_bounds = array<i64: 2048, 64>}, {transform_indices = @transform_1, window_bounds = array<i64: 2, 2048, 128>}, {pipeline_mode = #tpu.pipeline_mode<synchronous>, transform_indices = @transform_2, window_bounds = array<i64: 64, 128>}, {pipeline_mode = #tpu.pipeline_mode<synchronous>, transform_indices = @transform_3, window_bounds = array<i64: 1, 128>}, {pipeline_mode = #tpu.pipeline_mode<synchronous>, transform_indices = @transform_4, window_bounds = array<i64: 64, 128>}, {transform_indices = @transform_5, window_bounds = array<i64: 2048, 64>}, {transform_indices = @transform_6, window_bounds = array<i64: 2048, 128>}, {transform_indices = @transform_7, window_bounds = array<i64: 2048, 128>}]} {
    %get3A = arith.constant 0 : index
    %get3A_0 = arith.constant 0 : index
    %get3A_1 = vector.load %arg1[%get3A, %get3A_0] : memref<2048x64xf32, #tpu.memory_space<vmem>>, vector<2048x64xf32>
    %get3A_2 = arith.constant 0 : index
    %get3A_3 = arith.constant 0 : index
    %get3A_4 = arith.constant 0 : index
    %get3A_5 = vector.load %arg2[%get3A_2, %get3A_3, %get3A_4] : memref<2x2048x128xf32, #tpu.memory_space<vmem>>, vector<1x2048x64xf32>
    %get3A_6 = vector.shape_cast %get3A_5 : vector<1x2048x64xf32> to vector<2048x64xf32>
    %add3A = arith.addf %get3A_1, %get3A_6 : vector<2048x64xf32>
    %get3A_7 = arith.constant 1 : index
    %get3A_8 = arith.constant 0 : index
    %get3A_9 = arith.constant 0 : index
    %get3A_10 = vector.load %arg2[%get3A_7, %get3A_8, %get3A_9] : memref<2x2048x128xf32, #tpu.memory_space<vmem>>, vector<1x2048x64xf32>
    %get3A_11 = vector.shape_cast %get3A_10 : vector<1x2048x64xf32> to vector<2048x64xf32>
    %add3A_12 = arith.addf %add3A, %get3A_11 : vector<2048x64xf32>
    %max3A = arith.constant 0.000000e+00 : f32
    %max3A_13 = vector.broadcast %max3A : f32 to vector<2048x64xf32>
    %max3A_14 = arith.maximumf %add3A_12, %max3A_13 : vector<2048x64xf32>
    %swap3A = arith.constant 0 : index
    %swap3A_15 = arith.constant 0 : index
    %swap3A_16 = vector.load %arg6[%swap3A, %swap3A_15] : memref<2048x64xf32, #tpu.memory_space<vmem>>, vector<2048x64xf32>
    tpu.vector_store %arg6[%swap3A, %swap3A_15], %max3A_14 {strides = array<i32>} : memref<2048x64xf32, #tpu.memory_space<vmem>>, vector<2048x64xf32>,
    %get3A_17 = arith.constant 0 : index
    %get3A_18 = arith.constant 0 : index
    %get3A_19 = vector.load %arg3[%get3A_17, %get3A_18] : memref<64x128xf32, #tpu.memory_space<vmem>>, vector<64x128xf32>
    %dot_general3A = arith.constant dense<0.000000e+00> : vector<2048x128xf32>
    %dot_general3A_20 = tpu.matmul %max3A_14, %get3A_19, %dot_general3A {dimension_numbers = #tpu.dot_dimension_numbers<[1], [0], [0], [1], [0, 0, 1, 1], [], []>, transpose_lhs_hint = false} : vector<2048x64xf32>, vector<64x128xf32>, vector<2048x128xf32> -> vector<2048x128xf32>
    %get3A_21 = arith.constant 0 : index
    %get3A_22 = arith.constant 0 : index
    %get3A_23 = vector.load %arg4[%get3A_21, %get3A_22] : memref<1x128xf32, #tpu.memory_space<vmem>>, vector<1x128xf32>
    %add3A_24 = vector.broadcast %get3A_23 : vector<1x128xf32> to vector<2048x128xf32>
    %add3A_25 = arith.addf %dot_general3A_20, %add3A_24 : vector<2048x128xf32>
    %swap3A_26 = arith.constant 0 : index
    %swap3A_27 = arith.constant 0 : index
    %swap3A_28 = vector.load %arg7[%swap3A_26, %swap3A_27] : memref<2048x128xf32, #tpu.memory_space<vmem>>, vector<2048x128xf32>
    tpu.vector_store %arg7[%swap3A_26, %swap3A_27], %add3A_25 {strides = array<i32>} : memref<2048x128xf32, #tpu.memory_space<vmem>>, vector<2048x128xf32>,
    %get3A_29 = arith.constant 0 : index
    %get3A_30 = arith.constant 0 : index
    %get3A_31 = vector.load %arg5[%get3A_29, %get3A_30] : memref<64x128xf32, #tpu.memory_space<vmem>>, vector<64x128xf32>
    %dot_general3A_32 = arith.constant dense<0.000000e+00> : vector<2048x128xf32>
    %dot_general3A_33 = tpu.matmul %max3A_14, %get3A_31, %dot_general3A_32 {dimension_numbers = #tpu.dot_dimension_numbers<[1], [0], [0], [1], [0, 0, 1, 1], [], []>, transpose_lhs_hint = false} : vector<2048x64xf32>, vector<64x128xf32>, vector<2048x128xf32> -> vector<2048x128xf32>
    %swap3A_34 = arith.constant 0 : index
    %swap3A_35 = arith.constant 0 : index
    %swap3A_36 = vector.load %arg8[%swap3A_34, %swap3A_35] : memref<2048x128xf32, #tpu.memory_space<vmem>>, vector<2048x128xf32>
    tpu.vector_store %arg8[%swap3A_34, %swap3A_35], %dot_general3A_33 {strides = array<i32>} : memref<2048x128xf32, #tpu.memory_space<vmem>>, vector<2048x128xf32>,
    return
  }
  func.func @transform_0(%arg0: i32) -> (i32, i32) {
    %c0_i32 = arith.constant 0 : i32
    %c0_i32_0 = arith.constant 0 : i32
    return %arg0, %c0_i32 : i32, i32
  }
  func.func @transform_1(%arg0: i32) -> (i32, i32, i32) {
    %c0_i32 = arith.constant 0 : i32
    %c0_i32_0 = arith.constant 0 : i32
    %c0_i32_1 = arith.constant 0 : i32
    return %c0_i32, %arg0, %c0_i32_0 : i32, i32, i32
  }
  func.func @transform_2(%arg0: i32) -> (i32, i32) {
    %c0_i32 = arith.constant 0 : i32
    %c0_i32_0 = arith.constant 0 : i32
    %c0_i32_1 = arith.constant 0 : i32
    return %c0_i32, %c0_i32_0 : i32, i32
  }
  func.func @transform_3(%arg0: i32) -> (i32, i32) {
    %c0_i32 = arith.constant 0 : i32
    %c0_i32_0 = arith.constant 0 : i32
    %c0_i32_1 = arith.constant 0 : i32
    return %c0_i32, %c0_i32_0 : i32, i32
  }
  func.func @transform_4(%arg0: i32) -> (i32, i32) {
    %c0_i32 = arith.constant 0 : i32
    %c0_i32_0 = arith.constant 0 : i32
    %c0_i32_1 = arith.constant 0 : i32
    return %c0_i32, %c0_i32_0 : i32, i32
  }
  func.func @transform_5(%arg0: i32) -> (i32, i32) {
    %c0_i32 = arith.constant 0 : i32
    %c0_i32_0 = arith.constant 0 : i32
    return %arg0, %c0_i32 : i32, i32
  }
  func.func @transform_6(%arg0: i32) -> (i32, i32) {
    %c0_i32 = arith.constant 0 : i32
    %c0_i32_0 = arith.constant 0 : i32
    return %arg0, %c0_i32 : i32, i32
  }
  func.func @transform_7(%arg0: i32) -> (i32, i32) {
    %c0_i32 = arith.constant 0 : i32
    %c0_i32_0 = arith.constant 0 : i32
    return %arg0, %c0_i32 : i32, i32
  }
}

module attributes {stable_mosaic.version = 14 : i64} {
  func.func @_pool_body(%arg0: i32, %arg1: memref<2048x64xf32, #tpu.memory_space<vmem>>, %arg2: memref<2x2048x128xf32, #tpu.memory_space<vmem>>, %arg3: memref<1x1x2048xi32, #tpu.memory_space<vmem>>, %arg4: memref<64x32xf32, #tpu.memory_space<vmem>>, %arg5: memref<1x32xf32, #tpu.memory_space<vmem>>, %arg6: memref<32x2xf32, #tpu.memory_space<vmem>>, %arg7: memref<1x2xf32, #tpu.memory_space<vmem>>, %arg8: memref<128x2xf32, #tpu.memory_space<vmem>>, %arg9: memref<128x64xf32, #tpu.memory_space<vmem>>, %arg10: memref<128x128xf32, #tpu.memory_space<vmem>>) attributes {dimension_semantics = [#tpu.dimension_semantics<arbitrary>], iteration_bounds = array<i64: 5>, scalar_prefetch = 0 : i64, scratch_operands = 2 : i64, tpu.core_type = #tpu.core_type<tc>, window_params = [{transform_indices = @transform_0, window_bounds = array<i64: 2048, 64>}, {transform_indices = @transform_1, window_bounds = array<i64: 2, 2048, 128>}, {transform_indices = @transform_2, window_bounds = array<i64: 1, 1, 2048>}, {pipeline_mode = #tpu.pipeline_mode<synchronous>, transform_indices = @transform_3, window_bounds = array<i64: 64, 32>}, {pipeline_mode = #tpu.pipeline_mode<synchronous>, transform_indices = @transform_4, window_bounds = array<i64: 1, 32>}, {pipeline_mode = #tpu.pipeline_mode<synchronous>, transform_indices = @transform_5, window_bounds = array<i64: 32, 2>}, {pipeline_mode = #tpu.pipeline_mode<synchronous>, transform_indices = @transform_6, window_bounds = array<i64: 1, 2>}, {pipeline_mode = #tpu.pipeline_mode<synchronous>, transform_indices = @transform_7, window_bounds = array<i64: 128, 2>}]} {
    %eq3A = arith.constant 0 : i32
    %eq3A_0 = arith.cmpi eq, %arg0, %eq3A : i32
    %convert_element_type3A = arith.extui %eq3A_0 : i1 to i32
    %cond3A = arith.constant 0 : i32
    %cond3A_1 = arith.cmpi ne, %convert_element_type3A, %cond3A : i32
    scf.if %cond3A_1 {
      %broadcast_in_dim3A_49 = arith.constant 0.000000e+00 : f32
      %broadcast_in_dim3A_50 = vector.broadcast %broadcast_in_dim3A_49 : f32 to vector<128x64xf32>
      %swap3A_51 = arith.constant 0 : index
      %swap3A_52 = arith.constant 0 : index
      %swap3A_53 = vector.load %arg9[%swap3A_51, %swap3A_52] : memref<128x64xf32, #tpu.memory_space<vmem>>, vector<128x64xf32>
      tpu.vector_store %arg9[%swap3A_51, %swap3A_52], %broadcast_in_dim3A_50 {strides = array<i32>} : memref<128x64xf32, #tpu.memory_space<vmem>>, vector<128x64xf32>,
      %broadcast_in_dim3A_54 = arith.constant 0.000000e+00 : f32
      %broadcast_in_dim3A_55 = vector.broadcast %broadcast_in_dim3A_54 : f32 to vector<128x128xf32>
      %swap3A_56 = arith.constant 0 : index
      %swap3A_57 = arith.constant 0 : index
      %swap3A_58 = vector.load %arg10[%swap3A_56, %swap3A_57] : memref<128x128xf32, #tpu.memory_space<vmem>>, vector<128x128xf32>
      tpu.vector_store %arg10[%swap3A_56, %swap3A_57], %broadcast_in_dim3A_55 {strides = array<i32>} : memref<128x128xf32, #tpu.memory_space<vmem>>, vector<128x128xf32>,
    } else {
    }
    %get3A = arith.constant 0 : index
    %get3A_2 = arith.constant 0 : index
    %get3A_3 = vector.load %arg1[%get3A, %get3A_2] : memref<2048x64xf32, #tpu.memory_space<vmem>>, vector<2048x64xf32>
    %get3A_4 = arith.constant 0 : index
    %get3A_5 = arith.constant 0 : index
    %get3A_6 = arith.constant 0 : index
    %get3A_7 = vector.load %arg2[%get3A_4, %get3A_5, %get3A_6] : memref<2x2048x128xf32, #tpu.memory_space<vmem>>, vector<1x2048x64xf32>
    %get3A_8 = vector.shape_cast %get3A_7 : vector<1x2048x64xf32> to vector<2048x64xf32>
    %add3A = arith.addf %get3A_3, %get3A_8 : vector<2048x64xf32>
    %get3A_9 = arith.constant 1 : index
    %get3A_10 = arith.constant 0 : index
    %get3A_11 = arith.constant 0 : index
    %get3A_12 = vector.load %arg2[%get3A_9, %get3A_10, %get3A_11] : memref<2x2048x128xf32, #tpu.memory_space<vmem>>, vector<1x2048x64xf32>
    %get3A_13 = vector.shape_cast %get3A_12 : vector<1x2048x64xf32> to vector<2048x64xf32>
    %add3A_14 = arith.addf %add3A, %get3A_13 : vector<2048x64xf32>
    %max3A = arith.constant 0.000000e+00 : f32
    %max3A_15 = vector.broadcast %max3A : f32 to vector<2048x64xf32>
    %max3A_16 = arith.maximumf %add3A_14, %max3A_15 : vector<2048x64xf32>
    %get3A_17 = arith.constant 0 : index
    %get3A_18 = arith.constant 0 : index
    %get3A_19 = arith.constant 0 : index
    %get3A_20 = vector.load %arg3[%get3A_17, %get3A_18, %get3A_19] : memref<1x1x2048xi32, #tpu.memory_space<vmem>>, vector<1x1x2048xi32>
    %get3A_21 = vector.shape_cast %get3A_20 : vector<1x1x2048xi32> to vector<2048xi32>
    %iota3A = tpu.iota {dimensions = array<i32: 1>} : vector<2048x128xi32>
    %broadcast_in_dim3A = vector.shape_cast %get3A_21 : vector<2048xi32> to vector<2048x1xi32>
    %eq3A_22 = vector.broadcast %broadcast_in_dim3A : vector<2048x1xi32> to vector<2048x128xi32>
    %eq3A_23 = arith.cmpi eq, %eq3A_22, %iota3A : vector<2048x128xi32>
    %convert_element_type3A_24 = arith.extui %eq3A_23 : vector<2048x128xi1> to vector<2048x128xi32>
    %convert_element_type3A_25 = arith.sitofp %convert_element_type3A_24 : vector<2048x128xi32> to vector<2048x128xf32>
    %get3A_26 = arith.constant 0 : index
    %get3A_27 = arith.constant 0 : index
    %get3A_28 = vector.load %arg9[%get3A_26, %get3A_27] : memref<128x64xf32, #tpu.memory_space<vmem>>, vector<128x64xf32>
    %dot_general3A = arith.constant dense<0.000000e+00> : vector<128x64xf32>
    %dot_general3A_29 = tpu.matmul %convert_element_type3A_25, %max3A_16, %dot_general3A {dimension_numbers = #tpu.dot_dimension_numbers<[0], [0], [1], [1], [0, 1, 1, 1], [], []>, transpose_lhs_hint = false} : vector<2048x128xf32>, vector<2048x64xf32>, vector<128x64xf32> -> vector<128x64xf32>
    %add3A_30 = arith.addf %get3A_28, %dot_general3A_29 : vector<128x64xf32>
    %swap3A = arith.constant 0 : index
    %swap3A_31 = arith.constant 0 : index
    %swap3A_32 = vector.load %arg9[%swap3A, %swap3A_31] : memref<128x64xf32, #tpu.memory_space<vmem>>, vector<128x64xf32>
    tpu.vector_store %arg9[%swap3A, %swap3A_31], %add3A_30 {strides = array<i32>} : memref<128x64xf32, #tpu.memory_space<vmem>>, vector<128x64xf32>,
    %broadcast_in_dim3A_33 = arith.constant 1.000000e+00 : f32
    %broadcast_in_dim3A_34 = vector.broadcast %broadcast_in_dim3A_33 : f32 to vector<2048x128xf32>
    %get3A_35 = arith.constant 0 : index
    %get3A_36 = arith.constant 0 : index
    %get3A_37 = vector.load %arg10[%get3A_35, %get3A_36] : memref<128x128xf32, #tpu.memory_space<vmem>>, vector<128x128xf32>
    %dot_general3A_38 = arith.constant dense<0.000000e+00> : vector<128x128xf32>
    %dot_general3A_39 = tpu.matmul %convert_element_type3A_25, %broadcast_in_dim3A_34, %dot_general3A_38 {dimension_numbers = #tpu.dot_dimension_numbers<[0], [0], [1], [1], [0, 1, 1, 1], [], []>, transpose_lhs_hint = false} : vector<2048x128xf32>, vector<2048x128xf32>, vector<128x128xf32> -> vector<128x128xf32>
    %add3A_40 = arith.addf %get3A_37, %dot_general3A_39 : vector<128x128xf32>
    %swap3A_41 = arith.constant 0 : index
    %swap3A_42 = arith.constant 0 : index
    %swap3A_43 = vector.load %arg10[%swap3A_41, %swap3A_42] : memref<128x128xf32, #tpu.memory_space<vmem>>, vector<128x128xf32>
    tpu.vector_store %arg10[%swap3A_41, %swap3A_42], %add3A_40 {strides = array<i32>} : memref<128x128xf32, #tpu.memory_space<vmem>>, vector<128x128xf32>,
    %eq3A_44 = arith.constant 4 : i32
    %eq3A_45 = arith.cmpi eq, %arg0, %eq3A_44 : i32
    %convert_element_type3A_46 = arith.extui %eq3A_45 : i1 to i32
    %cond3A_47 = arith.constant 0 : i32
    %cond3A_48 = arith.cmpi ne, %convert_element_type3A_46, %cond3A_47 : i32
    scf.if %cond3A_48 {
      %get3A_49 = arith.constant 0 : index
      %get3A_50 = arith.constant 0 : index
      %get3A_51 = vector.load %arg9[%get3A_49, %get3A_50] : memref<128x64xf32, #tpu.memory_space<vmem>>, vector<128x64xf32>
      %get3A_52 = arith.constant 0 : index
      %get3A_53 = arith.constant 0 : index
      %get3A_54 = vector.load %arg10[%get3A_52, %get3A_53] : memref<128x128xf32, #tpu.memory_space<vmem>>, vector<128x64xf32>
      %max3A_55 = arith.constant 1.000000e+00 : f32
      %max3A_56 = vector.broadcast %max3A_55 : f32 to vector<128x64xf32>
      %max3A_57 = arith.maximumf %get3A_54, %max3A_56 : vector<128x64xf32>
      %div3A = arith.divf %get3A_51, %max3A_57 : vector<128x64xf32>
      %get3A_58 = arith.constant 0 : index
      %get3A_59 = arith.constant 0 : index
      %get3A_60 = vector.load %arg4[%get3A_58, %get3A_59] : memref<64x32xf32, #tpu.memory_space<vmem>>, vector<64x32xf32>
      %dot_general3A_61 = arith.constant dense<0.000000e+00> : vector<128x32xf32>
      %dot_general3A_62 = tpu.matmul %div3A, %get3A_60, %dot_general3A_61 {dimension_numbers = #tpu.dot_dimension_numbers<[1], [0], [0], [1], [0, 0, 1, 1], [], []>, transpose_lhs_hint = false} : vector<128x64xf32>, vector<64x32xf32>, vector<128x32xf32> -> vector<128x32xf32>
      %get3A_63 = arith.constant 0 : index
      %get3A_64 = arith.constant 0 : index
      %get3A_65 = vector.load %arg5[%get3A_63, %get3A_64] : memref<1x32xf32, #tpu.memory_space<vmem>>, vector<1x32xf32>
      %add3A_66 = vector.broadcast %get3A_65 : vector<1x32xf32> to vector<128x32xf32>
      %add3A_67 = arith.addf %dot_general3A_62, %add3A_66 : vector<128x32xf32>
      %max3A_68 = arith.constant 0.000000e+00 : f32
      %max3A_69 = vector.broadcast %max3A_68 : f32 to vector<128x32xf32>
      %max3A_70 = arith.maximumf %add3A_67, %max3A_69 : vector<128x32xf32>
      %get3A_71 = arith.constant 0 : index
      %get3A_72 = arith.constant 0 : index
      %get3A_73 = vector.load %arg6[%get3A_71, %get3A_72] : memref<32x2xf32, #tpu.memory_space<vmem>>, vector<32x2xf32>
      %dot_general3A_74 = arith.constant dense<0.000000e+00> : vector<128x2xf32>
      %dot_general3A_75 = tpu.matmul %max3A_70, %get3A_73, %dot_general3A_74 {dimension_numbers = #tpu.dot_dimension_numbers<[1], [0], [0], [1], [0, 0, 1, 1], [], []>, transpose_lhs_hint = false} : vector<128x32xf32>, vector<32x2xf32>, vector<128x2xf32> -> vector<128x2xf32>
      %get3A_76 = arith.constant 0 : index
      %get3A_77 = arith.constant 0 : index
      %get3A_78 = vector.load %arg7[%get3A_76, %get3A_77] : memref<1x2xf32, #tpu.memory_space<vmem>>, vector<1x2xf32>
      %add3A_79 = vector.broadcast %get3A_78 : vector<1x2xf32> to vector<128x2xf32>
      %add3A_80 = arith.addf %dot_general3A_75, %add3A_79 : vector<128x2xf32>
      %swap3A_81 = arith.constant 0 : index
      %swap3A_82 = arith.constant 0 : index
      %swap3A_83 = vector.load %arg8[%swap3A_81, %swap3A_82] : memref<128x2xf32, #tpu.memory_space<vmem>>, vector<128x2xf32>
      tpu.vector_store %arg8[%swap3A_81, %swap3A_82], %add3A_80 {strides = array<i32>} : memref<128x2xf32, #tpu.memory_space<vmem>>, vector<128x2xf32>,
    } else {
    }
    return
  }
  func.func @transform_0(%arg0: i32) -> (i32, i32) {
    %c0_i32 = arith.constant 0 : i32
    %c0_i32_0 = arith.constant 0 : i32
    return %arg0, %c0_i32 : i32, i32
  }
  func.func @transform_1(%arg0: i32) -> (i32, i32, i32) {
    %c0_i32 = arith.constant 0 : i32
    %c0_i32_0 = arith.constant 0 : i32
    %c0_i32_1 = arith.constant 0 : i32
    return %c0_i32, %arg0, %c0_i32_0 : i32, i32, i32
  }
  func.func @transform_2(%arg0: i32) -> (i32, i32, i32) {
    %c0_i32 = arith.constant 0 : i32
    %c0_i32_0 = arith.constant 0 : i32
    %c0_i32_1 = arith.constant 0 : i32
    return %arg0, %c0_i32, %c0_i32_0 : i32, i32, i32
  }
  func.func @transform_3(%arg0: i32) -> (i32, i32) {
    %c0_i32 = arith.constant 0 : i32
    %c0_i32_0 = arith.constant 0 : i32
    %c0_i32_1 = arith.constant 0 : i32
    return %c0_i32, %c0_i32_0 : i32, i32
  }
  func.func @transform_4(%arg0: i32) -> (i32, i32) {
    %c0_i32 = arith.constant 0 : i32
    %c0_i32_0 = arith.constant 0 : i32
    %c0_i32_1 = arith.constant 0 : i32
    return %c0_i32, %c0_i32_0 : i32, i32
  }
  func.func @transform_5(%arg0: i32) -> (i32, i32) {
    %c0_i32 = arith.constant 0 : i32
    %c0_i32_0 = arith.constant 0 : i32
    %c0_i32_1 = arith.constant 0 : i32
    return %c0_i32, %c0_i32_0 : i32, i32
  }
  func.func @transform_6(%arg0: i32) -> (i32, i32) {
    %c0_i32 = arith.constant 0 : i32
    %c0_i32_0 = arith.constant 0 : i32
    %c0_i32_1 = arith.constant 0 : i32
    return %c0_i32, %c0_i32_0 : i32, i32
  }
  func.func @transform_7(%arg0: i32) -> (i32, i32) {
    %c0_i32 = arith.constant 0 : i32
    %c0_i32_0 = arith.constant 0 : i32
    %c0_i32_1 = arith.constant 0 : i32
    return %c0_i32, %c0_i32_0 : i32, i32
  }
}

</mosaic_0001>

<sc_bundles>
// kernel: kernel.11.cloned.1.call-start
scs
__scs_entry_jumppad:
0x0: {  	(pc) =	sbr.rel $0x88, $3  }
0x1: {  	(tag) =	ssettag $0x0;
	lr =	simm.s32 $0x1  }
0x2: {  	[smem:$0x3F8F] =	sst lr;
	_ =	strace $0xD0000000  }
0x3: {  	_ = 	snop  }
0x4: {  	_ = 	snop  }
0x5: {  	_ = 	snop  }
0x6: {  	_ = 	snop  }
0x7: {  	_ = 	snop  }
__scs_overlays_trampoline_lowered:
0x8: {  	[smem:$0x3F9E] =	sst s0  }
0x9: {  	[smem:$0x3F9F] =	sst s1  }
0xa: {  	[smem:$0x3FA0] =	sst s2  }
0xb: {  	[smem:$0x3FA1] =	sst s3  }
0xc: {  	[smem:$0x3FA2] =	sst s4  }
0xd: {  	[smem:$0x3FA3] =	sst s5  }
0xe: {  	[smem:$0x3FA4] =	sst s6  }
0xf: {  	[smem:$0x3FA5] =	sst s7  }
0x10: {  	[smem:$0x3FA6] =	sst s8  }
0x11: {  	[smem:$0x3FA7] =	sst s9;
	s0 =	simm.s32 @!p0 $0x0  }
0x12: {  	s1 =	sld [smem:$0x3F8D];
	s0 =	simm.s32 @p0 $0x1  }
0x13: {  	[smem:$0x3FA8] =	sst s0;
	s0 =	simm.s32 @!p1 $0x0  }
0x14: {  	s2 =	sld [smem:$0x3F8C];
	s0 =	simm.s32 @p1 $0x1  }
0x15: {  	[smem:$0x3FA9] =	sst s0;
	s0 =	simm.s32 @!p2 $0x0  }
0x16: {  	s3 =	sld [smem:$0x3FDB];
	s0 =	simm.s32 @p2 $0x1  }
0x17: {  	s4 =	simm.s32 $0x1BF5;
	[smem:$0x3FAB] =	sst s0  }
0x18: {  	s0 =	sld [smem:$0x3F8E];
	_ =	swait.ge [sflag:s4], $0x0  }
0x19: {  	s7 =	sld [smem:$0x3F8F]  }
0x1a: {  	s8 =	sadd.s32 $0xFFFFE003, lr  }
0x1b: {  	s9 =	sadd.s32 $0xFFFFFEF7, lr;
	s5 =	simm.s32 $0xFFFFFFFF;
	p2 =	slt.u32 s8, $0xFFFFF086  }
0x1c: {  	p1 =	slt.u32 s9, $0xF7A;
	s5 =	simm.s32 @!p2 $0x0  }
0x1d: {  	s5 =	simm.s32 @p1 $0x1;
	p0 =	seq.s32 s7, s2  }
0x1e: {  	s7 =	smul.u32 @!p0 $0xF7A, s2;
	p2 =	seq.s32 @!p0 s5, $0x0  }
0x1f: {  	s9 =	smul.u32 $0xF7A, s1;
	s8 =	simm.s32 @!p0 $0x1BF5;
	p2 =	por !p2, p0  }
0x20: {  	[sflag:s8] =	ssyncset.s32 @!p0 $0xFFFFF086;
	s6 =	sadd.s32 @!p0 s3, s7;
	s7 =	simm.s32 @!p0 $0x108  }
0x21: {  	s3 =	sadd.s32 s3, s9;
	s6 =	sadd.s32 @!p0 $0x88, s6;
	s7 =	simm.s32 @p2 $0x1082  }
0x22: {  	[simem:s7], [sflag:s8] =	dma.local @!p0 [hbm:s6], $0xF7A  }
0x23: {  	s9 =	sor.u32 $0xD0000000, s2;
	s6 =	simm.s32 $0x108;
	_ =	swait.ge @!p0 [sflag:s8], $0x0  }
0x24: {  	s3 =	sadd.s32 $0x88, s3;
	s6 =	simm.s32 @!p1 $0x1082;
	[sflag:s4] =	ssyncset.s32 $0xFFFFF086  }
0x25: {  	[simem:s6], [sflag:s4] =	dma.local [hbm:s3], $0xF7A  }
0x26: {  	[smem:$0x3F8F] =	sst s1;
	(tag) =	ssettag s2;
	_ =	strace s9  }
0x27: {  	s1 =	sld [smem:$0x3F9F]  }
0x28: {  	s2 =	sld [smem:$0x3FA0]  }
0x29: {  	s4 =	sld [smem:$0x3FA2]  }
0x2a: {  	p0 =	seq.s32 s5, $0x0;
	s5 =	sld [smem:$0x3FA3]  }
0x2b: {  	s6 =	sld [smem:$0x3FA4]  }
0x2c: {  	s7 =	sld [smem:$0x3FA5]  }
0x2d: {  	s3 =	simm.s32 $0x108;
	s8 =	sld [smem:$0x3FA6]  }
0x2e: {  	s3 =	simm.s32 @!p0 $0x1082;
	s9 =	sld [smem:$0x3FA7]  }
0x2f: {  	lr =	sadd.s32 s0, s3;
	s0 =	sld [smem:$0x3F9E]  }
0x30: {  	s3 =	sld [smem:$0x3FA1]  }
0x31: {  	[smem:$0x3FAA] =	sst s10  }
0x32: {  	s10 =	sld [smem:$0x3FA8];
	_ =	sdelay $0x3  }
0x33: {  	p0 =	seq.s32 s10, $0x1;
	s10 =	sld [smem:$0x3FAA];
	_ =	sdelay $0x3  }
0x34: {  	[smem:$0x3FAA] =	sst s10  }
0x35: {  	s10 =	sld [smem:$0x3FA9];
	_ =	sdelay $0x3  }
0x36: {  	p1 =	seq.s32 s10, $0x1;
	s10 =	sld [smem:$0x3FAA];
	_ =	sdelay $0x3  }
0x37: {  	[smem:$0x3FAA] =	sst s10  }
0x38: {  	s10 =	sld [smem:$0x3FAB]  }
0x39: {  	_ = 	snop;
	(pc) =	sbr.ind lr, $3  }
0x3a: {  	_ = 	snop  }
0x3b: {  	_ = 	snop  }
0x3c: {  	p2 =	seq.s32 s10, $0x1;
	s10 =	sld [smem:$0x3FAA]  }
0x3d: {  	_ =	shalt  }
0x3e: {  	_ =	shalt  }
0x3f: {  	_ =	shalt  }
0x40: {  	_ =	shalt  }
0x41: {  	_ =	shalt  }
0x42: {  	_ =	shalt  }
0x43: {  	_ =	shalt  }
0x44: {  	_ =	shalt  }
0x45: {  	_ =	shalt  }
0x46: {  	_ =	shalt  }
0x47: {  	_ =	shalt  }
0x48: {  	_ =	shalt  }
0x49: {  	_ =	shalt  }
0x4a: {  	_ =	shalt  }
0x4b: {  	_ =	shalt  }
0x4c: {  	_ =	shalt  }
0x4d: {  	_ =	shalt  }
0x4e: {  	_ =	shalt  }
0x4f: {  	_ =	shalt  }
0x50: {  	_ =	shalt  }
0x51: {  	_ =	shalt  }
0x52: {  	_ =	shalt  }
0x53: {  	_ =	shalt  }
0x54: {  	_ =	shalt  }
0x55: {  	_ =	shalt  }
0x56: {  	_ =	shalt  }
0x57: {  	_ =	shalt  }
0x58: {  	_ =	shalt  }
0x59: {  	_ =	shalt  }
0x5a: {  	_ =	shalt  }
0x5b: {  	_ =	shalt  }
0x5c: {  	_ =	shalt  }
0x5d: {  	_ =	shalt  }
0x5e: {  	_ =	shalt  }
0x5f: {  	_ =	shalt  }
0x60: {  	_ =	shalt  }
0x61: {  	_ =	shalt  }
0x62: {  	_ =	shalt  }
0x63: {  	_ =	shalt  }
0x64: {  	_ =	shalt  }
0x65: {  	_ =	shalt  }
0x66: {  	_ =	shalt  }
0x67: {  	_ =	shalt  }
0x68: {  	_ =	shalt  }
0x69: {  	_ =	shalt  }
0x6a: {  	_ =	shalt  }
0x6b: {  	_ =	shalt  }
0x6c: {  	_ =	shalt  }
0x6d: {  	_ =	shalt  }
0x6e: {  	_ =	shalt  }
0x6f: {  	_ =	shalt  }
0x70: {  	_ =	shalt  }
0x71: {  	_ =	shalt  }
0x72: {  	_ =	shalt  }
0x73: {  	_ =	shalt  }
0x74: {  	_ =	shalt  }
0x75: {  	_ =	shalt  }
0x76: {  	_ =	shalt  }
0x77: {  	_ =	shalt  }
0x78: {  	_ =	shalt  }
0x79: {  	_ =	shalt  }
0x7a: {  	_ =	shalt  }
0x7b: {  	_ =	shalt  }
0x7c: {  	_ =	shalt  }
0x7d: {  	_ =	shalt  }
0x7e: {  	_ =	shalt  }
0x7f: {  	_ =	shalt  }
0x80: {  	_ =	shalt  }
0x81: {  	_ =	shalt  }
0x82: {  	_ =	shalt  }
0x83: {  	_ =	shalt  }
0x84: {  	_ =	shalt  }
0x85: {  	_ =	shalt  }
0x86: {  	_ =	shalt  }
0x87: {  	_ =	shalt  }
.Lfunc_end0:
.L_simem_size_0:
called_computation.1_lowered:
.L_overlay_start_0:
0x88: {  	s2 =	sld [smem:$0x3FD9]  }
0x89: {  	s3 =	sld [smem:$0x3FFE];
	_ =	sdelay $0x1  }
0x8a: {  	s1 =	srdreg.scid  }
0x8b: {  	s0 =	sand.u32 $0x1, s1  }
0x8c: {  	s16 =	sshll.u32 s0, $0xA;
	s2 =	sadd.s32 s3, s2  }
0x8d: {  	s2 =	sadd.s32 s2, s16  }
0x8e: {  	[smem:$0x3FB6] =	sst s2  }
0x8f: {  	_ = 	snop  }
0x90: {  	(tm) =	ssettm $0x1  }
0x91: {  	s17 =	sld [smem:$0x3FFB];
	_ =	sdelay $0x3  }
0x92: {  	_ =	strace s17  }
0x93: {  	s2 =	sld [smem:$0x3FFC];
	_ =	sdelay $0x3  }
0x94: {  	_ =	strace s2  }
0x95: {  	s2 =	sld [smem:$0x3FFD];
	_ =	sdelay $0x3  }
0x96: {  	_ =	strace s2  }
0x97: {  	_ =	strace $0x8FFFFFFF  }
0x98: {  	s18 =	sld [smem:$0x3FDB];
	_ =	sdelay $0x1  }
0x99: {  	s19 =	simm.s32 $_scs_section_size  }
0x9a: {  	s4 =	simm.s32 $_size__tile_overlayer_lowered;
	s5 =	simm.s32 $_tile_overlayer_lowered  }
0x9b: {  	s22 =	simm.s32 $0x1BFF;
	s21 =	sshll.u32 s5, $0x1;
	s2 =	sadd.s32 s19, s18  }
0x9c: {  	s6 =	simm.s32 $0x0;
	s20 =	sshll.u32 s4, $0x1;
	s4 =	sadd.s32 s21, s2  }
0x9d: {  	[timem:s6], [sflag:s22] =	dma.local [hbm:s4], s20  }
0x9e: {  	_ =	swait.ge [sflag:s22], s20  }
0x9f: {  	s3 =	ssub.s32 $0x0, s20;
	[sflag:s22] =	ssyncset.done $0x0  }
0xa0: {  	[sflag:s22] =	ssyncadd.s32 s3;
	_ =	sdelay $0x1  }
0xa1: {  	s23 =	simm.s32 $0x1B8B  }
0xa2: {  	_ =	swait.ge [sflag:s23], $0x1  }
0xa3: {  	[sflag:s23] =	ssyncset.done $0x0  }
0xa4: {  	s25 =	simm.s32 $0x1B8E;
	s24 =	sld [smem:$0x3FFE];
	[sflag:s23] =	ssyncadd.s32 $0xFFFFFFFF  }
0xa5: {  	s26 =	simm.s32 $execute0_lowered;
	[smem:$0x3FD2] =	sst s25  }
0xa6: {  	s4 =	sshll.u32 s26, $0x1;
	_ =	strace $0x80000049;
	[dreg:$0x1] =	wrdreg $0xFFFFFFFF  }
0xa7: {  	s28 =	simm.s32 $_size_execute0_lowered;
	s2 =	sadd.s32 s2, s4;
	[dreg:$0x0] =	wrdreg $0x0  }
0xa8: {  	s4 =	sshll.u32 s28, $0x1;
	[dreg:$0x2] =	wrdreg s2  }
0xa9: {  	[dreg:$0x3] =	wrdreg s4  }
0xaa: {  	[dreg:$0x4] =	wrdreg $0xC0  }
0xab: {  	_ =	task [dreg:s6], $0x5FFFF  }
0xac: {  	[dreg:$0x1] =	wrdreg $0xFFFFFFFF  }
0xad: {  	[dreg:$0x0] =	wrdreg $0x60  }
0xae: {  	[dreg:$0x2] =	wrdreg s24  }
0xaf: {  	[dreg:$0x3] =	wrdreg $0x8E000  }
0xb0: {  	[dreg:$0x4] =	wrdreg $0x9  }
0xb1: {  	_ =	task.clear_ibuf [dreg:s6], $0x5FFFF;
	_ =	strace $0x90000049  }
0xb2: {  	s29 =	simm.s32 $0x9;
	_ =	strace $0x8000004B  }
0xb3: {  	_ =	swait.ge [sflag:s29], $0x1  }
0xb4: {  	[sflag:s29] =	ssyncadd.s32 $0xFFFFFFFF  }
0xb5: {  	_ =	strace $0x9000004B  }
0xb6: {  	_ =	sfence  }
0xb7: {  	s30 =	sld [smem:$0x0];
	_ =	sdelay $0x2  }
0xb8: {  	s31 =	sshll.u32 s1, $0xD;
	s1 =	sshrl.u32 s1, $0x2  }
0xb9: {  	s3 =	sand.u32 $0x4000, s31;
	s1 =	sadd.s32 s1, s30  }
0xba: {  	s0 =	sor.u32 s3, s0;
	s1 =	sshll.u32 s1, $0x11  }
0xbb: {  	s0 =	sor.u32 s1, s0  }
0xbc: {  	s0 =	sadd.s32 $0x8F2B, s0  }
0xbd: {  	[sflag:s0] =	ssyncadd.remote.s32 $0x1  }
0xbe: {  	_ =	sfence.sel $0xFFFF  }
0xbf: {  	[dreg:$0x0] =	wrdreg $0xFFFFFFFF;
	(pc) =	sbr.abs _section_cstart, $3  }
0xc0: {  	[dreg:$0x1] =	wrdreg $0xFFFFFFFF  }
0xc1: {  	_ =	task.clear_ibuf [dreg:s6], $0x2FFFF;
	_ =	strace $0x9FFFFFFF  }
0xc2: {  	(tm) =	ssettm $0x7FFFFFFF  }
0xc3: {  	_ =	shalt  }
tec
execute0_lowered:
.L_overlay_start_1:
0x0: {  	(tag) =	ssettag $0x1  }
0x1: {  	s0 =	rddreg [dreg:$0x0]  }
0x2: {  	s2 =	rddreg [dreg:$0x1];
	s3 =	simm.s32 $0x0;
	s15 =	stileid.u32  }
0x3: {  	s1 =	srdreg.scid;
	s31 =	simm.s32 $0x2;
	s16 =	simm.s32 $0x6  }
0x4: {  	s17 =	simm.s32 $0x7;
	s19 =	simm.s32 $0x8;
	[smem:$0x7FF] =	sst s3  }
0x5: {  	s9 =	smul.u32 $0x14000, s15;
	s4 =	sadd.s32 $0x6C00, s0;
	s6 =	sadd.s32 $0x13B7800, s0  }
0x6: {  	s1 =	sand.u32 $0x1, s1;
	s7 =	sadd.s32 $0x9DFE00, s0;
	s8 =	sadd.s32 $0x9CC400, s0  }
0x7: {  	s5 =	sadd.s32 $0x2EC00, s0;
	s13 =	smul.u32 $0x50000, s15;
	s18 =	sadd.s32 $0x13B7A80, s0  }
0x8: {  	s23 =	sshll.u32 s15, $0x6;
	_ =	strace $0x8000004A;
	s10 =	smul.u32 $0x140000, s1  }
0x9: {  	s21 =	ssub.s32 $0x2, s1;
	s1 =	sshll.u32 s1, $0x4;
	s11 =	sshrl.u32 s9, $0x3  }
0xa: {  	s12 =	sshrl.u32 s21, $0x1;
	s1 =	sor.u32 s15, s1;
	s22 =	sshrl.u32 s13, $0x2  }
0xb: {  	s13 =	simm.s32 $0x4;
	s15 =	simm.s32 $0x7A00;
	s9 =	sadd.s32 s9, s10  }
0xc: {  	s20 =	sadd.s32 s11, s0;
	s11 =	ssub.s32 s21, s12;
	s12 =	sadd.s32 s22, s2  }
0xd: {  	s21 =	simm.s32 $0x9;
	s22 =	simm.s32 $0x80;
	s9 =	sshrl.u32 s9, $0x3  }
0xe: {  	[dreg:$0x3] =	wrdreg s12;
	s10 =	sadd.s32 $0x7EC00, s20;
	s20 =	sor.u32 $0x1C09, s23  }
0xf: {  	s30 =	smax.u32 s11, $0x1;
	s23 =	simm.s32 $0x100;
	[dreg:$0x4] =	wrdreg s10  }
0x10: {  	s14 =	sadd.s32 s9, s0;
	s9 =	smul.u32 $0x4E20, s1;
	[dreg:$0xc] =	wrdreg s30  }
0x11: {  	s11 =	simm.s32 $0x3;
	s1 =	smul.u32 $0x4E200, s1;
	[dreg:$0x5] =	wrdreg s20  }
0x12: {  	s29 =	sadd.s32 $0xA6C00, s14;
	s14 =	simm.s32 $0x5;
	s24 =	sshrl.u32 s9, $0x3  }
0x13: {  	s25 =	sadd.s32 $0x28, s9;
	s1 =	sadd.s32 s6, s1;
	[dreg:$0xb] =	wrdreg s29  }
0x14: {  	s26 =	sadd.s32 s7, s24;
	s10 =	sadd.s32 s8, s24;
	[dreg:$0xa] =	wrdreg s1  }
0x15: {  	s28 =	sshrl.u32 s25, $0x3;
	s24 =	simm.s32 $0x180;
	[dreg:$0x6] =	wrdreg s26  }
0x16: {  	s25 =	simm.s32 $0x1;
	[dreg:$0x7] =	wrdreg s10;
	s12 =	sadd.s32 s7, s28  }
0x17: {  	s1 =	simm.s32 $0x0;
	s10 =	sadd.s32 s8, s28;
	[dreg:$0x8] =	wrdreg s12  }
0x18: {  	v0 =	vimm.f32 $0.0e+00;
	s26 =	simm.s32 $0x28;
	[dreg:$0x9] =	wrdreg s10;
	s12 =	simm.s32 $0x0  }
.LBB2_1:
0x19: {  	[dreg:$0xd] =	wrdreg s1;
	s1 =	simm.s32 $0x200;
	s0 =	simm.s32 $0x0  }
.LBB2_2:
0x1a: {  	p0 =	sne.s32 s1, $0x4E00;
	[tilespmem:s0+$0x7A70] =	vst v0;
	s10 =	smov.u32 s1;
	s1 =	sadd.s32 $0x200, s1  }
.Ltmp0:
0x1b: {  	[tilespmem:s0+$0x7A60] =	vst v0;
	(pc) =	sbr.rel @p0 .LBB2_2-.Ltmp0, $3  }
0x1c: {  	[tilespmem:s0+$0x7A40] =	vst v0  }
0x1d: {  	[tilespmem:s0+$0x7A50] =	vst v0;
	_ =	sdelay $0x1  }
0x1e: {  	s0 =	sshra.s32 s10, $0x2  }
0x1f: {  	[tilespmem:s0+$0x7A70] =	vst v0  }
0x20: {  	[tilespmem:s0+$0x7A60] =	vst v0;
	s10 =	rddreg [dreg:$0x3]  }
0x21: {  	[tilespmem:s0+$0x7A40] =	vst v0;
	s28 =	rddreg [dreg:$0x4];
	s1 =	sshrl.u32 s10, $0x3  }
0x22: {  	[tilespmem:s0+$0x7A50] =	vst v0;
	[dreg:$0xe] =	wrdreg s1  }
0x23: {  	[spmem:s1], [sflag:s20] =	dma.local [hbm:s28], $0x2800  }
0x24: {  	_ =	swait.ge [sflag:s21], $0x2800  }
0x25: {  	[sflag:s21] =	ssyncset.done $0x0  }
0x26: {  	[sflag:s21] =	ssyncadd.s32 $0xFFFFD800  }
0x27: {  	[bflag:$0x0] =	sbarrier.arrive $0xFFFF  }
0x28: {  	s29 =	rddreg [dreg:$0x6]  }
0x29: {  	[tilespmem:s12], [sflag:$0x1] =	stream.linear.gather [hbm4b:s29+s12], $0x28, $0x38;
	[tilespmem:$0x1CE00] =	vst v63  }
0x2a: {  	s30 =	rddreg [dreg:$0x7]  }
0x2b: {  	[tilespmem:s22], [sflag:$0x1] =	stream.linear.gather [hbm4b:s30+s12], $0x28, $0x38;
	[tilespmem:$0x1CE00] =	vst v63  }
0x2c: {  	s1 =	rddreg [dreg:$0x8]  }
0x2d: {  	[tilespmem:s23], [sflag:$0x2] =	stream.linear.gather [hbm4b:s1+s12], $0x28, $0x38;
	[tilespmem:$0x1CE00] =	vst v63  }
0x2e: {  	s10 =	rddreg [dreg:$0x9]  }
0x2f: {  	[tilespmem:s24], [sflag:$0x2] =	stream.linear.gather [hbm4b:s10+s12], $0x28, $0x38;
	[tilespmem:$0x1CE00] =	vst v63  }
0x30: {  	_ =	swait.ge [sflag:s25], $0x28  }
0x31: {  	[sflag:s25] =	ssyncset.done $0x0  }
0x32: {  	[sflag:s25] =	ssyncadd.s32 $0xFFFFFFD8  }
0x33: {  	_ =	swait.ge [sflag:s25], $0x28  }
0x34: {  	[sflag:s25] =	ssyncset.done $0x0  }
0x35: {  	s20 =	simm.s32 $0x200;
	[sflag:s25] =	ssyncadd.s32 $0xFFFFFFD8  }
0x36: {  	[tilespmem:s20], [sflag:$0x3] =	stream.indirect.gather [hbm4b:s4+s26], $0x80, s12, s26, $0xb8;
	[tilespmem:$0x1CE00] =	vst v63  }
0x37: {  	s28 =	simm.s32 $0x1600  }
0x38: {  	[tilespmem:s28], [sflag:$0x4] =	stream.indirect.gather [hbm4b:s5+s26], $0x80, s22, s26, $0xb8;
	[tilespmem:$0x1CE00] =	vst v63  }
0x39: {  	s30 =	simm.s32 $0x2A00;
	s29 =	rddreg [dreg:$0xa];
	s20 =	simm.s32 $0x0  }
0x3a: {  	[tilespmem:s30], [sflag:$0x5] =	stream.linear.gather [hbm4b:s29+s12], $0x1400, $0x38;
	[tilespmem:$0x1CE00] =	vst v63  }
.LBB2_4:
0x3b: {  	_ =	swait.ge [sflag:s31], $0x28  }
0x3c: {  	[sflag:s31] =	ssyncset.done $0x0  }
0x3d: {  	[sflag:s31] =	ssyncadd.s32 $0xFFFFFFD8  }
0x3e: {  	s0 =	smul.u32 $0x50, s20;
	_ =	swait.ge [sflag:s31], $0x28  }
0x3f: {  	[sflag:s31] =	ssyncset.done $0x0  }
0x40: {  	s1 =	simm.s32 $0x3E00;
	s0 =	sadd.s32 s9, s0;
	[sflag:s31] =	ssyncadd.s32 $0xFFFFFFD8  }
0x41: {  	[tilespmem:s1], [sflag:$0x6] =	stream.indirect.gather [hbm4b:s4+s26], $0x80, s23, s26, $0xb8;
	[tilespmem:$0x1CE00] =	vst v63  }
0x42: {  	s10 =	simm.s32 $0x5200;
	s30 =	sshll.u32 s0, $0x4  }
0x43: {  	[tilespmem:s10], [sflag:$0x7] =	stream.indirect.gather [hbm4b:s5+s26], $0x80, s24, s26, $0xb8;
	[tilespmem:$0x1CE00] =	vst v63  }
0x44: {  	s1 =	sadd.s32 s30, s18;
	s10 =	simm.s32 $0x6600  }
0x45: {  	[tilespmem:s10], [sflag:$0x8] =	stream.linear.gather [hbm4b:s1+s12], $0x1400, $0x38;
	[tilespmem:$0x1CE00] =	vst v63  }
0x46: {  	_ =	swait.ge [sflag:s11], $0x1400  }
0x47: {  	[sflag:s11] =	ssyncset.done $0x0  }
0x48: {  	[sflag:s11] =	ssyncadd.s32 $0xFFFFEC00  }
0x49: {  	_ =	swait.ge [sflag:s13], $0x1400  }
0x4a: {  	[sflag:s13] =	ssyncset.done $0x0  }
0x4b: {  	[sflag:s13] =	ssyncadd.s32 $0xFFFFEC00  }
0x4c: {  	_ =	swait.ge [sflag:s14], $0x1400  }
0x4d: {  	[sflag:s14] =	ssyncset.done $0x0  }
0x4e: {  	s1 =	simm.s32 $0x0;
	[sflag:s14] =	ssyncadd.s32 $0xFFFFEC00  }
0x4f: {  	v1 =	vld [tilespmem:s1+$0x2A10]  }
0x50: {  	v2 =	vld [tilespmem:s1+$0x1610]  }
0x51: {  	v3 =	vld [tilespmem:s1+$0x1660]  }
0x52: {  	v4 =	vld [tilespmem:s1+$0x1650]  }
0x53: {  	v5 =	vld [tilespmem:s1+$0x250]  }
0x54: {  	v6 =	vld [tilespmem:s1+$0x260]  }
0x55: {  	v7 =	vld [tilespmem:s1+$0x2A50]  }
0x56: {  	v8 =	vld [tilespmem:s1+$0x2A60]  }
0x57: {  	v9 =	vld [tilespmem:s1+$0x210]  }
0x58: {  	v10 =	vld [tilespmem:s1+$0x1640]  }
0x59: {  	v11 =	vld [tilespmem:s1+$0x270]  }
0x5a: {  	v12 =	vld [tilespmem:s1+$0x2A70];
	v4 =	vadd.f32 v4, v5  }
0x5b: {  	v3 =	vadd.f32 v3, v6;
	v6 =	vld [tilespmem:s1+$0x240]  }
0x5c: {  	v5 =	vadd.f32 v7, v4;
	v4 =	vld [tilespmem:s1+$0x1670]  }
0x5d: {  	v7 =	vadd.f32 v8, v3;
	v3 =	vld [tilespmem:s1+$0x2A40]  }
0x5e: {  	v14 =	vld [tilespmem:s1+$0x1630]  }
0x5f: {  	s10 =	simm.s32 $0x80;
	v15 =	vld [tilespmem:s1+$0x2A30];
	v2 =	vadd.f32 v2, v9;
	v8 =	vand.u32 $0x7FFFFFFF, v5  }
0x60: {  	v17 =	vld [tilespmem:s10+$0x1620];
	v13 =	vand.u32 $0x7FFFFFFF, v7;
	v8 =	vsub.f32 $0.0e+00, v8;
	v6 =	vadd.f32 v10, v6  }
0x61: {  	v18 =	vld [tilespmem:s10+$0x1600];
	v13 =	vsub.f32 $0.0e+00, v13;
	v4 =	vadd.f32 v4, v11  }
0x62: {  	v9 =	vld [tilespmem:s1+$0x230];
	v1 =	vadd.f32 v1, v2;
	v10 =	vmul.f32 $1.442695020e+00, v8;
	v8 =	vadd.f32 v3, v6  }
0x63: {  	v20 =	vld [tilespmem:s10+$0x200];
	v11 =	vmul.f32 $1.442695020e+00, v13;
	v6 =	vadd.f32 v12, v4  }
0x64: {  	v2 =	vld [tilespmem:s1+$0x200];
	v1 =	vsub.f32 $0.0e+00, v1;
	(erf) = vpow2.f32 v10;
	v4 =	vand.u32 $0x7FFFFFFF, v8  }
0x65: {  	v13 =	vld [tilespmem:s1+$0x1600];
	(erf) = vpow2.f32 v11;
	v4 =	vsub.f32 $0.0e+00, v4;
	v11 =	vand.u32 $0x7FFFFFFF, v6  }
0x66: {  	v1 =	vmul.f32 $1.442695020e+00, v1;
	v3 =	vld [tilespmem:s1+$0x2A00];
	v11 =	vsub.f32 $0.0e+00, v11  }
0x67: {  	v9 =	vadd.f32 v14, v9;
	v10 =	vld [tilespmem:s1+$0x1620];
	v4 =	vmul.f32 $1.442695020e+00, v4  }
0x68: {  	v12 =	vld [tilespmem:s1+$0x220];
	(erf) = vpow2.f32 v1;
	v11 =	vmul.f32 $1.442695020e+00, v11  }
0x69: {  	v22 =	vld [tilespmem:s10+$0x1640];
	v9 =	vadd.f32 v15, v9;
	(erf) = vpow2.f32 v4  }
0x6a: {  	v14 =	vld [tilespmem:s1+$0x2A20];
	v2 =	vadd.f32 v13, v2;
	(erf) = vpow2.f32 v11  }
0x6b: {  	v24 =	vld [tilespmem:s10+$0x1660];
	v9 =	vsub.f32 $0.0e+00, v9  }
0x6c: {  	v25 =	vld [tilespmem:s10+$0x1650];
	v2 =	vadd.f32 v3, v2  }
0x6d: {  	v29 =	vld [tilespmem:s10+$0x260];
	v9 =	vmul.f32 $1.442695020e+00, v9;
	v10 =	vadd.f32 v10, v12;
	v11 =	vpop (erf)  }
0x6e: {  	v30 =	vld [tilespmem:s10+$0x2A60];
	v2 =	vsub.f32 $0.0e+00, v2;
	v15 =	vadd.f32 $2.000000000e+00, v11;
	v16 =	vpop (erf)  }
0x6f: {  	v4 =	vld [tilespmem:s10+$0x1610];
	v10 =	vadd.f32 v14, v10;
	(erf) = vpow2.f32 v9;
	v9 =	vadd.f32 $2.000000000e+00, v16  }
0x70: {  	v3 =	vld [tilespmem:s10+$0x210];
	v2 =	vmul.f32 $1.442695020e+00, v2;
	(erf) = vrcp.f32 v15  }
0x71: {  	v12 =	vld [tilespmem:s10+$0x1630];
	v10 =	vsub.f32 $0.0e+00, v10;
	v14 =	vpop (erf);
	(erf) = vrcp.f32 v9  }
0x72: {  	v9 =	vld [tilespmem:s10+$0x230];
	(erf) = vpow2.f32 v2;
	v19 =	vpop (erf)  }
0x73: {  	v1 =	vld [tilespmem:s10+$0x2A10];
	v10 =	vmul.f32 $1.442695020e+00, v10;
	v21 =	vpop (erf)  }
0x74: {  	v13 =	vld [tilespmem:s10+$0x2A30];
	v23 =	vadd.f32 $2.000000000e+00, v21  }
0x75: {  	v2 =	vld [tilespmem:s10+$0x220];
	(erf) = vpow2.f32 v10  }
0x76: {  	v3 =	vadd.f32 v4, v3;
	v15 =	vld [tilespmem:s10+$0x2A50];
	v10 =	vadd.f32 $2.000000000e+00, v19;
	(erf) = vrcp.f32 v23  }
0x77: {  	v4 =	vadd.f32 v12, v9;
	v23 =	vld [tilespmem:s10+$0x270]  }
0x78: {  	v18 =	vadd.f32 v18, v20;
	v3 =	vadd.f32 v1, v3;
	v26 =	vpop (erf);
	(erf) = vrcp.f32 v10;
	v10 =	vld [tilespmem:s10+$0x250]  }
0x79: {  	v26 =	vadd.f32 $1.000000000e+00, v26;
	v13 =	vadd.f32 v13, v4;
	v4 =	vld [tilespmem:s10+$0x240];
	v27 =	vpop (erf)  }
0x7a: {  	v49 =	vmax.f32 v7, $0.0e+00;
	v17 =	vadd.f32 v17, v2;
	v28 =	vpop (erf);
	v9 =	vmul.f32 v27, v11;
	v11 =	vld [tilespmem:s10+$0x1670]  }
0x7b: {  	v20 =	vld [tilespmem:s10+$0x2A70];
	(erf) = vrcp.f32 v26;
	v26 =	vsub.f32 $0.0e+00, v3;
	v13 =	vsub.f32 $0.0e+00, v13;
	v12 =	vpop (erf)  }
0x7c: {  	v27 =	vadd.f32 $1.000000000e+00, v12;
	v31 =	vmul.f32 v9, v9;
	v12 =	vmul.f32 v28, v16;
	v16 =	vld [tilespmem:s10+$0x2A40]  }
0x7d: {  	v50 =	vmax.f32 v5, $0.0e+00;
	v1 =	vadd.f32 v25, v10;
	v10 =	vadd.f32 v24, v29  }
0x7e: {  	v13 =	vmul.f32 $1.442695020e+00, v13;
	v24 =	vpop (erf);
	v25 =	vld [tilespmem:s10+$0x2A00];
	v4 =	vadd.f32 v22, v4;
	v2 =	vmul.f32 $1.818181870e-01, v31  }
0x7f: {  	v22 =	vmul.f32 v12, v12;
	v23 =	vadd.f32 v11, v23;
	v1 =	vadd.f32 v15, v1;
	v11 =	vpop (erf)  }
0x80: {  	v15 =	vadd.f32 $2.222222240e-01, v2;
	v2 =	vadd.f32 v30, v10;
	v11 =	vmul.f32 v11, v21  }
0x81: {  	v10 =	vpop (erf);
	v21 =	vand.u32 $0x7FFFFFFF, v1;
	v4 =	vadd.f32 v16, v4;
	v3 =	vadd.f32 v20, v23  }
0x82: {  	v20 =	vmul.f32 $1.818181870e-01, v22;
	v10 =	vmul.f32 v10, v19;
	v19 =	vsub.f32 $0.0e+00, v21  }
0x83: {  	v21 =	vand.u32 $0x7FFFFFFF, v2;
	v15 =	vmul.f32 v15, v31;
	v18 =	vadd.f32 v25, v18  }
0x84: {  	v25 =	vmul.f32 $1.442695020e+00, v26;
	v21 =	vsub.f32 $0.0e+00, v21;
	v28 =	vmul.f32 v11, v11  }
0x85: {  	v20 =	vadd.f32 $2.222222240e-01, v20;
	v19 =	vmul.f32 $1.442695020e+00, v19;
	v15 =	vadd.f32 $2.857142980e-01, v15  }
0x86: {  	v23 =	vld [tilespmem:s10+$0x2A20];
	v26 =	vmul.f32 v10, v10;
	v16 =	vmul.f32 $1.442695020e+00, v21;
	v21 =	vand.u32 $0x7FFFFFFF, v4  }
0x87: {  	(erf) = vpow2.f32 v19;
	v19 =	vand.u32 $0x7FFFFFFF, v3;
	v21 =	vsub.f32 $0.0e+00, v21  }
0x88: {  	v15 =	vmul.f32 v15, v31;
	(erf) = vpow2.f32 v16;
	v19 =	vsub.f32 $0.0e+00, v19  }
0x89: {  	v18 =	vsub.f32 $0.0e+00, v18;
	v16 =	vmul.f32 $1.818181870e-01, v28;
	v21 =	vmul.f32 $1.442695020e+00, v21  }
0x8a: {  	(erf) = vpow2.f32 v25;
	v15 =	vadd.f32 $4.000000060e-01, v15;
	v19 =	vmul.f32 $1.442695020e+00, v19  }
0x8b: {  	v17 =	vadd.f32 v23, v17;
	v23 =	vmul.f32 v20, v22;
	(erf) = vpow2.f32 v21  }
0x8c: {  	v16 =	vadd.f32 $2.222222240e-01, v16;
	v15 =	vmul.f32 v15, v31;
	(erf) = vpow2.f32 v19  }
0x8d: {  	v17 =	vsub.f32 $0.0e+00, v17;
	(erf) = vpow2.f32 v13;
	v13 =	vadd.f32 $2.857142980e-01, v23  }
0x8e: {  	s28 =	simm.s32 $0x100;
	v18 =	vmul.f32 $1.442695020e+00, v18;
	v16 =	vmul.f32 v16, v28;
	v15 =	vadd.f32 $6.666666860e-01, v15  }
0x8f: {  	v61 =	vld [tilespmem:s28+$0x2A00];
	v14 =	vadd.f32 $1.000000000e+00, v14;
	v20 =	vpop (erf);
	v17 =	vmul.f32 $1.442695020e+00, v17;
	v13 =	vmul.f32 v13, v22  }
0x90: {  	v29 =	vld [tilespmem:s28+$0x210];
	(erf) = vrcp.f32 v27;
	v16 =	vadd.f32 $2.857142980e-01, v16;
	v15 =	vmul.f32 v15, v31;
	v21 =	vpop (erf)  }
0x91: {  	(erf) = vrcp.f32 v14;
	v14 =	vld [tilespmem:s28+$0x1610];
	v19 =	vadd.f32 $2.000000000e+00, v21;
	v25 =	vpop (erf);
	v13 =	vadd.f32 $4.000000060e-01, v13  }
0x92: {  	v32 =	vld [tilespmem:s28+$0x1620];
	v16 =	vmul.f32 v16, v28;
	v15 =	vadd.f32 $2.000000000e+00, v15;
	v27 =	vadd.f32 $2.000000000e+00, v25  }
0x93: {  	v38 =	vmax.f32 v8, $0.0e+00;
	v23 =	vld [tilespmem:s28+$0x2A10];
	(erf) = vrcp.f32 v19;
	v33 =	vmul.f32 v13, v22  }
0x94: {  	v35 =	vld [tilespmem:s28+$0x1630];
	v16 =	vadd.f32 $4.000000060e-01, v16;
	v44 =	vmul.f32 v15, v9;
	(erf) = vrcp.f32 v27  }
0x95: {  	v41 =	vld [tilespmem:s28+$0x1600];
	v24 =	vadd.f32 $1.000000000e+00, v24;
	(erf) = vpow2.f32 v18;
	v18 =	vmul.f32 $1.818181870e-01, v26  }
0x96: {  	v7 =	vld [tilespmem:s28+$0x1650];
	v14 =	vadd.f32 v14, v29;
	v16 =	vmul.f32 v16, v28;
	v19 =	vpop (erf);
	v33 =	vadd.f32 $6.666666860e-01, v33  }
0x97: {  	v34 =	vpop (erf);
	v13 =	vadd.f32 $1.000000000e+00, v19;
	(erf) = vpow2.f32 v17;
	v19 =	vld [tilespmem:s28+$0x230];
	v17 =	vadd.f32 $2.222222240e-01, v18  }
0x98: {  	v8 =	vld [tilespmem:s28+$0x220];
	v5 =	vadd.f32 v23, v14;
	v62 =	vpop (erf);
	v36 =	vadd.f32 $2.000000000e+00, v34;
	v15 =	vmul.f32 v33, v22  }
0x99: {  	v23 =	vld [tilespmem:s28+$0x250];
	v22 =	vadd.f32 $6.666666860e-01, v16;
	v37 =	vadd.f32 $2.000000000e+00, v62;
	v18 =	vpop (erf);
	v17 =	vmul.f32 v17, v26  }
0x9a: {  	v63 =	vld [tilespmem:s28+$0x200];
	v52 =	vsub.f32 $0.0e+00, v5;
	v15 =	vadd.f32 $2.000000000e+00, v15;
	v39 =	vpop (erf)  }
0x9b: {  	v27 =	vld [tilespmem:s28+$0x2A30];
	v18 =	vadd.f32 $1.000000000e+00, v18;
	v40 =	vpop (erf);
	(erf) = vrcp.f32 v37;
	v17 =	vadd.f32 $2.857142980e-01, v17  }
0x9c: {  	v29 =	vld [tilespmem:s28+$0x2A50];
	v16 =	vadd.f32 v35, v19;
	v51 =	vmul.f32 v15, v12;
	v42 =	vpop (erf);
	(erf) = vrcp.f32 v24  }
0x9d: {  	v14 =	vld [tilespmem:s28+$0x1670];
	v12 =	vmul.f32 v22, v28;
	v28 =	vadd.f32 v32, v8;
	v43 =	vpop (erf);
	(erf) = vrcp.f32 v36  }
0x9e: {  	v15 =	vld [tilespmem:s28+$0x240];
	v7 =	vadd.f32 v7, v23;
	v17 =	vmul.f32 v17, v26;
	v9 =	vpop (erf);
	(erf) = vrcp.f32 v18  }
0x9f: {  	v24 =	vld [tilespmem:s28+$0x1640];
	v18 =	vadd.f32 v41, v63;
	v19 =	vadd.f32 $1.000000000e+00, v9;
	v9 =	vmul.f32 v42, v21  }
0xa0: {  	v6 =	vmax.f32 v6, $0.0e+00;
	v21 =	vadd.f32 v27, v16;
	v27 =	vld [tilespmem:s28+$0x270];
	v22 =	vadd.f32 $4.000000060e-01, v17  }
0xa1: {  	v48 =	vld [tilespmem:s28+$0x1660];
	v5 =	vadd.f32 $2.000000000e+00, v12;
	v7 =	vadd.f32 v29, v7;
	v16 =	vmul.f32 v9, v9  }
0xa2: {  	v53 =	vld [tilespmem:s28+$0x260];
	v12 =	vmul.f32 v43, v25;
	v30 =	vadd.f32 v61, v18;
	v18 =	vmul.f32 v22, v26  }
0xa3: {  	v54 =	vld [tilespmem:s28+$0x2A70];
	v35 =	vadd.f32 v51, v49;
	v11 =	vmul.f32 v5, v11;
	v8 =	vmul.f32 $1.818181870e-01, v16  }
0xa4: {  	v29 =	vand.u32 $0x7FFFFFFF, v7;
	v17 =	vpop (erf);
	v22 =	vld [tilespmem:s28+$0x2A60];
	v24 =	vadd.f32 v24, v15;
	v23 =	vadd.f32 $6.666666860e-01, v18  }
0xa5: {  	v18 =	vmul.f32 v12, v12;
	v45 =	vpop (erf);
	v27 =	vadd.f32 v14, v27;
	v14 =	vadd.f32 $2.222222240e-01, v8  }
0xa6: {  	v55 =	vld [tilespmem:s28+$0x2A40];
	v21 =	vsub.f32 $0.0e+00, v21;
	v25 =	vpop (erf);
	v8 =	vmul.f32 v45, v62;
	v23 =	vmul.f32 v23, v26  }
0xa7: {  	v26 =	vadd.f32 v11, v6;
	v5 =	vpop (erf);
	v56 =	vmul.f32 v14, v16;
	v14 =	vadd.f32 v48, v53  }
0xa8: {  	v6 =	vadd.f32 v54, v27;
	v27 =	vsub.f32 $0.0e+00, v29;
	v5 =	vmul.f32 v5, v34  }
0xa9: {  	v15 =	vmul.f32 v8, v8;
	v23 =	vadd.f32 $2.000000000e+00, v23;
	v11 =	vadd.f32 v22, v14  }
0xaa: {  	v58 =	vand.u32 $0x7FFFFFFF, v6;
	v27 =	vmul.f32 $1.442695020e+00, v27;
	v22 =	vadd.f32 v44, v50  }
0xab: {  	v14 =	vadd.f32 v55, v24;
	v24 =	vmul.f32 $1.818181870e-01, v18;
	v29 =	vand.u32 $0x7FFFFFFF, v11  }
0xac: {  	v57 =	vmul.f32 $1.818181870e-01, v15;
	(erf) = vpow2.f32 v27;
	v29 =	vsub.f32 $0.0e+00, v29  }
0xad: {  	v60 =	vld [tilespmem:s28+$0x2A20];
	v27 =	vmul.f32 v35, v25;
	v25 =	vsub.f32 $0.0e+00, v58;
	v59 =	vand.u32 $0x7FFFFFFF, v14  }
0xae: {  	v10 =	vmul.f32 v23, v10;
	v61 =	vsub.f32 $0.0e+00, v59;
	v29 =	vmul.f32 $1.442695020e+00, v29  }
0xaf: {  	v63 =	vadd.f32 $2.857142980e-01, v56;
	v36 =	vmul.f32 v22, v40;
	v62 =	vmul.f32 $1.442695020e+00, v25  }
0xb0: {  	v24 =	vadd.f32 $2.222222240e-01, v24;
	v23 =	vmul.f32 $1.442695020e+00, v61;
	(erf) = vpow2.f32 v29  }
0xb1: {  	v10 =	vadd.f32 v10, v38;
	v29 =	vmul.f32 v26, v20;
	v20 =	vmul.f32 $1.442695020e+00, v52  }
0xb2: {  	v28 =	vadd.f32 v60, v28;
	[tilespmem:s1+$0x7A20] =	vst v27;
	v27 =	vmul.f32 v63, v16;
	v25 =	vmul.f32 v24, v18  }
0xb3: {  	v22 =	vsub.f32 $0.0e+00, v30;
	v26 =	vmul.f32 $1.442695020e+00, v21;
	(erf) = vpow2.f32 v20  }
0xb4: {  	[tilespmem:s1+$0x7A10] =	vst v36;
	v24 =	vadd.f32 $2.222222240e-01, v57;
	v20 =	vmul.f32 v10, v39;
	(erf) = vpow2.f32 v23  }
0xb5: {  	s29 =	simm.s32 $0x600;
	v21 =	vsub.f32 $0.0e+00, v28;
	v10 =	vpop (erf);
	[tilespmem:s1+$0x7A30] =	vst v29;
	v23 =	vmov v5;
	(erf) = vpow2.f32 v62  }
.LBB2_5:
0xb6: {  	[tilespmem:s1+$0x7A00] =	vst v20;
	s1 =	smov.u32 s10;
	s30 =	smov.u32 s29  }
0xb7: {  	v28 =	vmul.f32 $1.442695020e+00, v22;
	(erf) = vpow2.f32 v26;
	v25 =	vadd.f32 $2.857142980e-01, v25;
	s10 =	smov.u32 s28;
	s28 =	sshra.s32 s29, $0x2;
	s30 =	sadd.s32 $0x200, s29  }
0xb8: {  	p0 =	sne.s32 s29, $0x4E00;
	v24 =	vmul.f32 v24, v15;
	v20 =	vadd.f32 $4.000000060e-01, v27;
	v26 =	vld [tilespmem:s28+$0x2A10];
	v29 =	vpop (erf);
	(erf) = vrcp.f32 v19  }
0xb9: {  	v22 =	vmul.f32 v23, v5;
	v27 =	vld [tilespmem:s28+$0x2A00];
	v19 =	vadd.f32 $2.000000000e+00, v29;
	v30 =	vpop (erf);
	(erf) = vrcp.f32 v13  }
0xba: {  	v33 =	vmul.f32 v25, v18;
	v24 =	vadd.f32 $2.857142980e-01, v24;
	v23 =	vld [tilespmem:s28+$0x1610];
	v13 =	vadd.f32 $2.000000000e+00, v30  }
0xbb: {  	v31 =	vld [tilespmem:s28+$0x210];
	(erf) = vrcp.f32 v19;
	v19 =	vmul.f32 v20, v16  }
0xbc: {  	v20 =	vmul.f32 v24, v15;
	v32 =	vld [tilespmem:s28+$0x2A30];
	(erf) = vrcp.f32 v13;
	v13 =	vadd.f32 $4.000000060e-01, v33  }
0xbd: {  	v24 =	vld [tilespmem:s28+$0x2A70];
	(erf) = vpow2.f32 v28;
	v25 =	vpop (erf);
	v28 =	vmul.f32 $1.818181870e-01, v22;
	v19 =	vadd.f32 $6.666666860e-01, v19  }
0xbe: {  	v21 =	vmul.f32 $1.442695020e+00, v21;
	v33 =	vld [tilespmem:s28+$0x1620];
	v34 =	vpop (erf);
	v35 =	vmul.f32 v13, v18  }
0xbf: {  	v13 =	vadd.f32 $1.000000000e+00, v25;
	v36 =	vld [tilespmem:s28+$0x1630];
	v25 =	vpop (erf);
	v16 =	vmul.f32 v19, v16;
	v19 =	vadd.f32 $4.000000060e-01, v20  }
0xc0: {  	v28 =	vadd.f32 $2.222222240e-01, v28;
	v23 =	vadd.f32 v23, v31;
	v31 =	vld [tilespmem:s28+$0x2A50];
	(erf) = vpow2.f32 v21;
	v37 =	vpop (erf)  }
0xc1: {  	v39 =	vadd.f32 $2.000000000e+00, v34;
	v44 =	vadd.f32 $2.000000000e+00, v25;
	v21 =	vmax.f32 v4, $0.0e+00;
	v38 =	vld [tilespmem:s28+$0x230];
	v20 =	vpop (erf)  }
0xc2: {  	v17 =	vadd.f32 $1.000000000e+00, v17;
	v28 =	vmul.f32 v28, v22;
	v16 =	vadd.f32 $2.000000000e+00, v16;
	v41 =	vld [tilespmem:s28+$0x220];
	v42 =	vpop (erf)  }
0xc3: {  	v35 =	vadd.f32 $6.666666860e-01, v35;
	v4 =	vmovc v14;
	v19 =	vmul.f32 v19, v15;
	v43 =	vld [tilespmem:s28+$0x1600];
	(erf) = vrcp.f32 v44  }
0xc4: {  	v37 =	vadd.f32 $1.000000000e+00, v37;
	v28 =	vadd.f32 $2.857142980e-01, v28;
	v14 =	vld [tilespmem:s28+$0x200];
	v40 =	vpop (erf);
	(erf) = vrcp.f32 v17  }
0xc5: {  	v46 =	vmul.f32 v16, v9;
	v16 =	vmul.f32 v35, v18;
	v18 =	vadd.f32 $6.666666860e-01, v19;
	v44 =	vld [tilespmem:s28+$0x1640];
	v45 =	vpop (erf)  }
0xc6: {  	v47 =	vadd.f32 v36, v38;
	v9 =	vpop (erf)  }
0xc7: {  	v35 =	vld [tilespmem:s28+$0x1660];
	(erf) = vrcp.f32 v39;
	v36 =	vmax.f32 v2, $0.0e+00;
	v19 =	vadd.f32 $1.000000000e+00, v9  }
0xc8: {  	v2 =	vmovc v11;
	v38 =	vld [tilespmem:s28+$0x1650];
	v9 =	vmul.f32 v40, v29;
	v29 =	vadd.f32 $2.000000000e+00, v16;
	v33 =	vadd.f32 v33, v41  }
0xc9: {  	v32 =	vadd.f32 v32, v47;
	v11 =	vld [tilespmem:s28+$0x270];
	(erf) = vrcp.f32 v37;
	v37 =	vmax.f32 v1, $0.0e+00;
	v1 =	vmovc v7  }
0xca: {  	v47 =	vadd.f32 v26, v23;
	v26 =	vmul.f32 v28, v22;
	v23 =	vld [tilespmem:s28+$0x1670];
	v16 =	vmul.f32 v9, v9;
	v17 =	vpop (erf)  }
0xcb: {  	v14 =	vadd.f32 v43, v14;
	v29 =	vmul.f32 v29, v12;
	v12 =	vmul.f32 v18, v15;
	v28 =	vld [tilespmem:s28+$0x250]  }
0xcc: {  	v26 =	vadd.f32 $4.000000060e-01, v26;
	v39 =	vsub.f32 $0.0e+00, v47;
	v15 =	vld [tilespmem:s28+$0x240];
	v18 =	vmul.f32 $1.818181870e-01, v16  }
0xcd: {  	v43 =	vmax.f32 v3, $0.0e+00;
	v32 =	vsub.f32 $0.0e+00, v32;
	v41 =	vadd.f32 $2.000000000e+00, v12;
	v40 =	vld [tilespmem:s28+$0x260];
	v7 =	vpop (erf)  }
0xce: {  	v27 =	vadd.f32 v27, v14;
	v12 =	vmul.f32 v45, v30;
	v26 =	vmul.f32 v26, v22;
	v14 =	vld [tilespmem:s28+$0x2A60];
	v30 =	vpop (erf)  }
0xcf: {  	v3 =	vmovc v6;
	v41 =	vmul.f32 v41, v8;
	v45 =	vadd.f32 v23, v11;
	v11 =	vadd.f32 $2.222222240e-01, v18  }
0xd0: {  	v8 =	vmul.f32 v7, v25;
	v25 =	vadd.f32 $6.666666860e-01, v26;
	v6 =	vld [tilespmem:s28+$0x2A40];
	v18 =	vadd.f32 v38, v28;
	v7 =	vpop (erf)  }
0xd1: {  	v26 =	vadd.f32 v44, v15;
	v23 =	vmul.f32 v7, v34;
	v28 =	vmul.f32 v11, v16  }
0xd2: {  	v7 =	vadd.f32 v31, v18;
	v11 =	vadd.f32 v35, v40;
	v18 =	vmul.f32 v12, v12;
	v31 =	vpop (erf)  }
0xd3: {  	v15 =	vmul.f32 v8, v8;
	v25 =	vmul.f32 v25, v22;
	v34 =	vadd.f32 v41, v43  }
0xd4: {  	v35 =	vadd.f32 v46, v37;
	v22 =	vand.u32 $0x7FFFFFFF, v7;
	v11 =	vadd.f32 v14, v11  }
0xd5: {  	v14 =	vadd.f32 v6, v26;
	v6 =	vadd.f32 v24, v45;
	v24 =	vmul.f32 $1.818181870e-01, v18  }
0xd6: {  	v37 =	vmul.f32 $1.818181870e-01, v15;
	v22 =	vsub.f32 $0.0e+00, v22;
	v26 =	vand.u32 $0x7FFFFFFF, v11  }
0xd7: {  	v35 =	vmul.f32 v35, v42;
	v26 =	vsub.f32 $0.0e+00, v26;
	v38 =	vand.u32 $0x7FFFFFFF, v6  }
0xd8: {  	v29 =	vadd.f32 v29, v36;
	v40 =	vand.u32 $0x7FFFFFFF, v14;
	v41 =	vmul.f32 $1.442695020e+00, v22  }
0xd9: {  	v25 =	vadd.f32 $2.000000000e+00, v25;
	v22 =	vsub.f32 $0.0e+00, v27;
	v27 =	vld [tilespmem:s28+$0x2A20];
	v26 =	vmul.f32 $1.442695020e+00, v26;
	[tilespmem:s1+$0x7A10] =	vst v35  }
0xda: {  	v29 =	vmul.f32 v29, v30;
	v35 =	vsub.f32 $0.0e+00, v40;
	(erf) = vpow2.f32 v41  }
0xdb: {  	v30 =	vsub.f32 $0.0e+00, v38;
	(erf) = vpow2.f32 v26;
	v26 =	vmul.f32 v34, v10;
	v10 =	vmovc v31  }
0xdc: {  	v25 =	vmul.f32 v25, v5;
	v5 =	vmovc v23;
	v24 =	vadd.f32 $2.222222240e-01, v24;
	v31 =	vmul.f32 $1.442695020e+00, v39;
	[tilespmem:s1+$0x7A20] =	vst v29  }
.Ltmp1:
0xdd: {  	v30 =	vmul.f32 $1.442695020e+00, v30;
	v29 =	vmul.f32 $1.442695020e+00, v35;
	[tilespmem:s1+$0x7A30] =	vst v26;
	(pc) =	sbr.rel @p0 .LBB2_5-.Ltmp1, $4  }
0xde: {  	v21 =	vadd.f32 v25, v21;
	v26 =	vmul.f32 $1.442695020e+00, v32;
	v27 =	vadd.f32 v27, v33  }
0xdf: {  	v28 =	vadd.f32 $2.857142980e-01, v28;
	v25 =	vmul.f32 v24, v18;
	(erf) = vpow2.f32 v31  }
0xe0: {  	v24 =	vadd.f32 $2.222222240e-01, v37;
	v20 =	vmul.f32 v21, v20;
	(erf) = vpow2.f32 v29  }
0xe1: {  	s29 =	smov.u32 s30;
	v21 =	vsub.f32 $0.0e+00, v27;
	v27 =	vmul.f32 v28, v16;
	(erf) = vpow2.f32 v30  }
0xe2: {  	_ =	sdelay $0x1  }
0xe3: {  	(erf) = vpow2.f32 v26;
	v26 =	vpop (erf)  }
0xe4: {  	(erf) = vrcp.f32 v19;
	v19 =	vadd.f32 $2.000000000e+00, v26  }
0xe5: {  	v22 =	vmul.f32 $1.442695020e+00, v22;
	v28 =	vpop (erf)  }
0xe6: {  	v24 =	vmul.f32 v24, v15;
	(erf) = vrcp.f32 v13;
	v13 =	vadd.f32 $2.000000000e+00, v28  }
0xe7: {  	v25 =	vadd.f32 $2.857142980e-01, v25;
	v23 =	vmul.f32 v23, v5;
	v29 =	vpop (erf);
	(erf) = vrcp.f32 v19  }
0xe8: {  	v19 =	vpop (erf);
	(erf) = vrcp.f32 v13;
	v13 =	vmul.f32 $1.442695020e+00, v21  }
0xe9: {  	v27 =	vadd.f32 $4.000000060e-01, v27;
	v25 =	vmul.f32 v25, v18;
	v21 =	vpop (erf);
	(erf) = vpow2.f32 v22  }
0xea: {  	v22 =	vadd.f32 $2.000000000e+00, v21;
	(erf) = vpow2.f32 v13;
	v13 =	vadd.f32 $1.000000000e+00, v17  }
0xeb: {  	v27 =	vmul.f32 v27, v16;
	v17 =	vadd.f32 $4.000000060e-01, v25;
	v25 =	vadd.f32 $2.000000000e+00, v19  }
0xec: {  	(erf) = vrcp.f32 v22;
	v22 =	vadd.f32 $2.857142980e-01, v24;
	v24 =	vmul.f32 $1.818181870e-01, v23  }
0xed: {  	v17 =	vmul.f32 v17, v18  }
0xee: {  	(erf) = vrcp.f32 v13;
	v13 =	vadd.f32 $6.666666860e-01, v27;
	v24 =	vadd.f32 $2.222222240e-01, v24  }
0xef: {  	v27 =	vpop (erf);
	(erf) = vrcp.f32 v25;
	v22 =	vmul.f32 v22, v15;
	v17 =	vadd.f32 $6.666666860e-01, v17  }
0xf0: {  	v25 =	vpop (erf);
	v13 =	vmul.f32 v13, v16;
	v24 =	vmul.f32 v24, v23  }
0xf1: {  	v16 =	vpop (erf);
	v22 =	vadd.f32 $4.000000060e-01, v22;
	v17 =	vmul.f32 v17, v18  }
0xf2: {  	v30 =	vpop (erf);
	v13 =	vadd.f32 $2.000000000e+00, v13  }
0xf3: {  	v27 =	vadd.f32 $1.000000000e+00, v27;
	v31 =	vpop (erf);
	v26 =	vmul.f32 v30, v26;
	v18 =	vmul.f32 v22, v15  }
0xf4: {  	v22 =	vadd.f32 $2.857142980e-01, v24;
	v9 =	vmul.f32 v13, v9;
	v13 =	vadd.f32 $2.000000000e+00, v17;
	v24 =	vpop (erf)  }
0xf5: {  	v2 =	vmax.f32 v2, $0.0e+00;
	(erf) = vrcp.f32 v27;
	v27 =	vmul.f32 v26, v26;
	v17 =	vpop (erf)  }
0xf6: {  	v18 =	vadd.f32 $6.666666860e-01, v18;
	v22 =	vmul.f32 v22, v23;
	v12 =	vmul.f32 v13, v12;
	v50 =	vpop (erf)  }
0xf7: {  	v1 =	vmax.f32 v1, $0.0e+00;
	v13 =	vmul.f32 v31, v28;
	v51 =	vmul.f32 $1.818181870e-01, v27;
	v28 =	vpop (erf)  }
0xf8: {  	v3 =	vmax.f32 v3, $0.0e+00;
	v15 =	vmul.f32 v18, v15;
	v18 =	vmul.f32 v50, v21;
	v21 =	vpop (erf)  }
0xf9: {  	v22 =	vadd.f32 $4.000000060e-01, v22;
	v19 =	vmul.f32 v21, v19;
	v21 =	vmul.f32 v13, v13  }
0xfa: {  	v29 =	vadd.f32 $1.000000000e+00, v29;
	v24 =	vadd.f32 $1.000000000e+00, v24;
	v52 =	vmul.f32 v18, v18  }
0xfb: {  	v30 =	vadd.f32 $2.222222240e-01, v51;
	v22 =	vmul.f32 v22, v23;
	v32 =	vmul.f32 $1.818181870e-01, v21  }
0xfc: {  	v1 =	vadd.f32 v9, v1;
	v33 =	vmul.f32 v19, v19;
	v34 =	vmul.f32 $1.818181870e-01, v52  }
0xfd: {  	v15 =	vadd.f32 $2.000000000e+00, v15;
	v30 =	vmul.f32 v30, v27;
	v22 =	vadd.f32 $6.666666860e-01, v22  }
0xfe: {  	v32 =	vadd.f32 $2.222222240e-01, v32;
	v35 =	vmul.f32 $1.818181870e-01, v33;
	v34 =	vadd.f32 $2.222222240e-01, v34  }
0xff: {  	v8 =	vmul.f32 v15, v8;
	v22 =	vmul.f32 v22, v23;
	v23 =	vadd.f32 $2.857142980e-01, v30  }
0x100: {  	v15 =	vmul.f32 v32, v21;
	v53 =	vadd.f32 $2.222222240e-01, v35;
	v54 =	vmul.f32 v34, v52  }
0x101: {  	v1 =	vmul.f32 v1, v16;
	v3 =	vadd.f32 v8, v3;
	v8 =	vmul.f32 v23, v27  }
0x102: {  	v9 =	vadd.f32 $2.857142980e-01, v15;
	v15 =	vmul.f32 v53, v33;
	v23 =	vadd.f32 $2.857142980e-01, v54  }
0x103: {  	v2 =	vadd.f32 v12, v2;
	(erf) = vrcp.f32 v24;
	v8 =	vadd.f32 $4.000000060e-01, v8  }
0x104: {  	v9 =	vmul.f32 v9, v21;
	v15 =	vadd.f32 $2.857142980e-01, v15;
	v12 =	vmul.f32 v23, v52  }
0x105: {  	v17 =	vadd.f32 $1.000000000e+00, v17;
	(erf) = vrcp.f32 v29;
	v8 =	vmul.f32 v8, v27  }
0x106: {  	v9 =	vadd.f32 $4.000000060e-01, v9;
	v15 =	vmul.f32 v15, v33;
	v12 =	vadd.f32 $4.000000060e-01, v12  }
0x107: {  	(erf) = vrcp.f32 v17;
	v16 =	vadd.f32 $2.000000000e+00, v22;
	v8 =	vadd.f32 $6.666666860e-01, v8  }
0x108: {  	v9 =	vmul.f32 v9, v21;
	v15 =	vadd.f32 $4.000000060e-01, v15;
	v12 =	vmul.f32 v12, v52  }
0x109: {  	v4 =	vmax.f32 v4, $0.0e+00;
	v5 =	vmul.f32 v16, v5;
	v8 =	vmul.f32 v8, v27  }
0x10a: {  	v9 =	vadd.f32 $6.666666860e-01, v9;
	v15 =	vmul.f32 v15, v33;
	v12 =	vadd.f32 $6.666666860e-01, v12  }
0x10b: {  	v2 =	vmul.f32 v2, v28;
	v4 =	vadd.f32 v5, v4;
	v5 =	vadd.f32 $2.000000000e+00, v8  }
0x10c: {  	v9 =	vmul.f32 v9, v21;
	v15 =	vadd.f32 $6.666666860e-01, v15;
	v8 =	vmul.f32 v12, v52  }
0x10d: {  	v7 =	vmax.f32 v7, $0.0e+00;
	v3 =	vmul.f32 v3, v10;
	v5 =	vmul.f32 v5, v26  }
0x10e: {  	[tilespmem:s1+$0x7A00] =	vst v20;
	v9 =	vadd.f32 $2.000000000e+00, v9;
	v10 =	vmul.f32 v15, v33;
	v8 =	vadd.f32 $2.000000000e+00, v8;
	v12 =	vpop (erf)  }
0x10f: {  	v11 =	vmax.f32 v11, $0.0e+00;
	[tilespmem:s10+$0x7A10] =	vst v1;
	v5 =	vadd.f32 v5, v7;
	v1 =	vpop (erf)  }
0x110: {  	[tilespmem:s10+$0x7A20] =	vst v2;
	v9 =	vmul.f32 v9, v13;
	v10 =	vadd.f32 $2.000000000e+00, v10;
	v8 =	vmul.f32 v8, v18;
	v2 =	vpop (erf)  }
0x111: {  	v6 =	vmax.f32 v6, $0.0e+00;
	v4 =	vmul.f32 v4, v25;
	v2 =	vmul.f32 v5, v2  }
0x112: {  	[tilespmem:s10+$0x7A30] =	vst v3;
	v7 =	vadd.f32 v9, v11;
	v9 =	vmul.f32 v10, v19;
	v6 =	vadd.f32 v8, v6  }
0x113: {  	v3 =	vmax.f32 v14, $0.0e+00;
	[tilespmem:s10+$0x7A00] =	vst v4  }
0x114: {  	[tilespmem:s28+$0x7A10] =	vst v2;
	v10 =	vpop (erf);
	v3 =	vadd.f32 v9, v3;
	v2 =	vmul.f32 v6, v12  }
0x115: {  	v4 =	vmul.f32 v7, v10  }
0x116: {  	v1 =	vmul.f32 v3, v1;
	[tilespmem:s28+$0x7A30] =	vst v2  }
0x117: {  	p0 =	slt.s32 s0, $0x9C388;
	s10 =	smov.u32 s0;
	[tilespmem:s28+$0x7A20] =	vst v4  }
0x118: {  	s1 =	simm.s32 $0x0;
	s10 =	simm.s32 @!p0 $0x9C388;
	[tilespmem:s28+$0x7A00] =	vst v1  }
0x119: {  	[spmem:s2] =	stream.indirect.scatter.add.f32 [tilespmem:s15], [sflag:$0x9], $0x80, s1, s26, $0xb8;
	[tilespmem:$0x1CE00] =	vst v63  }
0x11a: {  	s10 =	sadd.s32 $0x50, s10;
	_ =	swait.ge [sflag:s21], $0x1400  }
0x11b: {  	s28 =	sshrl.u32 s10, $0x3;
	[sflag:s21] =	ssyncset.done $0x0  }
0x11c: {  	s29 =	sadd.s32 s7, s28;
	[sflag:s21] =	ssyncadd.s32 $0xFFFFEC00  }
0x11d: {  	[tilespmem:s1], [sflag:$0x1] =	stream.linear.gather [hbm4b:s29+s1], $0x28, $0x38;
	[tilespmem:$0x1CE00] =	vst v63  }
0x11e: {  	s28 =	sadd.s32 s8, s28  }
0x11f: {  	[tilespmem:s22], [sflag:$0x1] =	stream.linear.gather [hbm4b:s28+s1], $0x28, $0x38;
	[tilespmem:$0x1CE00] =	vst v63  }
0x120: {  	_ =	swait.ge [sflag:s25], $0x28  }
0x121: {  	[sflag:s25] =	ssyncset.done $0x0  }
0x122: {  	[sflag:s25] =	ssyncadd.s32 $0xFFFFFFD8  }
0x123: {  	_ =	swait.ge [sflag:s25], $0x28  }
0x124: {  	[sflag:s25] =	ssyncset.done $0x0  }
0x125: {  	s28 =	simm.s32 $0x200;
	[sflag:s25] =	ssyncadd.s32 $0xFFFFFFD8  }
0x126: {  	[tilespmem:s28], [sflag:$0x3] =	stream.indirect.gather [hbm4b:s4+s26], $0x80, s1, s26, $0xb8;
	[tilespmem:$0x1CE00] =	vst v63  }
0x127: {  	s10 =	sshll.u32 s10, $0x4;
	s28 =	simm.s32 $0x1600  }
0x128: {  	[tilespmem:s28], [sflag:$0x4] =	stream.indirect.gather [hbm4b:s5+s26], $0x80, s22, s26, $0xb8;
	[tilespmem:$0x1CE00] =	vst v63  }
0x129: {  	s10 =	sadd.s32 s6, s10;
	s28 =	simm.s32 $0x2A00  }
0x12a: {  	[tilespmem:s28], [sflag:$0x5] =	stream.linear.gather [hbm4b:s10+s1], $0x1400, $0x38;
	[tilespmem:$0x1CE00] =	vst v63  }
0x12b: {  	_ =	swait.ge [sflag:s16], $0x1400  }
0x12c: {  	[sflag:s16] =	ssyncset.done $0x0  }
0x12d: {  	[sflag:s16] =	ssyncadd.s32 $0xFFFFEC00  }
0x12e: {  	_ =	swait.ge [sflag:s17], $0x1400  }
0x12f: {  	[sflag:s17] =	ssyncset.done $0x0  }
0x130: {  	[sflag:s17] =	ssyncadd.s32 $0xFFFFEC00  }
0x131: {  	_ =	swait.ge [sflag:s19], $0x1400  }
0x132: {  	[sflag:s19] =	ssyncset.done $0x0  }
0x133: {  	s1 =	simm.s32 $0x0;
	[sflag:s19] =	ssyncadd.s32 $0xFFFFEC00  }
0x134: {  	v1 =	vld [tilespmem:s1+$0x6610]  }
0x135: {  	v2 =	vld [tilespmem:s1+$0x5210]  }
0x136: {  	v3 =	vld [tilespmem:s1+$0x5260]  }
0x137: {  	v4 =	vld [tilespmem:s1+$0x5250]  }
0x138: {  	v5 =	vld [tilespmem:s1+$0x3E50]  }
0x139: {  	v6 =	vld [tilespmem:s1+$0x3E60]  }
0x13a: {  	v7 =	vld [tilespmem:s1+$0x6650]  }
0x13b: {  	v8 =	vld [tilespmem:s1+$0x6660]  }
0x13c: {  	v9 =	vld [tilespmem:s1+$0x3E10]  }
0x13d: {  	v10 =	vld [tilespmem:s1+$0x5240]  }
0x13e: {  	v11 =	vld [tilespmem:s1+$0x3E70]  }
0x13f: {  	v12 =	vld [tilespmem:s1+$0x6670]  }
0x140: {  	v14 =	vld [tilespmem:s1+$0x5230]  }
0x141: {  	v15 =	vld [tilespmem:s1+$0x6630];
	v4 =	vadd.f32 v4, v5  }
0x142: {  	v3 =	vadd.f32 v3, v6;
	v6 =	vld [tilespmem:s1+$0x3E40]  }
0x143: {  	v5 =	vadd.f32 v7, v4;
	v4 =	vld [tilespmem:s1+$0x5270]  }
0x144: {  	s10 =	simm.s32 $0x80;
	v7 =	vadd.f32 v8, v3;
	v3 =	vld [tilespmem:s1+$0x6640]  }
0x145: {  	v17 =	vld [tilespmem:s10+$0x5220];
	v8 =	vand.u32 $0x7FFFFFFF, v5  }
0x146: {  	v18 =	vld [tilespmem:s10+$0x5200];
	v8 =	vsub.f32 $0.0e+00, v8  }
0x147: {  	v20 =	vld [tilespmem:s10+$0x3E00];
	v2 =	vadd.f32 v2, v9;
	v13 =	vand.u32 $0x7FFFFFFF, v7;
	v6 =	vadd.f32 v10, v6  }
0x148: {  	v9 =	vld [tilespmem:s1+$0x3E30];
	v13 =	vsub.f32 $0.0e+00, v13;
	v10 =	vmul.f32 $1.442695020e+00, v8;
	v4 =	vadd.f32 v4, v11  }
0x149: {  	v22 =	vld [tilespmem:s10+$0x5240];
	v1 =	vadd.f32 v1, v2;
	v8 =	vadd.f32 v3, v6  }
0x14a: {  	v24 =	vld [tilespmem:s10+$0x5260];
	v11 =	vmul.f32 $1.442695020e+00, v13;
	(erf) = vpow2.f32 v10;
	v6 =	vadd.f32 v12, v4  }
0x14b: {  	v25 =	vld [tilespmem:s10+$0x5250];
	v1 =	vsub.f32 $0.0e+00, v1;
	v4 =	vand.u32 $0x7FFFFFFF, v8  }
0x14c: {  	v2 =	vld [tilespmem:s1+$0x3E00];
	(erf) = vpow2.f32 v11;
	v4 =	vsub.f32 $0.0e+00, v4;
	v11 =	vand.u32 $0x7FFFFFFF, v6  }
0x14d: {  	v9 =	vadd.f32 v14, v9;
	v1 =	vmul.f32 $1.442695020e+00, v1;
	v13 =	vld [tilespmem:s1+$0x5200];
	v11 =	vsub.f32 $0.0e+00, v11  }
0x14e: {  	v10 =	vld [tilespmem:s1+$0x5220];
	v4 =	vmul.f32 $1.442695020e+00, v4  }
0x14f: {  	v9 =	vadd.f32 v15, v9;
	v12 =	vld [tilespmem:s1+$0x3E20];
	(erf) = vpow2.f32 v1;
	v11 =	vmul.f32 $1.442695020e+00, v11  }
0x150: {  	v3 =	vld [tilespmem:s1+$0x6600];
	(erf) = vpow2.f32 v4  }
0x151: {  	v14 =	vld [tilespmem:s1+$0x6620];
	v9 =	vsub.f32 $0.0e+00, v9;
	(erf) = vpow2.f32 v11  }
0x152: {  	s28 =	simm.s32 $0x100;
	v29 =	vld [tilespmem:s10+$0x3E60]  }
0x153: {  	v63 =	vld [tilespmem:s28+$0x3E50];
	v9 =	vmul.f32 $1.442695020e+00, v9;
	v2 =	vadd.f32 v13, v2;
	v11 =	vpop (erf)  }
0x154: {  	v34 =	vmax.f32 v7, $0.0e+00;
	v7 =	vld [tilespmem:s28+$0x5250];
	v10 =	vadd.f32 v10, v12;
	v15 =	vadd.f32 $2.000000000e+00, v11  }
0x155: {  	v4 =	vld [tilespmem:s10+$0x5210];
	v2 =	vadd.f32 v3, v2;
	(erf) = vpow2.f32 v9;
	v16 =	vpop (erf)  }
0x156: {  	v3 =	vld [tilespmem:s10+$0x3E10];
	v10 =	vadd.f32 v14, v10;
	v9 =	vadd.f32 $2.000000000e+00, v16;
	(erf) = vrcp.f32 v15  }
0x157: {  	v12 =	vld [tilespmem:s10+$0x5230];
	v2 =	vsub.f32 $0.0e+00, v2  }
0x158: {  	v10 =	vsub.f32 $0.0e+00, v10;
	v14 =	vpop (erf);
	(erf) = vrcp.f32 v9;
	v9 =	vld [tilespmem:s10+$0x3E30]  }
0x159: {  	v1 =	vld [tilespmem:s10+$0x6610];
	v2 =	vmul.f32 $1.442695020e+00, v2;
	v19 =	vpop (erf)  }
0x15a: {  	v13 =	vld [tilespmem:s10+$0x6630];
	v10 =	vmul.f32 $1.442695020e+00, v10;
	v21 =	vpop (erf)  }
0x15b: {  	v15 =	vld [tilespmem:s10+$0x6650];
	(erf) = vpow2.f32 v2;
	v23 =	vadd.f32 $2.000000000e+00, v21  }
0x15c: {  	v2 =	vld [tilespmem:s10+$0x3E20];
	(erf) = vpow2.f32 v10;
	v10 =	vadd.f32 $2.000000000e+00, v19  }
0x15d: {  	v3 =	vadd.f32 v4, v3;
	v4 =	vadd.f32 v12, v9;
	(erf) = vrcp.f32 v23;
	v23 =	vld [tilespmem:s10+$0x3E70]  }
0x15e: {  	v26 =	vpop (erf);
	(erf) = vrcp.f32 v10;
	v10 =	vld [tilespmem:s10+$0x3E50]  }
0x15f: {  	v13 =	vadd.f32 v13, v4;
	v4 =	vld [tilespmem:s10+$0x3E40];
	v27 =	vpop (erf)  }
0x160: {  	v18 =	vadd.f32 v18, v20;
	v20 =	vadd.f32 v24, v29;
	v9 =	vmul.f32 v27, v11;
	v11 =	vld [tilespmem:s10+$0x5270]  }
0x161: {  	v62 =	vmax.f32 v5, $0.0e+00;
	v7 =	vadd.f32 v7, v63;
	v14 =	vadd.f32 $1.000000000e+00, v14;
	v27 =	vld [tilespmem:s10+$0x6660]  }
0x162: {  	v8 =	vmax.f32 v8, $0.0e+00;
	v26 =	vadd.f32 $1.000000000e+00, v26;
	v13 =	vsub.f32 $0.0e+00, v13  }
0x163: {  	v3 =	vadd.f32 v1, v3;
	v28 =	vpop (erf);
	v55 =	vmul.f32 v9, v9;
	v1 =	vadd.f32 v25, v10  }
0x164: {  	v17 =	vadd.f32 v17, v2;
	(erf) = vrcp.f32 v26;
	v12 =	vpop (erf);
	v13 =	vmul.f32 $1.442695020e+00, v13  }
0x165: {  	v26 =	vld [tilespmem:s10+$0x6640];
	v25 =	vpop (erf);
	v4 =	vadd.f32 v22, v4;
	v10 =	vmul.f32 $1.818181870e-01, v55;
	v2 =	vadd.f32 v15, v1  }
0x166: {  	v24 =	vld [tilespmem:s10+$0x6670];
	v23 =	vadd.f32 v11, v23;
	v11 =	vmul.f32 v28, v16;
	v1 =	vadd.f32 v27, v20;
	v15 =	vpop (erf)  }
0x167: {  	v16 =	vadd.f32 $2.222222240e-01, v10;
	v10 =	vmul.f32 v15, v21;
	v15 =	vpop (erf);
	v21 =	vand.u32 $0x7FFFFFFF, v2  }
0x168: {  	v27 =	vld [tilespmem:s10+$0x6600];
	v22 =	vmul.f32 v11, v11;
	v20 =	vmul.f32 v15, v19;
	v15 =	vsub.f32 $0.0e+00, v21  }
0x169: {  	v19 =	vand.u32 $0x7FFFFFFF, v1;
	v16 =	vmul.f32 v16, v55;
	v21 =	vsub.f32 $0.0e+00, v3  }
0x16a: {  	v3 =	vadd.f32 v26, v4;
	v19 =	vsub.f32 $0.0e+00, v19;
	v15 =	vmul.f32 $1.442695020e+00, v15  }
0x16b: {  	v4 =	vadd.f32 v24, v23;
	v28 =	vmul.f32 v10, v10;
	v23 =	vmul.f32 $1.818181870e-01, v22  }
0x16c: {  	v24 =	vand.u32 $0x7FFFFFFF, v3;
	v19 =	vmul.f32 $1.442695020e+00, v19;
	(erf) = vpow2.f32 v15  }
0x16d: {  	v18 =	vadd.f32 v27, v18;
	v24 =	vsub.f32 $0.0e+00, v24;
	v15 =	vand.u32 $0x7FFFFFFF, v4  }
0x16e: {  	v26 =	vld [tilespmem:s10+$0x6620];
	v21 =	vmul.f32 $1.442695020e+00, v21;
	(erf) = vpow2.f32 v19;
	v15 =	vsub.f32 $0.0e+00, v15  }
0x16f: {  	v23 =	vadd.f32 $2.222222240e-01, v23;
	v19 =	vmul.f32 $1.818181870e-01, v28;
	v24 =	vmul.f32 $1.442695020e+00, v24  }
0x170: {  	v18 =	vsub.f32 $0.0e+00, v18;
	(erf) = vpow2.f32 v21;
	v15 =	vmul.f32 $1.442695020e+00, v15  }
0x171: {  	v23 =	vmul.f32 v23, v22;
	(erf) = vpow2.f32 v24;
	v19 =	vadd.f32 $2.222222240e-01, v19  }
0x172: {  	v12 =	vadd.f32 $1.000000000e+00, v12;
	v16 =	vadd.f32 $2.857142980e-01, v16;
	(erf) = vpow2.f32 v15  }
0x173: {  	v19 =	vmul.f32 v19, v28;
	(erf) = vpow2.f32 v13;
	v13 =	vadd.f32 $2.857142980e-01, v23  }
0x174: {  	v41 =	vld [tilespmem:s28+$0x5200];
	v17 =	vadd.f32 v26, v17;
	v21 =	vpop (erf);
	v15 =	vmul.f32 v16, v55;
	v16 =	vmul.f32 $1.442695020e+00, v18  }
0x175: {  	v29 =	vld [tilespmem:s28+$0x3E10];
	(erf) = vrcp.f32 v12;
	v19 =	vadd.f32 $2.857142980e-01, v19;
	v13 =	vmul.f32 v13, v22;
	v18 =	vpop (erf)  }
0x176: {  	v15 =	vadd.f32 $4.000000060e-01, v15;
	(erf) = vrcp.f32 v14;
	v14 =	vld [tilespmem:s28+$0x5210];
	v12 =	vadd.f32 $2.000000000e+00, v18  }
0x177: {  	v61 =	vld [tilespmem:s28+$0x3E00];
	v17 =	vsub.f32 $0.0e+00, v17;
	v19 =	vmul.f32 v19, v28;
	v24 =	vpop (erf);
	v13 =	vadd.f32 $4.000000060e-01, v13  }
0x178: {  	v23 =	vld [tilespmem:s28+$0x6610];
	v27 =	vadd.f32 $2.000000000e+00, v24;
	(erf) = vrcp.f32 v12;
	v12 =	vmul.f32 v15, v55  }
0x179: {  	v25 =	vadd.f32 $1.000000000e+00, v25;
	v26 =	vmul.f32 v20, v20;
	v17 =	vmul.f32 $1.442695020e+00, v17  }
0x17a: {  	v19 =	vadd.f32 $4.000000060e-01, v19;
	v13 =	vmul.f32 v13, v22;
	(erf) = vrcp.f32 v27  }
0x17b: {  	v14 =	vadd.f32 v14, v29;
	(erf) = vpow2.f32 v16;
	v56 =	vadd.f32 $6.666666860e-01, v12  }
0x17c: {  	v57 =	vld [tilespmem:s28+$0x5220];
	v19 =	vmul.f32 v19, v28;
	v16 =	vmul.f32 $1.818181870e-01, v26;
	v13 =	vadd.f32 $6.666666860e-01, v13;
	v12 =	vpop (erf)  }
0x17d: {  	v58 =	vld [tilespmem:s28+$0x5230];
	v5 =	vadd.f32 v23, v14;
	v23 =	vadd.f32 v41, v61;
	v30 =	vmul.f32 v56, v55;
	v33 =	vpop (erf)  }
0x17e: {  	v15 =	vld [tilespmem:s28+$0x6600];
	v16 =	vadd.f32 $2.222222240e-01, v16;
	v13 =	vmul.f32 v13, v22;
	v22 =	vadd.f32 $6.666666860e-01, v19;
	v59 =	vpop (erf)  }
0x17f: {  	v60 =	vld [tilespmem:s28+$0x3E30];
	(erf) = vpow2.f32 v17;
	v51 =	vsub.f32 $0.0e+00, v5;
	v17 =	vpop (erf);
	v37 =	vadd.f32 $2.000000000e+00, v59  }
0x180: {  	v39 =	vld [tilespmem:s28+$0x3E20];
	v36 =	vadd.f32 $2.000000000e+00, v33;
	v16 =	vmul.f32 v16, v26;
	v30 =	vadd.f32 $2.000000000e+00, v30;
	v38 =	vpop (erf)  }
0x181: {  	v29 =	vld [tilespmem:s28+$0x6650];
	v13 =	vadd.f32 $2.000000000e+00, v13;
	v17 =	vadd.f32 $1.000000000e+00, v17;
	v40 =	vpop (erf);
	(erf) = vrcp.f32 v37  }
0x182: {  	v27 =	vld [tilespmem:s28+$0x6630];
	v43 =	vadd.f32 $2.857142980e-01, v16;
	v30 =	vmul.f32 v30, v9;
	v42 =	vpop (erf);
	(erf) = vrcp.f32 v25  }
0x183: {  	v45 =	vld [tilespmem:s28+$0x5260];
	v23 =	vadd.f32 v15, v23;
	v48 =	vmul.f32 v13, v11;
	v44 =	vpop (erf);
	(erf) = vrcp.f32 v36  }
0x184: {  	v14 =	vld [tilespmem:s28+$0x5270];
	v16 =	vadd.f32 v58, v60;
	v9 =	vpop (erf);
	(erf) = vrcp.f32 v17;
	v17 =	vmul.f32 v43, v26  }
0x185: {  	v11 =	vmul.f32 v22, v28;
	v22 =	vld [tilespmem:s28+$0x3E40];
	v19 =	vadd.f32 $1.000000000e+00, v9;
	v9 =	vmul.f32 v42, v18  }
0x186: {  	v6 =	vmax.f32 v6, $0.0e+00;
	v7 =	vadd.f32 v29, v7;
	v18 =	vld [tilespmem:s28+$0x3E70];
	v50 =	vadd.f32 $4.000000060e-01, v17  }
0x187: {  	v28 =	vadd.f32 v57, v39;
	v25 =	vld [tilespmem:s28+$0x5240];
	v27 =	vadd.f32 v27, v16;
	v16 =	vmul.f32 v9, v9  }
0x188: {  	v52 =	vld [tilespmem:s28+$0x3E60];
	v29 =	vand.u32 $0x7FFFFFFF, v7;
	v5 =	vadd.f32 $2.000000000e+00, v11;
	v15 =	vmul.f32 v50, v26  }
0x189: {  	v53 =	vld [tilespmem:s28+$0x6670];
	v34 =	vadd.f32 v48, v34;
	v13 =	vmul.f32 v44, v24;
	v49 =	vmul.f32 $1.818181870e-01, v16  }
0x18a: {  	v24 =	vld [tilespmem:s28+$0x6660];
	v10 =	vmul.f32 v5, v10;
	v27 =	vsub.f32 $0.0e+00, v27;
	v17 =	vpop (erf);
	v57 =	vadd.f32 $6.666666860e-01, v15  }
0x18b: {  	v56 =	vld [tilespmem:s28+$0x6640];
	v11 =	vpop (erf);
	v55 =	vadd.f32 v14, v18;
	v18 =	vmul.f32 v13, v13;
	v14 =	vadd.f32 $2.222222240e-01, v49  }
0x18c: {  	v22 =	vadd.f32 v25, v22;
	v11 =	vmul.f32 v11, v59;
	v25 =	vmul.f32 v57, v26  }
0x18d: {  	v54 =	vpop (erf);
	v26 =	vadd.f32 v10, v6;
	v58 =	vmul.f32 v14, v16;
	v14 =	vadd.f32 v45, v52  }
0x18e: {  	v5 =	vpop (erf);
	v6 =	vadd.f32 v53, v55;
	v59 =	vmul.f32 $1.818181870e-01, v18;
	v34 =	vmul.f32 v34, v54  }
0x18f: {  	v5 =	vmul.f32 v5, v33;
	v15 =	vmul.f32 v11, v11;
	v10 =	vadd.f32 v24, v14  }
0x190: {  	v61 =	vand.u32 $0x7FFFFFFF, v6;
	v14 =	vadd.f32 v56, v22;
	v22 =	vsub.f32 $0.0e+00, v29  }
0x191: {  	v25 =	vadd.f32 $2.000000000e+00, v25;
	v21 =	vmul.f32 v26, v21;
	v29 =	vand.u32 $0x7FFFFFFF, v10  }
0x192: {  	v63 =	vmul.f32 $1.442695020e+00, v22;
	v22 =	vsub.f32 $0.0e+00, v23;
	v23 =	vld [tilespmem:s28+$0x6620];
	v29 =	vsub.f32 $0.0e+00, v29  }
0x193: {  	v26 =	vmul.f32 $1.442695020e+00, v51;
	v24 =	vadd.f32 v30, v62;
	v60 =	vmul.f32 $1.818181870e-01, v15  }
0x194: {  	v32 =	vsub.f32 $0.0e+00, v61;
	v20 =	vmul.f32 v25, v20;
	v29 =	vmul.f32 $1.442695020e+00, v29  }
0x195: {  	v25 =	vmul.f32 $1.442695020e+00, v27;
	v62 =	vand.u32 $0x7FFFFFFF, v14;
	(erf) = vpow2.f32 v63  }
0x196: {  	v35 =	vsub.f32 $0.0e+00, v62;
	v8 =	vadd.f32 v20, v8;
	(erf) = vpow2.f32 v29  }
0x197: {  	v27 =	vadd.f32 $2.857142980e-01, v58;
	v24 =	vmul.f32 v24, v40;
	v23 =	vadd.f32 v23, v28  }
0x198: {  	v12 =	vadd.f32 $1.000000000e+00, v12;
	v32 =	vmul.f32 $1.442695020e+00, v32;
	v29 =	vmul.f32 $1.442695020e+00, v35  }
0x199: {  	v30 =	vadd.f32 $2.222222240e-01, v59;
	[tilespmem:s1+$0x7A20] =	vst v34;
	v27 =	vmul.f32 v27, v16;
	(erf) = vpow2.f32 v26  }
0x19a: {  	[tilespmem:s1+$0x7A10] =	vst v24;
	v24 =	vadd.f32 $2.222222240e-01, v60;
	v20 =	vmul.f32 v8, v38;
	v8 =	vpop (erf);
	(erf) = vpow2.f32 v29  }
0x19b: {  	s30 =	simm.s32 $0x600;
	[tilespmem:s1+$0x7A30] =	vst v21;
	v26 =	vmul.f32 v30, v18;
	v21 =	vsub.f32 $0.0e+00, v23;
	(erf) = vpow2.f32 v32;
	v23 =	vmovc v5  }
.LBB2_7:
0x19c: {  	[tilespmem:s1+$0x7A00] =	vst v20;
	s1 =	smov.u32 s10;
	s29 =	smov.u32 s30  }
0x19d: {  	v28 =	vmul.f32 $1.442695020e+00, v22;
	(erf) = vpow2.f32 v25;
	v25 =	vadd.f32 $2.857142980e-01, v26;
	s10 =	smov.u32 s28;
	s28 =	sshra.s32 s30, $0x2;
	s29 =	sadd.s32 $0x200, s30  }
0x19e: {  	p0 =	sne.s32 s30, $0x4E00;
	v24 =	vmul.f32 v24, v15;
	v20 =	vadd.f32 $4.000000060e-01, v27;
	v26 =	vld [tilespmem:s28+$0x6610];
	v29 =	vpop (erf);
	(erf) = vrcp.f32 v19  }
0x19f: {  	v22 =	vmul.f32 v23, v5;
	v27 =	vld [tilespmem:s28+$0x6600];
	v19 =	vadd.f32 $2.000000000e+00, v29;
	v30 =	vpop (erf);
	(erf) = vrcp.f32 v12  }
0x1a0: {  	v33 =	vmul.f32 v25, v18;
	v24 =	vadd.f32 $2.857142980e-01, v24;
	v23 =	vld [tilespmem:s28+$0x5210];
	v12 =	vadd.f32 $2.000000000e+00, v30  }
0x1a1: {  	v31 =	vld [tilespmem:s28+$0x3E10];
	(erf) = vrcp.f32 v19;
	v19 =	vmul.f32 v20, v16  }
0x1a2: {  	v20 =	vmul.f32 v24, v15;
	v32 =	vld [tilespmem:s28+$0x6630];
	(erf) = vrcp.f32 v12;
	v12 =	vadd.f32 $4.000000060e-01, v33  }
0x1a3: {  	v24 =	vld [tilespmem:s28+$0x6670];
	(erf) = vpow2.f32 v28;
	v25 =	vpop (erf);
	v28 =	vmul.f32 $1.818181870e-01, v22;
	v19 =	vadd.f32 $6.666666860e-01, v19  }
0x1a4: {  	v21 =	vmul.f32 $1.442695020e+00, v21;
	v33 =	vld [tilespmem:s28+$0x5220];
	v34 =	vpop (erf);
	v35 =	vmul.f32 v12, v18  }
0x1a5: {  	v12 =	vadd.f32 $1.000000000e+00, v25;
	v36 =	vld [tilespmem:s28+$0x5230];
	v25 =	vpop (erf);
	v16 =	vmul.f32 v19, v16;
	v19 =	vadd.f32 $4.000000060e-01, v20  }
0x1a6: {  	v28 =	vadd.f32 $2.222222240e-01, v28;
	v23 =	vadd.f32 v23, v31;
	v31 =	vld [tilespmem:s28+$0x6650];
	(erf) = vpow2.f32 v21;
	v37 =	vpop (erf)  }
0x1a7: {  	v39 =	vadd.f32 $2.000000000e+00, v34;
	v44 =	vadd.f32 $2.000000000e+00, v25;
	v21 =	vmax.f32 v3, $0.0e+00;
	v38 =	vld [tilespmem:s28+$0x3E30];
	v20 =	vpop (erf)  }
0x1a8: {  	v17 =	vadd.f32 $1.000000000e+00, v17;
	v28 =	vmul.f32 v28, v22;
	v16 =	vadd.f32 $2.000000000e+00, v16;
	v41 =	vld [tilespmem:s28+$0x3E20];
	v42 =	vpop (erf)  }
0x1a9: {  	v35 =	vadd.f32 $6.666666860e-01, v35;
	v3 =	vmovc v14;
	v19 =	vmul.f32 v19, v15;
	v43 =	vld [tilespmem:s28+$0x5200];
	(erf) = vrcp.f32 v44  }
0x1aa: {  	v37 =	vadd.f32 $1.000000000e+00, v37;
	v28 =	vadd.f32 $2.857142980e-01, v28;
	v14 =	vld [tilespmem:s28+$0x3E00];
	v40 =	vpop (erf);
	(erf) = vrcp.f32 v17  }
0x1ab: {  	v46 =	vmul.f32 v16, v9;
	v16 =	vmul.f32 v35, v18;
	v18 =	vadd.f32 $6.666666860e-01, v19;
	v44 =	vld [tilespmem:s28+$0x5240];
	v45 =	vpop (erf)  }
0x1ac: {  	v47 =	vadd.f32 v36, v38;
	v9 =	vpop (erf)  }
0x1ad: {  	v35 =	vld [tilespmem:s28+$0x5260];
	(erf) = vrcp.f32 v39;
	v36 =	vmax.f32 v1, $0.0e+00;
	v19 =	vadd.f32 $1.000000000e+00, v9  }
0x1ae: {  	v1 =	vmovc v10;
	v38 =	vld [tilespmem:s28+$0x5250];
	v9 =	vmul.f32 v40, v29;
	v29 =	vadd.f32 $2.000000000e+00, v16;
	v33 =	vadd.f32 v33, v41  }
0x1af: {  	v32 =	vadd.f32 v32, v47;
	v10 =	vld [tilespmem:s28+$0x3E70];
	(erf) = vrcp.f32 v37;
	v37 =	vmax.f32 v2, $0.0e+00;
	v2 =	vmovc v7  }
0x1b0: {  	v47 =	vadd.f32 v26, v23;
	v26 =	vmul.f32 v28, v22;
	v23 =	vld [tilespmem:s28+$0x5270];
	v16 =	vmul.f32 v9, v9;
	v17 =	vpop (erf)  }
0x1b1: {  	v14 =	vadd.f32 v43, v14;
	v29 =	vmul.f32 v29, v13;
	v13 =	vmul.f32 v18, v15;
	v28 =	vld [tilespmem:s28+$0x3E50]  }
0x1b2: {  	v26 =	vadd.f32 $4.000000060e-01, v26;
	v39 =	vsub.f32 $0.0e+00, v47;
	v15 =	vld [tilespmem:s28+$0x3E40];
	v18 =	vmul.f32 $1.818181870e-01, v16  }
0x1b3: {  	v43 =	vmax.f32 v4, $0.0e+00;
	v32 =	vsub.f32 $0.0e+00, v32;
	v41 =	vadd.f32 $2.000000000e+00, v13;
	v40 =	vld [tilespmem:s28+$0x3E60];
	v7 =	vpop (erf)  }
0x1b4: {  	v27 =	vadd.f32 v27, v14;
	v13 =	vmul.f32 v45, v30;
	v26 =	vmul.f32 v26, v22;
	v14 =	vld [tilespmem:s28+$0x6660];
	v30 =	vpop (erf)  }
0x1b5: {  	v4 =	vmovc v6;
	v41 =	vmul.f32 v41, v11;
	v45 =	vadd.f32 v23, v10;
	v10 =	vadd.f32 $2.222222240e-01, v18  }
0x1b6: {  	v11 =	vmul.f32 v7, v25;
	v25 =	vadd.f32 $6.666666860e-01, v26;
	v6 =	vld [tilespmem:s28+$0x6640];
	v18 =	vadd.f32 v38, v28;
	v7 =	vpop (erf)  }
0x1b7: {  	v26 =	vadd.f32 v44, v15;
	v23 =	vmul.f32 v7, v34;
	v28 =	vmul.f32 v10, v16  }
0x1b8: {  	v7 =	vadd.f32 v31, v18;
	v10 =	vadd.f32 v35, v40;
	v18 =	vmul.f32 v13, v13;
	v31 =	vpop (erf)  }
0x1b9: {  	v15 =	vmul.f32 v11, v11;
	v25 =	vmul.f32 v25, v22;
	v34 =	vadd.f32 v41, v43  }
0x1ba: {  	v35 =	vadd.f32 v46, v37;
	v22 =	vand.u32 $0x7FFFFFFF, v7;
	v10 =	vadd.f32 v14, v10  }
0x1bb: {  	v14 =	vadd.f32 v6, v26;
	v6 =	vadd.f32 v24, v45;
	v24 =	vmul.f32 $1.818181870e-01, v18  }
0x1bc: {  	v37 =	vmul.f32 $1.818181870e-01, v15;
	v22 =	vsub.f32 $0.0e+00, v22;
	v26 =	vand.u32 $0x7FFFFFFF, v10  }
0x1bd: {  	v35 =	vmul.f32 v35, v42;
	v26 =	vsub.f32 $0.0e+00, v26;
	v38 =	vand.u32 $0x7FFFFFFF, v6  }
0x1be: {  	v29 =	vadd.f32 v29, v36;
	v40 =	vand.u32 $0x7FFFFFFF, v14;
	v41 =	vmul.f32 $1.442695020e+00, v22  }
0x1bf: {  	v25 =	vadd.f32 $2.000000000e+00, v25;
	v22 =	vsub.f32 $0.0e+00, v27;
	v27 =	vld [tilespmem:s28+$0x6620];
	v26 =	vmul.f32 $1.442695020e+00, v26;
	[tilespmem:s1+$0x7A10] =	vst v35  }
0x1c0: {  	v29 =	vmul.f32 v29, v30;
	v35 =	vsub.f32 $0.0e+00, v40;
	(erf) = vpow2.f32 v41  }
0x1c1: {  	v30 =	vsub.f32 $0.0e+00, v38;
	(erf) = vpow2.f32 v26;
	v26 =	vmul.f32 v34, v8;
	v8 =	vmovc v31  }
0x1c2: {  	v24 =	vadd.f32 $2.222222240e-01, v24;
	v31 =	vmul.f32 $1.442695020e+00, v39;
	v34 =	vmul.f32 v25, v5;
	v5 =	vmovc v23;
	[tilespmem:s1+$0x7A20] =	vst v29  }
.Ltmp2:
0x1c3: {  	v30 =	vmul.f32 $1.442695020e+00, v30;
	v29 =	vmul.f32 $1.442695020e+00, v35;
	[tilespmem:s1+$0x7A30] =	vst v26;
	(pc) =	sbr.rel @p0 .LBB2_7-.Ltmp2, $4  }
0x1c4: {  	v25 =	vmul.f32 $1.442695020e+00, v32;
	v21 =	vadd.f32 v34, v21;
	v27 =	vadd.f32 v27, v33  }
0x1c5: {  	v28 =	vadd.f32 $2.857142980e-01, v28;
	v26 =	vmul.f32 v24, v18;
	(erf) = vpow2.f32 v31  }
0x1c6: {  	v24 =	vadd.f32 $2.222222240e-01, v37;
	v20 =	vmul.f32 v21, v20;
	(erf) = vpow2.f32 v29  }
0x1c7: {  	s30 =	smov.u32 s29;
	v21 =	vsub.f32 $0.0e+00, v27;
	v27 =	vmul.f32 v28, v16;
	(erf) = vpow2.f32 v30  }
0x1c8: {  	_ =	sdelay $0x3  }
0x1c9: {  	v22 =	vmul.f32 $1.442695020e+00, v22;
	(erf) = vpow2.f32 v25;
	v43 =	vadd.f32 $2.857142980e-01, v26;
	v44 =	vpop (erf)  }
0x1ca: {  	v24 =	vmul.f32 v24, v15;
	(erf) = vrcp.f32 v19;
	v45 =	vadd.f32 $2.000000000e+00, v44;
	v28 =	vpop (erf)  }
0x1cb: {  	v23 =	vmul.f32 v23, v5;
	(erf) = vrcp.f32 v12;
	v46 =	vadd.f32 $2.000000000e+00, v28;
	v29 =	vpop (erf)  }
0x1cc: {  	v17 =	vadd.f32 $1.000000000e+00, v17;
	v21 =	vmul.f32 $1.442695020e+00, v21;
	(erf) = vrcp.f32 v45;
	v48 =	vpop (erf)  }
0x1cd: {  	v27 =	vadd.f32 $4.000000060e-01, v27;
	v25 =	vmul.f32 v43, v18;
	(erf) = vrcp.f32 v46;
	v50 =	vpop (erf)  }
0x1ce: {  	v30 =	vmul.f32 $1.818181870e-01, v23;
	(erf) = vpow2.f32 v22;
	v51 =	vadd.f32 $2.000000000e+00, v50  }
0x1cf: {  	v24 =	vadd.f32 $2.857142980e-01, v24;
	v47 =	vmul.f32 v27, v16;
	(erf) = vpow2.f32 v21  }
0x1d0: {  	v49 =	vadd.f32 $4.000000060e-01, v25;
	v52 =	vadd.f32 $2.000000000e+00, v48;
	(erf) = vrcp.f32 v51  }
0x1d1: {  	v24 =	vmul.f32 v24, v15;
	v53 =	vadd.f32 $2.222222240e-01, v30;
	(erf) = vrcp.f32 v17  }
0x1d2: {  	v19 =	vadd.f32 $6.666666860e-01, v47;
	v12 =	vmul.f32 v49, v18;
	v55 =	vpop (erf);
	(erf) = vrcp.f32 v52  }
0x1d3: {  	v56 =	vadd.f32 $4.000000060e-01, v24;
	v21 =	vpop (erf)  }
0x1d4: {  	v54 =	vmul.f32 v19, v16;
	v22 =	vmul.f32 v53, v23;
	v12 =	vadd.f32 $6.666666860e-01, v12;
	v57 =	vpop (erf)  }
0x1d5: {  	v2 =	vmax.f32 v2, $0.0e+00;
	v19 =	vmul.f32 v56, v15;
	v58 =	vpop (erf)  }
0x1d6: {  	v16 =	vadd.f32 $2.000000000e+00, v54;
	v22 =	vadd.f32 $2.857142980e-01, v22;
	v12 =	vmul.f32 v12, v18;
	v59 =	vpop (erf)  }
0x1d7: {  	v4 =	vmax.f32 v4, $0.0e+00;
	v3 =	vmax.f32 v3, $0.0e+00;
	v19 =	vadd.f32 $6.666666860e-01, v19;
	v61 =	vpop (erf)  }
0x1d8: {  	v9 =	vmul.f32 v16, v9;
	v12 =	vadd.f32 $2.000000000e+00, v12;
	v22 =	vmul.f32 v22, v23;
	v63 =	vpop (erf)  }
0x1d9: {  	v1 =	vmax.f32 v1, $0.0e+00;
	v33 =	vmul.f32 v19, v15;
	v60 =	vmul.f32 v58, v44;
	v35 =	vpop (erf)  }
0x1da: {  	v7 =	vmax.f32 v7, $0.0e+00;
	v12 =	vmul.f32 v12, v13;
	v18 =	vmul.f32 v59, v28;
	v37 =	vpop (erf)  }
0x1db: {  	v10 =	vmax.f32 v10, $0.0e+00;
	v62 =	vmul.f32 v60, v60;
	v19 =	vmul.f32 v35, v50;
	v38 =	vpop (erf)  }
0x1dc: {  	v47 =	vadd.f32 $1.000000000e+00, v29;
	v39 =	vmul.f32 v18, v18;
	v25 =	vmul.f32 v38, v48  }
0x1dd: {  	v17 =	vadd.f32 $1.000000000e+00, v55;
	v36 =	vmul.f32 $1.818181870e-01, v62;
	v41 =	vmul.f32 v19, v19  }
0x1de: {  	v13 =	vadd.f32 $2.000000000e+00, v33;
	v31 =	vmul.f32 $1.818181870e-01, v39;
	v32 =	vmul.f32 v25, v25  }
0x1df: {  	v34 =	vadd.f32 $4.000000060e-01, v22;
	v22 =	vadd.f32 $2.222222240e-01, v36;
	v42 =	vmul.f32 $1.818181870e-01, v41  }
0x1e0: {  	v11 =	vmul.f32 v13, v11;
	v43 =	vadd.f32 $2.222222240e-01, v31;
	v44 =	vmul.f32 $1.818181870e-01, v32  }
0x1e1: {  	v2 =	vadd.f32 v9, v2;
	v45 =	vmul.f32 v22, v62;
	v46 =	vadd.f32 $2.222222240e-01, v42  }
0x1e2: {  	v4 =	vadd.f32 v11, v4;
	v11 =	vmul.f32 v43, v39;
	v48 =	vadd.f32 $2.222222240e-01, v44  }
0x1e3: {  	(erf) = vrcp.f32 v17;
	v9 =	vadd.f32 $2.857142980e-01, v45;
	v22 =	vmul.f32 v46, v41  }
0x1e4: {  	v15 =	vmul.f32 v34, v23;
	v11 =	vadd.f32 $2.857142980e-01, v11;
	v29 =	vmul.f32 v48, v32  }
0x1e5: {  	v1 =	vadd.f32 v12, v1;
	v9 =	vmul.f32 v9, v62;
	v22 =	vadd.f32 $2.857142980e-01, v22  }
0x1e6: {  	v40 =	vadd.f32 $6.666666860e-01, v15;
	v11 =	vmul.f32 v11, v39;
	v49 =	vadd.f32 $2.857142980e-01, v29  }
0x1e7: {  	v26 =	vadd.f32 $1.000000000e+00, v61;
	v9 =	vadd.f32 $4.000000060e-01, v9;
	v50 =	vmul.f32 v22, v41  }
0x1e8: {  	v52 =	vadd.f32 $1.000000000e+00, v63;
	v11 =	vadd.f32 $4.000000060e-01, v11;
	v51 =	vmul.f32 v49, v32  }
0x1e9: {  	v13 =	vmul.f32 v40, v23;
	v9 =	vmul.f32 v9, v62;
	v12 =	vadd.f32 $4.000000060e-01, v50  }
0x1ea: {  	(erf) = vrcp.f32 v26;
	v11 =	vmul.f32 v11, v39;
	v22 =	vadd.f32 $4.000000060e-01, v51  }
0x1eb: {  	(erf) = vrcp.f32 v47;
	v9 =	vadd.f32 $6.666666860e-01, v9;
	v12 =	vmul.f32 v12, v41  }
0x1ec: {  	(erf) = vrcp.f32 v52;
	v11 =	vadd.f32 $6.666666860e-01, v11;
	v22 =	vmul.f32 v22, v32  }
0x1ed: {  	v2 =	vmul.f32 v2, v57;
	v9 =	vmul.f32 v9, v62;
	v12 =	vadd.f32 $6.666666860e-01, v12  }
0x1ee: {  	v13 =	vadd.f32 $2.000000000e+00, v13;
	v11 =	vmul.f32 v11, v39;
	v54 =	vadd.f32 $6.666666860e-01, v22  }
0x1ef: {  	v1 =	vmul.f32 v1, v37;
	v55 =	vadd.f32 $2.000000000e+00, v9;
	v56 =	vmul.f32 v12, v41  }
0x1f0: {  	v53 =	vmul.f32 v13, v5;
	v57 =	vadd.f32 $2.000000000e+00, v11;
	v58 =	vmul.f32 v54, v32  }
0x1f1: {  	v4 =	vmul.f32 v4, v8;
	v5 =	vmul.f32 v55, v60;
	v9 =	vadd.f32 $2.000000000e+00, v56  }
0x1f2: {  	[tilespmem:s1+$0x7A00] =	vst v20;
	v59 =	vpop (erf);
	v3 =	vadd.f32 v53, v3;
	v8 =	vmul.f32 v57, v18;
	v11 =	vadd.f32 $2.000000000e+00, v58  }
0x1f3: {  	v6 =	vmax.f32 v6, $0.0e+00;
	[tilespmem:s10+$0x7A10] =	vst v2;
	v2 =	vpop (erf);
	v5 =	vadd.f32 v5, v7;
	v9 =	vmul.f32 v9, v19  }
0x1f4: {  	[tilespmem:s10+$0x7A20] =	vst v1;
	v3 =	vmul.f32 v3, v21;
	v1 =	vpop (erf);
	v60 =	vadd.f32 v8, v10;
	v61 =	vmul.f32 v11, v25  }
0x1f5: {  	[tilespmem:s10+$0x7A30] =	vst v4;
	v63 =	vpop (erf);
	v62 =	vmax.f32 v14, $0.0e+00;
	v1 =	vmul.f32 v5, v1;
	v6 =	vadd.f32 v9, v6  }
0x1f6: {  	[tilespmem:s10+$0x7A00] =	vst v3;
	v3 =	vmul.f32 v60, v63;
	v4 =	vadd.f32 v61, v62  }
0x1f7: {  	[tilespmem:s28+$0x7A10] =	vst v1;
	v1 =	vmul.f32 v6, v59  }
0x1f8: {  	[tilespmem:s28+$0x7A20] =	vst v3;
	v2 =	vmul.f32 v4, v2  }
0x1f9: {  	p0 =	slt.s32 s0, $0x9C360;
	[tilespmem:s28+$0x7A30] =	vst v1  }
0x1fa: {  	s20 =	sadd.s32 $0x1, s20;
	s0 =	simm.s32 @!p0 $0x9C360;
	[tilespmem:s28+$0x7A00] =	vst v2  }
0x1fb: {  	[spmem:s2] =	stream.indirect.scatter.add.f32 [tilespmem:s15], [sflag:$0x9], $0x80, s23, s26, $0xb8;
	[tilespmem:$0x1CE00] =	vst v63  }
0x1fc: {  	p0 =	sne.s32 s20, $0xFA;
	s0 =	sadd.s32 $0x78, s0;
	_ =	swait.ge [sflag:s21], $0x1400  }
.Ltmp3:
0x1fd: {  	s0 =	sshrl.u32 s0, $0x3;
	[sflag:s21] =	ssyncset.done $0x0;
	(pc) =	sbr.rel @p0 .LBB2_4-.Ltmp3, $4  }
0x1fe: {  	s30 =	sadd.s32 s7, s0;
	[sflag:s21] =	ssyncadd.s32 $0xFFFFEC00  }
0x1ff: {  	[tilespmem:s23], [sflag:$0x2] =	stream.linear.gather [hbm4b:s30+s3], $0x28, $0x38;
	[tilespmem:$0x1CE00] =	vst v63  }
0x200: {  	s0 =	sadd.s32 s8, s0  }
0x201: {  	[tilespmem:s24], [sflag:$0x2] =	stream.linear.gather [hbm4b:s0+s3], $0x28, $0x38;
	[tilespmem:$0x1CE00] =	vst v63  }
0x202: {  	_ =	swait.ge [sflag:s11], $0x1400  }
0x203: {  	[sflag:s11] =	ssyncset.done $0x0  }
0x204: {  	[sflag:s11] =	ssyncadd.s32 $0xFFFFEC00  }
0x205: {  	_ =	swait.ge [sflag:s13], $0x1400  }
0x206: {  	[sflag:s13] =	ssyncset.done $0x0  }
0x207: {  	[sflag:s13] =	ssyncadd.s32 $0xFFFFEC00  }
0x208: {  	_ =	swait.ge [sflag:s14], $0x1400  }
0x209: {  	[sflag:s14] =	ssyncset.done $0x0  }
0x20a: {  	[sflag:s14] =	ssyncadd.s32 $0xFFFFEC00  }
0x20b: {  	_ =	swait.ge [sflag:s31], $0x28  }
0x20c: {  	[sflag:s31] =	ssyncset.done $0x0  }
0x20d: {  	[sflag:s31] =	ssyncadd.s32 $0xFFFFFFD8  }
0x20e: {  	_ =	swait.ge [sflag:s31], $0x28  }
0x20f: {  	[sflag:s31] =	ssyncset.done $0x0  }
0x210: {  	[sflag:s31] =	ssyncadd.s32 $0xFFFFFFD8  }
0x211: {  	[bflag:$0x0] =	sbarrier.arrive $0xFFFF  }
0x212: {  	s20 =	rddreg [dreg:$0x5]  }
0x213: {  	s0 =	rddreg [dreg:$0xb]  }
0x214: {  	s1 =	rddreg [dreg:$0xe]  }
0x215: {  	[hbm:s0], [sflag:s20] =	dma.local [spmem:s1], $0x2800  }
0x216: {  	_ =	swait.ge [sflag:s21], $0x2800  }
0x217: {  	s29 =	rddreg [dreg:$0xd]  }
0x218: {  	s30 =	rddreg [dreg:$0xc];
	s1 =	sadd.s32 $0x1, s29  }
0x219: {  	p0 =	sne.s32 s1, s30  }
.Ltmp4:
0x21a: {  	_ = 	snop;
	(pc) =	sbr.rel @p0 .LBB2_1-.Ltmp4, $3  }
0x21b: {  	_ =	sdelay $0x1  }
0x21c: {  	[sflag:s21] =	ssyncset.done $0x0  }
0x21d: {  	[sflag:s21] =	ssyncadd.s32 $0xFFFFD800  }
0x21e: {  	_ =	sfence.sel $0x180000  }
0x21f: {  	[bflag:$0x0] =	sbarrier.arrive $0xFFFF  }
0x220: {  	_ =	strace $0x9000004A  }
0x221: {  	s0 =	stileid.u32;
	[bflag:$0x2] =	sbarrier.arrive $0xFFFF  }
0x222: {  	p0 =	sne.s32 s0, $0x0;
	s0 =	rddreg [dreg:$0x2]  }
0x223: {  	s0 =	sadd.s32 @!p0 $0x100000, s0  }
0x224: {  	[sflag:s0] =	ssyncadd.tile.s32 @!p0 $0x1;
	_ =	shalt  }
.Lfunc_end2:
_tile_overlayer_lowered:
.L_overlay_start_2:
0x225: {  	(tag) =	ssettag $0x2  }
0x226: {  	s0 =	rddreg [dreg:$0x0];
	s2 =	stileid.u32  }
0x227: {  	s1 =	rddreg [dreg:$0x1];
	p0 =	sne.s32 s2, $0x0  }
0x228: {  	s3 =	rddreg [dreg:$0x2];
	[bflag:$0x3] =	sbarrier.arrive $0xFFFF;
	s2 =	simm.s32 @!p0 $0x1C09  }
0x229: {  	[timem:s3], [sflag:s2] =	dma.local @!p0 [hbm:s0], s1  }
0x22a: {  	s0 =	simm.s32 @!p0 $0x9  }
0x22b: {  	_ =	swait.ge @!p0 [sflag:s0], s1  }
0x22c: {  	s1 =	ssub.s32 @!p0 $0x0, s1;
	[sflag:s0] =	ssyncset.done @!p0 $0x0  }
0x22d: {  	[sflag:s0] =	ssyncadd.s32 @!p0 s1  }
0x22e: {  	[bflag:$0x3] =	sbarrier.arrive $0xFFFF  }
0x22f: {  	_ =	shalt  }

// kernel: kernel.8.cloned.1.call-start
scs
__scs_entry_jumppad:
0x0: {  	(pc) =	sbr.rel $0x88, $3  }
0x1: {  	(tag) =	ssettag $0x0;
	lr =	simm.s32 $0x1  }
0x2: {  	[smem:$0x3F8F] =	sst lr;
	_ =	strace $0xD0000000  }
0x3: {  	_ = 	snop  }
0x4: {  	_ = 	snop  }
0x5: {  	_ = 	snop  }
0x6: {  	_ = 	snop  }
0x7: {  	_ = 	snop  }
__scs_overlays_trampoline_lowered:
0x8: {  	[smem:$0x3F9E] =	sst s0  }
0x9: {  	[smem:$0x3F9F] =	sst s1  }
0xa: {  	[smem:$0x3FA0] =	sst s2  }
0xb: {  	[smem:$0x3FA1] =	sst s3  }
0xc: {  	[smem:$0x3FA2] =	sst s4  }
0xd: {  	[smem:$0x3FA3] =	sst s5  }
0xe: {  	[smem:$0x3FA4] =	sst s6  }
0xf: {  	[smem:$0x3FA5] =	sst s7  }
0x10: {  	[smem:$0x3FA6] =	sst s8  }
0x11: {  	[smem:$0x3FA7] =	sst s9;
	s0 =	simm.s32 @!p0 $0x0  }
0x12: {  	s1 =	sld [smem:$0x3F8D];
	s0 =	simm.s32 @p0 $0x1  }
0x13: {  	[smem:$0x3FA8] =	sst s0;
	s0 =	simm.s32 @!p1 $0x0  }
0x14: {  	s2 =	sld [smem:$0x3F8C];
	s0 =	simm.s32 @p1 $0x1  }
0x15: {  	[smem:$0x3FA9] =	sst s0;
	s0 =	simm.s32 @!p2 $0x0  }
0x16: {  	s3 =	sld [smem:$0x3FDB];
	s0 =	simm.s32 @p2 $0x1  }
0x17: {  	s4 =	simm.s32 $0x1BF5;
	[smem:$0x3FAB] =	sst s0  }
0x18: {  	s0 =	sld [smem:$0x3F8E];
	_ =	swait.ge [sflag:s4], $0x0  }
0x19: {  	s7 =	sld [smem:$0x3F8F]  }
0x1a: {  	s8 =	sadd.s32 $0xFFFFE003, lr  }
0x1b: {  	s9 =	sadd.s32 $0xFFFFFEF7, lr;
	s5 =	simm.s32 $0xFFFFFFFF;
	p2 =	slt.u32 s8, $0xFFFFF086  }
0x1c: {  	p1 =	slt.u32 s9, $0xF7A;
	s5 =	simm.s32 @!p2 $0x0  }
0x1d: {  	s5 =	simm.s32 @p1 $0x1;
	p0 =	seq.s32 s7, s2  }
0x1e: {  	s7 =	smul.u32 @!p0 $0xF7A, s2;
	p2 =	seq.s32 @!p0 s5, $0x0  }
0x1f: {  	s9 =	smul.u32 $0xF7A, s1;
	s8 =	simm.s32 @!p0 $0x1BF5;
	p2 =	por !p2, p0  }
0x20: {  	[sflag:s8] =	ssyncset.s32 @!p0 $0xFFFFF086;
	s6 =	sadd.s32 @!p0 s3, s7;
	s7 =	simm.s32 @!p0 $0x108  }
0x21: {  	s3 =	sadd.s32 s3, s9;
	s6 =	sadd.s32 @!p0 $0x88, s6;
	s7 =	simm.s32 @p2 $0x1082  }
0x22: {  	[simem:s7], [sflag:s8] =	dma.local @!p0 [hbm:s6], $0xF7A  }
0x23: {  	s9 =	sor.u32 $0xD0000000, s2;
	s6 =	simm.s32 $0x108;
	_ =	swait.ge @!p0 [sflag:s8], $0x0  }
0x24: {  	s3 =	sadd.s32 $0x88, s3;
	s6 =	simm.s32 @!p1 $0x1082;
	[sflag:s4] =	ssyncset.s32 $0xFFFFF086  }
0x25: {  	[simem:s6], [sflag:s4] =	dma.local [hbm:s3], $0xF7A  }
0x26: {  	[smem:$0x3F8F] =	sst s1;
	(tag) =	ssettag s2;
	_ =	strace s9  }
0x27: {  	s1 =	sld [smem:$0x3F9F]  }
0x28: {  	s2 =	sld [smem:$0x3FA0]  }
0x29: {  	s4 =	sld [smem:$0x3FA2]  }
0x2a: {  	p0 =	seq.s32 s5, $0x0;
	s5 =	sld [smem:$0x3FA3]  }
0x2b: {  	s6 =	sld [smem:$0x3FA4]  }
0x2c: {  	s7 =	sld [smem:$0x3FA5]  }
0x2d: {  	s3 =	simm.s32 $0x108;
	s8 =	sld [smem:$0x3FA6]  }
0x2e: {  	s3 =	simm.s32 @!p0 $0x1082;
	s9 =	sld [smem:$0x3FA7]  }
0x2f: {  	lr =	sadd.s32 s0, s3;
	s0 =	sld [smem:$0x3F9E]  }
0x30: {  	s3 =	sld [smem:$0x3FA1]  }
0x31: {  	[smem:$0x3FAA] =	sst s10  }
0x32: {  	s10 =	sld [smem:$0x3FA8];
	_ =	sdelay $0x3  }
0x33: {  	p0 =	seq.s32 s10, $0x1;
	s10 =	sld [smem:$0x3FAA];
	_ =	sdelay $0x3  }
0x34: {  	[smem:$0x3FAA] =	sst s10  }
0x35: {  	s10 =	sld [smem:$0x3FA9];
	_ =	sdelay $0x3  }
0x36: {  	p1 =	seq.s32 s10, $0x1;
	s10 =	sld [smem:$0x3FAA];
	_ =	sdelay $0x3  }
0x37: {  	[smem:$0x3FAA] =	sst s10  }
0x38: {  	s10 =	sld [smem:$0x3FAB]  }
0x39: {  	_ = 	snop;
	(pc) =	sbr.ind lr, $3  }
0x3a: {  	_ = 	snop  }
0x3b: {  	_ = 	snop  }
0x3c: {  	p2 =	seq.s32 s10, $0x1;
	s10 =	sld [smem:$0x3FAA]  }
0x3d: {  	_ =	shalt  }
0x3e: {  	_ =	shalt  }
0x3f: {  	_ =	shalt  }
0x40: {  	_ =	shalt  }
0x41: {  	_ =	shalt  }
0x42: {  	_ =	shalt  }
0x43: {  	_ =	shalt  }
0x44: {  	_ =	shalt  }
0x45: {  	_ =	shalt  }
0x46: {  	_ =	shalt  }
0x47: {  	_ =	shalt  }
0x48: {  	_ =	shalt  }
0x49: {  	_ =	shalt  }
0x4a: {  	_ =	shalt  }
0x4b: {  	_ =	shalt  }
0x4c: {  	_ =	shalt  }
0x4d: {  	_ =	shalt  }
0x4e: {  	_ =	shalt  }
0x4f: {  	_ =	shalt  }
0x50: {  	_ =	shalt  }
0x51: {  	_ =	shalt  }
0x52: {  	_ =	shalt  }
0x53: {  	_ =	shalt  }
0x54: {  	_ =	shalt  }
0x55: {  	_ =	shalt  }
0x56: {  	_ =	shalt  }
0x57: {  	_ =	shalt  }
0x58: {  	_ =	shalt  }
0x59: {  	_ =	shalt  }
0x5a: {  	_ =	shalt  }
0x5b: {  	_ =	shalt  }
0x5c: {  	_ =	shalt  }
0x5d: {  	_ =	shalt  }
0x5e: {  	_ =	shalt  }
0x5f: {  	_ =	shalt  }
0x60: {  	_ =	shalt  }
0x61: {  	_ =	shalt  }
0x62: {  	_ =	shalt  }
0x63: {  	_ =	shalt  }
0x64: {  	_ =	shalt  }
0x65: {  	_ =	shalt  }
0x66: {  	_ =	shalt  }
0x67: {  	_ =	shalt  }
0x68: {  	_ =	shalt  }
0x69: {  	_ =	shalt  }
0x6a: {  	_ =	shalt  }
0x6b: {  	_ =	shalt  }
0x6c: {  	_ =	shalt  }
0x6d: {  	_ =	shalt  }
0x6e: {  	_ =	shalt  }
0x6f: {  	_ =	shalt  }
0x70: {  	_ =	shalt  }
0x71: {  	_ =	shalt  }
0x72: {  	_ =	shalt  }
0x73: {  	_ =	shalt  }
0x74: {  	_ =	shalt  }
0x75: {  	_ =	shalt  }
0x76: {  	_ =	shalt  }
0x77: {  	_ =	shalt  }
0x78: {  	_ =	shalt  }
0x79: {  	_ =	shalt  }
0x7a: {  	_ =	shalt  }
0x7b: {  	_ =	shalt  }
0x7c: {  	_ =	shalt  }
0x7d: {  	_ =	shalt  }
0x7e: {  	_ =	shalt  }
0x7f: {  	_ =	shalt  }
0x80: {  	_ =	shalt  }
0x81: {  	_ =	shalt  }
0x82: {  	_ =	shalt  }
0x83: {  	_ =	shalt  }
0x84: {  	_ =	shalt  }
0x85: {  	_ =	shalt  }
0x86: {  	_ =	shalt  }
0x87: {  	_ =	shalt  }
.Lfunc_end0:
.L_simem_size_0:
called_computation_lowered:
.L_overlay_start_0:
0x88: {  	s2 =	sld [smem:$0x3FD9]  }
0x89: {  	s3 =	sld [smem:$0x3FFE];
	_ =	sdelay $0x1  }
0x8a: {  	s1 =	srdreg.scid  }
0x8b: {  	s0 =	sand.u32 $0x1, s1  }
0x8c: {  	s16 =	sshll.u32 s0, $0xA;
	s2 =	sadd.s32 s3, s2  }
0x8d: {  	s2 =	sadd.s32 s2, s16  }
0x8e: {  	[smem:$0x3FB6] =	sst s2  }
0x8f: {  	_ = 	snop  }
0x90: {  	(tm) =	ssettm $0x1  }
0x91: {  	s17 =	sld [smem:$0x3FFB];
	_ =	sdelay $0x3  }
0x92: {  	_ =	strace s17  }
0x93: {  	s2 =	sld [smem:$0x3FFC];
	_ =	sdelay $0x3  }
0x94: {  	_ =	strace s2  }
0x95: {  	s2 =	sld [smem:$0x3FFD];
	_ =	sdelay $0x3  }
0x96: {  	_ =	strace s2  }
0x97: {  	_ =	strace $0x8FFFFFFF  }
0x98: {  	s18 =	sld [smem:$0x3FDB];
	_ =	sdelay $0x1  }
0x99: {  	s19 =	simm.s32 $_scs_section_size  }
0x9a: {  	s4 =	simm.s32 $_size__tile_overlayer_lowered;
	s5 =	simm.s32 $_tile_overlayer_lowered  }
0x9b: {  	s22 =	simm.s32 $0x1BFF;
	s21 =	sshll.u32 s5, $0x1;
	s2 =	sadd.s32 s19, s18  }
0x9c: {  	s6 =	simm.s32 $0x0;
	s20 =	sshll.u32 s4, $0x1;
	s4 =	sadd.s32 s21, s2  }
0x9d: {  	[timem:s6], [sflag:s22] =	dma.local [hbm:s4], s20  }
0x9e: {  	_ =	swait.ge [sflag:s22], s20  }
0x9f: {  	s3 =	ssub.s32 $0x0, s20;
	[sflag:s22] =	ssyncset.done $0x0  }
0xa0: {  	[sflag:s22] =	ssyncadd.s32 s3;
	_ =	sdelay $0x1  }
0xa1: {  	s23 =	simm.s32 $0x1B8B  }
0xa2: {  	_ =	swait.ge [sflag:s23], $0x1  }
0xa3: {  	[sflag:s23] =	ssyncset.done $0x0  }
0xa4: {  	s25 =	simm.s32 $0x1B8E;
	s24 =	sld [smem:$0x3FFE];
	[sflag:s23] =	ssyncadd.s32 $0xFFFFFFFF  }
0xa5: {  	s26 =	simm.s32 $execute0_lowered;
	[smem:$0x3FD2] =	sst s25  }
0xa6: {  	s4 =	sshll.u32 s26, $0x1;
	_ =	strace $0x80000046;
	[dreg:$0x1] =	wrdreg $0xFFFFFFFF  }
0xa7: {  	s28 =	simm.s32 $_size_execute0_lowered;
	s2 =	sadd.s32 s2, s4;
	[dreg:$0x0] =	wrdreg $0x0  }
0xa8: {  	s4 =	sshll.u32 s28, $0x1;
	[dreg:$0x2] =	wrdreg s2  }
0xa9: {  	[dreg:$0x3] =	wrdreg s4  }
0xaa: {  	[dreg:$0x4] =	wrdreg $0xC0  }
0xab: {  	_ =	task [dreg:s6], $0x5FFFF  }
0xac: {  	[dreg:$0x1] =	wrdreg $0xFFFFFFFF  }
0xad: {  	[dreg:$0x0] =	wrdreg $0x60  }
0xae: {  	[dreg:$0x2] =	wrdreg s24  }
0xaf: {  	[dreg:$0x3] =	wrdreg $0x8E000  }
0xb0: {  	[dreg:$0x4] =	wrdreg $0x9  }
0xb1: {  	_ =	task.clear_ibuf [dreg:s6], $0x5FFFF;
	_ =	strace $0x90000046  }
0xb2: {  	s29 =	simm.s32 $0x9;
	_ =	strace $0x80000048  }
0xb3: {  	_ =	swait.ge [sflag:s29], $0x1  }
0xb4: {  	[sflag:s29] =	ssyncadd.s32 $0xFFFFFFFF  }
0xb5: {  	_ =	strace $0x90000048  }
0xb6: {  	_ =	sfence  }
0xb7: {  	s30 =	sld [smem:$0x0];
	_ =	sdelay $0x2  }
0xb8: {  	s31 =	sshll.u32 s1, $0xD;
	s1 =	sshrl.u32 s1, $0x2  }
0xb9: {  	s3 =	sand.u32 $0x4000, s31;
	s1 =	sadd.s32 s1, s30  }
0xba: {  	s0 =	sor.u32 s3, s0;
	s1 =	sshll.u32 s1, $0x11  }
0xbb: {  	s0 =	sor.u32 s1, s0  }
0xbc: {  	s0 =	sadd.s32 $0x8F2B, s0  }
0xbd: {  	[sflag:s0] =	ssyncadd.remote.s32 $0x1  }
0xbe: {  	_ =	sfence.sel $0xFFFF  }
0xbf: {  	[dreg:$0x0] =	wrdreg $0xFFFFFFFF;
	(pc) =	sbr.abs _section_cstart, $3  }
0xc0: {  	[dreg:$0x1] =	wrdreg $0xFFFFFFFF  }
0xc1: {  	_ =	task.clear_ibuf [dreg:s6], $0x2FFFF;
	_ =	strace $0x9FFFFFFF  }
0xc2: {  	(tm) =	ssettm $0x7FFFFFFF  }
0xc3: {  	_ =	shalt  }
tec
execute0_lowered:
.L_overlay_start_1:
0x0: {  	(tag) =	ssettag $0x1  }
0x1: {  	s0 =	rddreg [dreg:$0x0]  }
0x2: {  	s2 =	rddreg [dreg:$0x1];
	s3 =	simm.s32 $0x0;
	s15 =	stileid.u32  }
0x3: {  	s1 =	srdreg.scid;
	s31 =	simm.s32 $0x2;
	s16 =	simm.s32 $0x6  }
0x4: {  	s17 =	simm.s32 $0x7;
	s19 =	simm.s32 $0x8;
	[smem:$0x7FF] =	sst s3  }
0x5: {  	s9 =	smul.u32 $0x14000, s15;
	s4 =	sadd.s32 $0x2EC00, s0;
	s6 =	sadd.s32 $0x9F3800, s0  }
0x6: {  	s1 =	sand.u32 $0x1, s1;
	s7 =	sadd.s32 $0x9DFE00, s0;
	s8 =	sadd.s32 $0x9CC400, s0  }
0x7: {  	s5 =	sadd.s32 $0x6C00, s0;
	s13 =	smul.u32 $0x50000, s15;
	s18 =	sadd.s32 $0x9F3A80, s0  }
0x8: {  	s23 =	sshll.u32 s15, $0x6;
	_ =	strace $0x80000047;
	s10 =	smul.u32 $0x140000, s1  }
0x9: {  	s21 =	ssub.s32 $0x2, s1;
	s1 =	sshll.u32 s1, $0x4;
	s11 =	sshrl.u32 s9, $0x3  }
0xa: {  	s12 =	sshrl.u32 s21, $0x1;
	s1 =	sor.u32 s15, s1;
	s22 =	sshrl.u32 s13, $0x2  }
0xb: {  	s13 =	simm.s32 $0x4;
	s15 =	simm.s32 $0x7A00;
	s9 =	sadd.s32 s9, s10  }
0xc: {  	s20 =	sadd.s32 s11, s0;
	s11 =	ssub.s32 s21, s12;
	s12 =	sadd.s32 s22, s2  }
0xd: {  	s21 =	simm.s32 $0x9;
	s22 =	simm.s32 $0x80;
	s9 =	sshrl.u32 s9, $0x3  }
0xe: {  	[dreg:$0x3] =	wrdreg s12;
	s10 =	sadd.s32 $0x7EC00, s20;
	s20 =	sor.u32 $0x1C09, s23  }
0xf: {  	s30 =	smax.u32 s11, $0x1;
	s23 =	simm.s32 $0x100;
	[dreg:$0x4] =	wrdreg s10  }
0x10: {  	s14 =	sadd.s32 s9, s0;
	s9 =	smul.u32 $0x4E20, s1;
	[dreg:$0xc] =	wrdreg s30  }
0x11: {  	s11 =	simm.s32 $0x3;
	s1 =	smul.u32 $0x4E200, s1;
	[dreg:$0x5] =	wrdreg s20  }
0x12: {  	s29 =	sadd.s32 $0xA6C00, s14;
	s14 =	simm.s32 $0x5;
	s24 =	sshrl.u32 s9, $0x3  }
0x13: {  	s25 =	sadd.s32 $0x28, s9;
	s1 =	sadd.s32 s6, s1;
	[dreg:$0xb] =	wrdreg s29  }
0x14: {  	s26 =	sadd.s32 s7, s24;
	s10 =	sadd.s32 s8, s24;
	[dreg:$0xa] =	wrdreg s1  }
0x15: {  	s28 =	sshrl.u32 s25, $0x3;
	s24 =	simm.s32 $0x180;
	[dreg:$0x6] =	wrdreg s26  }
0x16: {  	s25 =	simm.s32 $0x1;
	[dreg:$0x7] =	wrdreg s10;
	s12 =	sadd.s32 s7, s28  }
0x17: {  	s1 =	simm.s32 $0x0;
	s10 =	sadd.s32 s8, s28;
	[dreg:$0x8] =	wrdreg s12  }
0x18: {  	v0 =	vimm.f32 $0.0e+00;
	s26 =	simm.s32 $0x28;
	[dreg:$0x9] =	wrdreg s10;
	s12 =	simm.s32 $0x0  }
.LBB2_1:
0x19: {  	[dreg:$0xd] =	wrdreg s1;
	s1 =	simm.s32 $0x200;
	s0 =	simm.s32 $0x0  }
.LBB2_2:
0x1a: {  	p0 =	sne.s32 s1, $0x4E00;
	[tilespmem:s0+$0x7A70] =	vst v0;
	s10 =	smov.u32 s1;
	s1 =	sadd.s32 $0x200, s1  }
.Ltmp0:
0x1b: {  	[tilespmem:s0+$0x7A60] =	vst v0;
	(pc) =	sbr.rel @p0 .LBB2_2-.Ltmp0, $3  }
0x1c: {  	[tilespmem:s0+$0x7A40] =	vst v0  }
0x1d: {  	[tilespmem:s0+$0x7A50] =	vst v0;
	_ =	sdelay $0x1  }
0x1e: {  	s0 =	sshra.s32 s10, $0x2  }
0x1f: {  	[tilespmem:s0+$0x7A70] =	vst v0  }
0x20: {  	[tilespmem:s0+$0x7A60] =	vst v0;
	s10 =	rddreg [dreg:$0x3]  }
0x21: {  	[tilespmem:s0+$0x7A40] =	vst v0;
	s28 =	rddreg [dreg:$0x4];
	s1 =	sshrl.u32 s10, $0x3  }
0x22: {  	[tilespmem:s0+$0x7A50] =	vst v0;
	[dreg:$0xe] =	wrdreg s1  }
0x23: {  	[spmem:s1], [sflag:s20] =	dma.local [hbm:s28], $0x2800  }
0x24: {  	_ =	swait.ge [sflag:s21], $0x2800  }
0x25: {  	[sflag:s21] =	ssyncset.done $0x0  }
0x26: {  	[sflag:s21] =	ssyncadd.s32 $0xFFFFD800  }
0x27: {  	[bflag:$0x0] =	sbarrier.arrive $0xFFFF  }
0x28: {  	s29 =	rddreg [dreg:$0x6]  }
0x29: {  	[tilespmem:s12], [sflag:$0x1] =	stream.linear.gather [hbm4b:s29+s12], $0x28, $0x38;
	[tilespmem:$0x1CE00] =	vst v63  }
0x2a: {  	s30 =	rddreg [dreg:$0x7]  }
0x2b: {  	[tilespmem:s22], [sflag:$0x1] =	stream.linear.gather [hbm4b:s30+s12], $0x28, $0x38;
	[tilespmem:$0x1CE00] =	vst v63  }
0x2c: {  	s1 =	rddreg [dreg:$0x8]  }
0x2d: {  	[tilespmem:s23], [sflag:$0x2] =	stream.linear.gather [hbm4b:s1+s12], $0x28, $0x38;
	[tilespmem:$0x1CE00] =	vst v63  }
0x2e: {  	s10 =	rddreg [dreg:$0x9]  }
0x2f: {  	[tilespmem:s24], [sflag:$0x2] =	stream.linear.gather [hbm4b:s10+s12], $0x28, $0x38;
	[tilespmem:$0x1CE00] =	vst v63  }
0x30: {  	_ =	swait.ge [sflag:s25], $0x28  }
0x31: {  	[sflag:s25] =	ssyncset.done $0x0  }
0x32: {  	[sflag:s25] =	ssyncadd.s32 $0xFFFFFFD8  }
0x33: {  	_ =	swait.ge [sflag:s25], $0x28  }
0x34: {  	[sflag:s25] =	ssyncset.done $0x0  }
0x35: {  	s20 =	simm.s32 $0x200;
	[sflag:s25] =	ssyncadd.s32 $0xFFFFFFD8  }
0x36: {  	[tilespmem:s20], [sflag:$0x3] =	stream.indirect.gather [hbm4b:s4+s26], $0x80, s12, s26, $0xb8;
	[tilespmem:$0x1CE00] =	vst v63  }
0x37: {  	s28 =	simm.s32 $0x1600  }
0x38: {  	[tilespmem:s28], [sflag:$0x4] =	stream.indirect.gather [hbm4b:s5+s26], $0x80, s22, s26, $0xb8;
	[tilespmem:$0x1CE00] =	vst v63  }
0x39: {  	s30 =	simm.s32 $0x2A00;
	s29 =	rddreg [dreg:$0xa];
	s20 =	simm.s32 $0x0  }
0x3a: {  	[tilespmem:s30], [sflag:$0x5] =	stream.linear.gather [hbm4b:s29+s12], $0x1400, $0x38;
	[tilespmem:$0x1CE00] =	vst v63  }
.LBB2_4:
0x3b: {  	_ =	swait.ge [sflag:s31], $0x28  }
0x3c: {  	[sflag:s31] =	ssyncset.done $0x0  }
0x3d: {  	[sflag:s31] =	ssyncadd.s32 $0xFFFFFFD8  }
0x3e: {  	s0 =	smul.u32 $0x50, s20;
	_ =	swait.ge [sflag:s31], $0x28  }
0x3f: {  	[sflag:s31] =	ssyncset.done $0x0  }
0x40: {  	s1 =	simm.s32 $0x3E00;
	s0 =	sadd.s32 s9, s0;
	[sflag:s31] =	ssyncadd.s32 $0xFFFFFFD8  }
0x41: {  	[tilespmem:s1], [sflag:$0x6] =	stream.indirect.gather [hbm4b:s4+s26], $0x80, s23, s26, $0xb8;
	[tilespmem:$0x1CE00] =	vst v63  }
0x42: {  	s10 =	simm.s32 $0x5200;
	s30 =	sshll.u32 s0, $0x4  }
0x43: {  	[tilespmem:s10], [sflag:$0x7] =	stream.indirect.gather [hbm4b:s5+s26], $0x80, s24, s26, $0xb8;
	[tilespmem:$0x1CE00] =	vst v63  }
0x44: {  	s1 =	sadd.s32 s30, s18;
	s10 =	simm.s32 $0x6600  }
0x45: {  	[tilespmem:s10], [sflag:$0x8] =	stream.linear.gather [hbm4b:s1+s12], $0x1400, $0x38;
	[tilespmem:$0x1CE00] =	vst v63  }
0x46: {  	_ =	swait.ge [sflag:s11], $0x1400  }
0x47: {  	[sflag:s11] =	ssyncset.done $0x0  }
0x48: {  	[sflag:s11] =	ssyncadd.s32 $0xFFFFEC00  }
0x49: {  	_ =	swait.ge [sflag:s13], $0x1400  }
0x4a: {  	[sflag:s13] =	ssyncset.done $0x0  }
0x4b: {  	[sflag:s13] =	ssyncadd.s32 $0xFFFFEC00  }
0x4c: {  	_ =	swait.ge [sflag:s14], $0x1400  }
0x4d: {  	[sflag:s14] =	ssyncset.done $0x0  }
0x4e: {  	s1 =	simm.s32 $0x0;
	[sflag:s14] =	ssyncadd.s32 $0xFFFFEC00  }
0x4f: {  	v1 =	vld [tilespmem:s1+$0x2A10]  }
0x50: {  	v2 =	vld [tilespmem:s1+$0x1610]  }
0x51: {  	v3 =	vld [tilespmem:s1+$0x1660]  }
0x52: {  	v4 =	vld [tilespmem:s1+$0x1650]  }
0x53: {  	v5 =	vld [tilespmem:s1+$0x250]  }
0x54: {  	v6 =	vld [tilespmem:s1+$0x260]  }
0x55: {  	v7 =	vld [tilespmem:s1+$0x2A50]  }
0x56: {  	v8 =	vld [tilespmem:s1+$0x2A60]  }
0x57: {  	v9 =	vld [tilespmem:s1+$0x210]  }
0x58: {  	v10 =	vld [tilespmem:s1+$0x1640]  }
0x59: {  	v11 =	vld [tilespmem:s1+$0x270]  }
0x5a: {  	v12 =	vld [tilespmem:s1+$0x2A70];
	v4 =	vadd.f32 v4, v5  }
0x5b: {  	v3 =	vadd.f32 v3, v6;
	v6 =	vld [tilespmem:s1+$0x240]  }
0x5c: {  	v5 =	vadd.f32 v7, v4;
	v4 =	vld [tilespmem:s1+$0x1670]  }
0x5d: {  	v7 =	vadd.f32 v8, v3;
	v3 =	vld [tilespmem:s1+$0x2A40]  }
0x5e: {  	v14 =	vld [tilespmem:s1+$0x1630]  }
0x5f: {  	s10 =	simm.s32 $0x80;
	v15 =	vld [tilespmem:s1+$0x2A30];
	v2 =	vadd.f32 v2, v9;
	v8 =	vand.u32 $0x7FFFFFFF, v5  }
0x60: {  	v17 =	vld [tilespmem:s10+$0x1620];
	v13 =	vand.u32 $0x7FFFFFFF, v7;
	v8 =	vsub.f32 $0.0e+00, v8;
	v6 =	vadd.f32 v10, v6  }
0x61: {  	v18 =	vld [tilespmem:s10+$0x1600];
	v13 =	vsub.f32 $0.0e+00, v13;
	v4 =	vadd.f32 v4, v11  }
0x62: {  	v9 =	vld [tilespmem:s1+$0x230];
	v1 =	vadd.f32 v1, v2;
	v10 =	vmul.f32 $1.442695020e+00, v8;
	v8 =	vadd.f32 v3, v6  }
0x63: {  	v20 =	vld [tilespmem:s10+$0x200];
	v11 =	vmul.f32 $1.442695020e+00, v13;
	v6 =	vadd.f32 v12, v4  }
0x64: {  	v2 =	vld [tilespmem:s1+$0x200];
	v1 =	vsub.f32 $0.0e+00, v1;
	(erf) = vpow2.f32 v10;
	v4 =	vand.u32 $0x7FFFFFFF, v8  }
0x65: {  	v13 =	vld [tilespmem:s1+$0x1600];
	(erf) = vpow2.f32 v11;
	v4 =	vsub.f32 $0.0e+00, v4;
	v11 =	vand.u32 $0x7FFFFFFF, v6  }
0x66: {  	v1 =	vmul.f32 $1.442695020e+00, v1;
	v3 =	vld [tilespmem:s1+$0x2A00];
	v11 =	vsub.f32 $0.0e+00, v11  }
0x67: {  	v9 =	vadd.f32 v14, v9;
	v10 =	vld [tilespmem:s1+$0x1620];
	v4 =	vmul.f32 $1.442695020e+00, v4  }
0x68: {  	v12 =	vld [tilespmem:s1+$0x220];
	(erf) = vpow2.f32 v1;
	v11 =	vmul.f32 $1.442695020e+00, v11  }
0x69: {  	v22 =	vld [tilespmem:s10+$0x1640];
	v9 =	vadd.f32 v15, v9;
	(erf) = vpow2.f32 v4  }
0x6a: {  	v14 =	vld [tilespmem:s1+$0x2A20];
	v2 =	vadd.f32 v13, v2;
	(erf) = vpow2.f32 v11  }
0x6b: {  	v24 =	vld [tilespmem:s10+$0x1660];
	v9 =	vsub.f32 $0.0e+00, v9  }
0x6c: {  	v25 =	vld [tilespmem:s10+$0x1650];
	v2 =	vadd.f32 v3, v2  }
0x6d: {  	v29 =	vld [tilespmem:s10+$0x260];
	v9 =	vmul.f32 $1.442695020e+00, v9;
	v10 =	vadd.f32 v10, v12;
	v11 =	vpop (erf)  }
0x6e: {  	v30 =	vld [tilespmem:s10+$0x2A60];
	v2 =	vsub.f32 $0.0e+00, v2;
	v15 =	vadd.f32 $2.000000000e+00, v11;
	v16 =	vpop (erf)  }
0x6f: {  	v4 =	vld [tilespmem:s10+$0x1610];
	v10 =	vadd.f32 v14, v10;
	(erf) = vpow2.f32 v9;
	v9 =	vadd.f32 $2.000000000e+00, v16  }
0x70: {  	v3 =	vld [tilespmem:s10+$0x210];
	v2 =	vmul.f32 $1.442695020e+00, v2;
	(erf) = vrcp.f32 v15  }
0x71: {  	v12 =	vld [tilespmem:s10+$0x1630];
	v10 =	vsub.f32 $0.0e+00, v10;
	v14 =	vpop (erf);
	(erf) = vrcp.f32 v9  }
0x72: {  	v9 =	vld [tilespmem:s10+$0x230];
	(erf) = vpow2.f32 v2;
	v19 =	vpop (erf)  }
0x73: {  	v1 =	vld [tilespmem:s10+$0x2A10];
	v10 =	vmul.f32 $1.442695020e+00, v10;
	v21 =	vpop (erf)  }
0x74: {  	v13 =	vld [tilespmem:s10+$0x2A30];
	v23 =	vadd.f32 $2.000000000e+00, v21  }
0x75: {  	v2 =	vld [tilespmem:s10+$0x220];
	(erf) = vpow2.f32 v10  }
0x76: {  	v3 =	vadd.f32 v4, v3;
	v15 =	vld [tilespmem:s10+$0x2A50];
	v10 =	vadd.f32 $2.000000000e+00, v19;
	(erf) = vrcp.f32 v23  }
0x77: {  	v4 =	vadd.f32 v12, v9;
	v23 =	vld [tilespmem:s10+$0x270]  }
0x78: {  	v18 =	vadd.f32 v18, v20;
	v3 =	vadd.f32 v1, v3;
	v26 =	vpop (erf);
	(erf) = vrcp.f32 v10;
	v10 =	vld [tilespmem:s10+$0x250]  }
0x79: {  	v26 =	vadd.f32 $1.000000000e+00, v26;
	v13 =	vadd.f32 v13, v4;
	v4 =	vld [tilespmem:s10+$0x240];
	v27 =	vpop (erf)  }
0x7a: {  	v49 =	vmax.f32 v7, $0.0e+00;
	v17 =	vadd.f32 v17, v2;
	v28 =	vpop (erf);
	v9 =	vmul.f32 v27, v11;
	v11 =	vld [tilespmem:s10+$0x1670]  }
0x7b: {  	v20 =	vld [tilespmem:s10+$0x2A70];
	(erf) = vrcp.f32 v26;
	v26 =	vsub.f32 $0.0e+00, v3;
	v13 =	vsub.f32 $0.0e+00, v13;
	v12 =	vpop (erf)  }
0x7c: {  	v27 =	vadd.f32 $1.000000000e+00, v12;
	v31 =	vmul.f32 v9, v9;
	v12 =	vmul.f32 v28, v16;
	v16 =	vld [tilespmem:s10+$0x2A40]  }
0x7d: {  	v50 =	vmax.f32 v5, $0.0e+00;
	v1 =	vadd.f32 v25, v10;
	v10 =	vadd.f32 v24, v29  }
0x7e: {  	v13 =	vmul.f32 $1.442695020e+00, v13;
	v24 =	vpop (erf);
	v25 =	vld [tilespmem:s10+$0x2A00];
	v4 =	vadd.f32 v22, v4;
	v2 =	vmul.f32 $1.818181870e-01, v31  }
0x7f: {  	v22 =	vmul.f32 v12, v12;
	v23 =	vadd.f32 v11, v23;
	v1 =	vadd.f32 v15, v1;
	v11 =	vpop (erf)  }
0x80: {  	v15 =	vadd.f32 $2.222222240e-01, v2;
	v2 =	vadd.f32 v30, v10;
	v11 =	vmul.f32 v11, v21  }
0x81: {  	v10 =	vpop (erf);
	v21 =	vand.u32 $0x7FFFFFFF, v1;
	v4 =	vadd.f32 v16, v4;
	v3 =	vadd.f32 v20, v23  }
0x82: {  	v20 =	vmul.f32 $1.818181870e-01, v22;
	v10 =	vmul.f32 v10, v19;
	v19 =	vsub.f32 $0.0e+00, v21  }
0x83: {  	v21 =	vand.u32 $0x7FFFFFFF, v2;
	v15 =	vmul.f32 v15, v31;
	v18 =	vadd.f32 v25, v18  }
0x84: {  	v25 =	vmul.f32 $1.442695020e+00, v26;
	v21 =	vsub.f32 $0.0e+00, v21;
	v28 =	vmul.f32 v11, v11  }
0x85: {  	v20 =	vadd.f32 $2.222222240e-01, v20;
	v19 =	vmul.f32 $1.442695020e+00, v19;
	v15 =	vadd.f32 $2.857142980e-01, v15  }
0x86: {  	v23 =	vld [tilespmem:s10+$0x2A20];
	v26 =	vmul.f32 v10, v10;
	v16 =	vmul.f32 $1.442695020e+00, v21;
	v21 =	vand.u32 $0x7FFFFFFF, v4  }
0x87: {  	(erf) = vpow2.f32 v19;
	v19 =	vand.u32 $0x7FFFFFFF, v3;
	v21 =	vsub.f32 $0.0e+00, v21  }
0x88: {  	v15 =	vmul.f32 v15, v31;
	(erf) = vpow2.f32 v16;
	v19 =	vsub.f32 $0.0e+00, v19  }
0x89: {  	v18 =	vsub.f32 $0.0e+00, v18;
	v16 =	vmul.f32 $1.818181870e-01, v28;
	v21 =	vmul.f32 $1.442695020e+00, v21  }
0x8a: {  	(erf) = vpow2.f32 v25;
	v15 =	vadd.f32 $4.000000060e-01, v15;
	v19 =	vmul.f32 $1.442695020e+00, v19  }
0x8b: {  	v17 =	vadd.f32 v23, v17;
	v23 =	vmul.f32 v20, v22;
	(erf) = vpow2.f32 v21  }
0x8c: {  	v16 =	vadd.f32 $2.222222240e-01, v16;
	v15 =	vmul.f32 v15, v31;
	(erf) = vpow2.f32 v19  }
0x8d: {  	v17 =	vsub.f32 $0.0e+00, v17;
	(erf) = vpow2.f32 v13;
	v13 =	vadd.f32 $2.857142980e-01, v23  }
0x8e: {  	s28 =	simm.s32 $0x100;
	v18 =	vmul.f32 $1.442695020e+00, v18;
	v16 =	vmul.f32 v16, v28;
	v15 =	vadd.f32 $6.666666860e-01, v15  }
0x8f: {  	v61 =	vld [tilespmem:s28+$0x2A00];
	v14 =	vadd.f32 $1.000000000e+00, v14;
	v20 =	vpop (erf);
	v17 =	vmul.f32 $1.442695020e+00, v17;
	v13 =	vmul.f32 v13, v22  }
0x90: {  	v29 =	vld [tilespmem:s28+$0x210];
	(erf) = vrcp.f32 v27;
	v16 =	vadd.f32 $2.857142980e-01, v16;
	v15 =	vmul.f32 v15, v31;
	v21 =	vpop (erf)  }
0x91: {  	(erf) = vrcp.f32 v14;
	v14 =	vld [tilespmem:s28+$0x1610];
	v19 =	vadd.f32 $2.000000000e+00, v21;
	v25 =	vpop (erf);
	v13 =	vadd.f32 $4.000000060e-01, v13  }
0x92: {  	v32 =	vld [tilespmem:s28+$0x1620];
	v16 =	vmul.f32 v16, v28;
	v15 =	vadd.f32 $2.000000000e+00, v15;
	v27 =	vadd.f32 $2.000000000e+00, v25  }
0x93: {  	v38 =	vmax.f32 v8, $0.0e+00;
	v23 =	vld [tilespmem:s28+$0x2A10];
	(erf) = vrcp.f32 v19;
	v33 =	vmul.f32 v13, v22  }
0x94: {  	v35 =	vld [tilespmem:s28+$0x1630];
	v16 =	vadd.f32 $4.000000060e-01, v16;
	v44 =	vmul.f32 v15, v9;
	(erf) = vrcp.f32 v27  }
0x95: {  	v41 =	vld [tilespmem:s28+$0x1600];
	v24 =	vadd.f32 $1.000000000e+00, v24;
	(erf) = vpow2.f32 v18;
	v18 =	vmul.f32 $1.818181870e-01, v26  }
0x96: {  	v7 =	vld [tilespmem:s28+$0x1650];
	v14 =	vadd.f32 v14, v29;
	v16 =	vmul.f32 v16, v28;
	v19 =	vpop (erf);
	v33 =	vadd.f32 $6.666666860e-01, v33  }
0x97: {  	v34 =	vpop (erf);
	v13 =	vadd.f32 $1.000000000e+00, v19;
	(erf) = vpow2.f32 v17;
	v19 =	vld [tilespmem:s28+$0x230];
	v17 =	vadd.f32 $2.222222240e-01, v18  }
0x98: {  	v8 =	vld [tilespmem:s28+$0x220];
	v5 =	vadd.f32 v23, v14;
	v62 =	vpop (erf);
	v36 =	vadd.f32 $2.000000000e+00, v34;
	v15 =	vmul.f32 v33, v22  }
0x99: {  	v23 =	vld [tilespmem:s28+$0x250];
	v22 =	vadd.f32 $6.666666860e-01, v16;
	v37 =	vadd.f32 $2.000000000e+00, v62;
	v18 =	vpop (erf);
	v17 =	vmul.f32 v17, v26  }
0x9a: {  	v63 =	vld [tilespmem:s28+$0x200];
	v52 =	vsub.f32 $0.0e+00, v5;
	v15 =	vadd.f32 $2.000000000e+00, v15;
	v39 =	vpop (erf)  }
0x9b: {  	v27 =	vld [tilespmem:s28+$0x2A30];
	v18 =	vadd.f32 $1.000000000e+00, v18;
	v40 =	vpop (erf);
	(erf) = vrcp.f32 v37;
	v17 =	vadd.f32 $2.857142980e-01, v17  }
0x9c: {  	v29 =	vld [tilespmem:s28+$0x2A50];
	v16 =	vadd.f32 v35, v19;
	v51 =	vmul.f32 v15, v12;
	v42 =	vpop (erf);
	(erf) = vrcp.f32 v24  }
0x9d: {  	v14 =	vld [tilespmem:s28+$0x1670];
	v12 =	vmul.f32 v22, v28;
	v28 =	vadd.f32 v32, v8;
	v43 =	vpop (erf);
	(erf) = vrcp.f32 v36  }
0x9e: {  	v15 =	vld [tilespmem:s28+$0x240];
	v7 =	vadd.f32 v7, v23;
	v17 =	vmul.f32 v17, v26;
	v9 =	vpop (erf);
	(erf) = vrcp.f32 v18  }
0x9f: {  	v24 =	vld [tilespmem:s28+$0x1640];
	v18 =	vadd.f32 v41, v63;
	v19 =	vadd.f32 $1.000000000e+00, v9;
	v9 =	vmul.f32 v42, v21  }
0xa0: {  	v6 =	vmax.f32 v6, $0.0e+00;
	v21 =	vadd.f32 v27, v16;
	v27 =	vld [tilespmem:s28+$0x270];
	v22 =	vadd.f32 $4.000000060e-01, v17  }
0xa1: {  	v48 =	vld [tilespmem:s28+$0x1660];
	v5 =	vadd.f32 $2.000000000e+00, v12;
	v7 =	vadd.f32 v29, v7;
	v16 =	vmul.f32 v9, v9  }
0xa2: {  	v53 =	vld [tilespmem:s28+$0x260];
	v12 =	vmul.f32 v43, v25;
	v30 =	vadd.f32 v61, v18;
	v18 =	vmul.f32 v22, v26  }
0xa3: {  	v54 =	vld [tilespmem:s28+$0x2A70];
	v35 =	vadd.f32 v51, v49;
	v11 =	vmul.f32 v5, v11;
	v8 =	vmul.f32 $1.818181870e-01, v16  }
0xa4: {  	v29 =	vand.u32 $0x7FFFFFFF, v7;
	v17 =	vpop (erf);
	v22 =	vld [tilespmem:s28+$0x2A60];
	v24 =	vadd.f32 v24, v15;
	v23 =	vadd.f32 $6.666666860e-01, v18  }
0xa5: {  	v18 =	vmul.f32 v12, v12;
	v45 =	vpop (erf);
	v27 =	vadd.f32 v14, v27;
	v14 =	vadd.f32 $2.222222240e-01, v8  }
0xa6: {  	v55 =	vld [tilespmem:s28+$0x2A40];
	v21 =	vsub.f32 $0.0e+00, v21;
	v25 =	vpop (erf);
	v8 =	vmul.f32 v45, v62;
	v23 =	vmul.f32 v23, v26  }
0xa7: {  	v26 =	vadd.f32 v11, v6;
	v5 =	vpop (erf);
	v56 =	vmul.f32 v14, v16;
	v14 =	vadd.f32 v48, v53  }
0xa8: {  	v6 =	vadd.f32 v54, v27;
	v27 =	vsub.f32 $0.0e+00, v29;
	v5 =	vmul.f32 v5, v34  }
0xa9: {  	v15 =	vmul.f32 v8, v8;
	v23 =	vadd.f32 $2.000000000e+00, v23;
	v11 =	vadd.f32 v22, v14  }
0xaa: {  	v58 =	vand.u32 $0x7FFFFFFF, v6;
	v27 =	vmul.f32 $1.442695020e+00, v27;
	v22 =	vadd.f32 v44, v50  }
0xab: {  	v14 =	vadd.f32 v55, v24;
	v24 =	vmul.f32 $1.818181870e-01, v18;
	v29 =	vand.u32 $0x7FFFFFFF, v11  }
0xac: {  	v57 =	vmul.f32 $1.818181870e-01, v15;
	(erf) = vpow2.f32 v27;
	v29 =	vsub.f32 $0.0e+00, v29  }
0xad: {  	v60 =	vld [tilespmem:s28+$0x2A20];
	v27 =	vmul.f32 v35, v25;
	v25 =	vsub.f32 $0.0e+00, v58;
	v59 =	vand.u32 $0x7FFFFFFF, v14  }
0xae: {  	v10 =	vmul.f32 v23, v10;
	v61 =	vsub.f32 $0.0e+00, v59;
	v29 =	vmul.f32 $1.442695020e+00, v29  }
0xaf: {  	v63 =	vadd.f32 $2.857142980e-01, v56;
	v36 =	vmul.f32 v22, v40;
	v62 =	vmul.f32 $1.442695020e+00, v25  }
0xb0: {  	v24 =	vadd.f32 $2.222222240e-01, v24;
	v23 =	vmul.f32 $1.442695020e+00, v61;
	(erf) = vpow2.f32 v29  }
0xb1: {  	v10 =	vadd.f32 v10, v38;
	v29 =	vmul.f32 v26, v20;
	v20 =	vmul.f32 $1.442695020e+00, v52  }
0xb2: {  	v28 =	vadd.f32 v60, v28;
	[tilespmem:s1+$0x7A20] =	vst v27;
	v27 =	vmul.f32 v63, v16;
	v25 =	vmul.f32 v24, v18  }
0xb3: {  	v22 =	vsub.f32 $0.0e+00, v30;
	v26 =	vmul.f32 $1.442695020e+00, v21;
	(erf) = vpow2.f32 v20  }
0xb4: {  	[tilespmem:s1+$0x7A10] =	vst v36;
	v24 =	vadd.f32 $2.222222240e-01, v57;
	v20 =	vmul.f32 v10, v39;
	(erf) = vpow2.f32 v23  }
0xb5: {  	s29 =	simm.s32 $0x600;
	v21 =	vsub.f32 $0.0e+00, v28;
	v10 =	vpop (erf);
	[tilespmem:s1+$0x7A30] =	vst v29;
	v23 =	vmov v5;
	(erf) = vpow2.f32 v62  }
.LBB2_5:
0xb6: {  	[tilespmem:s1+$0x7A00] =	vst v20;
	s1 =	smov.u32 s10;
	s30 =	smov.u32 s29  }
0xb7: {  	v28 =	vmul.f32 $1.442695020e+00, v22;
	(erf) = vpow2.f32 v26;
	v25 =	vadd.f32 $2.857142980e-01, v25;
	s10 =	smov.u32 s28;
	s28 =	sshra.s32 s29, $0x2;
	s30 =	sadd.s32 $0x200, s29  }
0xb8: {  	p0 =	sne.s32 s29, $0x4E00;
	v24 =	vmul.f32 v24, v15;
	v20 =	vadd.f32 $4.000000060e-01, v27;
	v26 =	vld [tilespmem:s28+$0x2A10];
	v29 =	vpop (erf);
	(erf) = vrcp.f32 v19  }
0xb9: {  	v22 =	vmul.f32 v23, v5;
	v27 =	vld [tilespmem:s28+$0x2A00];
	v19 =	vadd.f32 $2.000000000e+00, v29;
	v30 =	vpop (erf);
	(erf) = vrcp.f32 v13  }
0xba: {  	v33 =	vmul.f32 v25, v18;
	v24 =	vadd.f32 $2.857142980e-01, v24;
	v23 =	vld [tilespmem:s28+$0x1610];
	v13 =	vadd.f32 $2.000000000e+00, v30  }
0xbb: {  	v31 =	vld [tilespmem:s28+$0x210];
	(erf) = vrcp.f32 v19;
	v19 =	vmul.f32 v20, v16  }
0xbc: {  	v20 =	vmul.f32 v24, v15;
	v32 =	vld [tilespmem:s28+$0x2A30];
	(erf) = vrcp.f32 v13;
	v13 =	vadd.f32 $4.000000060e-01, v33  }
0xbd: {  	v24 =	vld [tilespmem:s28+$0x2A70];
	(erf) = vpow2.f32 v28;
	v25 =	vpop (erf);
	v28 =	vmul.f32 $1.818181870e-01, v22;
	v19 =	vadd.f32 $6.666666860e-01, v19  }
0xbe: {  	v21 =	vmul.f32 $1.442695020e+00, v21;
	v33 =	vld [tilespmem:s28+$0x1620];
	v34 =	vpop (erf);
	v35 =	vmul.f32 v13, v18  }
0xbf: {  	v13 =	vadd.f32 $1.000000000e+00, v25;
	v36 =	vld [tilespmem:s28+$0x1630];
	v25 =	vpop (erf);
	v16 =	vmul.f32 v19, v16;
	v19 =	vadd.f32 $4.000000060e-01, v20  }
0xc0: {  	v28 =	vadd.f32 $2.222222240e-01, v28;
	v23 =	vadd.f32 v23, v31;
	v31 =	vld [tilespmem:s28+$0x2A50];
	(erf) = vpow2.f32 v21;
	v37 =	vpop (erf)  }
0xc1: {  	v39 =	vadd.f32 $2.000000000e+00, v34;
	v44 =	vadd.f32 $2.000000000e+00, v25;
	v21 =	vmax.f32 v4, $0.0e+00;
	v38 =	vld [tilespmem:s28+$0x230];
	v20 =	vpop (erf)  }
0xc2: {  	v17 =	vadd.f32 $1.000000000e+00, v17;
	v28 =	vmul.f32 v28, v22;
	v16 =	vadd.f32 $2.000000000e+00, v16;
	v41 =	vld [tilespmem:s28+$0x220];
	v42 =	vpop (erf)  }
0xc3: {  	v35 =	vadd.f32 $6.666666860e-01, v35;
	v4 =	vmovc v14;
	v19 =	vmul.f32 v19, v15;
	v43 =	vld [tilespmem:s28+$0x1600];
	(erf) = vrcp.f32 v44  }
0xc4: {  	v37 =	vadd.f32 $1.000000000e+00, v37;
	v28 =	vadd.f32 $2.857142980e-01, v28;
	v14 =	vld [tilespmem:s28+$0x200];
	v40 =	vpop (erf);
	(erf) = vrcp.f32 v17  }
0xc5: {  	v46 =	vmul.f32 v16, v9;
	v16 =	vmul.f32 v35, v18;
	v18 =	vadd.f32 $6.666666860e-01, v19;
	v44 =	vld [tilespmem:s28+$0x1640];
	v45 =	vpop (erf)  }
0xc6: {  	v47 =	vadd.f32 v36, v38;
	v9 =	vpop (erf)  }
0xc7: {  	v35 =	vld [tilespmem:s28+$0x1660];
	(erf) = vrcp.f32 v39;
	v36 =	vmax.f32 v2, $0.0e+00;
	v19 =	vadd.f32 $1.000000000e+00, v9  }
0xc8: {  	v2 =	vmovc v11;
	v38 =	vld [tilespmem:s28+$0x1650];
	v9 =	vmul.f32 v40, v29;
	v29 =	vadd.f32 $2.000000000e+00, v16;
	v33 =	vadd.f32 v33, v41  }
0xc9: {  	v32 =	vadd.f32 v32, v47;
	v11 =	vld [tilespmem:s28+$0x270];
	(erf) = vrcp.f32 v37;
	v37 =	vmax.f32 v1, $0.0e+00;
	v1 =	vmovc v7  }
0xca: {  	v47 =	vadd.f32 v26, v23;
	v26 =	vmul.f32 v28, v22;
	v23 =	vld [tilespmem:s28+$0x1670];
	v16 =	vmul.f32 v9, v9;
	v17 =	vpop (erf)  }
0xcb: {  	v14 =	vadd.f32 v43, v14;
	v29 =	vmul.f32 v29, v12;
	v12 =	vmul.f32 v18, v15;
	v28 =	vld [tilespmem:s28+$0x250]  }
0xcc: {  	v26 =	vadd.f32 $4.000000060e-01, v26;
	v39 =	vsub.f32 $0.0e+00, v47;
	v15 =	vld [tilespmem:s28+$0x240];
	v18 =	vmul.f32 $1.818181870e-01, v16  }
0xcd: {  	v43 =	vmax.f32 v3, $0.0e+00;
	v32 =	vsub.f32 $0.0e+00, v32;
	v41 =	vadd.f32 $2.000000000e+00, v12;
	v40 =	vld [tilespmem:s28+$0x260];
	v7 =	vpop (erf)  }
0xce: {  	v27 =	vadd.f32 v27, v14;
	v12 =	vmul.f32 v45, v30;
	v26 =	vmul.f32 v26, v22;
	v14 =	vld [tilespmem:s28+$0x2A60];
	v30 =	vpop (erf)  }
0xcf: {  	v3 =	vmovc v6;
	v41 =	vmul.f32 v41, v8;
	v45 =	vadd.f32 v23, v11;
	v11 =	vadd.f32 $2.222222240e-01, v18  }
0xd0: {  	v8 =	vmul.f32 v7, v25;
	v25 =	vadd.f32 $6.666666860e-01, v26;
	v6 =	vld [tilespmem:s28+$0x2A40];
	v18 =	vadd.f32 v38, v28;
	v7 =	vpop (erf)  }
0xd1: {  	v26 =	vadd.f32 v44, v15;
	v23 =	vmul.f32 v7, v34;
	v28 =	vmul.f32 v11, v16  }
0xd2: {  	v7 =	vadd.f32 v31, v18;
	v11 =	vadd.f32 v35, v40;
	v18 =	vmul.f32 v12, v12;
	v31 =	vpop (erf)  }
0xd3: {  	v15 =	vmul.f32 v8, v8;
	v25 =	vmul.f32 v25, v22;
	v34 =	vadd.f32 v41, v43  }
0xd4: {  	v35 =	vadd.f32 v46, v37;
	v22 =	vand.u32 $0x7FFFFFFF, v7;
	v11 =	vadd.f32 v14, v11  }
0xd5: {  	v14 =	vadd.f32 v6, v26;
	v6 =	vadd.f32 v24, v45;
	v24 =	vmul.f32 $1.818181870e-01, v18  }
0xd6: {  	v37 =	vmul.f32 $1.818181870e-01, v15;
	v22 =	vsub.f32 $0.0e+00, v22;
	v26 =	vand.u32 $0x7FFFFFFF, v11  }
0xd7: {  	v35 =	vmul.f32 v35, v42;
	v26 =	vsub.f32 $0.0e+00, v26;
	v38 =	vand.u32 $0x7FFFFFFF, v6  }
0xd8: {  	v29 =	vadd.f32 v29, v36;
	v40 =	vand.u32 $0x7FFFFFFF, v14;
	v41 =	vmul.f32 $1.442695020e+00, v22  }
0xd9: {  	v25 =	vadd.f32 $2.000000000e+00, v25;
	v22 =	vsub.f32 $0.0e+00, v27;
	v27 =	vld [tilespmem:s28+$0x2A20];
	v26 =	vmul.f32 $1.442695020e+00, v26;
	[tilespmem:s1+$0x7A10] =	vst v35  }
0xda: {  	v29 =	vmul.f32 v29, v30;
	v35 =	vsub.f32 $0.0e+00, v40;
	(erf) = vpow2.f32 v41  }
0xdb: {  	v30 =	vsub.f32 $0.0e+00, v38;
	(erf) = vpow2.f32 v26;
	v26 =	vmul.f32 v34, v10;
	v10 =	vmovc v31  }
0xdc: {  	v25 =	vmul.f32 v25, v5;
	v5 =	vmovc v23;
	v24 =	vadd.f32 $2.222222240e-01, v24;
	v31 =	vmul.f32 $1.442695020e+00, v39;
	[tilespmem:s1+$0x7A20] =	vst v29  }
.Ltmp1:
0xdd: {  	v30 =	vmul.f32 $1.442695020e+00, v30;
	v29 =	vmul.f32 $1.442695020e+00, v35;
	[tilespmem:s1+$0x7A30] =	vst v26;
	(pc) =	sbr.rel @p0 .LBB2_5-.Ltmp1, $4  }
0xde: {  	v21 =	vadd.f32 v25, v21;
	v26 =	vmul.f32 $1.442695020e+00, v32;
	v27 =	vadd.f32 v27, v33  }
0xdf: {  	v28 =	vadd.f32 $2.857142980e-01, v28;
	v25 =	vmul.f32 v24, v18;
	(erf) = vpow2.f32 v31  }
0xe0: {  	v24 =	vadd.f32 $2.222222240e-01, v37;
	v20 =	vmul.f32 v21, v20;
	(erf) = vpow2.f32 v29  }
0xe1: {  	s29 =	smov.u32 s30;
	v21 =	vsub.f32 $0.0e+00, v27;
	v27 =	vmul.f32 v28, v16;
	(erf) = vpow2.f32 v30  }
0xe2: {  	_ =	sdelay $0x1  }
0xe3: {  	(erf) = vpow2.f32 v26;
	v26 =	vpop (erf)  }
0xe4: {  	(erf) = vrcp.f32 v19;
	v19 =	vadd.f32 $2.000000000e+00, v26  }
0xe5: {  	v22 =	vmul.f32 $1.442695020e+00, v22;
	v28 =	vpop (erf)  }
0xe6: {  	v24 =	vmul.f32 v24, v15;
	(erf) = vrcp.f32 v13;
	v13 =	vadd.f32 $2.000000000e+00, v28  }
0xe7: {  	v25 =	vadd.f32 $2.857142980e-01, v25;
	v23 =	vmul.f32 v23, v5;
	v29 =	vpop (erf);
	(erf) = vrcp.f32 v19  }
0xe8: {  	v19 =	vpop (erf);
	(erf) = vrcp.f32 v13;
	v13 =	vmul.f32 $1.442695020e+00, v21  }
0xe9: {  	v27 =	vadd.f32 $4.000000060e-01, v27;
	v25 =	vmul.f32 v25, v18;
	v21 =	vpop (erf);
	(erf) = vpow2.f32 v22  }
0xea: {  	v22 =	vadd.f32 $2.000000000e+00, v21;
	(erf) = vpow2.f32 v13;
	v13 =	vadd.f32 $1.000000000e+00, v17  }
0xeb: {  	v27 =	vmul.f32 v27, v16;
	v17 =	vadd.f32 $4.000000060e-01, v25;
	v25 =	vadd.f32 $2.000000000e+00, v19  }
0xec: {  	(erf) = vrcp.f32 v22;
	v22 =	vadd.f32 $2.857142980e-01, v24;
	v24 =	vmul.f32 $1.818181870e-01, v23  }
0xed: {  	v17 =	vmul.f32 v17, v18  }
0xee: {  	(erf) = vrcp.f32 v13;
	v13 =	vadd.f32 $6.666666860e-01, v27;
	v24 =	vadd.f32 $2.222222240e-01, v24  }
0xef: {  	v27 =	vpop (erf);
	(erf) = vrcp.f32 v25;
	v22 =	vmul.f32 v22, v15;
	v17 =	vadd.f32 $6.666666860e-01, v17  }
0xf0: {  	v25 =	vpop (erf);
	v13 =	vmul.f32 v13, v16;
	v24 =	vmul.f32 v24, v23  }
0xf1: {  	v16 =	vpop (erf);
	v22 =	vadd.f32 $4.000000060e-01, v22;
	v17 =	vmul.f32 v17, v18  }
0xf2: {  	v30 =	vpop (erf);
	v13 =	vadd.f32 $2.000000000e+00, v13  }
0xf3: {  	v27 =	vadd.f32 $1.000000000e+00, v27;
	v31 =	vpop (erf);
	v26 =	vmul.f32 v30, v26;
	v18 =	vmul.f32 v22, v15  }
0xf4: {  	v22 =	vadd.f32 $2.857142980e-01, v24;
	v9 =	vmul.f32 v13, v9;
	v13 =	vadd.f32 $2.000000000e+00, v17;
	v24 =	vpop (erf)  }
0xf5: {  	v2 =	vmax.f32 v2, $0.0e+00;
	(erf) = vrcp.f32 v27;
	v27 =	vmul.f32 v26, v26;
	v17 =	vpop (erf)  }
0xf6: {  	v18 =	vadd.f32 $6.666666860e-01, v18;
	v22 =	vmul.f32 v22, v23;
	v12 =	vmul.f32 v13, v12;
	v50 =	vpop (erf)  }
0xf7: {  	v1 =	vmax.f32 v1, $0.0e+00;
	v13 =	vmul.f32 v31, v28;
	v51 =	vmul.f32 $1.818181870e-01, v27;
	v28 =	vpop (erf)  }
0xf8: {  	v3 =	vmax.f32 v3, $0.0e+00;
	v15 =	vmul.f32 v18, v15;
	v18 =	vmul.f32 v50, v21;
	v21 =	vpop (erf)  }
0xf9: {  	v22 =	vadd.f32 $4.000000060e-01, v22;
	v19 =	vmul.f32 v21, v19;
	v21 =	vmul.f32 v13, v13  }
0xfa: {  	v29 =	vadd.f32 $1.000000000e+00, v29;
	v24 =	vadd.f32 $1.000000000e+00, v24;
	v52 =	vmul.f32 v18, v18  }
0xfb: {  	v30 =	vadd.f32 $2.222222240e-01, v51;
	v22 =	vmul.f32 v22, v23;
	v32 =	vmul.f32 $1.818181870e-01, v21  }
0xfc: {  	v1 =	vadd.f32 v9, v1;
	v33 =	vmul.f32 v19, v19;
	v34 =	vmul.f32 $1.818181870e-01, v52  }
0xfd: {  	v15 =	vadd.f32 $2.000000000e+00, v15;
	v30 =	vmul.f32 v30, v27;
	v22 =	vadd.f32 $6.666666860e-01, v22  }
0xfe: {  	v32 =	vadd.f32 $2.222222240e-01, v32;
	v35 =	vmul.f32 $1.818181870e-01, v33;
	v34 =	vadd.f32 $2.222222240e-01, v34  }
0xff: {  	v8 =	vmul.f32 v15, v8;
	v22 =	vmul.f32 v22, v23;
	v23 =	vadd.f32 $2.857142980e-01, v30  }
0x100: {  	v15 =	vmul.f32 v32, v21;
	v53 =	vadd.f32 $2.222222240e-01, v35;
	v54 =	vmul.f32 v34, v52  }
0x101: {  	v1 =	vmul.f32 v1, v16;
	v3 =	vadd.f32 v8, v3;
	v8 =	vmul.f32 v23, v27  }
0x102: {  	v9 =	vadd.f32 $2.857142980e-01, v15;
	v15 =	vmul.f32 v53, v33;
	v23 =	vadd.f32 $2.857142980e-01, v54  }
0x103: {  	v2 =	vadd.f32 v12, v2;
	(erf) = vrcp.f32 v24;
	v8 =	vadd.f32 $4.000000060e-01, v8  }
0x104: {  	v9 =	vmul.f32 v9, v21;
	v15 =	vadd.f32 $2.857142980e-01, v15;
	v12 =	vmul.f32 v23, v52  }
0x105: {  	v17 =	vadd.f32 $1.000000000e+00, v17;
	(erf) = vrcp.f32 v29;
	v8 =	vmul.f32 v8, v27  }
0x106: {  	v9 =	vadd.f32 $4.000000060e-01, v9;
	v15 =	vmul.f32 v15, v33;
	v12 =	vadd.f32 $4.000000060e-01, v12  }
0x107: {  	(erf) = vrcp.f32 v17;
	v16 =	vadd.f32 $2.000000000e+00, v22;
	v8 =	vadd.f32 $6.666666860e-01, v8  }
0x108: {  	v9 =	vmul.f32 v9, v21;
	v15 =	vadd.f32 $4.000000060e-01, v15;
	v12 =	vmul.f32 v12, v52  }
0x109: {  	v4 =	vmax.f32 v4, $0.0e+00;
	v5 =	vmul.f32 v16, v5;
	v8 =	vmul.f32 v8, v27  }
0x10a: {  	v9 =	vadd.f32 $6.666666860e-01, v9;
	v15 =	vmul.f32 v15, v33;
	v12 =	vadd.f32 $6.666666860e-01, v12  }
0x10b: {  	v2 =	vmul.f32 v2, v28;
	v4 =	vadd.f32 v5, v4;
	v5 =	vadd.f32 $2.000000000e+00, v8  }
0x10c: {  	v9 =	vmul.f32 v9, v21;
	v15 =	vadd.f32 $6.666666860e-01, v15;
	v8 =	vmul.f32 v12, v52  }
0x10d: {  	v7 =	vmax.f32 v7, $0.0e+00;
	v3 =	vmul.f32 v3, v10;
	v5 =	vmul.f32 v5, v26  }
0x10e: {  	[tilespmem:s1+$0x7A00] =	vst v20;
	v9 =	vadd.f32 $2.000000000e+00, v9;
	v10 =	vmul.f32 v15, v33;
	v8 =	vadd.f32 $2.000000000e+00, v8;
	v12 =	vpop (erf)  }
0x10f: {  	v11 =	vmax.f32 v11, $0.0e+00;
	[tilespmem:s10+$0x7A10] =	vst v1;
	v5 =	vadd.f32 v5, v7;
	v1 =	vpop (erf)  }
0x110: {  	[tilespmem:s10+$0x7A20] =	vst v2;
	v9 =	vmul.f32 v9, v13;
	v10 =	vadd.f32 $2.000000000e+00, v10;
	v8 =	vmul.f32 v8, v18;
	v2 =	vpop (erf)  }
0x111: {  	v6 =	vmax.f32 v6, $0.0e+00;
	v4 =	vmul.f32 v4, v25;
	v2 =	vmul.f32 v5, v2  }
0x112: {  	[tilespmem:s10+$0x7A30] =	vst v3;
	v7 =	vadd.f32 v9, v11;
	v9 =	vmul.f32 v10, v19;
	v6 =	vadd.f32 v8, v6  }
0x113: {  	v3 =	vmax.f32 v14, $0.0e+00;
	[tilespmem:s10+$0x7A00] =	vst v4  }
0x114: {  	[tilespmem:s28+$0x7A10] =	vst v2;
	v10 =	vpop (erf);
	v3 =	vadd.f32 v9, v3;
	v2 =	vmul.f32 v6, v12  }
0x115: {  	v4 =	vmul.f32 v7, v10  }
0x116: {  	v1 =	vmul.f32 v3, v1;
	[tilespmem:s28+$0x7A30] =	vst v2  }
0x117: {  	p0 =	slt.s32 s0, $0x9C388;
	s10 =	smov.u32 s0;
	[tilespmem:s28+$0x7A20] =	vst v4  }
0x118: {  	s1 =	simm.s32 $0x0;
	s10 =	simm.s32 @!p0 $0x9C388;
	[tilespmem:s28+$0x7A00] =	vst v1  }
0x119: {  	[spmem:s2] =	stream.indirect.scatter.add.f32 [tilespmem:s15], [sflag:$0x9], $0x80, s1, s26, $0xb8;
	[tilespmem:$0x1CE00] =	vst v63  }
0x11a: {  	s10 =	sadd.s32 $0x50, s10;
	_ =	swait.ge [sflag:s21], $0x1400  }
0x11b: {  	s28 =	sshrl.u32 s10, $0x3;
	[sflag:s21] =	ssyncset.done $0x0  }
0x11c: {  	s29 =	sadd.s32 s7, s28;
	[sflag:s21] =	ssyncadd.s32 $0xFFFFEC00  }
0x11d: {  	[tilespmem:s1], [sflag:$0x1] =	stream.linear.gather [hbm4b:s29+s1], $0x28, $0x38;
	[tilespmem:$0x1CE00] =	vst v63  }
0x11e: {  	s28 =	sadd.s32 s8, s28  }
0x11f: {  	[tilespmem:s22], [sflag:$0x1] =	stream.linear.gather [hbm4b:s28+s1], $0x28, $0x38;
	[tilespmem:$0x1CE00] =	vst v63  }
0x120: {  	_ =	swait.ge [sflag:s25], $0x28  }
0x121: {  	[sflag:s25] =	ssyncset.done $0x0  }
0x122: {  	[sflag:s25] =	ssyncadd.s32 $0xFFFFFFD8  }
0x123: {  	_ =	swait.ge [sflag:s25], $0x28  }
0x124: {  	[sflag:s25] =	ssyncset.done $0x0  }
0x125: {  	s28 =	simm.s32 $0x200;
	[sflag:s25] =	ssyncadd.s32 $0xFFFFFFD8  }
0x126: {  	[tilespmem:s28], [sflag:$0x3] =	stream.indirect.gather [hbm4b:s4+s26], $0x80, s1, s26, $0xb8;
	[tilespmem:$0x1CE00] =	vst v63  }
0x127: {  	s10 =	sshll.u32 s10, $0x4;
	s28 =	simm.s32 $0x1600  }
0x128: {  	[tilespmem:s28], [sflag:$0x4] =	stream.indirect.gather [hbm4b:s5+s26], $0x80, s22, s26, $0xb8;
	[tilespmem:$0x1CE00] =	vst v63  }
0x129: {  	s10 =	sadd.s32 s6, s10;
	s28 =	simm.s32 $0x2A00  }
0x12a: {  	[tilespmem:s28], [sflag:$0x5] =	stream.linear.gather [hbm4b:s10+s1], $0x1400, $0x38;
	[tilespmem:$0x1CE00] =	vst v63  }
0x12b: {  	_ =	swait.ge [sflag:s16], $0x1400  }
0x12c: {  	[sflag:s16] =	ssyncset.done $0x0  }
0x12d: {  	[sflag:s16] =	ssyncadd.s32 $0xFFFFEC00  }
0x12e: {  	_ =	swait.ge [sflag:s17], $0x1400  }
0x12f: {  	[sflag:s17] =	ssyncset.done $0x0  }
0x130: {  	[sflag:s17] =	ssyncadd.s32 $0xFFFFEC00  }
0x131: {  	_ =	swait.ge [sflag:s19], $0x1400  }
0x132: {  	[sflag:s19] =	ssyncset.done $0x0  }
0x133: {  	s1 =	simm.s32 $0x0;
	[sflag:s19] =	ssyncadd.s32 $0xFFFFEC00  }
0x134: {  	v1 =	vld [tilespmem:s1+$0x6610]  }
0x135: {  	v2 =	vld [tilespmem:s1+$0x5210]  }
0x136: {  	v3 =	vld [tilespmem:s1+$0x5260]  }
0x137: {  	v4 =	vld [tilespmem:s1+$0x5250]  }
0x138: {  	v5 =	vld [tilespmem:s1+$0x3E50]  }
0x139: {  	v6 =	vld [tilespmem:s1+$0x3E60]  }
0x13a: {  	v7 =	vld [tilespmem:s1+$0x6650]  }
0x13b: {  	v8 =	vld [tilespmem:s1+$0x6660]  }
0x13c: {  	v9 =	vld [tilespmem:s1+$0x3E10]  }
0x13d: {  	v10 =	vld [tilespmem:s1+$0x5240]  }
0x13e: {  	v11 =	vld [tilespmem:s1+$0x3E70]  }
0x13f: {  	v12 =	vld [tilespmem:s1+$0x6670]  }
0x140: {  	v14 =	vld [tilespmem:s1+$0x5230]  }
0x141: {  	v15 =	vld [tilespmem:s1+$0x6630];
	v4 =	vadd.f32 v4, v5  }
0x142: {  	v3 =	vadd.f32 v3, v6;
	v6 =	vld [tilespmem:s1+$0x3E40]  }
0x143: {  	v5 =	vadd.f32 v7, v4;
	v4 =	vld [tilespmem:s1+$0x5270]  }
0x144: {  	s10 =	simm.s32 $0x80;
	v7 =	vadd.f32 v8, v3;
	v3 =	vld [tilespmem:s1+$0x6640]  }
0x145: {  	v17 =	vld [tilespmem:s10+$0x5220];
	v8 =	vand.u32 $0x7FFFFFFF, v5  }
0x146: {  	v18 =	vld [tilespmem:s10+$0x5200];
	v8 =	vsub.f32 $0.0e+00, v8  }
0x147: {  	v20 =	vld [tilespmem:s10+$0x3E00];
	v2 =	vadd.f32 v2, v9;
	v13 =	vand.u32 $0x7FFFFFFF, v7;
	v6 =	vadd.f32 v10, v6  }
0x148: {  	v9 =	vld [tilespmem:s1+$0x3E30];
	v13 =	vsub.f32 $0.0e+00, v13;
	v10 =	vmul.f32 $1.442695020e+00, v8;
	v4 =	vadd.f32 v4, v11  }
0x149: {  	v22 =	vld [tilespmem:s10+$0x5240];
	v1 =	vadd.f32 v1, v2;
	v8 =	vadd.f32 v3, v6  }
0x14a: {  	v24 =	vld [tilespmem:s10+$0x5260];
	v11 =	vmul.f32 $1.442695020e+00, v13;
	(erf) = vpow2.f32 v10;
	v6 =	vadd.f32 v12, v4  }
0x14b: {  	v25 =	vld [tilespmem:s10+$0x5250];
	v1 =	vsub.f32 $0.0e+00, v1;
	v4 =	vand.u32 $0x7FFFFFFF, v8  }
0x14c: {  	v2 =	vld [tilespmem:s1+$0x3E00];
	(erf) = vpow2.f32 v11;
	v4 =	vsub.f32 $0.0e+00, v4;
	v11 =	vand.u32 $0x7FFFFFFF, v6  }
0x14d: {  	v9 =	vadd.f32 v14, v9;
	v1 =	vmul.f32 $1.442695020e+00, v1;
	v13 =	vld [tilespmem:s1+$0x5200];
	v11 =	vsub.f32 $0.0e+00, v11  }
0x14e: {  	v10 =	vld [tilespmem:s1+$0x5220];
	v4 =	vmul.f32 $1.442695020e+00, v4  }
0x14f: {  	v9 =	vadd.f32 v15, v9;
	v12 =	vld [tilespmem:s1+$0x3E20];
	(erf) = vpow2.f32 v1;
	v11 =	vmul.f32 $1.442695020e+00, v11  }
0x150: {  	v3 =	vld [tilespmem:s1+$0x6600];
	(erf) = vpow2.f32 v4  }
0x151: {  	v14 =	vld [tilespmem:s1+$0x6620];
	v9 =	vsub.f32 $0.0e+00, v9;
	(erf) = vpow2.f32 v11  }
0x152: {  	s28 =	simm.s32 $0x100;
	v29 =	vld [tilespmem:s10+$0x3E60]  }
0x153: {  	v63 =	vld [tilespmem:s28+$0x3E50];
	v9 =	vmul.f32 $1.442695020e+00, v9;
	v2 =	vadd.f32 v13, v2;
	v11 =	vpop (erf)  }
0x154: {  	v34 =	vmax.f32 v7, $0.0e+00;
	v7 =	vld [tilespmem:s28+$0x5250];
	v10 =	vadd.f32 v10, v12;
	v15 =	vadd.f32 $2.000000000e+00, v11  }
0x155: {  	v4 =	vld [tilespmem:s10+$0x5210];
	v2 =	vadd.f32 v3, v2;
	(erf) = vpow2.f32 v9;
	v16 =	vpop (erf)  }
0x156: {  	v3 =	vld [tilespmem:s10+$0x3E10];
	v10 =	vadd.f32 v14, v10;
	v9 =	vadd.f32 $2.000000000e+00, v16;
	(erf) = vrcp.f32 v15  }
0x157: {  	v12 =	vld [tilespmem:s10+$0x5230];
	v2 =	vsub.f32 $0.0e+00, v2  }
0x158: {  	v10 =	vsub.f32 $0.0e+00, v10;
	v14 =	vpop (erf);
	(erf) = vrcp.f32 v9;
	v9 =	vld [tilespmem:s10+$0x3E30]  }
0x159: {  	v1 =	vld [tilespmem:s10+$0x6610];
	v2 =	vmul.f32 $1.442695020e+00, v2;
	v19 =	vpop (erf)  }
0x15a: {  	v13 =	vld [tilespmem:s10+$0x6630];
	v10 =	vmul.f32 $1.442695020e+00, v10;
	v21 =	vpop (erf)  }
0x15b: {  	v15 =	vld [tilespmem:s10+$0x6650];
	(erf) = vpow2.f32 v2;
	v23 =	vadd.f32 $2.000000000e+00, v21  }
0x15c: {  	v2 =	vld [tilespmem:s10+$0x3E20];
	(erf) = vpow2.f32 v10;
	v10 =	vadd.f32 $2.000000000e+00, v19  }
0x15d: {  	v3 =	vadd.f32 v4, v3;
	v4 =	vadd.f32 v12, v9;
	(erf) = vrcp.f32 v23;
	v23 =	vld [tilespmem:s10+$0x3E70]  }
0x15e: {  	v26 =	vpop (erf);
	(erf) = vrcp.f32 v10;
	v10 =	vld [tilespmem:s10+$0x3E50]  }
0x15f: {  	v13 =	vadd.f32 v13, v4;
	v4 =	vld [tilespmem:s10+$0x3E40];
	v27 =	vpop (erf)  }
0x160: {  	v18 =	vadd.f32 v18, v20;
	v20 =	vadd.f32 v24, v29;
	v9 =	vmul.f32 v27, v11;
	v11 =	vld [tilespmem:s10+$0x5270]  }
0x161: {  	v62 =	vmax.f32 v5, $0.0e+00;
	v7 =	vadd.f32 v7, v63;
	v14 =	vadd.f32 $1.000000000e+00, v14;
	v27 =	vld [tilespmem:s10+$0x6660]  }
0x162: {  	v8 =	vmax.f32 v8, $0.0e+00;
	v26 =	vadd.f32 $1.000000000e+00, v26;
	v13 =	vsub.f32 $0.0e+00, v13  }
0x163: {  	v3 =	vadd.f32 v1, v3;
	v28 =	vpop (erf);
	v55 =	vmul.f32 v9, v9;
	v1 =	vadd.f32 v25, v10  }
0x164: {  	v17 =	vadd.f32 v17, v2;
	(erf) = vrcp.f32 v26;
	v12 =	vpop (erf);
	v13 =	vmul.f32 $1.442695020e+00, v13  }
0x165: {  	v26 =	vld [tilespmem:s10+$0x6640];
	v25 =	vpop (erf);
	v4 =	vadd.f32 v22, v4;
	v10 =	vmul.f32 $1.818181870e-01, v55;
	v2 =	vadd.f32 v15, v1  }
0x166: {  	v24 =	vld [tilespmem:s10+$0x6670];
	v23 =	vadd.f32 v11, v23;
	v11 =	vmul.f32 v28, v16;
	v1 =	vadd.f32 v27, v20;
	v15 =	vpop (erf)  }
0x167: {  	v16 =	vadd.f32 $2.222222240e-01, v10;
	v10 =	vmul.f32 v15, v21;
	v15 =	vpop (erf);
	v21 =	vand.u32 $0x7FFFFFFF, v2  }
0x168: {  	v27 =	vld [tilespmem:s10+$0x6600];
	v22 =	vmul.f32 v11, v11;
	v20 =	vmul.f32 v15, v19;
	v15 =	vsub.f32 $0.0e+00, v21  }
0x169: {  	v19 =	vand.u32 $0x7FFFFFFF, v1;
	v16 =	vmul.f32 v16, v55;
	v21 =	vsub.f32 $0.0e+00, v3  }
0x16a: {  	v3 =	vadd.f32 v26, v4;
	v19 =	vsub.f32 $0.0e+00, v19;
	v15 =	vmul.f32 $1.442695020e+00, v15  }
0x16b: {  	v4 =	vadd.f32 v24, v23;
	v28 =	vmul.f32 v10, v10;
	v23 =	vmul.f32 $1.818181870e-01, v22  }
0x16c: {  	v24 =	vand.u32 $0x7FFFFFFF, v3;
	v19 =	vmul.f32 $1.442695020e+00, v19;
	(erf) = vpow2.f32 v15  }
0x16d: {  	v18 =	vadd.f32 v27, v18;
	v24 =	vsub.f32 $0.0e+00, v24;
	v15 =	vand.u32 $0x7FFFFFFF, v4  }
0x16e: {  	v26 =	vld [tilespmem:s10+$0x6620];
	v21 =	vmul.f32 $1.442695020e+00, v21;
	(erf) = vpow2.f32 v19;
	v15 =	vsub.f32 $0.0e+00, v15  }
0x16f: {  	v23 =	vadd.f32 $2.222222240e-01, v23;
	v19 =	vmul.f32 $1.818181870e-01, v28;
	v24 =	vmul.f32 $1.442695020e+00, v24  }
0x170: {  	v18 =	vsub.f32 $0.0e+00, v18;
	(erf) = vpow2.f32 v21;
	v15 =	vmul.f32 $1.442695020e+00, v15  }
0x171: {  	v23 =	vmul.f32 v23, v22;
	(erf) = vpow2.f32 v24;
	v19 =	vadd.f32 $2.222222240e-01, v19  }
0x172: {  	v12 =	vadd.f32 $1.000000000e+00, v12;
	v16 =	vadd.f32 $2.857142980e-01, v16;
	(erf) = vpow2.f32 v15  }
0x173: {  	v19 =	vmul.f32 v19, v28;
	(erf) = vpow2.f32 v13;
	v13 =	vadd.f32 $2.857142980e-01, v23  }
0x174: {  	v41 =	vld [tilespmem:s28+$0x5200];
	v17 =	vadd.f32 v26, v17;
	v21 =	vpop (erf);
	v15 =	vmul.f32 v16, v55;
	v16 =	vmul.f32 $1.442695020e+00, v18  }
0x175: {  	v29 =	vld [tilespmem:s28+$0x3E10];
	(erf) = vrcp.f32 v12;
	v19 =	vadd.f32 $2.857142980e-01, v19;
	v13 =	vmul.f32 v13, v22;
	v18 =	vpop (erf)  }
0x176: {  	v15 =	vadd.f32 $4.000000060e-01, v15;
	(erf) = vrcp.f32 v14;
	v14 =	vld [tilespmem:s28+$0x5210];
	v12 =	vadd.f32 $2.000000000e+00, v18  }
0x177: {  	v61 =	vld [tilespmem:s28+$0x3E00];
	v17 =	vsub.f32 $0.0e+00, v17;
	v19 =	vmul.f32 v19, v28;
	v24 =	vpop (erf);
	v13 =	vadd.f32 $4.000000060e-01, v13  }
0x178: {  	v23 =	vld [tilespmem:s28+$0x6610];
	v27 =	vadd.f32 $2.000000000e+00, v24;
	(erf) = vrcp.f32 v12;
	v12 =	vmul.f32 v15, v55  }
0x179: {  	v25 =	vadd.f32 $1.000000000e+00, v25;
	v26 =	vmul.f32 v20, v20;
	v17 =	vmul.f32 $1.442695020e+00, v17  }
0x17a: {  	v19 =	vadd.f32 $4.000000060e-01, v19;
	v13 =	vmul.f32 v13, v22;
	(erf) = vrcp.f32 v27  }
0x17b: {  	v14 =	vadd.f32 v14, v29;
	(erf) = vpow2.f32 v16;
	v56 =	vadd.f32 $6.666666860e-01, v12  }
0x17c: {  	v57 =	vld [tilespmem:s28+$0x5220];
	v19 =	vmul.f32 v19, v28;
	v16 =	vmul.f32 $1.818181870e-01, v26;
	v13 =	vadd.f32 $6.666666860e-01, v13;
	v12 =	vpop (erf)  }
0x17d: {  	v58 =	vld [tilespmem:s28+$0x5230];
	v5 =	vadd.f32 v23, v14;
	v23 =	vadd.f32 v41, v61;
	v30 =	vmul.f32 v56, v55;
	v33 =	vpop (erf)  }
0x17e: {  	v15 =	vld [tilespmem:s28+$0x6600];
	v16 =	vadd.f32 $2.222222240e-01, v16;
	v13 =	vmul.f32 v13, v22;
	v22 =	vadd.f32 $6.666666860e-01, v19;
	v59 =	vpop (erf)  }
0x17f: {  	v60 =	vld [tilespmem:s28+$0x3E30];
	(erf) = vpow2.f32 v17;
	v51 =	vsub.f32 $0.0e+00, v5;
	v17 =	vpop (erf);
	v37 =	vadd.f32 $2.000000000e+00, v59  }
0x180: {  	v39 =	vld [tilespmem:s28+$0x3E20];
	v36 =	vadd.f32 $2.000000000e+00, v33;
	v16 =	vmul.f32 v16, v26;
	v30 =	vadd.f32 $2.000000000e+00, v30;
	v38 =	vpop (erf)  }
0x181: {  	v29 =	vld [tilespmem:s28+$0x6650];
	v13 =	vadd.f32 $2.000000000e+00, v13;
	v17 =	vadd.f32 $1.000000000e+00, v17;
	v40 =	vpop (erf);
	(erf) = vrcp.f32 v37  }
0x182: {  	v27 =	vld [tilespmem:s28+$0x6630];
	v43 =	vadd.f32 $2.857142980e-01, v16;
	v30 =	vmul.f32 v30, v9;
	v42 =	vpop (erf);
	(erf) = vrcp.f32 v25  }
0x183: {  	v45 =	vld [tilespmem:s28+$0x5260];
	v23 =	vadd.f32 v15, v23;
	v48 =	vmul.f32 v13, v11;
	v44 =	vpop (erf);
	(erf) = vrcp.f32 v36  }
0x184: {  	v14 =	vld [tilespmem:s28+$0x5270];
	v16 =	vadd.f32 v58, v60;
	v9 =	vpop (erf);
	(erf) = vrcp.f32 v17;
	v17 =	vmul.f32 v43, v26  }
0x185: {  	v11 =	vmul.f32 v22, v28;
	v22 =	vld [tilespmem:s28+$0x3E40];
	v19 =	vadd.f32 $1.000000000e+00, v9;
	v9 =	vmul.f32 v42, v18  }
0x186: {  	v6 =	vmax.f32 v6, $0.0e+00;
	v7 =	vadd.f32 v29, v7;
	v18 =	vld [tilespmem:s28+$0x3E70];
	v50 =	vadd.f32 $4.000000060e-01, v17  }
0x187: {  	v28 =	vadd.f32 v57, v39;
	v25 =	vld [tilespmem:s28+$0x5240];
	v27 =	vadd.f32 v27, v16;
	v16 =	vmul.f32 v9, v9  }
0x188: {  	v52 =	vld [tilespmem:s28+$0x3E60];
	v29 =	vand.u32 $0x7FFFFFFF, v7;
	v5 =	vadd.f32 $2.000000000e+00, v11;
	v15 =	vmul.f32 v50, v26  }
0x189: {  	v53 =	vld [tilespmem:s28+$0x6670];
	v34 =	vadd.f32 v48, v34;
	v13 =	vmul.f32 v44, v24;
	v49 =	vmul.f32 $1.818181870e-01, v16  }
0x18a: {  	v24 =	vld [tilespmem:s28+$0x6660];
	v10 =	vmul.f32 v5, v10;
	v27 =	vsub.f32 $0.0e+00, v27;
	v17 =	vpop (erf);
	v57 =	vadd.f32 $6.666666860e-01, v15  }
0x18b: {  	v56 =	vld [tilespmem:s28+$0x6640];
	v11 =	vpop (erf);
	v55 =	vadd.f32 v14, v18;
	v18 =	vmul.f32 v13, v13;
	v14 =	vadd.f32 $2.222222240e-01, v49  }
0x18c: {  	v22 =	vadd.f32 v25, v22;
	v11 =	vmul.f32 v11, v59;
	v25 =	vmul.f32 v57, v26  }
0x18d: {  	v54 =	vpop (erf);
	v26 =	vadd.f32 v10, v6;
	v58 =	vmul.f32 v14, v16;
	v14 =	vadd.f32 v45, v52  }
0x18e: {  	v5 =	vpop (erf);
	v6 =	vadd.f32 v53, v55;
	v59 =	vmul.f32 $1.818181870e-01, v18;
	v34 =	vmul.f32 v34, v54  }
0x18f: {  	v5 =	vmul.f32 v5, v33;
	v15 =	vmul.f32 v11, v11;
	v10 =	vadd.f32 v24, v14  }
0x190: {  	v61 =	vand.u32 $0x7FFFFFFF, v6;
	v14 =	vadd.f32 v56, v22;
	v22 =	vsub.f32 $0.0e+00, v29  }
0x191: {  	v25 =	vadd.f32 $2.000000000e+00, v25;
	v21 =	vmul.f32 v26, v21;
	v29 =	vand.u32 $0x7FFFFFFF, v10  }
0x192: {  	v63 =	vmul.f32 $1.442695020e+00, v22;
	v22 =	vsub.f32 $0.0e+00, v23;
	v23 =	vld [tilespmem:s28+$0x6620];
	v29 =	vsub.f32 $0.0e+00, v29  }
0x193: {  	v26 =	vmul.f32 $1.442695020e+00, v51;
	v24 =	vadd.f32 v30, v62;
	v60 =	vmul.f32 $1.818181870e-01, v15  }
0x194: {  	v32 =	vsub.f32 $0.0e+00, v61;
	v20 =	vmul.f32 v25, v20;
	v29 =	vmul.f32 $1.442695020e+00, v29  }
0x195: {  	v25 =	vmul.f32 $1.442695020e+00, v27;
	v62 =	vand.u32 $0x7FFFFFFF, v14;
	(erf) = vpow2.f32 v63  }
0x196: {  	v35 =	vsub.f32 $0.0e+00, v62;
	v8 =	vadd.f32 v20, v8;
	(erf) = vpow2.f32 v29  }
0x197: {  	v27 =	vadd.f32 $2.857142980e-01, v58;
	v24 =	vmul.f32 v24, v40;
	v23 =	vadd.f32 v23, v28  }
0x198: {  	v12 =	vadd.f32 $1.000000000e+00, v12;
	v32 =	vmul.f32 $1.442695020e+00, v32;
	v29 =	vmul.f32 $1.442695020e+00, v35  }
0x199: {  	v30 =	vadd.f32 $2.222222240e-01, v59;
	[tilespmem:s1+$0x7A20] =	vst v34;
	v27 =	vmul.f32 v27, v16;
	(erf) = vpow2.f32 v26  }
0x19a: {  	[tilespmem:s1+$0x7A10] =	vst v24;
	v24 =	vadd.f32 $2.222222240e-01, v60;
	v20 =	vmul.f32 v8, v38;
	v8 =	vpop (erf);
	(erf) = vpow2.f32 v29  }
0x19b: {  	s30 =	simm.s32 $0x600;
	[tilespmem:s1+$0x7A30] =	vst v21;
	v26 =	vmul.f32 v30, v18;
	v21 =	vsub.f32 $0.0e+00, v23;
	(erf) = vpow2.f32 v32;
	v23 =	vmovc v5  }
.LBB2_7:
0x19c: {  	[tilespmem:s1+$0x7A00] =	vst v20;
	s1 =	smov.u32 s10;
	s29 =	smov.u32 s30  }
0x19d: {  	v28 =	vmul.f32 $1.442695020e+00, v22;
	(erf) = vpow2.f32 v25;
	v25 =	vadd.f32 $2.857142980e-01, v26;
	s10 =	smov.u32 s28;
	s28 =	sshra.s32 s30, $0x2;
	s29 =	sadd.s32 $0x200, s30  }
0x19e: {  	p0 =	sne.s32 s30, $0x4E00;
	v24 =	vmul.f32 v24, v15;
	v20 =	vadd.f32 $4.000000060e-01, v27;
	v26 =	vld [tilespmem:s28+$0x6610];
	v29 =	vpop (erf);
	(erf) = vrcp.f32 v19  }
0x19f: {  	v22 =	vmul.f32 v23, v5;
	v27 =	vld [tilespmem:s28+$0x6600];
	v19 =	vadd.f32 $2.000000000e+00, v29;
	v30 =	vpop (erf);
	(erf) = vrcp.f32 v12  }
0x1a0: {  	v33 =	vmul.f32 v25, v18;
	v24 =	vadd.f32 $2.857142980e-01, v24;
	v23 =	vld [tilespmem:s28+$0x5210];
	v12 =	vadd.f32 $2.000000000e+00, v30  }
0x1a1: {  	v31 =	vld [tilespmem:s28+$0x3E10];
	(erf) = vrcp.f32 v19;
	v19 =	vmul.f32 v20, v16  }
0x1a2: {  	v20 =	vmul.f32 v24, v15;
	v32 =	vld [tilespmem:s28+$0x6630];
	(erf) = vrcp.f32 v12;
	v12 =	vadd.f32 $4.000000060e-01, v33  }
0x1a3: {  	v24 =	vld [tilespmem:s28+$0x6670];
	(erf) = vpow2.f32 v28;
	v25 =	vpop (erf);
	v28 =	vmul.f32 $1.818181870e-01, v22;
	v19 =	vadd.f32 $6.666666860e-01, v19  }
0x1a4: {  	v21 =	vmul.f32 $1.442695020e+00, v21;
	v33 =	vld [tilespmem:s28+$0x5220];
	v34 =	vpop (erf);
	v35 =	vmul.f32 v12, v18  }
0x1a5: {  	v12 =	vadd.f32 $1.000000000e+00, v25;
	v36 =	vld [tilespmem:s28+$0x5230];
	v25 =	vpop (erf);
	v16 =	vmul.f32 v19, v16;
	v19 =	vadd.f32 $4.000000060e-01, v20  }
0x1a6: {  	v28 =	vadd.f32 $2.222222240e-01, v28;
	v23 =	vadd.f32 v23, v31;
	v31 =	vld [tilespmem:s28+$0x6650];
	(erf) = vpow2.f32 v21;
	v37 =	vpop (erf)  }
0x1a7: {  	v39 =	vadd.f32 $2.000000000e+00, v34;
	v44 =	vadd.f32 $2.000000000e+00, v25;
	v21 =	vmax.f32 v3, $0.0e+00;
	v38 =	vld [tilespmem:s28+$0x3E30];
	v20 =	vpop (erf)  }
0x1a8: {  	v17 =	vadd.f32 $1.000000000e+00, v17;
	v28 =	vmul.f32 v28, v22;
	v16 =	vadd.f32 $2.000000000e+00, v16;
	v41 =	vld [tilespmem:s28+$0x3E20];
	v42 =	vpop (erf)  }
0x1a9: {  	v35 =	vadd.f32 $6.666666860e-01, v35;
	v3 =	vmovc v14;
	v19 =	vmul.f32 v19, v15;
	v43 =	vld [tilespmem:s28+$0x5200];
	(erf) = vrcp.f32 v44  }
0x1aa: {  	v37 =	vadd.f32 $1.000000000e+00, v37;
	v28 =	vadd.f32 $2.857142980e-01, v28;
	v14 =	vld [tilespmem:s28+$0x3E00];
	v40 =	vpop (erf);
	(erf) = vrcp.f32 v17  }
0x1ab: {  	v46 =	vmul.f32 v16, v9;
	v16 =	vmul.f32 v35, v18;
	v18 =	vadd.f32 $6.666666860e-01, v19;
	v44 =	vld [tilespmem:s28+$0x5240];
	v45 =	vpop (erf)  }
0x1ac: {  	v47 =	vadd.f32 v36, v38;
	v9 =	vpop (erf)  }
0x1ad: {  	v35 =	vld [tilespmem:s28+$0x5260];
	(erf) = vrcp.f32 v39;
	v36 =	vmax.f32 v1, $0.0e+00;
	v19 =	vadd.f32 $1.000000000e+00, v9  }
0x1ae: {  	v1 =	vmovc v10;
	v38 =	vld [tilespmem:s28+$0x5250];
	v9 =	vmul.f32 v40, v29;
	v29 =	vadd.f32 $2.000000000e+00, v16;
	v33 =	vadd.f32 v33, v41  }
0x1af: {  	v32 =	vadd.f32 v32, v47;
	v10 =	vld [tilespmem:s28+$0x3E70];
	(erf) = vrcp.f32 v37;
	v37 =	vmax.f32 v2, $0.0e+00;
	v2 =	vmovc v7  }
0x1b0: {  	v47 =	vadd.f32 v26, v23;
	v26 =	vmul.f32 v28, v22;
	v23 =	vld [tilespmem:s28+$0x5270];
	v16 =	vmul.f32 v9, v9;
	v17 =	vpop (erf)  }
0x1b1: {  	v14 =	vadd.f32 v43, v14;
	v29 =	vmul.f32 v29, v13;
	v13 =	vmul.f32 v18, v15;
	v28 =	vld [tilespmem:s28+$0x3E50]  }
0x1b2: {  	v26 =	vadd.f32 $4.000000060e-01, v26;
	v39 =	vsub.f32 $0.0e+00, v47;
	v15 =	vld [tilespmem:s28+$0x3E40];
	v18 =	vmul.f32 $1.818181870e-01, v16  }
0x1b3: {  	v43 =	vmax.f32 v4, $0.0e+00;
	v32 =	vsub.f32 $0.0e+00, v32;
	v41 =	vadd.f32 $2.000000000e+00, v13;
	v40 =	vld [tilespmem:s28+$0x3E60];
	v7 =	vpop (erf)  }
0x1b4: {  	v27 =	vadd.f32 v27, v14;
	v13 =	vmul.f32 v45, v30;
	v26 =	vmul.f32 v26, v22;
	v14 =	vld [tilespmem:s28+$0x6660];
	v30 =	vpop (erf)  }
0x1b5: {  	v4 =	vmovc v6;
	v41 =	vmul.f32 v41, v11;
	v45 =	vadd.f32 v23, v10;
	v10 =	vadd.f32 $2.222222240e-01, v18  }
0x1b6: {  	v11 =	vmul.f32 v7, v25;
	v25 =	vadd.f32 $6.666666860e-01, v26;
	v6 =	vld [tilespmem:s28+$0x6640];
	v18 =	vadd.f32 v38, v28;
	v7 =	vpop (erf)  }
0x1b7: {  	v26 =	vadd.f32 v44, v15;
	v23 =	vmul.f32 v7, v34;
	v28 =	vmul.f32 v10, v16  }
0x1b8: {  	v7 =	vadd.f32 v31, v18;
	v10 =	vadd.f32 v35, v40;
	v18 =	vmul.f32 v13, v13;
	v31 =	vpop (erf)  }
0x1b9: {  	v15 =	vmul.f32 v11, v11;
	v25 =	vmul.f32 v25, v22;
	v34 =	vadd.f32 v41, v43  }
0x1ba: {  	v35 =	vadd.f32 v46, v37;
	v22 =	vand.u32 $0x7FFFFFFF, v7;
	v10 =	vadd.f32 v14, v10  }
0x1bb: {  	v14 =	vadd.f32 v6, v26;
	v6 =	vadd.f32 v24, v45;
	v24 =	vmul.f32 $1.818181870e-01, v18  }
0x1bc: {  	v37 =	vmul.f32 $1.818181870e-01, v15;
	v22 =	vsub.f32 $0.0e+00, v22;
	v26 =	vand.u32 $0x7FFFFFFF, v10  }
0x1bd: {  	v35 =	vmul.f32 v35, v42;
	v26 =	vsub.f32 $0.0e+00, v26;
	v38 =	vand.u32 $0x7FFFFFFF, v6  }
0x1be: {  	v29 =	vadd.f32 v29, v36;
	v40 =	vand.u32 $0x7FFFFFFF, v14;
	v41 =	vmul.f32 $1.442695020e+00, v22  }
0x1bf: {  	v25 =	vadd.f32 $2.000000000e+00, v25;
	v22 =	vsub.f32 $0.0e+00, v27;
	v27 =	vld [tilespmem:s28+$0x6620];
	v26 =	vmul.f32 $1.442695020e+00, v26;
	[tilespmem:s1+$0x7A10] =	vst v35  }
0x1c0: {  	v29 =	vmul.f32 v29, v30;
	v35 =	vsub.f32 $0.0e+00, v40;
	(erf) = vpow2.f32 v41  }
0x1c1: {  	v30 =	vsub.f32 $0.0e+00, v38;
	(erf) = vpow2.f32 v26;
	v26 =	vmul.f32 v34, v8;
	v8 =	vmovc v31  }
0x1c2: {  	v24 =	vadd.f32 $2.222222240e-01, v24;
	v31 =	vmul.f32 $1.442695020e+00, v39;
	v34 =	vmul.f32 v25, v5;
	v5 =	vmovc v23;
	[tilespmem:s1+$0x7A20] =	vst v29  }
.Ltmp2:
0x1c3: {  	v30 =	vmul.f32 $1.442695020e+00, v30;
	v29 =	vmul.f32 $1.442695020e+00, v35;
	[tilespmem:s1+$0x7A30] =	vst v26;
	(pc) =	sbr.rel @p0 .LBB2_7-.Ltmp2, $4  }
0x1c4: {  	v25 =	vmul.f32 $1.442695020e+00, v32;
	v21 =	vadd.f32 v34, v21;
	v27 =	vadd.f32 v27, v33  }
0x1c5: {  	v28 =	vadd.f32 $2.857142980e-01, v28;
	v26 =	vmul.f32 v24, v18;
	(erf) = vpow2.f32 v31  }
0x1c6: {  	v24 =	vadd.f32 $2.222222240e-01, v37;
	v20 =	vmul.f32 v21, v20;
	(erf) = vpow2.f32 v29  }
0x1c7: {  	s30 =	smov.u32 s29;
	v21 =	vsub.f32 $0.0e+00, v27;
	v27 =	vmul.f32 v28, v16;
	(erf) = vpow2.f32 v30  }
0x1c8: {  	_ =	sdelay $0x3  }
0x1c9: {  	v22 =	vmul.f32 $1.442695020e+00, v22;
	(erf) = vpow2.f32 v25;
	v43 =	vadd.f32 $2.857142980e-01, v26;
	v44 =	vpop (erf)  }
0x1ca: {  	v24 =	vmul.f32 v24, v15;
	(erf) = vrcp.f32 v19;
	v45 =	vadd.f32 $2.000000000e+00, v44;
	v28 =	vpop (erf)  }
0x1cb: {  	v23 =	vmul.f32 v23, v5;
	(erf) = vrcp.f32 v12;
	v46 =	vadd.f32 $2.000000000e+00, v28;
	v29 =	vpop (erf)  }
0x1cc: {  	v17 =	vadd.f32 $1.000000000e+00, v17;
	v21 =	vmul.f32 $1.442695020e+00, v21;
	(erf) = vrcp.f32 v45;
	v48 =	vpop (erf)  }
0x1cd: {  	v27 =	vadd.f32 $4.000000060e-01, v27;
	v25 =	vmul.f32 v43, v18;
	(erf) = vrcp.f32 v46;
	v50 =	vpop (erf)  }
0x1ce: {  	v30 =	vmul.f32 $1.818181870e-01, v23;
	(erf) = vpow2.f32 v22;
	v51 =	vadd.f32 $2.000000000e+00, v50  }
0x1cf: {  	v24 =	vadd.f32 $2.857142980e-01, v24;
	v47 =	vmul.f32 v27, v16;
	(erf) = vpow2.f32 v21  }
0x1d0: {  	v49 =	vadd.f32 $4.000000060e-01, v25;
	v52 =	vadd.f32 $2.000000000e+00, v48;
	(erf) = vrcp.f32 v51  }
0x1d1: {  	v24 =	vmul.f32 v24, v15;
	v53 =	vadd.f32 $2.222222240e-01, v30;
	(erf) = vrcp.f32 v17  }
0x1d2: {  	v19 =	vadd.f32 $6.666666860e-01, v47;
	v12 =	vmul.f32 v49, v18;
	v55 =	vpop (erf);
	(erf) = vrcp.f32 v52  }
0x1d3: {  	v56 =	vadd.f32 $4.000000060e-01, v24;
	v21 =	vpop (erf)  }
0x1d4: {  	v54 =	vmul.f32 v19, v16;
	v22 =	vmul.f32 v53, v23;
	v12 =	vadd.f32 $6.666666860e-01, v12;
	v57 =	vpop (erf)  }
0x1d5: {  	v2 =	vmax.f32 v2, $0.0e+00;
	v19 =	vmul.f32 v56, v15;
	v58 =	vpop (erf)  }
0x1d6: {  	v16 =	vadd.f32 $2.000000000e+00, v54;
	v22 =	vadd.f32 $2.857142980e-01, v22;
	v12 =	vmul.f32 v12, v18;
	v59 =	vpop (erf)  }
0x1d7: {  	v4 =	vmax.f32 v4, $0.0e+00;
	v3 =	vmax.f32 v3, $0.0e+00;
	v19 =	vadd.f32 $6.666666860e-01, v19;
	v61 =	vpop (erf)  }
0x1d8: {  	v9 =	vmul.f32 v16, v9;
	v12 =	vadd.f32 $2.000000000e+00, v12;
	v22 =	vmul.f32 v22, v23;
	v63 =	vpop (erf)  }
0x1d9: {  	v1 =	vmax.f32 v1, $0.0e+00;
	v33 =	vmul.f32 v19, v15;
	v60 =	vmul.f32 v58, v44;
	v35 =	vpop (erf)  }
0x1da: {  	v7 =	vmax.f32 v7, $0.0e+00;
	v12 =	vmul.f32 v12, v13;
	v18 =	vmul.f32 v59, v28;
	v37 =	vpop (erf)  }
0x1db: {  	v10 =	vmax.f32 v10, $0.0e+00;
	v62 =	vmul.f32 v60, v60;
	v19 =	vmul.f32 v35, v50;
	v38 =	vpop (erf)  }
0x1dc: {  	v47 =	vadd.f32 $1.000000000e+00, v29;
	v39 =	vmul.f32 v18, v18;
	v25 =	vmul.f32 v38, v48  }
0x1dd: {  	v17 =	vadd.f32 $1.000000000e+00, v55;
	v36 =	vmul.f32 $1.818181870e-01, v62;
	v41 =	vmul.f32 v19, v19  }
0x1de: {  	v13 =	vadd.f32 $2.000000000e+00, v33;
	v31 =	vmul.f32 $1.818181870e-01, v39;
	v32 =	vmul.f32 v25, v25  }
0x1df: {  	v34 =	vadd.f32 $4.000000060e-01, v22;
	v22 =	vadd.f32 $2.222222240e-01, v36;
	v42 =	vmul.f32 $1.818181870e-01, v41  }
0x1e0: {  	v11 =	vmul.f32 v13, v11;
	v43 =	vadd.f32 $2.222222240e-01, v31;
	v44 =	vmul.f32 $1.818181870e-01, v32  }
0x1e1: {  	v2 =	vadd.f32 v9, v2;
	v45 =	vmul.f32 v22, v62;
	v46 =	vadd.f32 $2.222222240e-01, v42  }
0x1e2: {  	v4 =	vadd.f32 v11, v4;
	v11 =	vmul.f32 v43, v39;
	v48 =	vadd.f32 $2.222222240e-01, v44  }
0x1e3: {  	(erf) = vrcp.f32 v17;
	v9 =	vadd.f32 $2.857142980e-01, v45;
	v22 =	vmul.f32 v46, v41  }
0x1e4: {  	v15 =	vmul.f32 v34, v23;
	v11 =	vadd.f32 $2.857142980e-01, v11;
	v29 =	vmul.f32 v48, v32  }
0x1e5: {  	v1 =	vadd.f32 v12, v1;
	v9 =	vmul.f32 v9, v62;
	v22 =	vadd.f32 $2.857142980e-01, v22  }
0x1e6: {  	v40 =	vadd.f32 $6.666666860e-01, v15;
	v11 =	vmul.f32 v11, v39;
	v49 =	vadd.f32 $2.857142980e-01, v29  }
0x1e7: {  	v26 =	vadd.f32 $1.000000000e+00, v61;
	v9 =	vadd.f32 $4.000000060e-01, v9;
	v50 =	vmul.f32 v22, v41  }
0x1e8: {  	v52 =	vadd.f32 $1.000000000e+00, v63;
	v11 =	vadd.f32 $4.000000060e-01, v11;
	v51 =	vmul.f32 v49, v32  }
0x1e9: {  	v13 =	vmul.f32 v40, v23;
	v9 =	vmul.f32 v9, v62;
	v12 =	vadd.f32 $4.000000060e-01, v50  }
0x1ea: {  	(erf) = vrcp.f32 v26;
	v11 =	vmul.f32 v11, v39;
	v22 =	vadd.f32 $4.000000060e-01, v51  }
0x1eb: {  	(erf) = vrcp.f32 v47;
	v9 =	vadd.f32 $6.666666860e-01, v9;
	v12 =	vmul.f32 v12, v41  }
0x1ec: {  	(erf) = vrcp.f32 v52;
	v11 =	vadd.f32 $6.666666860e-01, v11;
	v22 =	vmul.f32 v22, v32  }
0x1ed: {  	v2 =	vmul.f32 v2, v57;
	v9 =	vmul.f32 v9, v62;
	v12 =	vadd.f32 $6.666666860e-01, v12  }
0x1ee: {  	v13 =	vadd.f32 $2.000000000e+00, v13;
	v11 =	vmul.f32 v11, v39;
	v54 =	vadd.f32 $6.666666860e-01, v22  }
0x1ef: {  	v1 =	vmul.f32 v1, v37;
	v55 =	vadd.f32 $2.000000000e+00, v9;
	v56 =	vmul.f32 v12, v41  }
0x1f0: {  	v53 =	vmul.f32 v13, v5;
	v57 =	vadd.f32 $2.000000000e+00, v11;
	v58 =	vmul.f32 v54, v32  }
0x1f1: {  	v4 =	vmul.f32 v4, v8;
	v5 =	vmul.f32 v55, v60;
	v9 =	vadd.f32 $2.000000000e+00, v56  }
0x1f2: {  	[tilespmem:s1+$0x7A00] =	vst v20;
	v59 =	vpop (erf);
	v3 =	vadd.f32 v53, v3;
	v8 =	vmul.f32 v57, v18;
	v11 =	vadd.f32 $2.000000000e+00, v58  }
0x1f3: {  	v6 =	vmax.f32 v6, $0.0e+00;
	[tilespmem:s10+$0x7A10] =	vst v2;
	v2 =	vpop (erf);
	v5 =	vadd.f32 v5, v7;
	v9 =	vmul.f32 v9, v19  }
0x1f4: {  	[tilespmem:s10+$0x7A20] =	vst v1;
	v3 =	vmul.f32 v3, v21;
	v1 =	vpop (erf);
	v60 =	vadd.f32 v8, v10;
	v61 =	vmul.f32 v11, v25  }
0x1f5: {  	[tilespmem:s10+$0x7A30] =	vst v4;
	v63 =	vpop (erf);
	v62 =	vmax.f32 v14, $0.0e+00;
	v1 =	vmul.f32 v5, v1;
	v6 =	vadd.f32 v9, v6  }
0x1f6: {  	[tilespmem:s10+$0x7A00] =	vst v3;
	v3 =	vmul.f32 v60, v63;
	v4 =	vadd.f32 v61, v62  }
0x1f7: {  	[tilespmem:s28+$0x7A10] =	vst v1;
	v1 =	vmul.f32 v6, v59  }
0x1f8: {  	[tilespmem:s28+$0x7A20] =	vst v3;
	v2 =	vmul.f32 v4, v2  }
0x1f9: {  	p0 =	slt.s32 s0, $0x9C360;
	[tilespmem:s28+$0x7A30] =	vst v1  }
0x1fa: {  	s20 =	sadd.s32 $0x1, s20;
	s0 =	simm.s32 @!p0 $0x9C360;
	[tilespmem:s28+$0x7A00] =	vst v2  }
0x1fb: {  	[spmem:s2] =	stream.indirect.scatter.add.f32 [tilespmem:s15], [sflag:$0x9], $0x80, s23, s26, $0xb8;
	[tilespmem:$0x1CE00] =	vst v63  }
0x1fc: {  	p0 =	sne.s32 s20, $0xFA;
	s0 =	sadd.s32 $0x78, s0;
	_ =	swait.ge [sflag:s21], $0x1400  }
.Ltmp3:
0x1fd: {  	s0 =	sshrl.u32 s0, $0x3;
	[sflag:s21] =	ssyncset.done $0x0;
	(pc) =	sbr.rel @p0 .LBB2_4-.Ltmp3, $4  }
0x1fe: {  	s30 =	sadd.s32 s7, s0;
	[sflag:s21] =	ssyncadd.s32 $0xFFFFEC00  }
0x1ff: {  	[tilespmem:s23], [sflag:$0x2] =	stream.linear.gather [hbm4b:s30+s3], $0x28, $0x38;
	[tilespmem:$0x1CE00] =	vst v63  }
0x200: {  	s0 =	sadd.s32 s8, s0  }
0x201: {  	[tilespmem:s24], [sflag:$0x2] =	stream.linear.gather [hbm4b:s0+s3], $0x28, $0x38;
	[tilespmem:$0x1CE00] =	vst v63  }
0x202: {  	_ =	swait.ge [sflag:s11], $0x1400  }
0x203: {  	[sflag:s11] =	ssyncset.done $0x0  }
0x204: {  	[sflag:s11] =	ssyncadd.s32 $0xFFFFEC00  }
0x205: {  	_ =	swait.ge [sflag:s13], $0x1400  }
0x206: {  	[sflag:s13] =	ssyncset.done $0x0  }
0x207: {  	[sflag:s13] =	ssyncadd.s32 $0xFFFFEC00  }
0x208: {  	_ =	swait.ge [sflag:s14], $0x1400  }
0x209: {  	[sflag:s14] =	ssyncset.done $0x0  }
0x20a: {  	[sflag:s14] =	ssyncadd.s32 $0xFFFFEC00  }
0x20b: {  	_ =	swait.ge [sflag:s31], $0x28  }
0x20c: {  	[sflag:s31] =	ssyncset.done $0x0  }
0x20d: {  	[sflag:s31] =	ssyncadd.s32 $0xFFFFFFD8  }
0x20e: {  	_ =	swait.ge [sflag:s31], $0x28  }
0x20f: {  	[sflag:s31] =	ssyncset.done $0x0  }
0x210: {  	[sflag:s31] =	ssyncadd.s32 $0xFFFFFFD8  }
0x211: {  	[bflag:$0x0] =	sbarrier.arrive $0xFFFF  }
0x212: {  	s20 =	rddreg [dreg:$0x5]  }
0x213: {  	s0 =	rddreg [dreg:$0xb]  }
0x214: {  	s1 =	rddreg [dreg:$0xe]  }
0x215: {  	[hbm:s0], [sflag:s20] =	dma.local [spmem:s1], $0x2800  }
0x216: {  	_ =	swait.ge [sflag:s21], $0x2800  }
0x217: {  	s29 =	rddreg [dreg:$0xd]  }
0x218: {  	s30 =	rddreg [dreg:$0xc];
	s1 =	sadd.s32 $0x1, s29  }
0x219: {  	p0 =	sne.s32 s1, s30  }
.Ltmp4:
0x21a: {  	_ = 	snop;
	(pc) =	sbr.rel @p0 .LBB2_1-.Ltmp4, $3  }
0x21b: {  	_ =	sdelay $0x1  }
0x21c: {  	[sflag:s21] =	ssyncset.done $0x0  }
0x21d: {  	[sflag:s21] =	ssyncadd.s32 $0xFFFFD800  }
0x21e: {  	_ =	sfence.sel $0x180000  }
0x21f: {  	[bflag:$0x0] =	sbarrier.arrive $0xFFFF  }
0x220: {  	_ =	strace $0x90000047  }
0x221: {  	s0 =	stileid.u32;
	[bflag:$0x2] =	sbarrier.arrive $0xFFFF  }
0x222: {  	p0 =	sne.s32 s0, $0x0;
	s0 =	rddreg [dreg:$0x2]  }
0x223: {  	s0 =	sadd.s32 @!p0 $0x100000, s0  }
0x224: {  	[sflag:s0] =	ssyncadd.tile.s32 @!p0 $0x1;
	_ =	shalt  }
.Lfunc_end2:
_tile_overlayer_lowered:
.L_overlay_start_2:
0x225: {  	(tag) =	ssettag $0x2  }
0x226: {  	s0 =	rddreg [dreg:$0x0];
	s2 =	stileid.u32  }
0x227: {  	s1 =	rddreg [dreg:$0x1];
	p0 =	sne.s32 s2, $0x0  }
0x228: {  	s3 =	rddreg [dreg:$0x2];
	[bflag:$0x3] =	sbarrier.arrive $0xFFFF;
	s2 =	simm.s32 @!p0 $0x1C09  }
0x229: {  	[timem:s3], [sflag:s2] =	dma.local @!p0 [hbm:s0], s1  }
0x22a: {  	s0 =	simm.s32 @!p0 $0x9  }
0x22b: {  	_ =	swait.ge @!p0 [sflag:s0], s1  }
0x22c: {  	s1 =	ssub.s32 @!p0 $0x0, s1;
	[sflag:s0] =	ssyncset.done @!p0 $0x0  }
0x22d: {  	[sflag:s0] =	ssyncadd.s32 @!p0 s1  }
0x22e: {  	[bflag:$0x3] =	sbarrier.arrive $0xFFFF  }
0x22f: {  	_ =	shalt  }

</sc_bundles>
